<compile_context>
chip_gen: v7x
topology: tpu7x:2x2x1
jax: 0.10.2.dev20260603
libtpu: 0.0.44.dev20260713+nightly
codegen_flags: <defaults>
</compile_context>

<pallas_src>
import functools

import jax
import jax.numpy as jnp
from jax import lax
from jax.experimental import pallas as pl
from jax.experimental.pallas import tpu as pltpu
from jax.experimental.pallas import tpu_sc as plsc

N = 50000
EMB = 64
NE = 800000

NC = 2
NS = 16
NW = NC * NS
HALF = N // 2
TBL = 25088
STRIPE = TBL // NS
DUMMY = HALF
C = 128
NBUF = 3
NBUFD = 5
M = 210
CAPW = 64 * M
CHW = CAPW // C
NPART = NW * CAPW
EPP = NW * 25088
EW = EPP // NW
BTC = 2000
PRH = TBL // 2
PR = 2 * PRH
BP = 784


def _mesh():
    return plsc.VectorSubcoreMesh(
        core_axis_name="c", subcore_axis_name="s", num_cores=NC,
        num_subcores=NS)


_SC_PARAMS = pltpu.CompilerParams(use_tc_tiling_on_sc=False,
                                  internal_scratch_in_bytes=131072)
_SC_PARAMS_NL = pltpu.CompilerParams(use_tc_tiling_on_sc=False,
                                     internal_scratch_in_bytes=131072,
                                     needs_layout_passes=False)


def _sc_partition(rowp, colp):

    @functools.partial(
        pl.kernel,
        out_type=jax.ShapeDtypeStruct((NC, NW, CHW * 2 * C), jnp.int32),
        mesh=_mesh(),
        scratch_types=[
            pltpu.VMEM((EW,), jnp.int32),
            pltpu.VMEM((EW,), jnp.int32),
            pltpu.VMEM((2 * CHW * 2 * C,), jnp.int32),
            pltpu.SemaphoreType.DMA,
        ],
        compiler_params=_SC_PARAMS_NL,
    )
    def k(row_hbm, col_hbm, out_hbm, rin, cin, buf, sem):
        cid = lax.axis_index("c")
        sid = lax.axis_index("s")
        w = cid * NS + sid

        cr = pltpu.async_copy(row_hbm.at[pl.ds(w * EW, EW)], rin, sem)
        cc = pltpu.async_copy(col_hbm.at[pl.ds(w * EW, EW)], cin, sem)

        iota = lax.iota(jnp.int32, 16)
        zero16 = jnp.zeros((16,), jnp.int32)
        dummyv = DUMMY + iota

        @pl.loop(0, 2 * CHW)
        def _(j):
            dv = dummyv + (j & 3) * 16
            rv0 = iota + ((w * 2 * CHW + j) * 61) % 3000

            @pl.loop(0, C // 16)
            def _(i):
                buf[pl.ds(j * 2 * C + i * 16, 16)] = rv0 + i * 16
                buf[pl.ds(j * 2 * C + C + i * 16, 16)] = dv

        cr.wait()
        cc.wait()

        def body(i, carry):
            cnt0, cnt1 = carry
            colv = cin[pl.ds(i * 16, 16)]
            rowv = rin[pl.ds(i * 16, 16)]
            m = colv < HALF
            mi = m.astype(jnp.int32)
            c = plsc.cumsum(mi)
            s = jnp.sum(mi)
            r = jnp.where(m, cnt0 + c - 1, cnt1 + iota - c)
            ch = jnp.where(m, r >> 7, CHW + (r >> 7))
            ch = jnp.minimum(ch, 2 * CHW - 1)
            pos = ch * (2 * C) + (r & (C - 1))
            colloc = jnp.where(m, colv, colv - HALF)
            rowv = jnp.where(rowv < HALF, rowv, rowv + (TBL - HALF))
            plsc.store_scatter(buf, [pos], rowv)
            plsc.store_scatter(buf, [pos + C], colloc)
            return (cnt0 + s, cnt1 + 16 - s)

        pl.loop(0, EW // 16, init_carry=(jnp.int32(0), jnp.int32(0)))(body)

        half_w = CHW * 2 * C
        pltpu.sync_copy(buf.at[pl.ds(0, half_w)], out_hbm.at[0, w])
        pltpu.sync_copy(buf.at[pl.ds(half_w, half_w)], out_hbm.at[1, w])

    return k(rowp, colp)


def _sc_deg(rc, ones_hbm, z_hbm):

    @functools.partial(
        pl.kernel,
        out_type=jax.ShapeDtypeStruct((NC, TBL, 16), jnp.float32),
        mesh=_mesh(),
        scratch_types=[
            pltpu.VMEM((2, NBUFD, 2, C), jnp.int32),
            pltpu.VMEM((C, 16), jnp.float32),
            pltpu.VMEM_SHARED((TBL, 16), jnp.float32),
            pltpu.SemaphoreType.DMA,
            pltpu.SemaphoreType.DMA,
            pltpu.SemaphoreType.DMA,
            pltpu.SemaphoreType.DMA,
            pltpu.SemaphoreType.DMA,
            pltpu.SemaphoreType.DMA,
        ],
        compiler_params=_SC_PARAMS,
    )
    def k(rc_hbm, ones_hbm, z_hbm, out_hbm, cidx, ones_v, table, s0, s1,
          s2, s3, s4, isem):
        cid = lax.axis_index("c")
        sid = lax.axis_index("s")
        ssem = [s0, s1, s2, s3, s4]
        pltpu.sync_copy(ones_hbm, ones_v)
        pltpu.sync_copy(z_hbm, table.at[pl.ds(sid * STRIPE, STRIPE)])
        plsc.subcore_barrier()

        base = sid * M
        R = M // NBUFD

        def fetch(rnd, p, sem):
            return pltpu.async_copy(
                rc_hbm.at[cid, pl.ds(base + rnd * NBUFD, NBUFD)],
                cidx.at[p], sem)

        def do_round(p):
            for b in range(NBUFD):
                pltpu.make_async_copy(z_hbm.at[pl.ds(0, C)], ones_v,
                                      ssem[b]).wait()
                pltpu.async_copy(ones_v, table.at[cidx.at[p, b, 1]],
                                 ssem[b], add=True)

        fetch(0, 0, isem).wait()
        for b in range(NBUFD):
            pltpu.async_copy(ones_v, table.at[cidx.at[0, b, 1]], ssem[b],
                             add=True)
        fetch(1, 1, isem)

        @pl.loop(1, R, step=2)
        def _(r):
            pltpu.make_async_copy(rc_hbm.at[cid, pl.ds(base, NBUFD)],
                                  cidx.at[1], isem).wait()
            do_round(1)

            @pl.when(r + 1 < R)
            def _():
                fetch(r + 1, 0, isem)
                pltpu.make_async_copy(rc_hbm.at[cid, pl.ds(base, NBUFD)],
                                      cidx.at[0], isem).wait()
                do_round(0)

                @pl.when(r + 2 < R)
                def _():
                    fetch(r + 2, 1, isem)

        for b in range(NBUFD):
            pltpu.make_async_copy(z_hbm.at[pl.ds(0, C)], ones_v,
                                  ssem[b]).wait()

        plsc.subcore_barrier()
        pltpu.sync_copy(table.at[pl.ds(sid * STRIPE, STRIPE)],
                        out_hbm.at[cid, pl.ds(sid * STRIPE, STRIPE)])

    return k(rc, ones_hbm, z_hbm)


def _sc_prop(xs, rc, z64):

    @functools.partial(
        pl.kernel,
        out_type=jax.ShapeDtypeStruct((NC, TBL, EMB), jnp.float32),
        mesh=_mesh(),
        scratch_types=[
            pltpu.VMEM((NBUF, 2, C), jnp.int32),
            pltpu.VMEM((NBUF, C, EMB), jnp.float32),
            pltpu.VMEM_SHARED((TBL, EMB), jnp.float32),
            pltpu.SemaphoreType.DMA,
            pltpu.SemaphoreType.DMA,
            pltpu.SemaphoreType.DMA,
            pltpu.SemaphoreType.DMA,
            pltpu.SemaphoreType.DMA,
            pltpu.SemaphoreType.DMA,
        ],
        compiler_params=_SC_PARAMS,
    )
    def k(xs_hbm, rc_hbm, z_hbm, out_hbm, rcidx, rows_v, table,
          g0, g1, g2, s0, s1, s2):
        cid = lax.axis_index("c")
        sid = lax.axis_index("s")
        gsem = [g0, g1, g2]
        ssem = [s0, s1, s2]
        pltpu.sync_copy(z_hbm, table.at[pl.ds(sid * STRIPE, STRIPE)])
        plsc.subcore_barrier()

        base = sid * M
        for b in range(NBUF):
            pltpu.sync_copy(rc_hbm.at[cid, base + b], rcidx.at[b])
            pltpu.async_copy(xs_hbm.at[rcidx.at[b, 0]], rows_v.at[b],
                             gsem[b])

        @pl.loop(0, M // NBUF)
        def _(it):
            for b in range(NBUF):
                ci = it * NBUF + b
                prev = (b - 1) % NBUF
                pltpu.make_async_copy(xs_hbm.at[pl.ds(0, C)], rows_v.at[b],
                                      gsem[b]).wait()
                pltpu.async_copy(rows_v.at[b], table.at[rcidx.at[b, 1]],
                                 ssem[b], add=True)

                @pl.when(jnp.logical_and(ci >= 1, ci <= M - NBUF))
                def _():
                    pltpu.make_async_copy(xs_hbm.at[pl.ds(0, C)],
                                          rows_v.at[prev],
                                          ssem[prev]).wait()
                    pltpu.sync_copy(rc_hbm.at[cid, base + ci - 1 + NBUF],
                                    rcidx.at[prev])
                    pltpu.async_copy(xs_hbm.at[rcidx.at[prev, 0]],
                                     rows_v.at[prev], gsem[prev])

        for b in range(NBUF):
            pltpu.make_async_copy(xs_hbm.at[pl.ds(0, C)], rows_v.at[b],
                                  ssem[b]).wait()

        plsc.subcore_barrier()
        pltpu.sync_copy(table.at[pl.ds(sid * STRIPE, STRIPE)],
                        out_hbm.at[cid, pl.ds(sid * STRIPE, STRIPE)])

    return k(xs, rc, z64)


def _dis2(deg_blk):
    d0 = deg_blk[:, 0:1]
    d1 = deg_blk[:, 16:17]
    i0 = jnp.where(d0 > 0, lax.rsqrt(d0), 0.0)
    i1 = jnp.where(d1 > 0, lax.rsqrt(d1), 0.0)
    return jnp.concatenate(
        [jnp.broadcast_to(i0, (i0.shape[0], EMB)),
         jnp.broadcast_to(i1, (i1.shape[0], EMB))], axis=1)


def _tc_prescale(Ep, degpair):

    def body(deg_ref, e_ref, o_ref):
        o_ref[...] = e_ref[...] * _dis2(deg_ref[...])

    return pl.pallas_call(
        body,
        grid=(PR // BP,),
        in_specs=[
            pl.BlockSpec((BP, 32), lambda i: (i, 0)),
            pl.BlockSpec((BP, 128), lambda i: (i, 0)),
        ],
        out_specs=pl.BlockSpec((BP, 128), lambda i: (i, 0)),
        out_shape=jax.ShapeDtypeStruct((PR, 128), jnp.float32),
    )(degpair, Ep)


def _tc_post(aggpair, degpair):

    def body(agg_ref, deg_ref, x_ref, xs_ref):
        dis = _dis2(deg_ref[...])
        t = agg_ref[...]
        t = jnp.where(t >= 0, t, 0.01 * t)
        n0 = jnp.sum(t[:, :EMB] * t[:, :EMB], axis=1, keepdims=True)
        n1 = jnp.sum(t[:, EMB:] * t[:, EMB:], axis=1, keepdims=True)
        r0 = 1.0 / jnp.maximum(jnp.sqrt(n0), 1e-12)
        r1 = 1.0 / jnp.maximum(jnp.sqrt(n1), 1e-12)
        rn = jnp.concatenate(
            [jnp.broadcast_to(r0, (r0.shape[0], EMB)),
             jnp.broadcast_to(r1, (r1.shape[0], EMB))], axis=1)
        x = t * rn
        x_ref[...] = x
        xs_ref[...] = x * dis

    return pl.pallas_call(
        body,
        grid=(PR // BP,),
        in_specs=[
            pl.BlockSpec((BP, 128), lambda i: (i, 0)),
            pl.BlockSpec((BP, 32), lambda i: (i, 0)),
        ],
        out_specs=[
            pl.BlockSpec((BP, 128), lambda i: (i, 0)),
            pl.BlockSpec((BP, 128), lambda i: (i, 0)),
        ],
        out_shape=[
            jax.ShapeDtypeStruct((PR, 128), jnp.float32),
            jax.ShapeDtypeStruct((PR, 128), jnp.float32),
        ],
    )(aggpair, degpair)


def _tc_final(Ep, x1, x2, x3):
    def body(e_ref, a_ref, b_ref, c_ref, o_ref):
        o_ref[...] = 0.25 * (e_ref[...] + a_ref[...] + b_ref[...]
                             + c_ref[...])

    spec = pl.BlockSpec((BP, 128), lambda i: (i, 0))
    return pl.pallas_call(
        body,
        grid=(PR // BP,),
        in_specs=[spec, spec, spec, spec],
        out_specs=spec,
        out_shape=jax.ShapeDtypeStruct((PR, 128), jnp.float32),
    )(Ep, x1, x2, x3)


def kernel(edge_index, E):
    row = edge_index[0]
    col = edge_index[1]
    pad = EPP - NE

    e = jnp.arange(pad, dtype=jnp.int32)
    rowp = jnp.concatenate([row, e & 4095])
    colp = jnp.concatenate([col, HALF + DUMMY + (e & 15)])

    rc = _sc_partition(rowp, colp)
    rc = rc.reshape(NC, NW * CHW, 2, C)

    ones16 = jnp.ones((C, 16), jnp.float32)
    z16 = jnp.zeros((STRIPE, 16), jnp.float32)
    z64 = jnp.zeros((STRIPE, EMB), jnp.float32)

    degp = _sc_deg(rc, ones16, z16)
    degpair = degp.reshape(PR, 32)

    zp = jnp.zeros((PRH - HALF // 2, 128), jnp.float32)
    Ep = jnp.concatenate([
        E[:HALF].reshape(HALF // 2, 128), zp,
        E[HALF:].reshape(HALF // 2, 128), zp], axis=0)

    xs = _tc_prescale(Ep, degpair)
    xlist = []
    for _ in range(3):
        aggp = _sc_prop(xs.reshape(NC * TBL, EMB), rc, z64)
        x, xs = _tc_post(aggp.reshape(PR, 128), degpair)
        xlist.append(x)

    EFp = _tc_final(Ep, *xlist)
    return jnp.concatenate(
        [EFp[:HALF // 2], EFp[PRH:PRH + HALF // 2]],
        axis=0).reshape(N, EMB)

# --- scband reference (transcript-rebuilt; emitter-appended) ---
"""Pipeline reference for scband-light-gcn-pyg-9457517986228 (READ-ONLY COPY).

The authoritative reference and input builder live on the scoring server;
editing this copy changes nothing except your own understanding.
"""

import jax, jax.numpy as jnp
import numpy as np

N = 50000
EMB = 64
NE = 800000
LAYER = 3


def setup_inputs(seed: int = 0) -> dict:
    key = jax.random.key(seed)
    k1, k2 = jax.random.split(key)
    edge_index = jax.random.randint(k1, (2, NE), 0, N, dtype=jnp.int32)
    # xavier_normal_ init for embedding table E: std = sqrt(2/(fan_in+fan_out))
    std = float(np.sqrt(2.0 / (N + EMB)))
    E = jax.random.normal(k2, (N, EMB), dtype=jnp.float32) * std
    return {"edge_index": edge_index, "E": E}


def _gcn_layer(x, edge_index):
    row = edge_index[0]
    col = edge_index[1]
    n = x.shape[0]
    deg = jnp.zeros((n,), dtype=x.dtype).at[col].add(1.0)
    deg_inv_sqrt = deg ** -0.5
    deg_inv_sqrt = jnp.where(jnp.isinf(deg_inv_sqrt), 0.0, deg_inv_sqrt)
    norm = deg_inv_sqrt[row] * deg_inv_sqrt[col]
    msgs = norm[:, None] * x[row]  # message: norm * x_j (gather)
    out = jnp.zeros_like(x).at[col].add(msgs)  # aggr='add' (scatter-add)
    return out


def _leaky_relu(x):
    return jnp.where(x >= 0, x, 0.01 * x)


def _l2_normalize(x):
    nrm = jnp.linalg.norm(x, ord=2, axis=1, keepdims=True)
    return x / jnp.maximum(nrm, 1e-12)


def reference(edge_index, E):
    # dropout omitted (eval mode / deterministic reference)
    E1 = _l2_normalize(_leaky_relu(_gcn_layer(E, edge_index)))
    E2 = _l2_normalize(_leaky_relu(_gcn_layer(E1, edge_index)))
    E3 = _l2_normalize(_leaky_relu(_gcn_layer(E2, edge_index)))
    a = 1.0 / (LAYER + 1)
    EF = a * E + a * E1 + a * E2 + a * E3
    return EF

if __name__ == "__main__":
    import jax
    _d = setup_inputs()
    print(jax.jit(kernel)(*tuple(_d.values())))

</pallas_src>

<mosaic_0001>
#map = affine_map<(d0, d1) -> (0, 0, 0, 0)>
#map1 = affine_map<(d0, d1) -> (0, 0)>
#map2 = affine_map<(d0, d1) -> (0, 0, 0)>
module attributes {stable_mosaic.version = 14 : i64} {
  func.func @k(%arg0: i32, %arg1: i32, %arg2: memref<2x3360x2x128xi32, #tpu.memory_space<hbm>>, %arg3: memref<128x16xf32, #tpu.memory_space<hbm>>, %arg4: memref<1568x16xf32, #tpu.memory_space<hbm>>, %arg5: memref<2x25088x16xf32, #tpu.memory_space<hbm>>, %arg6: memref<2x5x2x128xi32, #tpu.memory_space<vmem>>, %arg7: memref<128x16xf32, #tpu.memory_space<vmem>>, %arg8: memref<25088x16xf32, #tpu.memory_space<vmem_shared>>, %arg9: memref<!tpu.dma_semaphore, #tpu.memory_space<semaphore_mem>>, %arg10: memref<!tpu.dma_semaphore, #tpu.memory_space<semaphore_mem>>, %arg11: memref<!tpu.dma_semaphore, #tpu.memory_space<semaphore_mem>>, %arg12: memref<!tpu.dma_semaphore, #tpu.memory_space<semaphore_mem>>, %arg13: memref<!tpu.dma_semaphore, #tpu.memory_space<semaphore_mem>>, %arg14: memref<!tpu.dma_semaphore, #tpu.memory_space<semaphore_mem>>) attributes {dimension_semantics = [#tpu.dimension_semantics<core_parallel>, #tpu.dimension_semantics<subcore_parallel>], iteration_bounds = array<i64: 2, 16>, scalar_prefetch = 0 : i64, scratch_operands = 9 : i64, tpu.core_type = #tpu.core_type<sc_vector_subcore>, window_params = [{transform_indices = #map}, {transform_indices = #map1}, {transform_indices = #map1}, {transform_indices = #map2}]} {
    "tpu.region"() ({
      %run_scoped3A = tpu.sem_alloc : memref<!tpu.dma_semaphore, #tpu.memory_space<semaphore_mem>>
      tpu.enqueue_dma source(%arg3 : memref<128x16xf32, #tpu.memory_space<hbm>>) target(%arg7 : memref<128x16xf32, #tpu.memory_space<vmem>>) target_semaphore(%run_scoped3A : memref<!tpu.dma_semaphore, #tpu.memory_space<semaphore_mem>>)
      tpu.wait_dma2 semaphore(%run_scoped3A : memref<!tpu.dma_semaphore, #tpu.memory_space<semaphore_mem>>) src(%arg3 : memref<128x16xf32, #tpu.memory_space<hbm>>) dst(%arg7 : memref<128x16xf32, #tpu.memory_space<vmem>>)
      tpu.yield
    }) : () -> ()
    %mul3A = arith.constant 1568 : i32
    %mul3A_0 = arith.muli %arg1, %mul3A : i32
    "tpu.region"() ({
      %run_scoped3A = tpu.sem_alloc : memref<!tpu.dma_semaphore, #tpu.memory_space<semaphore_mem>>
      %dma_start3A_145 = arith.constant 0 : i32
      %dma_start3A_146 = tpu.memref_slice %arg8[%mul3A_0, %dma_start3A_145] : memref<25088x16xf32, #tpu.memory_space<vmem_shared>> -> memref<1568x16xf32, #tpu.memory_space<vmem_shared>>
      tpu.enqueue_dma source(%arg4 : memref<1568x16xf32, #tpu.memory_space<hbm>>) target(%dma_start3A_146 : memref<1568x16xf32, #tpu.memory_space<vmem_shared>>) target_semaphore(%run_scoped3A : memref<!tpu.dma_semaphore, #tpu.memory_space<semaphore_mem>>)
      %dma_wait3A_147 = arith.constant 0 : i32
      %dma_wait3A_148 = tpu.memref_slice %arg8[%mul3A_0, %dma_wait3A_147] : memref<25088x16xf32, #tpu.memory_space<vmem_shared>> -> memref<1568x16xf32, #tpu.memory_space<vmem_shared>>
      tpu.wait_dma2 semaphore(%run_scoped3A : memref<!tpu.dma_semaphore, #tpu.memory_space<semaphore_mem>>) src(%arg4 : memref<1568x16xf32, #tpu.memory_space<hbm>>) dst(%dma_wait3A_148 : memref<1568x16xf32, #tpu.memory_space<vmem_shared>>)
      tpu.yield
    }) : () -> ()
    %barrier3A = arith.constant 0 : index
    tpu.barrier barrier_id(%barrier3A)
    %mul3A_1 = arith.constant 210 : i32
    %mul3A_2 = arith.muli %arg1, %mul3A_1 : i32
    %add3A = arith.constant 0 : i32
    %add3A_3 = arith.addi %mul3A_2, %add3A : i32
    %dma_start3A = arith.constant 0 : i32
    %dma_start3A_4 = arith.constant 0 : i32
    %dma_start3A_5 = arith.constant 0 : i32
    %dma_start3A_6 = arith.constant 0 : i32
    %dma_start3A_7 = tpu.memref_slice %arg6[%dma_start3A, %dma_start3A_4, %dma_start3A_5, %dma_start3A_6] : memref<2x5x2x128xi32, #tpu.memory_space<vmem>> -> memref<1x5x2x128xi32, #tpu.memory_space<vmem>>
    %dma_start3A_8 = tpu.memref_squeeze %dma_start3A_7 : memref<1x5x2x128xi32, #tpu.memory_space<vmem>> -> memref<5x2x128xi32, #tpu.memory_space<vmem>>
    %dma_start3A_9 = arith.constant 0 : i32
    %dma_start3A_10 = arith.constant 0 : i32
    %dma_start3A_11 = tpu.memref_slice %arg2[%arg0, %add3A_3, %dma_start3A_9, %dma_start3A_10] : memref<2x3360x2x128xi32, #tpu.memory_space<hbm>> -> memref<1x5x2x128xi32, #tpu.memory_space<hbm>>
    %dma_start3A_12 = tpu.memref_squeeze %dma_start3A_11 : memref<1x5x2x128xi32, #tpu.memory_space<hbm>> -> memref<5x2x128xi32, #tpu.memory_space<hbm>>
    %dma_start3A_13 = arith.constant 0 : i32
    %dma_start3A_14 = arith.constant 0 : i32
    %dma_start3A_15 = arith.constant 0 : i32
    %dma_start3A_16 = tpu.memref_slice %arg6[%dma_start3A, %dma_start3A_13, %dma_start3A_14, %dma_start3A_15] : memref<2x5x2x128xi32, #tpu.memory_space<vmem>> -> memref<1x5x2x128xi32, #tpu.memory_space<vmem>>
    %dma_start3A_17 = tpu.memref_squeeze %dma_start3A_16 : memref<1x5x2x128xi32, #tpu.memory_space<vmem>> -> memref<5x2x128xi32, #tpu.memory_space<vmem>>
    %dma_start3A_18 = arith.constant 0 : i32
    %dma_start3A_19 = arith.constant 0 : i32
    %dma_start3A_20 = tpu.memref_slice %arg2[%arg0, %add3A_3, %dma_start3A_18, %dma_start3A_19] : memref<2x3360x2x128xi32, #tpu.memory_space<hbm>> -> memref<1x5x2x128xi32, #tpu.memory_space<hbm>>
    %dma_start3A_21 = tpu.memref_squeeze %dma_start3A_20 : memref<1x5x2x128xi32, #tpu.memory_space<hbm>> -> memref<5x2x128xi32, #tpu.memory_space<hbm>>
    tpu.enqueue_dma source(%dma_start3A_21 : memref<5x2x128xi32, #tpu.memory_space<hbm>>) target(%dma_start3A_17 : memref<5x2x128xi32, #tpu.memory_space<vmem>>) target_semaphore(%arg14 : memref<!tpu.dma_semaphore, #tpu.memory_space<semaphore_mem>>)
    %dma_wait3A = arith.constant 0 : i32
    %dma_wait3A_22 = arith.constant 0 : i32
    %dma_wait3A_23 = arith.constant 0 : i32
    %dma_wait3A_24 = arith.constant 0 : i32
    %dma_wait3A_25 = tpu.memref_slice %arg6[%dma_wait3A, %dma_wait3A_22, %dma_wait3A_23, %dma_wait3A_24] : memref<2x5x2x128xi32, #tpu.memory_space<vmem>> -> memref<1x5x2x128xi32, #tpu.memory_space<vmem>>
    %dma_wait3A_26 = tpu.memref_squeeze %dma_wait3A_25 : memref<1x5x2x128xi32, #tpu.memory_space<vmem>> -> memref<5x2x128xi32, #tpu.memory_space<vmem>>
    %dma_wait3A_27 = arith.constant 0 : i32
    %dma_wait3A_28 = arith.constant 0 : i32
    %dma_wait3A_29 = tpu.memref_slice %arg2[%arg0, %add3A_3, %dma_wait3A_27, %dma_wait3A_28] : memref<2x3360x2x128xi32, #tpu.memory_space<hbm>> -> memref<1x5x2x128xi32, #tpu.memory_space<hbm>>
    %dma_wait3A_30 = tpu.memref_squeeze %dma_wait3A_29 : memref<1x5x2x128xi32, #tpu.memory_space<hbm>> -> memref<5x2x128xi32, #tpu.memory_space<hbm>>
    %dma_wait3A_31 = arith.constant 0 : i32
    %dma_wait3A_32 = arith.constant 0 : i32
    %dma_wait3A_33 = arith.constant 0 : i32
    %dma_wait3A_34 = tpu.memref_slice %arg6[%dma_wait3A, %dma_wait3A_31, %dma_wait3A_32, %dma_wait3A_33] : memref<2x5x2x128xi32, #tpu.memory_space<vmem>> -> memref<1x5x2x128xi32, #tpu.memory_space<vmem>>
    %dma_wait3A_35 = tpu.memref_squeeze %dma_wait3A_34 : memref<1x5x2x128xi32, #tpu.memory_space<vmem>> -> memref<5x2x128xi32, #tpu.memory_space<vmem>>
    %dma_wait3A_36 = arith.constant 0 : i32
    %dma_wait3A_37 = arith.constant 0 : i32
    %dma_wait3A_38 = tpu.memref_slice %arg2[%arg0, %add3A_3, %dma_wait3A_36, %dma_wait3A_37] : memref<2x3360x2x128xi32, #tpu.memory_space<hbm>> -> memref<1x5x2x128xi32, #tpu.memory_space<hbm>>
    %dma_wait3A_39 = tpu.memref_squeeze %dma_wait3A_38 : memref<1x5x2x128xi32, #tpu.memory_space<hbm>> -> memref<5x2x128xi32, #tpu.memory_space<hbm>>
    tpu.wait_dma2 semaphore(%arg14 : memref<!tpu.dma_semaphore, #tpu.memory_space<semaphore_mem>>) src(%dma_wait3A_39 : memref<5x2x128xi32, #tpu.memory_space<hbm>>) dst(%dma_wait3A_35 : memref<5x2x128xi32, #tpu.memory_space<vmem>>)
    %dma_start3A_40 = arith.constant 0 : i32
    %dma_start3A_41 = arith.constant 0 : i32
    %dma_start3A_42 = arith.constant 1 : i32
    %dma_start3A_43 = arith.constant 0 : i32
    %dma_start3A_44 = tpu.memref_slice %arg6[%dma_start3A_40, %dma_start3A_41, %dma_start3A_42, %dma_start3A_43] : memref<2x5x2x128xi32, #tpu.memory_space<vmem>> -> memref<1x1x1x128xi32, #tpu.memory_space<vmem>>
    %dma_start3A_45 = tpu.memref_squeeze %dma_start3A_44 : memref<1x1x1x128xi32, #tpu.memory_space<vmem>> -> memref<128xi32, #tpu.memory_space<vmem>>
    %dma_start3A_46 = arith.constant 0 : i32
    %dma_start3A_47 = arith.constant 0 : i32
    %dma_start3A_48 = tpu.memref_slice %arg8[%dma_start3A_46, %dma_start3A_47] : memref<25088x16xf32, #tpu.memory_space<vmem_shared>> -> memref<25088x16xf32, #tpu.memory_space<vmem_shared>>
    tpu.enqueue_indirect_dma source(%arg7 : memref<128x16xf32, #tpu.memory_space<vmem>>) target(%dma_start3A_48 : memref<25088x16xf32, #tpu.memory_space<vmem_shared>>) offsets(%dma_start3A_45 : memref<128xi32, #tpu.memory_space<vmem>>) semaphore(%arg9 : memref<!tpu.dma_semaphore, #tpu.memory_space<semaphore_mem>>) {add = true}
    %dma_start3A_49 = arith.constant 0 : i32
    %dma_start3A_50 = arith.constant 1 : i32
    %dma_start3A_51 = arith.constant 1 : i32
    %dma_start3A_52 = arith.constant 0 : i32
    %dma_start3A_53 = tpu.memref_slice %arg6[%dma_start3A_49, %dma_start3A_50, %dma_start3A_51, %dma_start3A_52] : memref<2x5x2x128xi32, #tpu.memory_space<vmem>> -> memref<1x1x1x128xi32, #tpu.memory_space<vmem>>
    %dma_start3A_54 = tpu.memref_squeeze %dma_start3A_53 : memref<1x1x1x128xi32, #tpu.memory_space<vmem>> -> memref<128xi32, #tpu.memory_space<vmem>>
    %dma_start3A_55 = arith.constant 0 : i32
    %dma_start3A_56 = arith.constant 0 : i32
    %dma_start3A_57 = tpu.memref_slice %arg8[%dma_start3A_55, %dma_start3A_56] : memref<25088x16xf32, #tpu.memory_space<vmem_shared>> -> memref<25088x16xf32, #tpu.memory_space<vmem_shared>>
    tpu.enqueue_indirect_dma source(%arg7 : memref<128x16xf32, #tpu.memory_space<vmem>>) target(%dma_start3A_57 : memref<25088x16xf32, #tpu.memory_space<vmem_shared>>) offsets(%dma_start3A_54 : memref<128xi32, #tpu.memory_space<vmem>>) semaphore(%arg10 : memref<!tpu.dma_semaphore, #tpu.memory_space<semaphore_mem>>) {add = true}
    %dma_start3A_58 = arith.constant 0 : i32
    %dma_start3A_59 = arith.constant 2 : i32
    %dma_start3A_60 = arith.constant 1 : i32
    %dma_start3A_61 = arith.constant 0 : i32
    %dma_start3A_62 = tpu.memref_slice %arg6[%dma_start3A_58, %dma_start3A_59, %dma_start3A_60, %dma_start3A_61] : memref<2x5x2x128xi32, #tpu.memory_space<vmem>> -> memref<1x1x1x128xi32, #tpu.memory_space<vmem>>
    %dma_start3A_63 = tpu.memref_squeeze %dma_start3A_62 : memref<1x1x1x128xi32, #tpu.memory_space<vmem>> -> memref<128xi32, #tpu.memory_space<vmem>>
    %dma_start3A_64 = arith.constant 0 : i32
    %dma_start3A_65 = arith.constant 0 : i32
    %dma_start3A_66 = tpu.memref_slice %arg8[%dma_start3A_64, %dma_start3A_65] : memref<25088x16xf32, #tpu.memory_space<vmem_shared>> -> memref<25088x16xf32, #tpu.memory_space<vmem_shared>>
    tpu.enqueue_indirect_dma source(%arg7 : memref<128x16xf32, #tpu.memory_space<vmem>>) target(%dma_start3A_66 : memref<25088x16xf32, #tpu.memory_space<vmem_shared>>) offsets(%dma_start3A_63 : memref<128xi32, #tpu.memory_space<vmem>>) semaphore(%arg11 : memref<!tpu.dma_semaphore, #tpu.memory_space<semaphore_mem>>) {add = true}
    %dma_start3A_67 = arith.constant 0 : i32
    %dma_start3A_68 = arith.constant 3 : i32
    %dma_start3A_69 = arith.constant 1 : i32
    %dma_start3A_70 = arith.constant 0 : i32
    %dma_start3A_71 = tpu.memref_slice %arg6[%dma_start3A_67, %dma_start3A_68, %dma_start3A_69, %dma_start3A_70] : memref<2x5x2x128xi32, #tpu.memory_space<vmem>> -> memref<1x1x1x128xi32, #tpu.memory_space<vmem>>
    %dma_start3A_72 = tpu.memref_squeeze %dma_start3A_71 : memref<1x1x1x128xi32, #tpu.memory_space<vmem>> -> memref<128xi32, #tpu.memory_space<vmem>>
    %dma_start3A_73 = arith.constant 0 : i32
    %dma_start3A_74 = arith.constant 0 : i32
    %dma_start3A_75 = tpu.memref_slice %arg8[%dma_start3A_73, %dma_start3A_74] : memref<25088x16xf32, #tpu.memory_space<vmem_shared>> -> memref<25088x16xf32, #tpu.memory_space<vmem_shared>>
    tpu.enqueue_indirect_dma source(%arg7 : memref<128x16xf32, #tpu.memory_space<vmem>>) target(%dma_start3A_75 : memref<25088x16xf32, #tpu.memory_space<vmem_shared>>) offsets(%dma_start3A_72 : memref<128xi32, #tpu.memory_space<vmem>>) semaphore(%arg12 : memref<!tpu.dma_semaphore, #tpu.memory_space<semaphore_mem>>) {add = true}
    %dma_start3A_76 = arith.constant 0 : i32
    %dma_start3A_77 = arith.constant 4 : i32
    %dma_start3A_78 = arith.constant 1 : i32
    %dma_start3A_79 = arith.constant 0 : i32
    %dma_start3A_80 = tpu.memref_slice %arg6[%dma_start3A_76, %dma_start3A_77, %dma_start3A_78, %dma_start3A_79] : memref<2x5x2x128xi32, #tpu.memory_space<vmem>> -> memref<1x1x1x128xi32, #tpu.memory_space<vmem>>
    %dma_start3A_81 = tpu.memref_squeeze %dma_start3A_80 : memref<1x1x1x128xi32, #tpu.memory_space<vmem>> -> memref<128xi32, #tpu.memory_space<vmem>>
    %dma_start3A_82 = arith.constant 0 : i32
    %dma_start3A_83 = arith.constant 0 : i32
    %dma_start3A_84 = tpu.memref_slice %arg8[%dma_start3A_82, %dma_start3A_83] : memref<25088x16xf32, #tpu.memory_space<vmem_shared>> -> memref<25088x16xf32, #tpu.memory_space<vmem_shared>>
    tpu.enqueue_indirect_dma source(%arg7 : memref<128x16xf32, #tpu.memory_space<vmem>>) target(%dma_start3A_84 : memref<25088x16xf32, #tpu.memory_space<vmem_shared>>) offsets(%dma_start3A_81 : memref<128xi32, #tpu.memory_space<vmem>>) semaphore(%arg13 : memref<!tpu.dma_semaphore, #tpu.memory_space<semaphore_mem>>) {add = true}
    %add3A_85 = arith.constant 5 : i32
    %add3A_86 = arith.addi %mul3A_2, %add3A_85 : i32
    %dma_start3A_87 = arith.constant 1 : i32
    %dma_start3A_88 = arith.constant 0 : i32
    %dma_start3A_89 = arith.constant 0 : i32
    %dma_start3A_90 = arith.constant 0 : i32
    %dma_start3A_91 = tpu.memref_slice %arg6[%dma_start3A_87, %dma_start3A_88, %dma_start3A_89, %dma_start3A_90] : memref<2x5x2x128xi32, #tpu.memory_space<vmem>> -> memref<1x5x2x128xi32, #tpu.memory_space<vmem>>
    %dma_start3A_92 = tpu.memref_squeeze %dma_start3A_91 : memref<1x5x2x128xi32, #tpu.memory_space<vmem>> -> memref<5x2x128xi32, #tpu.memory_space<vmem>>
    %dma_start3A_93 = arith.constant 0 : i32
    %dma_start3A_94 = arith.constant 0 : i32
    %dma_start3A_95 = tpu.memref_slice %arg2[%arg0, %add3A_86, %dma_start3A_93, %dma_start3A_94] : memref<2x3360x2x128xi32, #tpu.memory_space<hbm>> -> memref<1x5x2x128xi32, #tpu.memory_space<hbm>>
    %dma_start3A_96 = tpu.memref_squeeze %dma_start3A_95 : memref<1x5x2x128xi32, #tpu.memory_space<hbm>> -> memref<5x2x128xi32, #tpu.memory_space<hbm>>
    %dma_start3A_97 = arith.constant 0 : i32
    %dma_start3A_98 = arith.constant 0 : i32
    %dma_start3A_99 = arith.constant 0 : i32
    %dma_start3A_100 = tpu.memref_slice %arg6[%dma_start3A_87, %dma_start3A_97, %dma_start3A_98, %dma_start3A_99] : memref<2x5x2x128xi32, #tpu.memory_space<vmem>> -> memref<1x5x2x128xi32, #tpu.memory_space<vmem>>
    %dma_start3A_101 = tpu.memref_squeeze %dma_start3A_100 : memref<1x5x2x128xi32, #tpu.memory_space<vmem>> -> memref<5x2x128xi32, #tpu.memory_space<vmem>>
    %dma_start3A_102 = arith.constant 0 : i32
    %dma_start3A_103 = arith.constant 0 : i32
    %dma_start3A_104 = tpu.memref_slice %arg2[%arg0, %add3A_86, %dma_start3A_102, %dma_start3A_103] : memref<2x3360x2x128xi32, #tpu.memory_space<hbm>> -> memref<1x5x2x128xi32, #tpu.memory_space<hbm>>
    %dma_start3A_105 = tpu.memref_squeeze %dma_start3A_104 : memref<1x5x2x128xi32, #tpu.memory_space<hbm>> -> memref<5x2x128xi32, #tpu.memory_space<hbm>>
    tpu.enqueue_dma source(%dma_start3A_105 : memref<5x2x128xi32, #tpu.memory_space<hbm>>) target(%dma_start3A_101 : memref<5x2x128xi32, #tpu.memory_space<vmem>>) target_semaphore(%arg14 : memref<!tpu.dma_semaphore, #tpu.memory_space<semaphore_mem>>)
    %scan3A = arith.constant 0 : i32
    %scan3A_106 = arith.constant 21 : i32
    %scan3A_107 = arith.addi %scan3A, %scan3A_106 : i32
    %scan3A_108 = arith.constant 1 : i32
    scf.for %scan3A_145 = %scan3A to %scan3A_107 step %scan3A_108  : i32 {
      %mul3A_146 = arith.constant 2 : i32
      %mul3A_147 = arith.muli %scan3A_145, %mul3A_146 : i32
      %add3A_148 = arith.constant 1 : i32
      %add3A_149 = arith.addi %add3A_148, %mul3A_147 : i32
      %dma_wait3A_150 = arith.constant 1 : i32
      %dma_wait3A_151 = arith.constant 0 : i32
      %dma_wait3A_152 = arith.constant 0 : i32
      %dma_wait3A_153 = arith.constant 0 : i32
      %dma_wait3A_154 = tpu.memref_slice %arg6[%dma_wait3A_150, %dma_wait3A_151, %dma_wait3A_152, %dma_wait3A_153] : memref<2x5x2x128xi32, #tpu.memory_space<vmem>> -> memref<1x5x2x128xi32, #tpu.memory_space<vmem>>
      %dma_wait3A_155 = tpu.memref_squeeze %dma_wait3A_154 : memref<1x5x2x128xi32, #tpu.memory_space<vmem>> -> memref<5x2x128xi32, #tpu.memory_space<vmem>>
      %dma_wait3A_156 = arith.constant 0 : i32
      %dma_wait3A_157 = arith.constant 0 : i32
      %dma_wait3A_158 = tpu.memref_slice %arg2[%arg0, %mul3A_2, %dma_wait3A_156, %dma_wait3A_157] : memref<2x3360x2x128xi32, #tpu.memory_space<hbm>> -> memref<1x5x2x128xi32, #tpu.memory_space<hbm>>
      %dma_wait3A_159 = tpu.memref_squeeze %dma_wait3A_158 : memref<1x5x2x128xi32, #tpu.memory_space<hbm>> -> memref<5x2x128xi32, #tpu.memory_space<hbm>>
      %dma_wait3A_160 = arith.constant 0 : i32
      %dma_wait3A_161 = arith.constant 0 : i32
      %dma_wait3A_162 = arith.constant 0 : i32
      %dma_wait3A_163 = tpu.memref_slice %arg6[%dma_wait3A_150, %dma_wait3A_160, %dma_wait3A_161, %dma_wait3A_162] : memref<2x5x2x128xi32, #tpu.memory_space<vmem>> -> memref<1x5x2x128xi32, #tpu.memory_space<vmem>>
      %dma_wait3A_164 = tpu.memref_squeeze %dma_wait3A_163 : memref<1x5x2x128xi32, #tpu.memory_space<vmem>> -> memref<5x2x128xi32, #tpu.memory_space<vmem>>
      %dma_wait3A_165 = arith.constant 0 : i32
      %dma_wait3A_166 = arith.constant 0 : i32
      %dma_wait3A_167 = tpu.memref_slice %arg2[%arg0, %mul3A_2, %dma_wait3A_165, %dma_wait3A_166] : memref<2x3360x2x128xi32, #tpu.memory_space<hbm>> -> memref<1x5x2x128xi32, #tpu.memory_space<hbm>>
      %dma_wait3A_168 = tpu.memref_squeeze %dma_wait3A_167 : memref<1x5x2x128xi32, #tpu.memory_space<hbm>> -> memref<5x2x128xi32, #tpu.memory_space<hbm>>
      tpu.wait_dma2 semaphore(%arg14 : memref<!tpu.dma_semaphore, #tpu.memory_space<semaphore_mem>>) src(%dma_wait3A_168 : memref<5x2x128xi32, #tpu.memory_space<hbm>>) dst(%dma_wait3A_164 : memref<5x2x128xi32, #tpu.memory_space<vmem>>)
      %dma_wait3A_169 = arith.constant 0 : i32
      %dma_wait3A_170 = arith.constant 0 : i32
      %dma_wait3A_171 = tpu.memref_slice %arg4[%dma_wait3A_169, %dma_wait3A_170] : memref<1568x16xf32, #tpu.memory_space<hbm>> -> memref<128x16xf32, #tpu.memory_space<hbm>>
      %dma_wait3A_172 = arith.constant 0 : i32
      %dma_wait3A_173 = arith.constant 0 : i32
      %dma_wait3A_174 = tpu.memref_slice %arg4[%dma_wait3A_172, %dma_wait3A_173] : memref<1568x16xf32, #tpu.memory_space<hbm>> -> memref<128x16xf32, #tpu.memory_space<hbm>>
      tpu.wait_dma2 semaphore(%arg9 : memref<!tpu.dma_semaphore, #tpu.memory_space<semaphore_mem>>) src(%dma_wait3A_174 : memref<128x16xf32, #tpu.memory_space<hbm>>) dst(%arg7 : memref<128x16xf32, #tpu.memory_space<vmem>>)
      %dma_start3A_175 = arith.constant 1 : i32
      %dma_start3A_176 = arith.constant 0 : i32
      %dma_start3A_177 = arith.constant 1 : i32
      %dma_start3A_178 = arith.constant 0 : i32
      %dma_start3A_179 = tpu.memref_slice %arg6[%dma_start3A_175, %dma_start3A_176, %dma_start3A_177, %dma_start3A_178] : memref<2x5x2x128xi32, #tpu.memory_space<vmem>> -> memref<1x1x1x128xi32, #tpu.memory_space<vmem>>
      %dma_start3A_180 = tpu.memref_squeeze %dma_start3A_179 : memref<1x1x1x128xi32, #tpu.memory_space<vmem>> -> memref<128xi32, #tpu.memory_space<vmem>>
      %dma_start3A_181 = arith.constant 0 : i32
      %dma_start3A_182 = arith.constant 0 : i32
      %dma_start3A_183 = tpu.memref_slice %arg8[%dma_start3A_181, %dma_start3A_182] : memref<25088x16xf32, #tpu.memory_space<vmem_shared>> -> memref<25088x16xf32, #tpu.memory_space<vmem_shared>>
      tpu.enqueue_indirect_dma source(%arg7 : memref<128x16xf32, #tpu.memory_space<vmem>>) target(%dma_start3A_183 : memref<25088x16xf32, #tpu.memory_space<vmem_shared>>) offsets(%dma_start3A_180 : memref<128xi32, #tpu.memory_space<vmem>>) semaphore(%arg9 : memref<!tpu.dma_semaphore, #tpu.memory_space<semaphore_mem>>) {add = true}
      %dma_wait3A_184 = arith.constant 0 : i32
      %dma_wait3A_185 = arith.constant 0 : i32
      %dma_wait3A_186 = tpu.memref_slice %arg4[%dma_wait3A_184, %dma_wait3A_185] : memref<1568x16xf32, #tpu.memory_space<hbm>> -> memref<128x16xf32, #tpu.memory_space<hbm>>
      %dma_wait3A_187 = arith.constant 0 : i32
      %dma_wait3A_188 = arith.constant 0 : i32
      %dma_wait3A_189 = tpu.memref_slice %arg4[%dma_wait3A_187, %dma_wait3A_188] : memref<1568x16xf32, #tpu.memory_space<hbm>> -> memref<128x16xf32, #tpu.memory_space<hbm>>
      tpu.wait_dma2 semaphore(%arg10 : memref<!tpu.dma_semaphore, #tpu.memory_space<semaphore_mem>>) src(%dma_wait3A_189 : memref<128x16xf32, #tpu.memory_space<hbm>>) dst(%arg7 : memref<128x16xf32, #tpu.memory_space<vmem>>)
      %dma_start3A_190 = arith.constant 1 : i32
      %dma_start3A_191 = arith.constant 1 : i32
      %dma_start3A_192 = arith.constant 1 : i32
      %dma_start3A_193 = arith.constant 0 : i32
      %dma_start3A_194 = tpu.memref_slice %arg6[%dma_start3A_190, %dma_start3A_191, %dma_start3A_192, %dma_start3A_193] : memref<2x5x2x128xi32, #tpu.memory_space<vmem>> -> memref<1x1x1x128xi32, #tpu.memory_space<vmem>>
      %dma_start3A_195 = tpu.memref_squeeze %dma_start3A_194 : memref<1x1x1x128xi32, #tpu.memory_space<vmem>> -> memref<128xi32, #tpu.memory_space<vmem>>
      %dma_start3A_196 = arith.constant 0 : i32
      %dma_start3A_197 = arith.constant 0 : i32
      %dma_start3A_198 = tpu.memref_slice %arg8[%dma_start3A_196, %dma_start3A_197] : memref<25088x16xf32, #tpu.memory_space<vmem_shared>> -> memref<25088x16xf32, #tpu.memory_space<vmem_shared>>
      tpu.enqueue_indirect_dma source(%arg7 : memref<128x16xf32, #tpu.memory_space<vmem>>) target(%dma_start3A_198 : memref<25088x16xf32, #tpu.memory_space<vmem_shared>>) offsets(%dma_start3A_195 : memref<128xi32, #tpu.memory_space<vmem>>) semaphore(%arg10 : memref<!tpu.dma_semaphore, #tpu.memory_space<semaphore_mem>>) {add = true}
      %dma_wait3A_199 = arith.constant 0 : i32
      %dma_wait3A_200 = arith.constant 0 : i32
      %dma_wait3A_201 = tpu.memref_slice %arg4[%dma_wait3A_199, %dma_wait3A_200] : memref<1568x16xf32, #tpu.memory_space<hbm>> -> memref<128x16xf32, #tpu.memory_space<hbm>>
      %dma_wait3A_202 = arith.constant 0 : i32
      %dma_wait3A_203 = arith.constant 0 : i32
      %dma_wait3A_204 = tpu.memref_slice %arg4[%dma_wait3A_202, %dma_wait3A_203] : memref<1568x16xf32, #tpu.memory_space<hbm>> -> memref<128x16xf32, #tpu.memory_space<hbm>>
      tpu.wait_dma2 semaphore(%arg11 : memref<!tpu.dma_semaphore, #tpu.memory_space<semaphore_mem>>) src(%dma_wait3A_204 : memref<128x16xf32, #tpu.memory_space<hbm>>) dst(%arg7 : memref<128x16xf32, #tpu.memory_space<vmem>>)
      %dma_start3A_205 = arith.constant 1 : i32
      %dma_start3A_206 = arith.constant 2 : i32
      %dma_start3A_207 = arith.constant 1 : i32
      %dma_start3A_208 = arith.constant 0 : i32
      %dma_start3A_209 = tpu.memref_slice %arg6[%dma_start3A_205, %dma_start3A_206, %dma_start3A_207, %dma_start3A_208] : memref<2x5x2x128xi32, #tpu.memory_space<vmem>> -> memref<1x1x1x128xi32, #tpu.memory_space<vmem>>
      %dma_start3A_210 = tpu.memref_squeeze %dma_start3A_209 : memref<1x1x1x128xi32, #tpu.memory_space<vmem>> -> memref<128xi32, #tpu.memory_space<vmem>>
      %dma_start3A_211 = arith.constant 0 : i32
      %dma_start3A_212 = arith.constant 0 : i32
      %dma_start3A_213 = tpu.memref_slice %arg8[%dma_start3A_211, %dma_start3A_212] : memref<25088x16xf32, #tpu.memory_space<vmem_shared>> -> memref<25088x16xf32, #tpu.memory_space<vmem_shared>>
      tpu.enqueue_indirect_dma source(%arg7 : memref<128x16xf32, #tpu.memory_space<vmem>>) target(%dma_start3A_213 : memref<25088x16xf32, #tpu.memory_space<vmem_shared>>) offsets(%dma_start3A_210 : memref<128xi32, #tpu.memory_space<vmem>>) semaphore(%arg11 : memref<!tpu.dma_semaphore, #tpu.memory_space<semaphore_mem>>) {add = true}
      %dma_wait3A_214 = arith.constant 0 : i32
      %dma_wait3A_215 = arith.constant 0 : i32
      %dma_wait3A_216 = tpu.memref_slice %arg4[%dma_wait3A_214, %dma_wait3A_215] : memref<1568x16xf32, #tpu.memory_space<hbm>> -> memref<128x16xf32, #tpu.memory_space<hbm>>
      %dma_wait3A_217 = arith.constant 0 : i32
      %dma_wait3A_218 = arith.constant 0 : i32
      %dma_wait3A_219 = tpu.memref_slice %arg4[%dma_wait3A_217, %dma_wait3A_218] : memref<1568x16xf32, #tpu.memory_space<hbm>> -> memref<128x16xf32, #tpu.memory_space<hbm>>
      tpu.wait_dma2 semaphore(%arg12 : memref<!tpu.dma_semaphore, #tpu.memory_space<semaphore_mem>>) src(%dma_wait3A_219 : memref<128x16xf32, #tpu.memory_space<hbm>>) dst(%arg7 : memref<128x16xf32, #tpu.memory_space<vmem>>)
      %dma_start3A_220 = arith.constant 1 : i32
      %dma_start3A_221 = arith.constant 3 : i32
      %dma_start3A_222 = arith.constant 1 : i32
      %dma_start3A_223 = arith.constant 0 : i32
      %dma_start3A_224 = tpu.memref_slice %arg6[%dma_start3A_220, %dma_start3A_221, %dma_start3A_222, %dma_start3A_223] : memref<2x5x2x128xi32, #tpu.memory_space<vmem>> -> memref<1x1x1x128xi32, #tpu.memory_space<vmem>>
      %dma_start3A_225 = tpu.memref_squeeze %dma_start3A_224 : memref<1x1x1x128xi32, #tpu.memory_space<vmem>> -> memref<128xi32, #tpu.memory_space<vmem>>
      %dma_start3A_226 = arith.constant 0 : i32
      %dma_start3A_227 = arith.constant 0 : i32
      %dma_start3A_228 = tpu.memref_slice %arg8[%dma_start3A_226, %dma_start3A_227] : memref<25088x16xf32, #tpu.memory_space<vmem_shared>> -> memref<25088x16xf32, #tpu.memory_space<vmem_shared>>
      tpu.enqueue_indirect_dma source(%arg7 : memref<128x16xf32, #tpu.memory_space<vmem>>) target(%dma_start3A_228 : memref<25088x16xf32, #tpu.memory_space<vmem_shared>>) offsets(%dma_start3A_225 : memref<128xi32, #tpu.memory_space<vmem>>) semaphore(%arg12 : memref<!tpu.dma_semaphore, #tpu.memory_space<semaphore_mem>>) {add = true}
      %dma_wait3A_229 = arith.constant 0 : i32
      %dma_wait3A_230 = arith.constant 0 : i32
      %dma_wait3A_231 = tpu.memref_slice %arg4[%dma_wait3A_229, %dma_wait3A_230] : memref<1568x16xf32, #tpu.memory_space<hbm>> -> memref<128x16xf32, #tpu.memory_space<hbm>>
      %dma_wait3A_232 = arith.constant 0 : i32
      %dma_wait3A_233 = arith.constant 0 : i32
      %dma_wait3A_234 = tpu.memref_slice %arg4[%dma_wait3A_232, %dma_wait3A_233] : memref<1568x16xf32, #tpu.memory_space<hbm>> -> memref<128x16xf32, #tpu.memory_space<hbm>>
      tpu.wait_dma2 semaphore(%arg13 : memref<!tpu.dma_semaphore, #tpu.memory_space<semaphore_mem>>) src(%dma_wait3A_234 : memref<128x16xf32, #tpu.memory_space<hbm>>) dst(%arg7 : memref<128x16xf32, #tpu.memory_space<vmem>>)
      %dma_start3A_235 = arith.constant 1 : i32
      %dma_start3A_236 = arith.constant 4 : i32
      %dma_start3A_237 = arith.constant 1 : i32
      %dma_start3A_238 = arith.constant 0 : i32
      %dma_start3A_239 = tpu.memref_slice %arg6[%dma_start3A_235, %dma_start3A_236, %dma_start3A_237, %dma_start3A_238] : memref<2x5x2x128xi32, #tpu.memory_space<vmem>> -> memref<1x1x1x128xi32, #tpu.memory_space<vmem>>
      %dma_start3A_240 = tpu.memref_squeeze %dma_start3A_239 : memref<1x1x1x128xi32, #tpu.memory_space<vmem>> -> memref<128xi32, #tpu.memory_space<vmem>>
      %dma_start3A_241 = arith.constant 0 : i32
      %dma_start3A_242 = arith.constant 0 : i32
      %dma_start3A_243 = tpu.memref_slice %arg8[%dma_start3A_241, %dma_start3A_242] : memref<25088x16xf32, #tpu.memory_space<vmem_shared>> -> memref<25088x16xf32, #tpu.memory_space<vmem_shared>>
      tpu.enqueue_indirect_dma source(%arg7 : memref<128x16xf32, #tpu.memory_space<vmem>>) target(%dma_start3A_243 : memref<25088x16xf32, #tpu.memory_space<vmem_shared>>) offsets(%dma_start3A_240 : memref<128xi32, #tpu.memory_space<vmem>>) semaphore(%arg13 : memref<!tpu.dma_semaphore, #tpu.memory_space<semaphore_mem>>) {add = true}
      %add3A_244 = arith.constant 1 : i32
      %add3A_245 = arith.addi %add3A_149, %add3A_244 : i32
      %lt3A = arith.constant 42 : i32
      %lt3A_246 = arith.cmpi slt, %add3A_245, %lt3A : i32
      %convert_element_type3A = arith.extui %lt3A_246 : i1 to i32
      %cond3A = arith.constant 0 : i32
      %cond3A_247 = arith.cmpi ne, %convert_element_type3A, %cond3A : i32
      scf.if %cond3A_247 {
        %add3A_248 = arith.constant 1 : i32
        %add3A_249 = arith.addi %add3A_149, %add3A_248 : i32
        %mul3A_250 = arith.constant 5 : i32
        %mul3A_251 = arith.muli %add3A_249, %mul3A_250 : i32
        %add3A_252 = arith.addi %mul3A_2, %mul3A_251 : i32
        %dma_start3A_253 = arith.constant 0 : i32
        %dma_start3A_254 = arith.constant 0 : i32
        %dma_start3A_255 = arith.constant 0 : i32
        %dma_start3A_256 = arith.constant 0 : i32
        %dma_start3A_257 = tpu.memref_slice %arg6[%dma_start3A_253, %dma_start3A_254, %dma_start3A_255, %dma_start3A_256] : memref<2x5x2x128xi32, #tpu.memory_space<vmem>> -> memref<1x5x2x128xi32, #tpu.memory_space<vmem>>
        %dma_start3A_258 = tpu.memref_squeeze %dma_start3A_257 : memref<1x5x2x128xi32, #tpu.memory_space<vmem>> -> memref<5x2x128xi32, #tpu.memory_space<vmem>>
        %dma_start3A_259 = arith.constant 0 : i32
        %dma_start3A_260 = arith.constant 0 : i32
        %dma_start3A_261 = tpu.memref_slice %arg2[%arg0, %add3A_252, %dma_start3A_259, %dma_start3A_260] : memref<2x3360x2x128xi32, #tpu.memory_space<hbm>> -> memref<1x5x2x128xi32, #tpu.memory_space<hbm>>
        %dma_start3A_262 = tpu.memref_squeeze %dma_start3A_261 : memref<1x5x2x128xi32, #tpu.memory_space<hbm>> -> memref<5x2x128xi32, #tpu.memory_space<hbm>>
        %dma_start3A_263 = arith.constant 0 : i32
        %dma_start3A_264 = arith.constant 0 : i32
        %dma_start3A_265 = arith.constant 0 : i32
        %dma_start3A_266 = tpu.memref_slice %arg6[%dma_start3A_253, %dma_start3A_263, %dma_start3A_264, %dma_start3A_265] : memref<2x5x2x128xi32, #tpu.memory_space<vmem>> -> memref<1x5x2x128xi32, #tpu.memory_space<vmem>>
        %dma_start3A_267 = tpu.memref_squeeze %dma_start3A_266 : memref<1x5x2x128xi32, #tpu.memory_space<vmem>> -> memref<5x2x128xi32, #tpu.memory_space<vmem>>
        %dma_start3A_268 = arith.constant 0 : i32
        %dma_start3A_269 = arith.constant 0 : i32
        %dma_start3A_270 = tpu.memref_slice %arg2[%arg0, %add3A_252, %dma_start3A_268, %dma_start3A_269] : memref<2x3360x2x128xi32, #tpu.memory_space<hbm>> -> memref<1x5x2x128xi32, #tpu.memory_space<hbm>>
        %dma_start3A_271 = tpu.memref_squeeze %dma_start3A_270 : memref<1x5x2x128xi32, #tpu.memory_space<hbm>> -> memref<5x2x128xi32, #tpu.memory_space<hbm>>
        tpu.enqueue_dma source(%dma_start3A_271 : memref<5x2x128xi32, #tpu.memory_space<hbm>>) target(%dma_start3A_267 : memref<5x2x128xi32, #tpu.memory_space<vmem>>) target_semaphore(%arg14 : memref<!tpu.dma_semaphore, #tpu.memory_space<semaphore_mem>>)
        %dma_wait3A_272 = arith.constant 0 : i32
        %dma_wait3A_273 = arith.constant 0 : i32
        %dma_wait3A_274 = arith.constant 0 : i32
        %dma_wait3A_275 = arith.constant 0 : i32
        %dma_wait3A_276 = tpu.memref_slice %arg6[%dma_wait3A_272, %dma_wait3A_273, %dma_wait3A_274, %dma_wait3A_275] : memref<2x5x2x128xi32, #tpu.memory_space<vmem>> -> memref<1x5x2x128xi32, #tpu.memory_space<vmem>>
        %dma_wait3A_277 = tpu.memref_squeeze %dma_wait3A_276 : memref<1x5x2x128xi32, #tpu.memory_space<vmem>> -> memref<5x2x128xi32, #tpu.memory_space<vmem>>
        %dma_wait3A_278 = arith.constant 0 : i32
        %dma_wait3A_279 = arith.constant 0 : i32
        %dma_wait3A_280 = tpu.memref_slice %arg2[%arg0, %mul3A_2, %dma_wait3A_278, %dma_wait3A_279] : memref<2x3360x2x128xi32, #tpu.memory_space<hbm>> -> memref<1x5x2x128xi32, #tpu.memory_space<hbm>>
        %dma_wait3A_281 = tpu.memref_squeeze %dma_wait3A_280 : memref<1x5x2x128xi32, #tpu.memory_space<hbm>> -> memref<5x2x128xi32, #tpu.memory_space<hbm>>
        %dma_wait3A_282 = arith.constant 0 : i32
        %dma_wait3A_283 = arith.constant 0 : i32
        %dma_wait3A_284 = arith.constant 0 : i32
        %dma_wait3A_285 = tpu.memref_slice %arg6[%dma_wait3A_272, %dma_wait3A_282, %dma_wait3A_283, %dma_wait3A_284] : memref<2x5x2x128xi32, #tpu.memory_space<vmem>> -> memref<1x5x2x128xi32, #tpu.memory_space<vmem>>
        %dma_wait3A_286 = tpu.memref_squeeze %dma_wait3A_285 : memref<1x5x2x128xi32, #tpu.memory_space<vmem>> -> memref<5x2x128xi32, #tpu.memory_space<vmem>>
        %dma_wait3A_287 = arith.constant 0 : i32
        %dma_wait3A_288 = arith.constant 0 : i32
        %dma_wait3A_289 = tpu.memref_slice %arg2[%arg0, %mul3A_2, %dma_wait3A_287, %dma_wait3A_288] : memref<2x3360x2x128xi32, #tpu.memory_space<hbm>> -> memref<1x5x2x128xi32, #tpu.memory_space<hbm>>
        %dma_wait3A_290 = tpu.memref_squeeze %dma_wait3A_289 : memref<1x5x2x128xi32, #tpu.memory_space<hbm>> -> memref<5x2x128xi32, #tpu.memory_space<hbm>>
        tpu.wait_dma2 semaphore(%arg14 : memref<!tpu.dma_semaphore, #tpu.memory_space<semaphore_mem>>) src(%dma_wait3A_290 : memref<5x2x128xi32, #tpu.memory_space<hbm>>) dst(%dma_wait3A_286 : memref<5x2x128xi32, #tpu.memory_space<vmem>>)
        %dma_wait3A_291 = arith.constant 0 : i32
        %dma_wait3A_292 = arith.constant 0 : i32
        %dma_wait3A_293 = tpu.memref_slice %arg4[%dma_wait3A_291, %dma_wait3A_292] : memref<1568x16xf32, #tpu.memory_space<hbm>> -> memref<128x16xf32, #tpu.memory_space<hbm>>
        %dma_wait3A_294 = arith.constant 0 : i32
        %dma_wait3A_295 = arith.constant 0 : i32
        %dma_wait3A_296 = tpu.memref_slice %arg4[%dma_wait3A_294, %dma_wait3A_295] : memref<1568x16xf32, #tpu.memory_space<hbm>> -> memref<128x16xf32, #tpu.memory_space<hbm>>
        tpu.wait_dma2 semaphore(%arg9 : memref<!tpu.dma_semaphore, #tpu.memory_space<semaphore_mem>>) src(%dma_wait3A_296 : memref<128x16xf32, #tpu.memory_space<hbm>>) dst(%arg7 : memref<128x16xf32, #tpu.memory_space<vmem>>)
        %dma_start3A_297 = arith.constant 0 : i32
        %dma_start3A_298 = arith.constant 0 : i32
        %dma_start3A_299 = arith.constant 1 : i32
        %dma_start3A_300 = arith.constant 0 : i32
        %dma_start3A_301 = tpu.memref_slice %arg6[%dma_start3A_297, %dma_start3A_298, %dma_start3A_299, %dma_start3A_300] : memref<2x5x2x128xi32, #tpu.memory_space<vmem>> -> memref<1x1x1x128xi32, #tpu.memory_space<vmem>>
        %dma_start3A_302 = tpu.memref_squeeze %dma_start3A_301 : memref<1x1x1x128xi32, #tpu.memory_space<vmem>> -> memref<128xi32, #tpu.memory_space<vmem>>
        %dma_start3A_303 = arith.constant 0 : i32
        %dma_start3A_304 = arith.constant 0 : i32
        %dma_start3A_305 = tpu.memref_slice %arg8[%dma_start3A_303, %dma_start3A_304] : memref<25088x16xf32, #tpu.memory_space<vmem_shared>> -> memref<25088x16xf32, #tpu.memory_space<vmem_shared>>
        tpu.enqueue_indirect_dma source(%arg7 : memref<128x16xf32, #tpu.memory_space<vmem>>) target(%dma_start3A_305 : memref<25088x16xf32, #tpu.memory_space<vmem_shared>>) offsets(%dma_start3A_302 : memref<128xi32, #tpu.memory_space<vmem>>) semaphore(%arg9 : memref<!tpu.dma_semaphore, #tpu.memory_space<semaphore_mem>>) {add = true}
        %dma_wait3A_306 = arith.constant 0 : i32
        %dma_wait3A_307 = arith.constant 0 : i32
        %dma_wait3A_308 = tpu.memref_slice %arg4[%dma_wait3A_306, %dma_wait3A_307] : memref<1568x16xf32, #tpu.memory_space<hbm>> -> memref<128x16xf32, #tpu.memory_space<hbm>>
        %dma_wait3A_309 = arith.constant 0 : i32
        %dma_wait3A_310 = arith.constant 0 : i32
        %dma_wait3A_311 = tpu.memref_slice %arg4[%dma_wait3A_309, %dma_wait3A_310] : memref<1568x16xf32, #tpu.memory_space<hbm>> -> memref<128x16xf32, #tpu.memory_space<hbm>>
        tpu.wait_dma2 semaphore(%arg10 : memref<!tpu.dma_semaphore, #tpu.memory_space<semaphore_mem>>) src(%dma_wait3A_311 : memref<128x16xf32, #tpu.memory_space<hbm>>) dst(%arg7 : memref<128x16xf32, #tpu.memory_space<vmem>>)
        %dma_start3A_312 = arith.constant 0 : i32
        %dma_start3A_313 = arith.constant 1 : i32
        %dma_start3A_314 = arith.constant 1 : i32
        %dma_start3A_315 = arith.constant 0 : i32
        %dma_start3A_316 = tpu.memref_slice %arg6[%dma_start3A_312, %dma_start3A_313, %dma_start3A_314, %dma_start3A_315] : memref<2x5x2x128xi32, #tpu.memory_space<vmem>> -> memref<1x1x1x128xi32, #tpu.memory_space<vmem>>
        %dma_start3A_317 = tpu.memref_squeeze %dma_start3A_316 : memref<1x1x1x128xi32, #tpu.memory_space<vmem>> -> memref<128xi32, #tpu.memory_space<vmem>>
        %dma_start3A_318 = arith.constant 0 : i32
        %dma_start3A_319 = arith.constant 0 : i32
        %dma_start3A_320 = tpu.memref_slice %arg8[%dma_start3A_318, %dma_start3A_319] : memref<25088x16xf32, #tpu.memory_space<vmem_shared>> -> memref<25088x16xf32, #tpu.memory_space<vmem_shared>>
        tpu.enqueue_indirect_dma source(%arg7 : memref<128x16xf32, #tpu.memory_space<vmem>>) target(%dma_start3A_320 : memref<25088x16xf32, #tpu.memory_space<vmem_shared>>) offsets(%dma_start3A_317 : memref<128xi32, #tpu.memory_space<vmem>>) semaphore(%arg10 : memref<!tpu.dma_semaphore, #tpu.memory_space<semaphore_mem>>) {add = true}
        %dma_wait3A_321 = arith.constant 0 : i32
        %dma_wait3A_322 = arith.constant 0 : i32
        %dma_wait3A_323 = tpu.memref_slice %arg4[%dma_wait3A_321, %dma_wait3A_322] : memref<1568x16xf32, #tpu.memory_space<hbm>> -> memref<128x16xf32, #tpu.memory_space<hbm>>
        %dma_wait3A_324 = arith.constant 0 : i32
        %dma_wait3A_325 = arith.constant 0 : i32
        %dma_wait3A_326 = tpu.memref_slice %arg4[%dma_wait3A_324, %dma_wait3A_325] : memref<1568x16xf32, #tpu.memory_space<hbm>> -> memref<128x16xf32, #tpu.memory_space<hbm>>
        tpu.wait_dma2 semaphore(%arg11 : memref<!tpu.dma_semaphore, #tpu.memory_space<semaphore_mem>>) src(%dma_wait3A_326 : memref<128x16xf32, #tpu.memory_space<hbm>>) dst(%arg7 : memref<128x16xf32, #tpu.memory_space<vmem>>)
        %dma_start3A_327 = arith.constant 0 : i32
        %dma_start3A_328 = arith.constant 2 : i32
        %dma_start3A_329 = arith.constant 1 : i32
        %dma_start3A_330 = arith.constant 0 : i32
        %dma_start3A_331 = tpu.memref_slice %arg6[%dma_start3A_327, %dma_start3A_328, %dma_start3A_329, %dma_start3A_330] : memref<2x5x2x128xi32, #tpu.memory_space<vmem>> -> memref<1x1x1x128xi32, #tpu.memory_space<vmem>>
        %dma_start3A_332 = tpu.memref_squeeze %dma_start3A_331 : memref<1x1x1x128xi32, #tpu.memory_space<vmem>> -> memref<128xi32, #tpu.memory_space<vmem>>
        %dma_start3A_333 = arith.constant 0 : i32
        %dma_start3A_334 = arith.constant 0 : i32
        %dma_start3A_335 = tpu.memref_slice %arg8[%dma_start3A_333, %dma_start3A_334] : memref<25088x16xf32, #tpu.memory_space<vmem_shared>> -> memref<25088x16xf32, #tpu.memory_space<vmem_shared>>
        tpu.enqueue_indirect_dma source(%arg7 : memref<128x16xf32, #tpu.memory_space<vmem>>) target(%dma_start3A_335 : memref<25088x16xf32, #tpu.memory_space<vmem_shared>>) offsets(%dma_start3A_332 : memref<128xi32, #tpu.memory_space<vmem>>) semaphore(%arg11 : memref<!tpu.dma_semaphore, #tpu.memory_space<semaphore_mem>>) {add = true}
        %dma_wait3A_336 = arith.constant 0 : i32
        %dma_wait3A_337 = arith.constant 0 : i32
        %dma_wait3A_338 = tpu.memref_slice %arg4[%dma_wait3A_336, %dma_wait3A_337] : memref<1568x16xf32, #tpu.memory_space<hbm>> -> memref<128x16xf32, #tpu.memory_space<hbm>>
        %dma_wait3A_339 = arith.constant 0 : i32
        %dma_wait3A_340 = arith.constant 0 : i32
        %dma_wait3A_341 = tpu.memref_slice %arg4[%dma_wait3A_339, %dma_wait3A_340] : memref<1568x16xf32, #tpu.memory_space<hbm>> -> memref<128x16xf32, #tpu.memory_space<hbm>>
        tpu.wait_dma2 semaphore(%arg12 : memref<!tpu.dma_semaphore, #tpu.memory_space<semaphore_mem>>) src(%dma_wait3A_341 : memref<128x16xf32, #tpu.memory_space<hbm>>) dst(%arg7 : memref<128x16xf32, #tpu.memory_space<vmem>>)
        %dma_start3A_342 = arith.constant 0 : i32
        %dma_start3A_343 = arith.constant 3 : i32
        %dma_start3A_344 = arith.constant 1 : i32
        %dma_start3A_345 = arith.constant 0 : i32
        %dma_start3A_346 = tpu.memref_slice %arg6[%dma_start3A_342, %dma_start3A_343, %dma_start3A_344, %dma_start3A_345] : memref<2x5x2x128xi32, #tpu.memory_space<vmem>> -> memref<1x1x1x128xi32, #tpu.memory_space<vmem>>
        %dma_start3A_347 = tpu.memref_squeeze %dma_start3A_346 : memref<1x1x1x128xi32, #tpu.memory_space<vmem>> -> memref<128xi32, #tpu.memory_space<vmem>>
        %dma_start3A_348 = arith.constant 0 : i32
        %dma_start3A_349 = arith.constant 0 : i32
        %dma_start3A_350 = tpu.memref_slice %arg8[%dma_start3A_348, %dma_start3A_349] : memref<25088x16xf32, #tpu.memory_space<vmem_shared>> -> memref<25088x16xf32, #tpu.memory_space<vmem_shared>>
        tpu.enqueue_indirect_dma source(%arg7 : memref<128x16xf32, #tpu.memory_space<vmem>>) target(%dma_start3A_350 : memref<25088x16xf32, #tpu.memory_space<vmem_shared>>) offsets(%dma_start3A_347 : memref<128xi32, #tpu.memory_space<vmem>>) semaphore(%arg12 : memref<!tpu.dma_semaphore, #tpu.memory_space<semaphore_mem>>) {add = true}
        %dma_wait3A_351 = arith.constant 0 : i32
        %dma_wait3A_352 = arith.constant 0 : i32
        %dma_wait3A_353 = tpu.memref_slice %arg4[%dma_wait3A_351, %dma_wait3A_352] : memref<1568x16xf32, #tpu.memory_space<hbm>> -> memref<128x16xf32, #tpu.memory_space<hbm>>
        %dma_wait3A_354 = arith.constant 0 : i32
        %dma_wait3A_355 = arith.constant 0 : i32
        %dma_wait3A_356 = tpu.memref_slice %arg4[%dma_wait3A_354, %dma_wait3A_355] : memref<1568x16xf32, #tpu.memory_space<hbm>> -> memref<128x16xf32, #tpu.memory_space<hbm>>
        tpu.wait_dma2 semaphore(%arg13 : memref<!tpu.dma_semaphore, #tpu.memory_space<semaphore_mem>>) src(%dma_wait3A_356 : memref<128x16xf32, #tpu.memory_space<hbm>>) dst(%arg7 : memref<128x16xf32, #tpu.memory_space<vmem>>)
        %dma_start3A_357 = arith.constant 0 : i32
        %dma_start3A_358 = arith.constant 4 : i32
        %dma_start3A_359 = arith.constant 1 : i32
        %dma_start3A_360 = arith.constant 0 : i32
        %dma_start3A_361 = tpu.memref_slice %arg6[%dma_start3A_357, %dma_start3A_358, %dma_start3A_359, %dma_start3A_360] : memref<2x5x2x128xi32, #tpu.memory_space<vmem>> -> memref<1x1x1x128xi32, #tpu.memory_space<vmem>>
        %dma_start3A_362 = tpu.memref_squeeze %dma_start3A_361 : memref<1x1x1x128xi32, #tpu.memory_space<vmem>> -> memref<128xi32, #tpu.memory_space<vmem>>
        %dma_start3A_363 = arith.constant 0 : i32
        %dma_start3A_364 = arith.constant 0 : i32
        %dma_start3A_365 = tpu.memref_slice %arg8[%dma_start3A_363, %dma_start3A_364] : memref<25088x16xf32, #tpu.memory_space<vmem_shared>> -> memref<25088x16xf32, #tpu.memory_space<vmem_shared>>
        tpu.enqueue_indirect_dma source(%arg7 : memref<128x16xf32, #tpu.memory_space<vmem>>) target(%dma_start3A_365 : memref<25088x16xf32, #tpu.memory_space<vmem_shared>>) offsets(%dma_start3A_362 : memref<128xi32, #tpu.memory_space<vmem>>) semaphore(%arg13 : memref<!tpu.dma_semaphore, #tpu.memory_space<semaphore_mem>>) {add = true}
        %add3A_366 = arith.constant 2 : i32
        %add3A_367 = arith.addi %add3A_149, %add3A_366 : i32
        %lt3A_368 = arith.constant 42 : i32
        %lt3A_369 = arith.cmpi slt, %add3A_367, %lt3A_368 : i32
        %convert_element_type3A_370 = arith.extui %lt3A_369 : i1 to i32
        %cond3A_371 = arith.constant 0 : i32
        %cond3A_372 = arith.cmpi ne, %convert_element_type3A_370, %cond3A_371 : i32
        scf.if %cond3A_372 {
          %add3A_373 = arith.constant 2 : i32
          %add3A_374 = arith.addi %add3A_149, %add3A_373 : i32
          %mul3A_375 = arith.constant 5 : i32
          %mul3A_376 = arith.muli %add3A_374, %mul3A_375 : i32
          %add3A_377 = arith.addi %mul3A_2, %mul3A_376 : i32
          %dma_start3A_378 = arith.constant 1 : i32
          %dma_start3A_379 = arith.constant 0 : i32
          %dma_start3A_380 = arith.constant 0 : i32
          %dma_start3A_381 = arith.constant 0 : i32
          %dma_start3A_382 = tpu.memref_slice %arg6[%dma_start3A_378, %dma_start3A_379, %dma_start3A_380, %dma_start3A_381] : memref<2x5x2x128xi32, #tpu.memory_space<vmem>> -> memref<1x5x2x128xi32, #tpu.memory_space<vmem>>
          %dma_start3A_383 = tpu.memref_squeeze %dma_start3A_382 : memref<1x5x2x128xi32, #tpu.memory_space<vmem>> -> memref<5x2x128xi32, #tpu.memory_space<vmem>>
          %dma_start3A_384 = arith.constant 0 : i32
          %dma_start3A_385 = arith.constant 0 : i32
          %dma_start3A_386 = tpu.memref_slice %arg2[%arg0, %add3A_377, %dma_start3A_384, %dma_start3A_385] : memref<2x3360x2x128xi32, #tpu.memory_space<hbm>> -> memref<1x5x2x128xi32, #tpu.memory_space<hbm>>
          %dma_start3A_387 = tpu.memref_squeeze %dma_start3A_386 : memref<1x5x2x128xi32, #tpu.memory_space<hbm>> -> memref<5x2x128xi32, #tpu.memory_space<hbm>>
          %dma_start3A_388 = arith.constant 0 : i32
          %dma_start3A_389 = arith.constant 0 : i32
          %dma_start3A_390 = arith.constant 0 : i32
          %dma_start3A_391 = tpu.memref_slice %arg6[%dma_start3A_378, %dma_start3A_388, %dma_start3A_389, %dma_start3A_390] : memref<2x5x2x128xi32, #tpu.memory_space<vmem>> -> memref<1x5x2x128xi32, #tpu.memory_space<vmem>>
          %dma_start3A_392 = tpu.memref_squeeze %dma_start3A_391 : memref<1x5x2x128xi32, #tpu.memory_space<vmem>> -> memref<5x2x128xi32, #tpu.memory_space<vmem>>
          %dma_start3A_393 = arith.constant 0 : i32
          %dma_start3A_394 = arith.constant 0 : i32
          %dma_start3A_395 = tpu.memref_slice %arg2[%arg0, %add3A_377, %dma_start3A_393, %dma_start3A_394] : memref<2x3360x2x128xi32, #tpu.memory_space<hbm>> -> memref<1x5x2x128xi32, #tpu.memory_space<hbm>>
          %dma_start3A_396 = tpu.memref_squeeze %dma_start3A_395 : memref<1x5x2x128xi32, #tpu.memory_space<hbm>> -> memref<5x2x128xi32, #tpu.memory_space<hbm>>
          tpu.enqueue_dma source(%dma_start3A_396 : memref<5x2x128xi32, #tpu.memory_space<hbm>>) target(%dma_start3A_392 : memref<5x2x128xi32, #tpu.memory_space<vmem>>) target_semaphore(%arg14 : memref<!tpu.dma_semaphore, #tpu.memory_space<semaphore_mem>>)
        } else {
        }
      } else {
      }
    }
    %scan3A_109 = arith.constant 21 : i32
    %dma_wait3A_110 = arith.constant 0 : i32
    %dma_wait3A_111 = arith.constant 0 : i32
    %dma_wait3A_112 = tpu.memref_slice %arg4[%dma_wait3A_110, %dma_wait3A_111] : memref<1568x16xf32, #tpu.memory_space<hbm>> -> memref<128x16xf32, #tpu.memory_space<hbm>>
    %dma_wait3A_113 = arith.constant 0 : i32
    %dma_wait3A_114 = arith.constant 0 : i32
    %dma_wait3A_115 = tpu.memref_slice %arg4[%dma_wait3A_113, %dma_wait3A_114] : memref<1568x16xf32, #tpu.memory_space<hbm>> -> memref<128x16xf32, #tpu.memory_space<hbm>>
    tpu.wait_dma2 semaphore(%arg9 : memref<!tpu.dma_semaphore, #tpu.memory_space<semaphore_mem>>) src(%dma_wait3A_115 : memref<128x16xf32, #tpu.memory_space<hbm>>) dst(%arg7 : memref<128x16xf32, #tpu.memory_space<vmem>>)
    %dma_wait3A_116 = arith.constant 0 : i32
    %dma_wait3A_117 = arith.constant 0 : i32
    %dma_wait3A_118 = tpu.memref_slice %arg4[%dma_wait3A_116, %dma_wait3A_117] : memref<1568x16xf32, #tpu.memory_space<hbm>> -> memref<128x16xf32, #tpu.memory_space<hbm>>
    %dma_wait3A_119 = arith.constant 0 : i32
    %dma_wait3A_120 = arith.constant 0 : i32
    %dma_wait3A_121 = tpu.memref_slice %arg4[%dma_wait3A_119, %dma_wait3A_120] : memref<1568x16xf32, #tpu.memory_space<hbm>> -> memref<128x16xf32, #tpu.memory_space<hbm>>
    tpu.wait_dma2 semaphore(%arg10 : memref<!tpu.dma_semaphore, #tpu.memory_space<semaphore_mem>>) src(%dma_wait3A_121 : memref<128x16xf32, #tpu.memory_space<hbm>>) dst(%arg7 : memref<128x16xf32, #tpu.memory_space<vmem>>)
    %dma_wait3A_122 = arith.constant 0 : i32
    %dma_wait3A_123 = arith.constant 0 : i32
    %dma_wait3A_124 = tpu.memref_slice %arg4[%dma_wait3A_122, %dma_wait3A_123] : memref<1568x16xf32, #tpu.memory_space<hbm>> -> memref<128x16xf32, #tpu.memory_space<hbm>>
    %dma_wait3A_125 = arith.constant 0 : i32
    %dma_wait3A_126 = arith.constant 0 : i32
    %dma_wait3A_127 = tpu.memref_slice %arg4[%dma_wait3A_125, %dma_wait3A_126] : memref<1568x16xf32, #tpu.memory_space<hbm>> -> memref<128x16xf32, #tpu.memory_space<hbm>>
    tpu.wait_dma2 semaphore(%arg11 : memref<!tpu.dma_semaphore, #tpu.memory_space<semaphore_mem>>) src(%dma_wait3A_127 : memref<128x16xf32, #tpu.memory_space<hbm>>) dst(%arg7 : memref<128x16xf32, #tpu.memory_space<vmem>>)
    %dma_wait3A_128 = arith.constant 0 : i32
    %dma_wait3A_129 = arith.constant 0 : i32
    %dma_wait3A_130 = tpu.memref_slice %arg4[%dma_wait3A_128, %dma_wait3A_129] : memref<1568x16xf32, #tpu.memory_space<hbm>> -> memref<128x16xf32, #tpu.memory_space<hbm>>
    %dma_wait3A_131 = arith.constant 0 : i32
    %dma_wait3A_132 = arith.constant 0 : i32
    %dma_wait3A_133 = tpu.memref_slice %arg4[%dma_wait3A_131, %dma_wait3A_132] : memref<1568x16xf32, #tpu.memory_space<hbm>> -> memref<128x16xf32, #tpu.memory_space<hbm>>
    tpu.wait_dma2 semaphore(%arg12 : memref<!tpu.dma_semaphore, #tpu.memory_space<semaphore_mem>>) src(%dma_wait3A_133 : memref<128x16xf32, #tpu.memory_space<hbm>>) dst(%arg7 : memref<128x16xf32, #tpu.memory_space<vmem>>)
    %dma_wait3A_134 = arith.constant 0 : i32
    %dma_wait3A_135 = arith.constant 0 : i32
    %dma_wait3A_136 = tpu.memref_slice %arg4[%dma_wait3A_134, %dma_wait3A_135] : memref<1568x16xf32, #tpu.memory_space<hbm>> -> memref<128x16xf32, #tpu.memory_space<hbm>>
    %dma_wait3A_137 = arith.constant 0 : i32
    %dma_wait3A_138 = arith.constant 0 : i32
    %dma_wait3A_139 = tpu.memref_slice %arg4[%dma_wait3A_137, %dma_wait3A_138] : memref<1568x16xf32, #tpu.memory_space<hbm>> -> memref<128x16xf32, #tpu.memory_space<hbm>>
    tpu.wait_dma2 semaphore(%arg13 : memref<!tpu.dma_semaphore, #tpu.memory_space<semaphore_mem>>) src(%dma_wait3A_139 : memref<128x16xf32, #tpu.memory_space<hbm>>) dst(%arg7 : memref<128x16xf32, #tpu.memory_space<vmem>>)
    %barrier3A_140 = arith.constant 0 : index
    tpu.barrier barrier_id(%barrier3A_140)
    %mul3A_141 = arith.constant 1568 : i32
    %mul3A_142 = arith.muli %arg1, %mul3A_141 : i32
    %mul3A_143 = arith.constant 1568 : i32
    %mul3A_144 = arith.muli %arg1, %mul3A_143 : i32
    "tpu.region"() ({
      %run_scoped3A = tpu.sem_alloc : memref<!tpu.dma_semaphore, #tpu.memory_space<semaphore_mem>>
      %dma_start3A_145 = arith.constant 0 : i32
      %dma_start3A_146 = tpu.memref_slice %arg5[%arg0, %mul3A_144, %dma_start3A_145] : memref<2x25088x16xf32, #tpu.memory_space<hbm>> -> memref<1x1568x16xf32, #tpu.memory_space<hbm>>
      %dma_start3A_147 = tpu.memref_squeeze %dma_start3A_146 : memref<1x1568x16xf32, #tpu.memory_space<hbm>> -> memref<1568x16xf32, #tpu.memory_space<hbm>>
      %dma_start3A_148 = arith.constant 0 : i32
      %dma_start3A_149 = tpu.memref_slice %arg8[%mul3A_142, %dma_start3A_148] : memref<25088x16xf32, #tpu.memory_space<vmem_shared>> -> memref<1568x16xf32, #tpu.memory_space<vmem_shared>>
      tpu.enqueue_dma source(%dma_start3A_149 : memref<1568x16xf32, #tpu.memory_space<vmem_shared>>) target(%dma_start3A_147 : memref<1568x16xf32, #tpu.memory_space<hbm>>) target_semaphore(%run_scoped3A : memref<!tpu.dma_semaphore, #tpu.memory_space<semaphore_mem>>)
      %dma_wait3A_150 = arith.constant 0 : i32
      %dma_wait3A_151 = tpu.memref_slice %arg5[%arg0, %mul3A_144, %dma_wait3A_150] : memref<2x25088x16xf32, #tpu.memory_space<hbm>> -> memref<1x1568x16xf32, #tpu.memory_space<hbm>>
      %dma_wait3A_152 = tpu.memref_squeeze %dma_wait3A_151 : memref<1x1568x16xf32, #tpu.memory_space<hbm>> -> memref<1568x16xf32, #tpu.memory_space<hbm>>
      %dma_wait3A_153 = arith.constant 0 : i32
      %dma_wait3A_154 = tpu.memref_slice %arg8[%mul3A_142, %dma_wait3A_153] : memref<25088x16xf32, #tpu.memory_space<vmem_shared>> -> memref<1568x16xf32, #tpu.memory_space<vmem_shared>>
      tpu.wait_dma2 semaphore(%run_scoped3A : memref<!tpu.dma_semaphore, #tpu.memory_space<semaphore_mem>>) src(%dma_wait3A_154 : memref<1568x16xf32, #tpu.memory_space<vmem_shared>>) dst(%dma_wait3A_152 : memref<1568x16xf32, #tpu.memory_space<hbm>>)
      tpu.yield
    }) : () -> ()
    return
  }
}

#map = affine_map<(d0, d1) -> (0, 0)>
#map1 = affine_map<(d0, d1) -> (0, 0, 0, 0)>
#map2 = affine_map<(d0, d1) -> (0, 0, 0)>
module attributes {stable_mosaic.version = 14 : i64} {
  func.func @k(%arg0: i32, %arg1: i32, %arg2: memref<50176x64xf32, #tpu.memory_space<hbm>>, %arg3: memref<2x3360x2x128xi32, #tpu.memory_space<hbm>>, %arg4: memref<1568x64xf32, #tpu.memory_space<hbm>>, %arg5: memref<2x25088x64xf32, #tpu.memory_space<hbm>>, %arg6: memref<3x2x128xi32, #tpu.memory_space<vmem>>, %arg7: memref<3x128x64xf32, #tpu.memory_space<vmem>>, %arg8: memref<25088x64xf32, #tpu.memory_space<vmem_shared>>, %arg9: memref<!tpu.dma_semaphore, #tpu.memory_space<semaphore_mem>>, %arg10: memref<!tpu.dma_semaphore, #tpu.memory_space<semaphore_mem>>, %arg11: memref<!tpu.dma_semaphore, #tpu.memory_space<semaphore_mem>>, %arg12: memref<!tpu.dma_semaphore, #tpu.memory_space<semaphore_mem>>, %arg13: memref<!tpu.dma_semaphore, #tpu.memory_space<semaphore_mem>>, %arg14: memref<!tpu.dma_semaphore, #tpu.memory_space<semaphore_mem>>) attributes {dimension_semantics = [#tpu.dimension_semantics<core_parallel>, #tpu.dimension_semantics<subcore_parallel>], iteration_bounds = array<i64: 2, 16>, scalar_prefetch = 0 : i64, scratch_operands = 9 : i64, tpu.core_type = #tpu.core_type<sc_vector_subcore>, window_params = [{transform_indices = #map}, {transform_indices = #map1}, {transform_indices = #map}, {transform_indices = #map2}]} {
    %mul3A = arith.constant 1568 : i32
    %mul3A_0 = arith.muli %arg1, %mul3A : i32
    "tpu.region"() ({
      %run_scoped3A_101 = tpu.sem_alloc : memref<!tpu.dma_semaphore, #tpu.memory_space<semaphore_mem>>
      %dma_start3A_102 = arith.constant 0 : i32
      %dma_start3A_103 = tpu.memref_slice %arg8[%mul3A_0, %dma_start3A_102] : memref<25088x64xf32, #tpu.memory_space<vmem_shared>> -> memref<1568x64xf32, #tpu.memory_space<vmem_shared>>
      tpu.enqueue_dma source(%arg4 : memref<1568x64xf32, #tpu.memory_space<hbm>>) target(%dma_start3A_103 : memref<1568x64xf32, #tpu.memory_space<vmem_shared>>) target_semaphore(%run_scoped3A_101 : memref<!tpu.dma_semaphore, #tpu.memory_space<semaphore_mem>>)
      %dma_wait3A_104 = arith.constant 0 : i32
      %dma_wait3A_105 = tpu.memref_slice %arg8[%mul3A_0, %dma_wait3A_104] : memref<25088x64xf32, #tpu.memory_space<vmem_shared>> -> memref<1568x64xf32, #tpu.memory_space<vmem_shared>>
      tpu.wait_dma2 semaphore(%run_scoped3A_101 : memref<!tpu.dma_semaphore, #tpu.memory_space<semaphore_mem>>) src(%arg4 : memref<1568x64xf32, #tpu.memory_space<hbm>>) dst(%dma_wait3A_105 : memref<1568x64xf32, #tpu.memory_space<vmem_shared>>)
      tpu.yield
    }) : () -> ()
    %barrier3A = arith.constant 0 : index
    tpu.barrier barrier_id(%barrier3A)
    %mul3A_1 = arith.constant 210 : i32
    %mul3A_2 = arith.muli %arg1, %mul3A_1 : i32
    %add3A = arith.constant 0 : i32
    %add3A_3 = arith.addi %mul3A_2, %add3A : i32
    %run_scoped3A = arith.constant 0 : i32
    "tpu.region"() ({
      %run_scoped3A_101 = tpu.sem_alloc : memref<!tpu.dma_semaphore, #tpu.memory_space<semaphore_mem>>
      %dma_start3A_102 = arith.constant 0 : i32
      %dma_start3A_103 = arith.constant 0 : i32
      %dma_start3A_104 = tpu.memref_slice %arg6[%run_scoped3A, %dma_start3A_102, %dma_start3A_103] : memref<3x2x128xi32, #tpu.memory_space<vmem>> -> memref<1x2x128xi32, #tpu.memory_space<vmem>>
      %dma_start3A_105 = tpu.memref_squeeze %dma_start3A_104 : memref<1x2x128xi32, #tpu.memory_space<vmem>> -> memref<2x128xi32, #tpu.memory_space<vmem>>
      %dma_start3A_106 = arith.constant 0 : i32
      %dma_start3A_107 = arith.constant 0 : i32
      %dma_start3A_108 = tpu.memref_slice %arg3[%arg0, %add3A_3, %dma_start3A_106, %dma_start3A_107] : memref<2x3360x2x128xi32, #tpu.memory_space<hbm>> -> memref<1x1x2x128xi32, #tpu.memory_space<hbm>>
      %dma_start3A_109 = tpu.memref_squeeze %dma_start3A_108 : memref<1x1x2x128xi32, #tpu.memory_space<hbm>> -> memref<2x128xi32, #tpu.memory_space<hbm>>
      %dma_start3A_110 = arith.constant 0 : i32
      %dma_start3A_111 = arith.constant 0 : i32
      %dma_start3A_112 = tpu.memref_slice %arg6[%run_scoped3A, %dma_start3A_110, %dma_start3A_111] : memref<3x2x128xi32, #tpu.memory_space<vmem>> -> memref<1x2x128xi32, #tpu.memory_space<vmem>>
      %dma_start3A_113 = tpu.memref_squeeze %dma_start3A_112 : memref<1x2x128xi32, #tpu.memory_space<vmem>> -> memref<2x128xi32, #tpu.memory_space<vmem>>
      %dma_start3A_114 = arith.constant 0 : i32
      %dma_start3A_115 = arith.constant 0 : i32
      %dma_start3A_116 = tpu.memref_slice %arg3[%arg0, %add3A_3, %dma_start3A_114, %dma_start3A_115] : memref<2x3360x2x128xi32, #tpu.memory_space<hbm>> -> memref<1x1x2x128xi32, #tpu.memory_space<hbm>>
      %dma_start3A_117 = tpu.memref_squeeze %dma_start3A_116 : memref<1x1x2x128xi32, #tpu.memory_space<hbm>> -> memref<2x128xi32, #tpu.memory_space<hbm>>
      tpu.enqueue_dma source(%dma_start3A_117 : memref<2x128xi32, #tpu.memory_space<hbm>>) target(%dma_start3A_113 : memref<2x128xi32, #tpu.memory_space<vmem>>) target_semaphore(%run_scoped3A_101 : memref<!tpu.dma_semaphore, #tpu.memory_space<semaphore_mem>>)
      %dma_wait3A_118 = arith.constant 0 : i32
      %dma_wait3A_119 = arith.constant 0 : i32
      %dma_wait3A_120 = tpu.memref_slice %arg6[%run_scoped3A, %dma_wait3A_118, %dma_wait3A_119] : memref<3x2x128xi32, #tpu.memory_space<vmem>> -> memref<1x2x128xi32, #tpu.memory_space<vmem>>
      %dma_wait3A_121 = tpu.memref_squeeze %dma_wait3A_120 : memref<1x2x128xi32, #tpu.memory_space<vmem>> -> memref<2x128xi32, #tpu.memory_space<vmem>>
      %dma_wait3A_122 = arith.constant 0 : i32
      %dma_wait3A_123 = arith.constant 0 : i32
      %dma_wait3A_124 = tpu.memref_slice %arg3[%arg0, %add3A_3, %dma_wait3A_122, %dma_wait3A_123] : memref<2x3360x2x128xi32, #tpu.memory_space<hbm>> -> memref<1x1x2x128xi32, #tpu.memory_space<hbm>>
      %dma_wait3A_125 = tpu.memref_squeeze %dma_wait3A_124 : memref<1x1x2x128xi32, #tpu.memory_space<hbm>> -> memref<2x128xi32, #tpu.memory_space<hbm>>
      %dma_wait3A_126 = arith.constant 0 : i32
      %dma_wait3A_127 = arith.constant 0 : i32
      %dma_wait3A_128 = tpu.memref_slice %arg6[%run_scoped3A, %dma_wait3A_126, %dma_wait3A_127] : memref<3x2x128xi32, #tpu.memory_space<vmem>> -> memref<1x2x128xi32, #tpu.memory_space<vmem>>
      %dma_wait3A_129 = tpu.memref_squeeze %dma_wait3A_128 : memref<1x2x128xi32, #tpu.memory_space<vmem>> -> memref<2x128xi32, #tpu.memory_space<vmem>>
      %dma_wait3A_130 = arith.constant 0 : i32
      %dma_wait3A_131 = arith.constant 0 : i32
      %dma_wait3A_132 = tpu.memref_slice %arg3[%arg0, %add3A_3, %dma_wait3A_130, %dma_wait3A_131] : memref<2x3360x2x128xi32, #tpu.memory_space<hbm>> -> memref<1x1x2x128xi32, #tpu.memory_space<hbm>>
      %dma_wait3A_133 = tpu.memref_squeeze %dma_wait3A_132 : memref<1x1x2x128xi32, #tpu.memory_space<hbm>> -> memref<2x128xi32, #tpu.memory_space<hbm>>
      tpu.wait_dma2 semaphore(%run_scoped3A_101 : memref<!tpu.dma_semaphore, #tpu.memory_space<semaphore_mem>>) src(%dma_wait3A_133 : memref<2x128xi32, #tpu.memory_space<hbm>>) dst(%dma_wait3A_129 : memref<2x128xi32, #tpu.memory_space<vmem>>)
      tpu.yield
    }) : () -> ()
    %dma_start3A = arith.constant 0 : i32
    %dma_start3A_4 = arith.constant 0 : i32
    %dma_start3A_5 = arith.constant 0 : i32
    %dma_start3A_6 = arith.constant 0 : i32
    %dma_start3A_7 = arith.constant 0 : i32
    %dma_start3A_8 = tpu.memref_slice %arg7[%dma_start3A_5, %dma_start3A_6, %dma_start3A_7] : memref<3x128x64xf32, #tpu.memory_space<vmem>> -> memref<1x128x64xf32, #tpu.memory_space<vmem>>
    %dma_start3A_9 = tpu.memref_squeeze %dma_start3A_8 : memref<1x128x64xf32, #tpu.memory_space<vmem>> -> memref<128x64xf32, #tpu.memory_space<vmem>>
    %dma_start3A_10 = arith.constant 0 : i32
    %dma_start3A_11 = tpu.memref_slice %arg6[%dma_start3A, %dma_start3A_4, %dma_start3A_10] : memref<3x2x128xi32, #tpu.memory_space<vmem>> -> memref<1x1x128xi32, #tpu.memory_space<vmem>>
    %dma_start3A_12 = tpu.memref_squeeze %dma_start3A_11 : memref<1x1x128xi32, #tpu.memory_space<vmem>> -> memref<128xi32, #tpu.memory_space<vmem>>
    %dma_start3A_13 = arith.constant 0 : i32
    %dma_start3A_14 = arith.constant 0 : i32
    %dma_start3A_15 = tpu.memref_slice %arg2[%dma_start3A_13, %dma_start3A_14] : memref<50176x64xf32, #tpu.memory_space<hbm>> -> memref<50176x64xf32, #tpu.memory_space<hbm>>
    tpu.enqueue_indirect_dma source(%dma_start3A_15 : memref<50176x64xf32, #tpu.memory_space<hbm>>) target(%dma_start3A_9 : memref<128x64xf32, #tpu.memory_space<vmem>>) offsets(%dma_start3A_12 : memref<128xi32, #tpu.memory_space<vmem>>) semaphore(%arg9 : memref<!tpu.dma_semaphore, #tpu.memory_space<semaphore_mem>>)
    %add3A_16 = arith.constant 1 : i32
    %add3A_17 = arith.addi %mul3A_2, %add3A_16 : i32
    %run_scoped3A_18 = arith.constant 1 : i32
    "tpu.region"() ({
      %run_scoped3A_101 = tpu.sem_alloc : memref<!tpu.dma_semaphore, #tpu.memory_space<semaphore_mem>>
      %dma_start3A_102 = arith.constant 0 : i32
      %dma_start3A_103 = arith.constant 0 : i32
      %dma_start3A_104 = tpu.memref_slice %arg6[%run_scoped3A_18, %dma_start3A_102, %dma_start3A_103] : memref<3x2x128xi32, #tpu.memory_space<vmem>> -> memref<1x2x128xi32, #tpu.memory_space<vmem>>
      %dma_start3A_105 = tpu.memref_squeeze %dma_start3A_104 : memref<1x2x128xi32, #tpu.memory_space<vmem>> -> memref<2x128xi32, #tpu.memory_space<vmem>>
      %dma_start3A_106 = arith.constant 0 : i32
      %dma_start3A_107 = arith.constant 0 : i32
      %dma_start3A_108 = tpu.memref_slice %arg3[%arg0, %add3A_17, %dma_start3A_106, %dma_start3A_107] : memref<2x3360x2x128xi32, #tpu.memory_space<hbm>> -> memref<1x1x2x128xi32, #tpu.memory_space<hbm>>
      %dma_start3A_109 = tpu.memref_squeeze %dma_start3A_108 : memref<1x1x2x128xi32, #tpu.memory_space<hbm>> -> memref<2x128xi32, #tpu.memory_space<hbm>>
      %dma_start3A_110 = arith.constant 0 : i32
      %dma_start3A_111 = arith.constant 0 : i32
      %dma_start3A_112 = tpu.memref_slice %arg6[%run_scoped3A_18, %dma_start3A_110, %dma_start3A_111] : memref<3x2x128xi32, #tpu.memory_space<vmem>> -> memref<1x2x128xi32, #tpu.memory_space<vmem>>
      %dma_start3A_113 = tpu.memref_squeeze %dma_start3A_112 : memref<1x2x128xi32, #tpu.memory_space<vmem>> -> memref<2x128xi32, #tpu.memory_space<vmem>>
      %dma_start3A_114 = arith.constant 0 : i32
      %dma_start3A_115 = arith.constant 0 : i32
      %dma_start3A_116 = tpu.memref_slice %arg3[%arg0, %add3A_17, %dma_start3A_114, %dma_start3A_115] : memref<2x3360x2x128xi32, #tpu.memory_space<hbm>> -> memref<1x1x2x128xi32, #tpu.memory_space<hbm>>
      %dma_start3A_117 = tpu.memref_squeeze %dma_start3A_116 : memref<1x1x2x128xi32, #tpu.memory_space<hbm>> -> memref<2x128xi32, #tpu.memory_space<hbm>>
      tpu.enqueue_dma source(%dma_start3A_117 : memref<2x128xi32, #tpu.memory_space<hbm>>) target(%dma_start3A_113 : memref<2x128xi32, #tpu.memory_space<vmem>>) target_semaphore(%run_scoped3A_101 : memref<!tpu.dma_semaphore, #tpu.memory_space<semaphore_mem>>)
      %dma_wait3A_118 = arith.constant 0 : i32
      %dma_wait3A_119 = arith.constant 0 : i32
      %dma_wait3A_120 = tpu.memref_slice %arg6[%run_scoped3A_18, %dma_wait3A_118, %dma_wait3A_119] : memref<3x2x128xi32, #tpu.memory_space<vmem>> -> memref<1x2x128xi32, #tpu.memory_space<vmem>>
      %dma_wait3A_121 = tpu.memref_squeeze %dma_wait3A_120 : memref<1x2x128xi32, #tpu.memory_space<vmem>> -> memref<2x128xi32, #tpu.memory_space<vmem>>
      %dma_wait3A_122 = arith.constant 0 : i32
      %dma_wait3A_123 = arith.constant 0 : i32
      %dma_wait3A_124 = tpu.memref_slice %arg3[%arg0, %add3A_17, %dma_wait3A_122, %dma_wait3A_123] : memref<2x3360x2x128xi32, #tpu.memory_space<hbm>> -> memref<1x1x2x128xi32, #tpu.memory_space<hbm>>
      %dma_wait3A_125 = tpu.memref_squeeze %dma_wait3A_124 : memref<1x1x2x128xi32, #tpu.memory_space<hbm>> -> memref<2x128xi32, #tpu.memory_space<hbm>>
      %dma_wait3A_126 = arith.constant 0 : i32
      %dma_wait3A_127 = arith.constant 0 : i32
      %dma_wait3A_128 = tpu.memref_slice %arg6[%run_scoped3A_18, %dma_wait3A_126, %dma_wait3A_127] : memref<3x2x128xi32, #tpu.memory_space<vmem>> -> memref<1x2x128xi32, #tpu.memory_space<vmem>>
      %dma_wait3A_129 = tpu.memref_squeeze %dma_wait3A_128 : memref<1x2x128xi32, #tpu.memory_space<vmem>> -> memref<2x128xi32, #tpu.memory_space<vmem>>
      %dma_wait3A_130 = arith.constant 0 : i32
      %dma_wait3A_131 = arith.constant 0 : i32
      %dma_wait3A_132 = tpu.memref_slice %arg3[%arg0, %add3A_17, %dma_wait3A_130, %dma_wait3A_131] : memref<2x3360x2x128xi32, #tpu.memory_space<hbm>> -> memref<1x1x2x128xi32, #tpu.memory_space<hbm>>
      %dma_wait3A_133 = tpu.memref_squeeze %dma_wait3A_132 : memref<1x1x2x128xi32, #tpu.memory_space<hbm>> -> memref<2x128xi32, #tpu.memory_space<hbm>>
      tpu.wait_dma2 semaphore(%run_scoped3A_101 : memref<!tpu.dma_semaphore, #tpu.memory_space<semaphore_mem>>) src(%dma_wait3A_133 : memref<2x128xi32, #tpu.memory_space<hbm>>) dst(%dma_wait3A_129 : memref<2x128xi32, #tpu.memory_space<vmem>>)
      tpu.yield
    }) : () -> ()
    %dma_start3A_19 = arith.constant 1 : i32
    %dma_start3A_20 = arith.constant 0 : i32
    %dma_start3A_21 = arith.constant 1 : i32
    %dma_start3A_22 = arith.constant 0 : i32
    %dma_start3A_23 = arith.constant 0 : i32
    %dma_start3A_24 = tpu.memref_slice %arg7[%dma_start3A_21, %dma_start3A_22, %dma_start3A_23] : memref<3x128x64xf32, #tpu.memory_space<vmem>> -> memref<1x128x64xf32, #tpu.memory_space<vmem>>
    %dma_start3A_25 = tpu.memref_squeeze %dma_start3A_24 : memref<1x128x64xf32, #tpu.memory_space<vmem>> -> memref<128x64xf32, #tpu.memory_space<vmem>>
    %dma_start3A_26 = arith.constant 0 : i32
    %dma_start3A_27 = tpu.memref_slice %arg6[%dma_start3A_19, %dma_start3A_20, %dma_start3A_26] : memref<3x2x128xi32, #tpu.memory_space<vmem>> -> memref<1x1x128xi32, #tpu.memory_space<vmem>>
    %dma_start3A_28 = tpu.memref_squeeze %dma_start3A_27 : memref<1x1x128xi32, #tpu.memory_space<vmem>> -> memref<128xi32, #tpu.memory_space<vmem>>
    %dma_start3A_29 = arith.constant 0 : i32
    %dma_start3A_30 = arith.constant 0 : i32
    %dma_start3A_31 = tpu.memref_slice %arg2[%dma_start3A_29, %dma_start3A_30] : memref<50176x64xf32, #tpu.memory_space<hbm>> -> memref<50176x64xf32, #tpu.memory_space<hbm>>
    tpu.enqueue_indirect_dma source(%dma_start3A_31 : memref<50176x64xf32, #tpu.memory_space<hbm>>) target(%dma_start3A_25 : memref<128x64xf32, #tpu.memory_space<vmem>>) offsets(%dma_start3A_28 : memref<128xi32, #tpu.memory_space<vmem>>) semaphore(%arg10 : memref<!tpu.dma_semaphore, #tpu.memory_space<semaphore_mem>>)
    %add3A_32 = arith.constant 2 : i32
    %add3A_33 = arith.addi %mul3A_2, %add3A_32 : i32
    %run_scoped3A_34 = arith.constant 2 : i32
    "tpu.region"() ({
      %run_scoped3A_101 = tpu.sem_alloc : memref<!tpu.dma_semaphore, #tpu.memory_space<semaphore_mem>>
      %dma_start3A_102 = arith.constant 0 : i32
      %dma_start3A_103 = arith.constant 0 : i32
      %dma_start3A_104 = tpu.memref_slice %arg6[%run_scoped3A_34, %dma_start3A_102, %dma_start3A_103] : memref<3x2x128xi32, #tpu.memory_space<vmem>> -> memref<1x2x128xi32, #tpu.memory_space<vmem>>
      %dma_start3A_105 = tpu.memref_squeeze %dma_start3A_104 : memref<1x2x128xi32, #tpu.memory_space<vmem>> -> memref<2x128xi32, #tpu.memory_space<vmem>>
      %dma_start3A_106 = arith.constant 0 : i32
      %dma_start3A_107 = arith.constant 0 : i32
      %dma_start3A_108 = tpu.memref_slice %arg3[%arg0, %add3A_33, %dma_start3A_106, %dma_start3A_107] : memref<2x3360x2x128xi32, #tpu.memory_space<hbm>> -> memref<1x1x2x128xi32, #tpu.memory_space<hbm>>
      %dma_start3A_109 = tpu.memref_squeeze %dma_start3A_108 : memref<1x1x2x128xi32, #tpu.memory_space<hbm>> -> memref<2x128xi32, #tpu.memory_space<hbm>>
      %dma_start3A_110 = arith.constant 0 : i32
      %dma_start3A_111 = arith.constant 0 : i32
      %dma_start3A_112 = tpu.memref_slice %arg6[%run_scoped3A_34, %dma_start3A_110, %dma_start3A_111] : memref<3x2x128xi32, #tpu.memory_space<vmem>> -> memref<1x2x128xi32, #tpu.memory_space<vmem>>
      %dma_start3A_113 = tpu.memref_squeeze %dma_start3A_112 : memref<1x2x128xi32, #tpu.memory_space<vmem>> -> memref<2x128xi32, #tpu.memory_space<vmem>>
      %dma_start3A_114 = arith.constant 0 : i32
      %dma_start3A_115 = arith.constant 0 : i32
      %dma_start3A_116 = tpu.memref_slice %arg3[%arg0, %add3A_33, %dma_start3A_114, %dma_start3A_115] : memref<2x3360x2x128xi32, #tpu.memory_space<hbm>> -> memref<1x1x2x128xi32, #tpu.memory_space<hbm>>
      %dma_start3A_117 = tpu.memref_squeeze %dma_start3A_116 : memref<1x1x2x128xi32, #tpu.memory_space<hbm>> -> memref<2x128xi32, #tpu.memory_space<hbm>>
      tpu.enqueue_dma source(%dma_start3A_117 : memref<2x128xi32, #tpu.memory_space<hbm>>) target(%dma_start3A_113 : memref<2x128xi32, #tpu.memory_space<vmem>>) target_semaphore(%run_scoped3A_101 : memref<!tpu.dma_semaphore, #tpu.memory_space<semaphore_mem>>)
      %dma_wait3A_118 = arith.constant 0 : i32
      %dma_wait3A_119 = arith.constant 0 : i32
      %dma_wait3A_120 = tpu.memref_slice %arg6[%run_scoped3A_34, %dma_wait3A_118, %dma_wait3A_119] : memref<3x2x128xi32, #tpu.memory_space<vmem>> -> memref<1x2x128xi32, #tpu.memory_space<vmem>>
      %dma_wait3A_121 = tpu.memref_squeeze %dma_wait3A_120 : memref<1x2x128xi32, #tpu.memory_space<vmem>> -> memref<2x128xi32, #tpu.memory_space<vmem>>
      %dma_wait3A_122 = arith.constant 0 : i32
      %dma_wait3A_123 = arith.constant 0 : i32
      %dma_wait3A_124 = tpu.memref_slice %arg3[%arg0, %add3A_33, %dma_wait3A_122, %dma_wait3A_123] : memref<2x3360x2x128xi32, #tpu.memory_space<hbm>> -> memref<1x1x2x128xi32, #tpu.memory_space<hbm>>
      %dma_wait3A_125 = tpu.memref_squeeze %dma_wait3A_124 : memref<1x1x2x128xi32, #tpu.memory_space<hbm>> -> memref<2x128xi32, #tpu.memory_space<hbm>>
      %dma_wait3A_126 = arith.constant 0 : i32
      %dma_wait3A_127 = arith.constant 0 : i32
      %dma_wait3A_128 = tpu.memref_slice %arg6[%run_scoped3A_34, %dma_wait3A_126, %dma_wait3A_127] : memref<3x2x128xi32, #tpu.memory_space<vmem>> -> memref<1x2x128xi32, #tpu.memory_space<vmem>>
      %dma_wait3A_129 = tpu.memref_squeeze %dma_wait3A_128 : memref<1x2x128xi32, #tpu.memory_space<vmem>> -> memref<2x128xi32, #tpu.memory_space<vmem>>
      %dma_wait3A_130 = arith.constant 0 : i32
      %dma_wait3A_131 = arith.constant 0 : i32
      %dma_wait3A_132 = tpu.memref_slice %arg3[%arg0, %add3A_33, %dma_wait3A_130, %dma_wait3A_131] : memref<2x3360x2x128xi32, #tpu.memory_space<hbm>> -> memref<1x1x2x128xi32, #tpu.memory_space<hbm>>
      %dma_wait3A_133 = tpu.memref_squeeze %dma_wait3A_132 : memref<1x1x2x128xi32, #tpu.memory_space<hbm>> -> memref<2x128xi32, #tpu.memory_space<hbm>>
      tpu.wait_dma2 semaphore(%run_scoped3A_101 : memref<!tpu.dma_semaphore, #tpu.memory_space<semaphore_mem>>) src(%dma_wait3A_133 : memref<2x128xi32, #tpu.memory_space<hbm>>) dst(%dma_wait3A_129 : memref<2x128xi32, #tpu.memory_space<vmem>>)
      tpu.yield
    }) : () -> ()
    %dma_start3A_35 = arith.constant 2 : i32
    %dma_start3A_36 = arith.constant 0 : i32
    %dma_start3A_37 = arith.constant 2 : i32
    %dma_start3A_38 = arith.constant 0 : i32
    %dma_start3A_39 = arith.constant 0 : i32
    %dma_start3A_40 = tpu.memref_slice %arg7[%dma_start3A_37, %dma_start3A_38, %dma_start3A_39] : memref<3x128x64xf32, #tpu.memory_space<vmem>> -> memref<1x128x64xf32, #tpu.memory_space<vmem>>
    %dma_start3A_41 = tpu.memref_squeeze %dma_start3A_40 : memref<1x128x64xf32, #tpu.memory_space<vmem>> -> memref<128x64xf32, #tpu.memory_space<vmem>>
    %dma_start3A_42 = arith.constant 0 : i32
    %dma_start3A_43 = tpu.memref_slice %arg6[%dma_start3A_35, %dma_start3A_36, %dma_start3A_42] : memref<3x2x128xi32, #tpu.memory_space<vmem>> -> memref<1x1x128xi32, #tpu.memory_space<vmem>>
    %dma_start3A_44 = tpu.memref_squeeze %dma_start3A_43 : memref<1x1x128xi32, #tpu.memory_space<vmem>> -> memref<128xi32, #tpu.memory_space<vmem>>
    %dma_start3A_45 = arith.constant 0 : i32
    %dma_start3A_46 = arith.constant 0 : i32
    %dma_start3A_47 = tpu.memref_slice %arg2[%dma_start3A_45, %dma_start3A_46] : memref<50176x64xf32, #tpu.memory_space<hbm>> -> memref<50176x64xf32, #tpu.memory_space<hbm>>
    tpu.enqueue_indirect_dma source(%dma_start3A_47 : memref<50176x64xf32, #tpu.memory_space<hbm>>) target(%dma_start3A_41 : memref<128x64xf32, #tpu.memory_space<vmem>>) offsets(%dma_start3A_44 : memref<128xi32, #tpu.memory_space<vmem>>) semaphore(%arg11 : memref<!tpu.dma_semaphore, #tpu.memory_space<semaphore_mem>>)
    %scan3A = arith.constant 0 : i32
    %scan3A_48 = arith.constant 70 : i32
    %scan3A_49 = arith.addi %scan3A, %scan3A_48 : i32
    %scan3A_50 = arith.constant 1 : i32
    scf.for %scan3A_101 = %scan3A to %scan3A_49 step %scan3A_50  : i32 {
      %mul3A_102 = arith.constant 1 : i32
      %mul3A_103 = arith.muli %scan3A_101, %mul3A_102 : i32
      %add3A_104 = arith.constant 0 : i32
      %add3A_105 = arith.addi %add3A_104, %mul3A_103 : i32
      %mul3A_106 = arith.constant 3 : i32
      %mul3A_107 = arith.muli %add3A_105, %mul3A_106 : i32
      %add3A_108 = arith.constant 0 : i32
      %add3A_109 = arith.addi %mul3A_107, %add3A_108 : i32
      %dma_wait3A_110 = arith.constant 0 : i32
      %dma_wait3A_111 = arith.constant 0 : i32
      %dma_wait3A_112 = arith.constant 0 : i32
      %dma_wait3A_113 = tpu.memref_slice %arg7[%dma_wait3A_110, %dma_wait3A_111, %dma_wait3A_112] : memref<3x128x64xf32, #tpu.memory_space<vmem>> -> memref<1x128x64xf32, #tpu.memory_space<vmem>>
      %dma_wait3A_114 = tpu.memref_squeeze %dma_wait3A_113 : memref<1x128x64xf32, #tpu.memory_space<vmem>> -> memref<128x64xf32, #tpu.memory_space<vmem>>
      %dma_wait3A_115 = arith.constant 0 : i32
      %dma_wait3A_116 = arith.constant 0 : i32
      %dma_wait3A_117 = tpu.memref_slice %arg2[%dma_wait3A_115, %dma_wait3A_116] : memref<50176x64xf32, #tpu.memory_space<hbm>> -> memref<128x64xf32, #tpu.memory_space<hbm>>
      %dma_wait3A_118 = arith.constant 0 : i32
      %dma_wait3A_119 = arith.constant 0 : i32
      %dma_wait3A_120 = tpu.memref_slice %arg7[%dma_wait3A_110, %dma_wait3A_118, %dma_wait3A_119] : memref<3x128x64xf32, #tpu.memory_space<vmem>> -> memref<1x128x64xf32, #tpu.memory_space<vmem>>
      %dma_wait3A_121 = tpu.memref_squeeze %dma_wait3A_120 : memref<1x128x64xf32, #tpu.memory_space<vmem>> -> memref<128x64xf32, #tpu.memory_space<vmem>>
      %dma_wait3A_122 = arith.constant 0 : i32
      %dma_wait3A_123 = arith.constant 0 : i32
      %dma_wait3A_124 = tpu.memref_slice %arg2[%dma_wait3A_122, %dma_wait3A_123] : memref<50176x64xf32, #tpu.memory_space<hbm>> -> memref<128x64xf32, #tpu.memory_space<hbm>>
      tpu.wait_dma2 semaphore(%arg9 : memref<!tpu.dma_semaphore, #tpu.memory_space<semaphore_mem>>) src(%dma_wait3A_124 : memref<128x64xf32, #tpu.memory_space<hbm>>) dst(%dma_wait3A_121 : memref<128x64xf32, #tpu.memory_space<vmem>>)
      %dma_start3A_125 = arith.constant 0 : i32
      %dma_start3A_126 = arith.constant 0 : i32
      %dma_start3A_127 = arith.constant 1 : i32
      %dma_start3A_128 = arith.constant 0 : i32
      %dma_start3A_129 = arith.constant 0 : i32
      %dma_start3A_130 = tpu.memref_slice %arg7[%dma_start3A_125, %dma_start3A_128, %dma_start3A_129] : memref<3x128x64xf32, #tpu.memory_space<vmem>> -> memref<1x128x64xf32, #tpu.memory_space<vmem>>
      %dma_start3A_131 = tpu.memref_squeeze %dma_start3A_130 : memref<1x128x64xf32, #tpu.memory_space<vmem>> -> memref<128x64xf32, #tpu.memory_space<vmem>>
      %dma_start3A_132 = arith.constant 0 : i32
      %dma_start3A_133 = tpu.memref_slice %arg6[%dma_start3A_126, %dma_start3A_127, %dma_start3A_132] : memref<3x2x128xi32, #tpu.memory_space<vmem>> -> memref<1x1x128xi32, #tpu.memory_space<vmem>>
      %dma_start3A_134 = tpu.memref_squeeze %dma_start3A_133 : memref<1x1x128xi32, #tpu.memory_space<vmem>> -> memref<128xi32, #tpu.memory_space<vmem>>
      %dma_start3A_135 = arith.constant 0 : i32
      %dma_start3A_136 = arith.constant 0 : i32
      %dma_start3A_137 = tpu.memref_slice %arg8[%dma_start3A_135, %dma_start3A_136] : memref<25088x64xf32, #tpu.memory_space<vmem_shared>> -> memref<25088x64xf32, #tpu.memory_space<vmem_shared>>
      tpu.enqueue_indirect_dma source(%dma_start3A_131 : memref<128x64xf32, #tpu.memory_space<vmem>>) target(%dma_start3A_137 : memref<25088x64xf32, #tpu.memory_space<vmem_shared>>) offsets(%dma_start3A_134 : memref<128xi32, #tpu.memory_space<vmem>>) semaphore(%arg12 : memref<!tpu.dma_semaphore, #tpu.memory_space<semaphore_mem>>) {add = true}
      %ge3A = arith.constant 1 : i32
      %ge3A_138 = arith.cmpi sge, %add3A_109, %ge3A : i32
      %le3A = arith.constant 207 : i32
      %le3A_139 = arith.cmpi sle, %add3A_109, %le3A : i32
      %and3A = arith.andi %ge3A_138, %le3A_139 : i1
      %convert_element_type3A = arith.extui %and3A : i1 to i32
      %cond3A = arith.constant 0 : i32
      %cond3A_140 = arith.cmpi ne, %convert_element_type3A, %cond3A : i32
      scf.if %cond3A_140 {
        %dma_wait3A_221 = arith.constant 2 : i32
        %dma_wait3A_222 = arith.constant 0 : i32
        %dma_wait3A_223 = arith.constant 0 : i32
        %dma_wait3A_224 = tpu.memref_slice %arg7[%dma_wait3A_221, %dma_wait3A_222, %dma_wait3A_223] : memref<3x128x64xf32, #tpu.memory_space<vmem>> -> memref<1x128x64xf32, #tpu.memory_space<vmem>>
        %dma_wait3A_225 = tpu.memref_squeeze %dma_wait3A_224 : memref<1x128x64xf32, #tpu.memory_space<vmem>> -> memref<128x64xf32, #tpu.memory_space<vmem>>
        %dma_wait3A_226 = arith.constant 0 : i32
        %dma_wait3A_227 = arith.constant 0 : i32
        %dma_wait3A_228 = tpu.memref_slice %arg2[%dma_wait3A_226, %dma_wait3A_227] : memref<50176x64xf32, #tpu.memory_space<hbm>> -> memref<128x64xf32, #tpu.memory_space<hbm>>
        %dma_wait3A_229 = arith.constant 0 : i32
        %dma_wait3A_230 = arith.constant 0 : i32
        %dma_wait3A_231 = tpu.memref_slice %arg7[%dma_wait3A_221, %dma_wait3A_229, %dma_wait3A_230] : memref<3x128x64xf32, #tpu.memory_space<vmem>> -> memref<1x128x64xf32, #tpu.memory_space<vmem>>
        %dma_wait3A_232 = tpu.memref_squeeze %dma_wait3A_231 : memref<1x128x64xf32, #tpu.memory_space<vmem>> -> memref<128x64xf32, #tpu.memory_space<vmem>>
        %dma_wait3A_233 = arith.constant 0 : i32
        %dma_wait3A_234 = arith.constant 0 : i32
        %dma_wait3A_235 = tpu.memref_slice %arg2[%dma_wait3A_233, %dma_wait3A_234] : memref<50176x64xf32, #tpu.memory_space<hbm>> -> memref<128x64xf32, #tpu.memory_space<hbm>>
        tpu.wait_dma2 semaphore(%arg14 : memref<!tpu.dma_semaphore, #tpu.memory_space<semaphore_mem>>) src(%dma_wait3A_235 : memref<128x64xf32, #tpu.memory_space<hbm>>) dst(%dma_wait3A_232 : memref<128x64xf32, #tpu.memory_space<vmem>>)
        %add3A_236 = arith.addi %mul3A_2, %add3A_109 : i32
        %sub3A = arith.constant 1 : i32
        %sub3A_237 = arith.subi %add3A_236, %sub3A : i32
        %add3A_238 = arith.constant 3 : i32
        %add3A_239 = arith.addi %sub3A_237, %add3A_238 : i32
        %run_scoped3A_240 = arith.constant 2 : i32
        "tpu.region"() ({
          %run_scoped3A_254 = tpu.sem_alloc : memref<!tpu.dma_semaphore, #tpu.memory_space<semaphore_mem>>
          %dma_start3A_255 = arith.constant 0 : i32
          %dma_start3A_256 = arith.constant 0 : i32
          %dma_start3A_257 = tpu.memref_slice %arg6[%run_scoped3A_240, %dma_start3A_255, %dma_start3A_256] : memref<3x2x128xi32, #tpu.memory_space<vmem>> -> memref<1x2x128xi32, #tpu.memory_space<vmem>>
          %dma_start3A_258 = tpu.memref_squeeze %dma_start3A_257 : memref<1x2x128xi32, #tpu.memory_space<vmem>> -> memref<2x128xi32, #tpu.memory_space<vmem>>
          %dma_start3A_259 = arith.constant 0 : i32
          %dma_start3A_260 = arith.constant 0 : i32
          %dma_start3A_261 = tpu.memref_slice %arg3[%arg0, %add3A_239, %dma_start3A_259, %dma_start3A_260] : memref<2x3360x2x128xi32, #tpu.memory_space<hbm>> -> memref<1x1x2x128xi32, #tpu.memory_space<hbm>>
          %dma_start3A_262 = tpu.memref_squeeze %dma_start3A_261 : memref<1x1x2x128xi32, #tpu.memory_space<hbm>> -> memref<2x128xi32, #tpu.memory_space<hbm>>
          %dma_start3A_263 = arith.constant 0 : i32
          %dma_start3A_264 = arith.constant 0 : i32
          %dma_start3A_265 = tpu.memref_slice %arg6[%run_scoped3A_240, %dma_start3A_263, %dma_start3A_264] : memref<3x2x128xi32, #tpu.memory_space<vmem>> -> memref<1x2x128xi32, #tpu.memory_space<vmem>>
          %dma_start3A_266 = tpu.memref_squeeze %dma_start3A_265 : memref<1x2x128xi32, #tpu.memory_space<vmem>> -> memref<2x128xi32, #tpu.memory_space<vmem>>
          %dma_start3A_267 = arith.constant 0 : i32
          %dma_start3A_268 = arith.constant 0 : i32
          %dma_start3A_269 = tpu.memref_slice %arg3[%arg0, %add3A_239, %dma_start3A_267, %dma_start3A_268] : memref<2x3360x2x128xi32, #tpu.memory_space<hbm>> -> memref<1x1x2x128xi32, #tpu.memory_space<hbm>>
          %dma_start3A_270 = tpu.memref_squeeze %dma_start3A_269 : memref<1x1x2x128xi32, #tpu.memory_space<hbm>> -> memref<2x128xi32, #tpu.memory_space<hbm>>
          tpu.enqueue_dma source(%dma_start3A_270 : memref<2x128xi32, #tpu.memory_space<hbm>>) target(%dma_start3A_266 : memref<2x128xi32, #tpu.memory_space<vmem>>) target_semaphore(%run_scoped3A_254 : memref<!tpu.dma_semaphore, #tpu.memory_space<semaphore_mem>>)
          %dma_wait3A_271 = arith.constant 0 : i32
          %dma_wait3A_272 = arith.constant 0 : i32
          %dma_wait3A_273 = tpu.memref_slice %arg6[%run_scoped3A_240, %dma_wait3A_271, %dma_wait3A_272] : memref<3x2x128xi32, #tpu.memory_space<vmem>> -> memref<1x2x128xi32, #tpu.memory_space<vmem>>
          %dma_wait3A_274 = tpu.memref_squeeze %dma_wait3A_273 : memref<1x2x128xi32, #tpu.memory_space<vmem>> -> memref<2x128xi32, #tpu.memory_space<vmem>>
          %dma_wait3A_275 = arith.constant 0 : i32
          %dma_wait3A_276 = arith.constant 0 : i32
          %dma_wait3A_277 = tpu.memref_slice %arg3[%arg0, %add3A_239, %dma_wait3A_275, %dma_wait3A_276] : memref<2x3360x2x128xi32, #tpu.memory_space<hbm>> -> memref<1x1x2x128xi32, #tpu.memory_space<hbm>>
          %dma_wait3A_278 = tpu.memref_squeeze %dma_wait3A_277 : memref<1x1x2x128xi32, #tpu.memory_space<hbm>> -> memref<2x128xi32, #tpu.memory_space<hbm>>
          %dma_wait3A_279 = arith.constant 0 : i32
          %dma_wait3A_280 = arith.constant 0 : i32
          %dma_wait3A_281 = tpu.memref_slice %arg6[%run_scoped3A_240, %dma_wait3A_279, %dma_wait3A_280] : memref<3x2x128xi32, #tpu.memory_space<vmem>> -> memref<1x2x128xi32, #tpu.memory_space<vmem>>
          %dma_wait3A_282 = tpu.memref_squeeze %dma_wait3A_281 : memref<1x2x128xi32, #tpu.memory_space<vmem>> -> memref<2x128xi32, #tpu.memory_space<vmem>>
          %dma_wait3A_283 = arith.constant 0 : i32
          %dma_wait3A_284 = arith.constant 0 : i32
          %dma_wait3A_285 = tpu.memref_slice %arg3[%arg0, %add3A_239, %dma_wait3A_283, %dma_wait3A_284] : memref<2x3360x2x128xi32, #tpu.memory_space<hbm>> -> memref<1x1x2x128xi32, #tpu.memory_space<hbm>>
          %dma_wait3A_286 = tpu.memref_squeeze %dma_wait3A_285 : memref<1x1x2x128xi32, #tpu.memory_space<hbm>> -> memref<2x128xi32, #tpu.memory_space<hbm>>
          tpu.wait_dma2 semaphore(%run_scoped3A_254 : memref<!tpu.dma_semaphore, #tpu.memory_space<semaphore_mem>>) src(%dma_wait3A_286 : memref<2x128xi32, #tpu.memory_space<hbm>>) dst(%dma_wait3A_282 : memref<2x128xi32, #tpu.memory_space<vmem>>)
          tpu.yield
        }) : () -> ()
        %dma_start3A_241 = arith.constant 2 : i32
        %dma_start3A_242 = arith.constant 0 : i32
        %dma_start3A_243 = arith.constant 2 : i32
        %dma_start3A_244 = arith.constant 0 : i32
        %dma_start3A_245 = arith.constant 0 : i32
        %dma_start3A_246 = tpu.memref_slice %arg7[%dma_start3A_243, %dma_start3A_244, %dma_start3A_245] : memref<3x128x64xf32, #tpu.memory_space<vmem>> -> memref<1x128x64xf32, #tpu.memory_space<vmem>>
        %dma_start3A_247 = tpu.memref_squeeze %dma_start3A_246 : memref<1x128x64xf32, #tpu.memory_space<vmem>> -> memref<128x64xf32, #tpu.memory_space<vmem>>
        %dma_start3A_248 = arith.constant 0 : i32
        %dma_start3A_249 = tpu.memref_slice %arg6[%dma_start3A_241, %dma_start3A_242, %dma_start3A_248] : memref<3x2x128xi32, #tpu.memory_space<vmem>> -> memref<1x1x128xi32, #tpu.memory_space<vmem>>
        %dma_start3A_250 = tpu.memref_squeeze %dma_start3A_249 : memref<1x1x128xi32, #tpu.memory_space<vmem>> -> memref<128xi32, #tpu.memory_space<vmem>>
        %dma_start3A_251 = arith.constant 0 : i32
        %dma_start3A_252 = arith.constant 0 : i32
        %dma_start3A_253 = tpu.memref_slice %arg2[%dma_start3A_251, %dma_start3A_252] : memref<50176x64xf32, #tpu.memory_space<hbm>> -> memref<50176x64xf32, #tpu.memory_space<hbm>>
        tpu.enqueue_indirect_dma source(%dma_start3A_253 : memref<50176x64xf32, #tpu.memory_space<hbm>>) target(%dma_start3A_247 : memref<128x64xf32, #tpu.memory_space<vmem>>) offsets(%dma_start3A_250 : memref<128xi32, #tpu.memory_space<vmem>>) semaphore(%arg11 : memref<!tpu.dma_semaphore, #tpu.memory_space<semaphore_mem>>)
      } else {
      }
      %mul3A_141 = arith.constant 3 : i32
      %mul3A_142 = arith.muli %add3A_105, %mul3A_141 : i32
      %add3A_143 = arith.constant 1 : i32
      %add3A_144 = arith.addi %mul3A_142, %add3A_143 : i32
      %dma_wait3A_145 = arith.constant 1 : i32
      %dma_wait3A_146 = arith.constant 0 : i32
      %dma_wait3A_147 = arith.constant 0 : i32
      %dma_wait3A_148 = tpu.memref_slice %arg7[%dma_wait3A_145, %dma_wait3A_146, %dma_wait3A_147] : memref<3x128x64xf32, #tpu.memory_space<vmem>> -> memref<1x128x64xf32, #tpu.memory_space<vmem>>
      %dma_wait3A_149 = tpu.memref_squeeze %dma_wait3A_148 : memref<1x128x64xf32, #tpu.memory_space<vmem>> -> memref<128x64xf32, #tpu.memory_space<vmem>>
      %dma_wait3A_150 = arith.constant 0 : i32
      %dma_wait3A_151 = arith.constant 0 : i32
      %dma_wait3A_152 = tpu.memref_slice %arg2[%dma_wait3A_150, %dma_wait3A_151] : memref<50176x64xf32, #tpu.memory_space<hbm>> -> memref<128x64xf32, #tpu.memory_space<hbm>>
      %dma_wait3A_153 = arith.constant 0 : i32
      %dma_wait3A_154 = arith.constant 0 : i32
      %dma_wait3A_155 = tpu.memref_slice %arg7[%dma_wait3A_145, %dma_wait3A_153, %dma_wait3A_154] : memref<3x128x64xf32, #tpu.memory_space<vmem>> -> memref<1x128x64xf32, #tpu.memory_space<vmem>>
      %dma_wait3A_156 = tpu.memref_squeeze %dma_wait3A_155 : memref<1x128x64xf32, #tpu.memory_space<vmem>> -> memref<128x64xf32, #tpu.memory_space<vmem>>
      %dma_wait3A_157 = arith.constant 0 : i32
      %dma_wait3A_158 = arith.constant 0 : i32
      %dma_wait3A_159 = tpu.memref_slice %arg2[%dma_wait3A_157, %dma_wait3A_158] : memref<50176x64xf32, #tpu.memory_space<hbm>> -> memref<128x64xf32, #tpu.memory_space<hbm>>
      tpu.wait_dma2 semaphore(%arg10 : memref<!tpu.dma_semaphore, #tpu.memory_space<semaphore_mem>>) src(%dma_wait3A_159 : memref<128x64xf32, #tpu.memory_space<hbm>>) dst(%dma_wait3A_156 : memref<128x64xf32, #tpu.memory_space<vmem>>)
      %dma_start3A_160 = arith.constant 1 : i32
      %dma_start3A_161 = arith.constant 1 : i32
      %dma_start3A_162 = arith.constant 1 : i32
      %dma_start3A_163 = arith.constant 0 : i32
      %dma_start3A_164 = arith.constant 0 : i32
      %dma_start3A_165 = tpu.memref_slice %arg7[%dma_start3A_160, %dma_start3A_163, %dma_start3A_164] : memref<3x128x64xf32, #tpu.memory_space<vmem>> -> memref<1x128x64xf32, #tpu.memory_space<vmem>>
      %dma_start3A_166 = tpu.memref_squeeze %dma_start3A_165 : memref<1x128x64xf32, #tpu.memory_space<vmem>> -> memref<128x64xf32, #tpu.memory_space<vmem>>
      %dma_start3A_167 = arith.constant 0 : i32
      %dma_start3A_168 = tpu.memref_slice %arg6[%dma_start3A_161, %dma_start3A_162, %dma_start3A_167] : memref<3x2x128xi32, #tpu.memory_space<vmem>> -> memref<1x1x128xi32, #tpu.memory_space<vmem>>
      %dma_start3A_169 = tpu.memref_squeeze %dma_start3A_168 : memref<1x1x128xi32, #tpu.memory_space<vmem>> -> memref<128xi32, #tpu.memory_space<vmem>>
      %dma_start3A_170 = arith.constant 0 : i32
      %dma_start3A_171 = arith.constant 0 : i32
      %dma_start3A_172 = tpu.memref_slice %arg8[%dma_start3A_170, %dma_start3A_171] : memref<25088x64xf32, #tpu.memory_space<vmem_shared>> -> memref<25088x64xf32, #tpu.memory_space<vmem_shared>>
      tpu.enqueue_indirect_dma source(%dma_start3A_166 : memref<128x64xf32, #tpu.memory_space<vmem>>) target(%dma_start3A_172 : memref<25088x64xf32, #tpu.memory_space<vmem_shared>>) offsets(%dma_start3A_169 : memref<128xi32, #tpu.memory_space<vmem>>) semaphore(%arg13 : memref<!tpu.dma_semaphore, #tpu.memory_space<semaphore_mem>>) {add = true}
      %ge3A_173 = arith.constant 1 : i32
      %ge3A_174 = arith.cmpi sge, %add3A_144, %ge3A_173 : i32
      %le3A_175 = arith.constant 207 : i32
      %le3A_176 = arith.cmpi sle, %add3A_144, %le3A_175 : i32
      %and3A_177 = arith.andi %ge3A_174, %le3A_176 : i1
      %convert_element_type3A_178 = arith.extui %and3A_177 : i1 to i32
      %cond3A_179 = arith.constant 0 : i32
      %cond3A_180 = arith.cmpi ne, %convert_element_type3A_178, %cond3A_179 : i32
      scf.if %cond3A_180 {
        %dma_wait3A_221 = arith.constant 0 : i32
        %dma_wait3A_222 = arith.constant 0 : i32
        %dma_wait3A_223 = arith.constant 0 : i32
        %dma_wait3A_224 = tpu.memref_slice %arg7[%dma_wait3A_221, %dma_wait3A_222, %dma_wait3A_223] : memref<3x128x64xf32, #tpu.memory_space<vmem>> -> memref<1x128x64xf32, #tpu.memory_space<vmem>>
        %dma_wait3A_225 = tpu.memref_squeeze %dma_wait3A_224 : memref<1x128x64xf32, #tpu.memory_space<vmem>> -> memref<128x64xf32, #tpu.memory_space<vmem>>
        %dma_wait3A_226 = arith.constant 0 : i32
        %dma_wait3A_227 = arith.constant 0 : i32
        %dma_wait3A_228 = tpu.memref_slice %arg2[%dma_wait3A_226, %dma_wait3A_227] : memref<50176x64xf32, #tpu.memory_space<hbm>> -> memref<128x64xf32, #tpu.memory_space<hbm>>
        %dma_wait3A_229 = arith.constant 0 : i32
        %dma_wait3A_230 = arith.constant 0 : i32
        %dma_wait3A_231 = tpu.memref_slice %arg7[%dma_wait3A_221, %dma_wait3A_229, %dma_wait3A_230] : memref<3x128x64xf32, #tpu.memory_space<vmem>> -> memref<1x128x64xf32, #tpu.memory_space<vmem>>
        %dma_wait3A_232 = tpu.memref_squeeze %dma_wait3A_231 : memref<1x128x64xf32, #tpu.memory_space<vmem>> -> memref<128x64xf32, #tpu.memory_space<vmem>>
        %dma_wait3A_233 = arith.constant 0 : i32
        %dma_wait3A_234 = arith.constant 0 : i32
        %dma_wait3A_235 = tpu.memref_slice %arg2[%dma_wait3A_233, %dma_wait3A_234] : memref<50176x64xf32, #tpu.memory_space<hbm>> -> memref<128x64xf32, #tpu.memory_space<hbm>>
        tpu.wait_dma2 semaphore(%arg12 : memref<!tpu.dma_semaphore, #tpu.memory_space<semaphore_mem>>) src(%dma_wait3A_235 : memref<128x64xf32, #tpu.memory_space<hbm>>) dst(%dma_wait3A_232 : memref<128x64xf32, #tpu.memory_space<vmem>>)
        %add3A_236 = arith.addi %mul3A_2, %add3A_144 : i32
        %sub3A = arith.constant 1 : i32
        %sub3A_237 = arith.subi %add3A_236, %sub3A : i32
        %add3A_238 = arith.constant 3 : i32
        %add3A_239 = arith.addi %sub3A_237, %add3A_238 : i32
        %run_scoped3A_240 = arith.constant 0 : i32
        "tpu.region"() ({
          %run_scoped3A_254 = tpu.sem_alloc : memref<!tpu.dma_semaphore, #tpu.memory_space<semaphore_mem>>
          %dma_start3A_255 = arith.constant 0 : i32
          %dma_start3A_256 = arith.constant 0 : i32
          %dma_start3A_257 = tpu.memref_slice %arg6[%run_scoped3A_240, %dma_start3A_255, %dma_start3A_256] : memref<3x2x128xi32, #tpu.memory_space<vmem>> -> memref<1x2x128xi32, #tpu.memory_space<vmem>>
          %dma_start3A_258 = tpu.memref_squeeze %dma_start3A_257 : memref<1x2x128xi32, #tpu.memory_space<vmem>> -> memref<2x128xi32, #tpu.memory_space<vmem>>
          %dma_start3A_259 = arith.constant 0 : i32
          %dma_start3A_260 = arith.constant 0 : i32
          %dma_start3A_261 = tpu.memref_slice %arg3[%arg0, %add3A_239, %dma_start3A_259, %dma_start3A_260] : memref<2x3360x2x128xi32, #tpu.memory_space<hbm>> -> memref<1x1x2x128xi32, #tpu.memory_space<hbm>>
          %dma_start3A_262 = tpu.memref_squeeze %dma_start3A_261 : memref<1x1x2x128xi32, #tpu.memory_space<hbm>> -> memref<2x128xi32, #tpu.memory_space<hbm>>
          %dma_start3A_263 = arith.constant 0 : i32
          %dma_start3A_264 = arith.constant 0 : i32
          %dma_start3A_265 = tpu.memref_slice %arg6[%run_scoped3A_240, %dma_start3A_263, %dma_start3A_264] : memref<3x2x128xi32, #tpu.memory_space<vmem>> -> memref<1x2x128xi32, #tpu.memory_space<vmem>>
          %dma_start3A_266 = tpu.memref_squeeze %dma_start3A_265 : memref<1x2x128xi32, #tpu.memory_space<vmem>> -> memref<2x128xi32, #tpu.memory_space<vmem>>
          %dma_start3A_267 = arith.constant 0 : i32
          %dma_start3A_268 = arith.constant 0 : i32
          %dma_start3A_269 = tpu.memref_slice %arg3[%arg0, %add3A_239, %dma_start3A_267, %dma_start3A_268] : memref<2x3360x2x128xi32, #tpu.memory_space<hbm>> -> memref<1x1x2x128xi32, #tpu.memory_space<hbm>>
          %dma_start3A_270 = tpu.memref_squeeze %dma_start3A_269 : memref<1x1x2x128xi32, #tpu.memory_space<hbm>> -> memref<2x128xi32, #tpu.memory_space<hbm>>
          tpu.enqueue_dma source(%dma_start3A_270 : memref<2x128xi32, #tpu.memory_space<hbm>>) target(%dma_start3A_266 : memref<2x128xi32, #tpu.memory_space<vmem>>) target_semaphore(%run_scoped3A_254 : memref<!tpu.dma_semaphore, #tpu.memory_space<semaphore_mem>>)
          %dma_wait3A_271 = arith.constant 0 : i32
          %dma_wait3A_272 = arith.constant 0 : i32
          %dma_wait3A_273 = tpu.memref_slice %arg6[%run_scoped3A_240, %dma_wait3A_271, %dma_wait3A_272] : memref<3x2x128xi32, #tpu.memory_space<vmem>> -> memref<1x2x128xi32, #tpu.memory_space<vmem>>
          %dma_wait3A_274 = tpu.memref_squeeze %dma_wait3A_273 : memref<1x2x128xi32, #tpu.memory_space<vmem>> -> memref<2x128xi32, #tpu.memory_space<vmem>>
          %dma_wait3A_275 = arith.constant 0 : i32
          %dma_wait3A_276 = arith.constant 0 : i32
          %dma_wait3A_277 = tpu.memref_slice %arg3[%arg0, %add3A_239, %dma_wait3A_275, %dma_wait3A_276] : memref<2x3360x2x128xi32, #tpu.memory_space<hbm>> -> memref<1x1x2x128xi32, #tpu.memory_space<hbm>>
          %dma_wait3A_278 = tpu.memref_squeeze %dma_wait3A_277 : memref<1x1x2x128xi32, #tpu.memory_space<hbm>> -> memref<2x128xi32, #tpu.memory_space<hbm>>
          %dma_wait3A_279 = arith.constant 0 : i32
          %dma_wait3A_280 = arith.constant 0 : i32
          %dma_wait3A_281 = tpu.memref_slice %arg6[%run_scoped3A_240, %dma_wait3A_279, %dma_wait3A_280] : memref<3x2x128xi32, #tpu.memory_space<vmem>> -> memref<1x2x128xi32, #tpu.memory_space<vmem>>
          %dma_wait3A_282 = tpu.memref_squeeze %dma_wait3A_281 : memref<1x2x128xi32, #tpu.memory_space<vmem>> -> memref<2x128xi32, #tpu.memory_space<vmem>>
          %dma_wait3A_283 = arith.constant 0 : i32
          %dma_wait3A_284 = arith.constant 0 : i32
          %dma_wait3A_285 = tpu.memref_slice %arg3[%arg0, %add3A_239, %dma_wait3A_283, %dma_wait3A_284] : memref<2x3360x2x128xi32, #tpu.memory_space<hbm>> -> memref<1x1x2x128xi32, #tpu.memory_space<hbm>>
          %dma_wait3A_286 = tpu.memref_squeeze %dma_wait3A_285 : memref<1x1x2x128xi32, #tpu.memory_space<hbm>> -> memref<2x128xi32, #tpu.memory_space<hbm>>
          tpu.wait_dma2 semaphore(%run_scoped3A_254 : memref<!tpu.dma_semaphore, #tpu.memory_space<semaphore_mem>>) src(%dma_wait3A_286 : memref<2x128xi32, #tpu.memory_space<hbm>>) dst(%dma_wait3A_282 : memref<2x128xi32, #tpu.memory_space<vmem>>)
          tpu.yield
        }) : () -> ()
        %dma_start3A_241 = arith.constant 0 : i32
        %dma_start3A_242 = arith.constant 0 : i32
        %dma_start3A_243 = arith.constant 0 : i32
        %dma_start3A_244 = arith.constant 0 : i32
        %dma_start3A_245 = arith.constant 0 : i32
        %dma_start3A_246 = tpu.memref_slice %arg7[%dma_start3A_243, %dma_start3A_244, %dma_start3A_245] : memref<3x128x64xf32, #tpu.memory_space<vmem>> -> memref<1x128x64xf32, #tpu.memory_space<vmem>>
        %dma_start3A_247 = tpu.memref_squeeze %dma_start3A_246 : memref<1x128x64xf32, #tpu.memory_space<vmem>> -> memref<128x64xf32, #tpu.memory_space<vmem>>
        %dma_start3A_248 = arith.constant 0 : i32
        %dma_start3A_249 = tpu.memref_slice %arg6[%dma_start3A_241, %dma_start3A_242, %dma_start3A_248] : memref<3x2x128xi32, #tpu.memory_space<vmem>> -> memref<1x1x128xi32, #tpu.memory_space<vmem>>
        %dma_start3A_250 = tpu.memref_squeeze %dma_start3A_249 : memref<1x1x128xi32, #tpu.memory_space<vmem>> -> memref<128xi32, #tpu.memory_space<vmem>>
        %dma_start3A_251 = arith.constant 0 : i32
        %dma_start3A_252 = arith.constant 0 : i32
        %dma_start3A_253 = tpu.memref_slice %arg2[%dma_start3A_251, %dma_start3A_252] : memref<50176x64xf32, #tpu.memory_space<hbm>> -> memref<50176x64xf32, #tpu.memory_space<hbm>>
        tpu.enqueue_indirect_dma source(%dma_start3A_253 : memref<50176x64xf32, #tpu.memory_space<hbm>>) target(%dma_start3A_247 : memref<128x64xf32, #tpu.memory_space<vmem>>) offsets(%dma_start3A_250 : memref<128xi32, #tpu.memory_space<vmem>>) semaphore(%arg9 : memref<!tpu.dma_semaphore, #tpu.memory_space<semaphore_mem>>)
      } else {
      }
      %mul3A_181 = arith.constant 3 : i32
      %mul3A_182 = arith.muli %add3A_105, %mul3A_181 : i32
      %add3A_183 = arith.constant 2 : i32
      %add3A_184 = arith.addi %mul3A_182, %add3A_183 : i32
      %dma_wait3A_185 = arith.constant 2 : i32
      %dma_wait3A_186 = arith.constant 0 : i32
      %dma_wait3A_187 = arith.constant 0 : i32
      %dma_wait3A_188 = tpu.memref_slice %arg7[%dma_wait3A_185, %dma_wait3A_186, %dma_wait3A_187] : memref<3x128x64xf32, #tpu.memory_space<vmem>> -> memref<1x128x64xf32, #tpu.memory_space<vmem>>
      %dma_wait3A_189 = tpu.memref_squeeze %dma_wait3A_188 : memref<1x128x64xf32, #tpu.memory_space<vmem>> -> memref<128x64xf32, #tpu.memory_space<vmem>>
      %dma_wait3A_190 = arith.constant 0 : i32
      %dma_wait3A_191 = arith.constant 0 : i32
      %dma_wait3A_192 = tpu.memref_slice %arg2[%dma_wait3A_190, %dma_wait3A_191] : memref<50176x64xf32, #tpu.memory_space<hbm>> -> memref<128x64xf32, #tpu.memory_space<hbm>>
      %dma_wait3A_193 = arith.constant 0 : i32
      %dma_wait3A_194 = arith.constant 0 : i32
      %dma_wait3A_195 = tpu.memref_slice %arg7[%dma_wait3A_185, %dma_wait3A_193, %dma_wait3A_194] : memref<3x128x64xf32, #tpu.memory_space<vmem>> -> memref<1x128x64xf32, #tpu.memory_space<vmem>>
      %dma_wait3A_196 = tpu.memref_squeeze %dma_wait3A_195 : memref<1x128x64xf32, #tpu.memory_space<vmem>> -> memref<128x64xf32, #tpu.memory_space<vmem>>
      %dma_wait3A_197 = arith.constant 0 : i32
      %dma_wait3A_198 = arith.constant 0 : i32
      %dma_wait3A_199 = tpu.memref_slice %arg2[%dma_wait3A_197, %dma_wait3A_198] : memref<50176x64xf32, #tpu.memory_space<hbm>> -> memref<128x64xf32, #tpu.memory_space<hbm>>
      tpu.wait_dma2 semaphore(%arg11 : memref<!tpu.dma_semaphore, #tpu.memory_space<semaphore_mem>>) src(%dma_wait3A_199 : memref<128x64xf32, #tpu.memory_space<hbm>>) dst(%dma_wait3A_196 : memref<128x64xf32, #tpu.memory_space<vmem>>)
      %dma_start3A_200 = arith.constant 2 : i32
      %dma_start3A_201 = arith.constant 2 : i32
      %dma_start3A_202 = arith.constant 1 : i32
      %dma_start3A_203 = arith.constant 0 : i32
      %dma_start3A_204 = arith.constant 0 : i32
      %dma_start3A_205 = tpu.memref_slice %arg7[%dma_start3A_200, %dma_start3A_203, %dma_start3A_204] : memref<3x128x64xf32, #tpu.memory_space<vmem>> -> memref<1x128x64xf32, #tpu.memory_space<vmem>>
      %dma_start3A_206 = tpu.memref_squeeze %dma_start3A_205 : memref<1x128x64xf32, #tpu.memory_space<vmem>> -> memref<128x64xf32, #tpu.memory_space<vmem>>
      %dma_start3A_207 = arith.constant 0 : i32
      %dma_start3A_208 = tpu.memref_slice %arg6[%dma_start3A_201, %dma_start3A_202, %dma_start3A_207] : memref<3x2x128xi32, #tpu.memory_space<vmem>> -> memref<1x1x128xi32, #tpu.memory_space<vmem>>
      %dma_start3A_209 = tpu.memref_squeeze %dma_start3A_208 : memref<1x1x128xi32, #tpu.memory_space<vmem>> -> memref<128xi32, #tpu.memory_space<vmem>>
      %dma_start3A_210 = arith.constant 0 : i32
      %dma_start3A_211 = arith.constant 0 : i32
      %dma_start3A_212 = tpu.memref_slice %arg8[%dma_start3A_210, %dma_start3A_211] : memref<25088x64xf32, #tpu.memory_space<vmem_shared>> -> memref<25088x64xf32, #tpu.memory_space<vmem_shared>>
      tpu.enqueue_indirect_dma source(%dma_start3A_206 : memref<128x64xf32, #tpu.memory_space<vmem>>) target(%dma_start3A_212 : memref<25088x64xf32, #tpu.memory_space<vmem_shared>>) offsets(%dma_start3A_209 : memref<128xi32, #tpu.memory_space<vmem>>) semaphore(%arg14 : memref<!tpu.dma_semaphore, #tpu.memory_space<semaphore_mem>>) {add = true}
      %ge3A_213 = arith.constant 1 : i32
      %ge3A_214 = arith.cmpi sge, %add3A_184, %ge3A_213 : i32
      %le3A_215 = arith.constant 207 : i32
      %le3A_216 = arith.cmpi sle, %add3A_184, %le3A_215 : i32
      %and3A_217 = arith.andi %ge3A_214, %le3A_216 : i1
      %convert_element_type3A_218 = arith.extui %and3A_217 : i1 to i32
      %cond3A_219 = arith.constant 0 : i32
      %cond3A_220 = arith.cmpi ne, %convert_element_type3A_218, %cond3A_219 : i32
      scf.if %cond3A_220 {
        %dma_wait3A_221 = arith.constant 1 : i32
        %dma_wait3A_222 = arith.constant 0 : i32
        %dma_wait3A_223 = arith.constant 0 : i32
        %dma_wait3A_224 = tpu.memref_slice %arg7[%dma_wait3A_221, %dma_wait3A_222, %dma_wait3A_223] : memref<3x128x64xf32, #tpu.memory_space<vmem>> -> memref<1x128x64xf32, #tpu.memory_space<vmem>>
        %dma_wait3A_225 = tpu.memref_squeeze %dma_wait3A_224 : memref<1x128x64xf32, #tpu.memory_space<vmem>> -> memref<128x64xf32, #tpu.memory_space<vmem>>
        %dma_wait3A_226 = arith.constant 0 : i32
        %dma_wait3A_227 = arith.constant 0 : i32
        %dma_wait3A_228 = tpu.memref_slice %arg2[%dma_wait3A_226, %dma_wait3A_227] : memref<50176x64xf32, #tpu.memory_space<hbm>> -> memref<128x64xf32, #tpu.memory_space<hbm>>
        %dma_wait3A_229 = arith.constant 0 : i32
        %dma_wait3A_230 = arith.constant 0 : i32
        %dma_wait3A_231 = tpu.memref_slice %arg7[%dma_wait3A_221, %dma_wait3A_229, %dma_wait3A_230] : memref<3x128x64xf32, #tpu.memory_space<vmem>> -> memref<1x128x64xf32, #tpu.memory_space<vmem>>
        %dma_wait3A_232 = tpu.memref_squeeze %dma_wait3A_231 : memref<1x128x64xf32, #tpu.memory_space<vmem>> -> memref<128x64xf32, #tpu.memory_space<vmem>>
        %dma_wait3A_233 = arith.constant 0 : i32
        %dma_wait3A_234 = arith.constant 0 : i32
        %dma_wait3A_235 = tpu.memref_slice %arg2[%dma_wait3A_233, %dma_wait3A_234] : memref<50176x64xf32, #tpu.memory_space<hbm>> -> memref<128x64xf32, #tpu.memory_space<hbm>>
        tpu.wait_dma2 semaphore(%arg13 : memref<!tpu.dma_semaphore, #tpu.memory_space<semaphore_mem>>) src(%dma_wait3A_235 : memref<128x64xf32, #tpu.memory_space<hbm>>) dst(%dma_wait3A_232 : memref<128x64xf32, #tpu.memory_space<vmem>>)
        %add3A_236 = arith.addi %mul3A_2, %add3A_184 : i32
        %sub3A = arith.constant 1 : i32
        %sub3A_237 = arith.subi %add3A_236, %sub3A : i32
        %add3A_238 = arith.constant 3 : i32
        %add3A_239 = arith.addi %sub3A_237, %add3A_238 : i32
        %run_scoped3A_240 = arith.constant 1 : i32
        "tpu.region"() ({
          %run_scoped3A_254 = tpu.sem_alloc : memref<!tpu.dma_semaphore, #tpu.memory_space<semaphore_mem>>
          %dma_start3A_255 = arith.constant 0 : i32
          %dma_start3A_256 = arith.constant 0 : i32
          %dma_start3A_257 = tpu.memref_slice %arg6[%run_scoped3A_240, %dma_start3A_255, %dma_start3A_256] : memref<3x2x128xi32, #tpu.memory_space<vmem>> -> memref<1x2x128xi32, #tpu.memory_space<vmem>>
          %dma_start3A_258 = tpu.memref_squeeze %dma_start3A_257 : memref<1x2x128xi32, #tpu.memory_space<vmem>> -> memref<2x128xi32, #tpu.memory_space<vmem>>
          %dma_start3A_259 = arith.constant 0 : i32
          %dma_start3A_260 = arith.constant 0 : i32
          %dma_start3A_261 = tpu.memref_slice %arg3[%arg0, %add3A_239, %dma_start3A_259, %dma_start3A_260] : memref<2x3360x2x128xi32, #tpu.memory_space<hbm>> -> memref<1x1x2x128xi32, #tpu.memory_space<hbm>>
          %dma_start3A_262 = tpu.memref_squeeze %dma_start3A_261 : memref<1x1x2x128xi32, #tpu.memory_space<hbm>> -> memref<2x128xi32, #tpu.memory_space<hbm>>
          %dma_start3A_263 = arith.constant 0 : i32
          %dma_start3A_264 = arith.constant 0 : i32
          %dma_start3A_265 = tpu.memref_slice %arg6[%run_scoped3A_240, %dma_start3A_263, %dma_start3A_264] : memref<3x2x128xi32, #tpu.memory_space<vmem>> -> memref<1x2x128xi32, #tpu.memory_space<vmem>>
          %dma_start3A_266 = tpu.memref_squeeze %dma_start3A_265 : memref<1x2x128xi32, #tpu.memory_space<vmem>> -> memref<2x128xi32, #tpu.memory_space<vmem>>
          %dma_start3A_267 = arith.constant 0 : i32
          %dma_start3A_268 = arith.constant 0 : i32
          %dma_start3A_269 = tpu.memref_slice %arg3[%arg0, %add3A_239, %dma_start3A_267, %dma_start3A_268] : memref<2x3360x2x128xi32, #tpu.memory_space<hbm>> -> memref<1x1x2x128xi32, #tpu.memory_space<hbm>>
          %dma_start3A_270 = tpu.memref_squeeze %dma_start3A_269 : memref<1x1x2x128xi32, #tpu.memory_space<hbm>> -> memref<2x128xi32, #tpu.memory_space<hbm>>
          tpu.enqueue_dma source(%dma_start3A_270 : memref<2x128xi32, #tpu.memory_space<hbm>>) target(%dma_start3A_266 : memref<2x128xi32, #tpu.memory_space<vmem>>) target_semaphore(%run_scoped3A_254 : memref<!tpu.dma_semaphore, #tpu.memory_space<semaphore_mem>>)
          %dma_wait3A_271 = arith.constant 0 : i32
          %dma_wait3A_272 = arith.constant 0 : i32
          %dma_wait3A_273 = tpu.memref_slice %arg6[%run_scoped3A_240, %dma_wait3A_271, %dma_wait3A_272] : memref<3x2x128xi32, #tpu.memory_space<vmem>> -> memref<1x2x128xi32, #tpu.memory_space<vmem>>
          %dma_wait3A_274 = tpu.memref_squeeze %dma_wait3A_273 : memref<1x2x128xi32, #tpu.memory_space<vmem>> -> memref<2x128xi32, #tpu.memory_space<vmem>>
          %dma_wait3A_275 = arith.constant 0 : i32
          %dma_wait3A_276 = arith.constant 0 : i32
          %dma_wait3A_277 = tpu.memref_slice %arg3[%arg0, %add3A_239, %dma_wait3A_275, %dma_wait3A_276] : memref<2x3360x2x128xi32, #tpu.memory_space<hbm>> -> memref<1x1x2x128xi32, #tpu.memory_space<hbm>>
          %dma_wait3A_278 = tpu.memref_squeeze %dma_wait3A_277 : memref<1x1x2x128xi32, #tpu.memory_space<hbm>> -> memref<2x128xi32, #tpu.memory_space<hbm>>
          %dma_wait3A_279 = arith.constant 0 : i32
          %dma_wait3A_280 = arith.constant 0 : i32
          %dma_wait3A_281 = tpu.memref_slice %arg6[%run_scoped3A_240, %dma_wait3A_279, %dma_wait3A_280] : memref<3x2x128xi32, #tpu.memory_space<vmem>> -> memref<1x2x128xi32, #tpu.memory_space<vmem>>
          %dma_wait3A_282 = tpu.memref_squeeze %dma_wait3A_281 : memref<1x2x128xi32, #tpu.memory_space<vmem>> -> memref<2x128xi32, #tpu.memory_space<vmem>>
          %dma_wait3A_283 = arith.constant 0 : i32
          %dma_wait3A_284 = arith.constant 0 : i32
          %dma_wait3A_285 = tpu.memref_slice %arg3[%arg0, %add3A_239, %dma_wait3A_283, %dma_wait3A_284] : memref<2x3360x2x128xi32, #tpu.memory_space<hbm>> -> memref<1x1x2x128xi32, #tpu.memory_space<hbm>>
          %dma_wait3A_286 = tpu.memref_squeeze %dma_wait3A_285 : memref<1x1x2x128xi32, #tpu.memory_space<hbm>> -> memref<2x128xi32, #tpu.memory_space<hbm>>
          tpu.wait_dma2 semaphore(%run_scoped3A_254 : memref<!tpu.dma_semaphore, #tpu.memory_space<semaphore_mem>>) src(%dma_wait3A_286 : memref<2x128xi32, #tpu.memory_space<hbm>>) dst(%dma_wait3A_282 : memref<2x128xi32, #tpu.memory_space<vmem>>)
          tpu.yield
        }) : () -> ()
        %dma_start3A_241 = arith.constant 1 : i32
        %dma_start3A_242 = arith.constant 0 : i32
        %dma_start3A_243 = arith.constant 1 : i32
        %dma_start3A_244 = arith.constant 0 : i32
        %dma_start3A_245 = arith.constant 0 : i32
        %dma_start3A_246 = tpu.memref_slice %arg7[%dma_start3A_243, %dma_start3A_244, %dma_start3A_245] : memref<3x128x64xf32, #tpu.memory_space<vmem>> -> memref<1x128x64xf32, #tpu.memory_space<vmem>>
        %dma_start3A_247 = tpu.memref_squeeze %dma_start3A_246 : memref<1x128x64xf32, #tpu.memory_space<vmem>> -> memref<128x64xf32, #tpu.memory_space<vmem>>
        %dma_start3A_248 = arith.constant 0 : i32
        %dma_start3A_249 = tpu.memref_slice %arg6[%dma_start3A_241, %dma_start3A_242, %dma_start3A_248] : memref<3x2x128xi32, #tpu.memory_space<vmem>> -> memref<1x1x128xi32, #tpu.memory_space<vmem>>
        %dma_start3A_250 = tpu.memref_squeeze %dma_start3A_249 : memref<1x1x128xi32, #tpu.memory_space<vmem>> -> memref<128xi32, #tpu.memory_space<vmem>>
        %dma_start3A_251 = arith.constant 0 : i32
        %dma_start3A_252 = arith.constant 0 : i32
        %dma_start3A_253 = tpu.memref_slice %arg2[%dma_start3A_251, %dma_start3A_252] : memref<50176x64xf32, #tpu.memory_space<hbm>> -> memref<50176x64xf32, #tpu.memory_space<hbm>>
        tpu.enqueue_indirect_dma source(%dma_start3A_253 : memref<50176x64xf32, #tpu.memory_space<hbm>>) target(%dma_start3A_247 : memref<128x64xf32, #tpu.memory_space<vmem>>) offsets(%dma_start3A_250 : memref<128xi32, #tpu.memory_space<vmem>>) semaphore(%arg10 : memref<!tpu.dma_semaphore, #tpu.memory_space<semaphore_mem>>)
      } else {
      }
    }
    %scan3A_51 = arith.constant 70 : i32
    %dma_wait3A = arith.constant 0 : i32
    %dma_wait3A_52 = arith.constant 0 : i32
    %dma_wait3A_53 = arith.constant 0 : i32
    %dma_wait3A_54 = tpu.memref_slice %arg7[%dma_wait3A, %dma_wait3A_52, %dma_wait3A_53] : memref<3x128x64xf32, #tpu.memory_space<vmem>> -> memref<1x128x64xf32, #tpu.memory_space<vmem>>
    %dma_wait3A_55 = tpu.memref_squeeze %dma_wait3A_54 : memref<1x128x64xf32, #tpu.memory_space<vmem>> -> memref<128x64xf32, #tpu.memory_space<vmem>>
    %dma_wait3A_56 = arith.constant 0 : i32
    %dma_wait3A_57 = arith.constant 0 : i32
    %dma_wait3A_58 = tpu.memref_slice %arg2[%dma_wait3A_56, %dma_wait3A_57] : memref<50176x64xf32, #tpu.memory_space<hbm>> -> memref<128x64xf32, #tpu.memory_space<hbm>>
    %dma_wait3A_59 = arith.constant 0 : i32
    %dma_wait3A_60 = arith.constant 0 : i32
    %dma_wait3A_61 = tpu.memref_slice %arg7[%dma_wait3A, %dma_wait3A_59, %dma_wait3A_60] : memref<3x128x64xf32, #tpu.memory_space<vmem>> -> memref<1x128x64xf32, #tpu.memory_space<vmem>>
    %dma_wait3A_62 = tpu.memref_squeeze %dma_wait3A_61 : memref<1x128x64xf32, #tpu.memory_space<vmem>> -> memref<128x64xf32, #tpu.memory_space<vmem>>
    %dma_wait3A_63 = arith.constant 0 : i32
    %dma_wait3A_64 = arith.constant 0 : i32
    %dma_wait3A_65 = tpu.memref_slice %arg2[%dma_wait3A_63, %dma_wait3A_64] : memref<50176x64xf32, #tpu.memory_space<hbm>> -> memref<128x64xf32, #tpu.memory_space<hbm>>
    tpu.wait_dma2 semaphore(%arg12 : memref<!tpu.dma_semaphore, #tpu.memory_space<semaphore_mem>>) src(%dma_wait3A_65 : memref<128x64xf32, #tpu.memory_space<hbm>>) dst(%dma_wait3A_62 : memref<128x64xf32, #tpu.memory_space<vmem>>)
    %dma_wait3A_66 = arith.constant 1 : i32
    %dma_wait3A_67 = arith.constant 0 : i32
    %dma_wait3A_68 = arith.constant 0 : i32
    %dma_wait3A_69 = tpu.memref_slice %arg7[%dma_wait3A_66, %dma_wait3A_67, %dma_wait3A_68] : memref<3x128x64xf32, #tpu.memory_space<vmem>> -> memref<1x128x64xf32, #tpu.memory_space<vmem>>
    %dma_wait3A_70 = tpu.memref_squeeze %dma_wait3A_69 : memref<1x128x64xf32, #tpu.memory_space<vmem>> -> memref<128x64xf32, #tpu.memory_space<vmem>>
    %dma_wait3A_71 = arith.constant 0 : i32
    %dma_wait3A_72 = arith.constant 0 : i32
    %dma_wait3A_73 = tpu.memref_slice %arg2[%dma_wait3A_71, %dma_wait3A_72] : memref<50176x64xf32, #tpu.memory_space<hbm>> -> memref<128x64xf32, #tpu.memory_space<hbm>>
    %dma_wait3A_74 = arith.constant 0 : i32
    %dma_wait3A_75 = arith.constant 0 : i32
    %dma_wait3A_76 = tpu.memref_slice %arg7[%dma_wait3A_66, %dma_wait3A_74, %dma_wait3A_75] : memref<3x128x64xf32, #tpu.memory_space<vmem>> -> memref<1x128x64xf32, #tpu.memory_space<vmem>>
    %dma_wait3A_77 = tpu.memref_squeeze %dma_wait3A_76 : memref<1x128x64xf32, #tpu.memory_space<vmem>> -> memref<128x64xf32, #tpu.memory_space<vmem>>
    %dma_wait3A_78 = arith.constant 0 : i32
    %dma_wait3A_79 = arith.constant 0 : i32
    %dma_wait3A_80 = tpu.memref_slice %arg2[%dma_wait3A_78, %dma_wait3A_79] : memref<50176x64xf32, #tpu.memory_space<hbm>> -> memref<128x64xf32, #tpu.memory_space<hbm>>
    tpu.wait_dma2 semaphore(%arg13 : memref<!tpu.dma_semaphore, #tpu.memory_space<semaphore_mem>>) src(%dma_wait3A_80 : memref<128x64xf32, #tpu.memory_space<hbm>>) dst(%dma_wait3A_77 : memref<128x64xf32, #tpu.memory_space<vmem>>)
    %dma_wait3A_81 = arith.constant 2 : i32
    %dma_wait3A_82 = arith.constant 0 : i32
    %dma_wait3A_83 = arith.constant 0 : i32
    %dma_wait3A_84 = tpu.memref_slice %arg7[%dma_wait3A_81, %dma_wait3A_82, %dma_wait3A_83] : memref<3x128x64xf32, #tpu.memory_space<vmem>> -> memref<1x128x64xf32, #tpu.memory_space<vmem>>
    %dma_wait3A_85 = tpu.memref_squeeze %dma_wait3A_84 : memref<1x128x64xf32, #tpu.memory_space<vmem>> -> memref<128x64xf32, #tpu.memory_space<vmem>>
    %dma_wait3A_86 = arith.constant 0 : i32
    %dma_wait3A_87 = arith.constant 0 : i32
    %dma_wait3A_88 = tpu.memref_slice %arg2[%dma_wait3A_86, %dma_wait3A_87] : memref<50176x64xf32, #tpu.memory_space<hbm>> -> memref<128x64xf32, #tpu.memory_space<hbm>>
    %dma_wait3A_89 = arith.constant 0 : i32
    %dma_wait3A_90 = arith.constant 0 : i32
    %dma_wait3A_91 = tpu.memref_slice %arg7[%dma_wait3A_81, %dma_wait3A_89, %dma_wait3A_90] : memref<3x128x64xf32, #tpu.memory_space<vmem>> -> memref<1x128x64xf32, #tpu.memory_space<vmem>>
    %dma_wait3A_92 = tpu.memref_squeeze %dma_wait3A_91 : memref<1x128x64xf32, #tpu.memory_space<vmem>> -> memref<128x64xf32, #tpu.memory_space<vmem>>
    %dma_wait3A_93 = arith.constant 0 : i32
    %dma_wait3A_94 = arith.constant 0 : i32
    %dma_wait3A_95 = tpu.memref_slice %arg2[%dma_wait3A_93, %dma_wait3A_94] : memref<50176x64xf32, #tpu.memory_space<hbm>> -> memref<128x64xf32, #tpu.memory_space<hbm>>
    tpu.wait_dma2 semaphore(%arg14 : memref<!tpu.dma_semaphore, #tpu.memory_space<semaphore_mem>>) src(%dma_wait3A_95 : memref<128x64xf32, #tpu.memory_space<hbm>>) dst(%dma_wait3A_92 : memref<128x64xf32, #tpu.memory_space<vmem>>)
    %barrier3A_96 = arith.constant 0 : index
    tpu.barrier barrier_id(%barrier3A_96)
    %mul3A_97 = arith.constant 1568 : i32
    %mul3A_98 = arith.muli %arg1, %mul3A_97 : i32
    %mul3A_99 = arith.constant 1568 : i32
    %mul3A_100 = arith.muli %arg1, %mul3A_99 : i32
    "tpu.region"() ({
      %run_scoped3A_101 = tpu.sem_alloc : memref<!tpu.dma_semaphore, #tpu.memory_space<semaphore_mem>>
      %dma_start3A_102 = arith.constant 0 : i32
      %dma_start3A_103 = tpu.memref_slice %arg5[%arg0, %mul3A_100, %dma_start3A_102] : memref<2x25088x64xf32, #tpu.memory_space<hbm>> -> memref<1x1568x64xf32, #tpu.memory_space<hbm>>
      %dma_start3A_104 = tpu.memref_squeeze %dma_start3A_103 : memref<1x1568x64xf32, #tpu.memory_space<hbm>> -> memref<1568x64xf32, #tpu.memory_space<hbm>>
      %dma_start3A_105 = arith.constant 0 : i32
      %dma_start3A_106 = tpu.memref_slice %arg8[%mul3A_98, %dma_start3A_105] : memref<25088x64xf32, #tpu.memory_space<vmem_shared>> -> memref<1568x64xf32, #tpu.memory_space<vmem_shared>>
      tpu.enqueue_dma source(%dma_start3A_106 : memref<1568x64xf32, #tpu.memory_space<vmem_shared>>) target(%dma_start3A_104 : memref<1568x64xf32, #tpu.memory_space<hbm>>) target_semaphore(%run_scoped3A_101 : memref<!tpu.dma_semaphore, #tpu.memory_space<semaphore_mem>>)
      %dma_wait3A_107 = arith.constant 0 : i32
      %dma_wait3A_108 = tpu.memref_slice %arg5[%arg0, %mul3A_100, %dma_wait3A_107] : memref<2x25088x64xf32, #tpu.memory_space<hbm>> -> memref<1x1568x64xf32, #tpu.memory_space<hbm>>
      %dma_wait3A_109 = tpu.memref_squeeze %dma_wait3A_108 : memref<1x1568x64xf32, #tpu.memory_space<hbm>> -> memref<1568x64xf32, #tpu.memory_space<hbm>>
      %dma_wait3A_110 = arith.constant 0 : i32
      %dma_wait3A_111 = tpu.memref_slice %arg8[%mul3A_98, %dma_wait3A_110] : memref<25088x64xf32, #tpu.memory_space<vmem_shared>> -> memref<1568x64xf32, #tpu.memory_space<vmem_shared>>
      tpu.wait_dma2 semaphore(%run_scoped3A_101 : memref<!tpu.dma_semaphore, #tpu.memory_space<semaphore_mem>>) src(%dma_wait3A_111 : memref<1568x64xf32, #tpu.memory_space<vmem_shared>>) dst(%dma_wait3A_109 : memref<1568x64xf32, #tpu.memory_space<hbm>>)
      tpu.yield
    }) : () -> ()
    return
  }
}

#map = affine_map<(d0, d1) -> (0)>
#map1 = affine_map<(d0, d1) -> (0, 0, 0)>
module attributes {stable_mosaic.version = 14 : i64} {
  func.func @k(%arg0: i32, %arg1: i32, %arg2: memref<802816xi32, #tpu.memory_space<hbm>>, %arg3: memref<802816xi32, #tpu.memory_space<hbm>>, %arg4: memref<2x32x26880xi32, #tpu.memory_space<hbm>>, %arg5: memref<25088xi32, #tpu.memory_space<vmem>>, %arg6: memref<25088xi32, #tpu.memory_space<vmem>>, %arg7: memref<53760xi32, #tpu.memory_space<vmem>>, %arg8: memref<!tpu.dma_semaphore, #tpu.memory_space<semaphore_mem>>) attributes {dimension_semantics = [#tpu.dimension_semantics<core_parallel>, #tpu.dimension_semantics<subcore_parallel>], iteration_bounds = array<i64: 2, 16>, scalar_prefetch = 0 : i64, scratch_operands = 4 : i64, tpu.core_type = #tpu.core_type<sc_vector_subcore>, window_params = [{transform_indices = #map}, {transform_indices = #map}, {transform_indices = #map1}]} {
    %mul3A = arith.constant 16 : i32
    %mul3A_0 = arith.muli %arg0, %mul3A : i32
    %add3A = arith.addi %mul3A_0, %arg1 : i32
    %mul3A_1 = arith.constant 25088 : i32
    %mul3A_2 = arith.muli %add3A, %mul3A_1 : i32
    %dma_start3A = tpu.memref_slice %arg2[%mul3A_2] : memref<802816xi32, #tpu.memory_space<hbm>> -> memref<25088xi32, #tpu.memory_space<hbm>>
    %dma_start3A_3 = tpu.memref_slice %arg2[%mul3A_2] : memref<802816xi32, #tpu.memory_space<hbm>> -> memref<25088xi32, #tpu.memory_space<hbm>>
    tpu.enqueue_dma source(%dma_start3A_3 : memref<25088xi32, #tpu.memory_space<hbm>>) target(%arg5 : memref<25088xi32, #tpu.memory_space<vmem>>) target_semaphore(%arg8 : memref<!tpu.dma_semaphore, #tpu.memory_space<semaphore_mem>>)
    %mul3A_4 = arith.constant 25088 : i32
    %mul3A_5 = arith.muli %add3A, %mul3A_4 : i32
    %dma_start3A_6 = tpu.memref_slice %arg3[%mul3A_5] : memref<802816xi32, #tpu.memory_space<hbm>> -> memref<25088xi32, #tpu.memory_space<hbm>>
    %dma_start3A_7 = tpu.memref_slice %arg3[%mul3A_5] : memref<802816xi32, #tpu.memory_space<hbm>> -> memref<25088xi32, #tpu.memory_space<hbm>>
    tpu.enqueue_dma source(%dma_start3A_7 : memref<25088xi32, #tpu.memory_space<hbm>>) target(%arg6 : memref<25088xi32, #tpu.memory_space<vmem>>) target_semaphore(%arg8 : memref<!tpu.dma_semaphore, #tpu.memory_space<semaphore_mem>>)
    %iota3A = tpu.iota {dimensions = array<i32: 0>} : vector<16xi32>
    %broadcast_in_dim3A = arith.constant 0 : i32
    %broadcast_in_dim3A_8 = vector.broadcast %broadcast_in_dim3A : i32 to vector<16xi32>
    %add3A_9 = arith.constant 25000 : i32
    %add3A_10 = vector.broadcast %add3A_9 : i32 to vector<16xi32>
    %add3A_11 = arith.addi %add3A_10, %iota3A : vector<16xi32>
    %scan3A = arith.constant 0 : i32
    %scan3A_12 = arith.constant 210 : i32
    %scan3A_13 = arith.addi %scan3A, %scan3A_12 : i32
    %scan3A_14 = arith.constant 1 : i32
    scf.for %scan3A_28 = %scan3A to %scan3A_13 step %scan3A_14  : i32 {
      %mul3A_29 = arith.constant 1 : i32
      %mul3A_30 = arith.muli %scan3A_28, %mul3A_29 : i32
      %add3A_31 = arith.constant 0 : i32
      %add3A_32 = arith.addi %add3A_31, %mul3A_30 : i32
      %and3A = arith.constant 3 : i32
      %and3A_33 = arith.andi %add3A_32, %and3A : i32
      %mul3A_34 = arith.constant 16 : i32
      %mul3A_35 = arith.muli %and3A_33, %mul3A_34 : i32
      %add3A_36 = vector.broadcast %mul3A_35 : i32 to vector<16xi32>
      %add3A_37 = arith.addi %add3A_11, %add3A_36 : vector<16xi32>
      %mul3A_38 = arith.constant 2 : i32
      %mul3A_39 = arith.muli %add3A, %mul3A_38 : i32
      %mul3A_40 = arith.constant 105 : i32
      %mul3A_41 = arith.muli %mul3A_39, %mul3A_40 : i32
      %add3A_42 = arith.addi %mul3A_41, %add3A_32 : i32
      %mul3A_43 = arith.constant 61 : i32
      %mul3A_44 = arith.muli %add3A_42, %mul3A_43 : i32
      %jit3A = arith.constant 3000 : i32
      %eq3A = arith.constant 0 : i32
      %eq3A_45 = arith.cmpi eq, %jit3A, %eq3A : i32
      %jit3A_46 = arith.constant 1 : i32
      %select_n3A = arith.select %eq3A_45, %jit3A_46, %jit3A : i32
      %rem3A = arith.remsi %mul3A_44, %select_n3A : i32
      %ne3A = arith.constant 0 : i32
      %ne3A_47 = arith.cmpi ne, %rem3A, %ne3A : i32
      %lt3A = arith.constant 0 : i32
      %lt3A_48 = arith.cmpi slt, %rem3A, %lt3A : i32
      %lt3A_49 = arith.constant 0 : i32
      %lt3A_50 = arith.cmpi slt, %select_n3A, %lt3A_49 : i32
      %ne3A_51 = arith.xori %lt3A_48, %lt3A_50 : i1
      %and3A_52 = arith.andi %ne3A_51, %ne3A_47 : i1
      %add3A_53 = arith.addi %rem3A, %select_n3A : i32
      %select_n3A_54 = arith.select %and3A_52, %add3A_53, %rem3A : i32
      %add3A_55 = vector.broadcast %select_n3A_54 : i32 to vector<16xi32>
      %add3A_56 = arith.addi %iota3A, %add3A_55 : vector<16xi32>
      %scan3A_57 = arith.constant 0 : i32
      %scan3A_58 = arith.constant 8 : i32
      %scan3A_59 = arith.addi %scan3A_57, %scan3A_58 : i32
      %scan3A_60 = arith.constant 1 : i32
      scf.for %scan3A_62 = %scan3A_57 to %scan3A_59 step %scan3A_60  : i32 {
        %mul3A_63 = arith.constant 1 : i32
        %mul3A_64 = arith.muli %scan3A_62, %mul3A_63 : i32
        %add3A_65 = arith.constant 0 : i32
        %add3A_66 = arith.addi %add3A_65, %mul3A_64 : i32
        %mul3A_67 = arith.constant 16 : i32
        %mul3A_68 = arith.muli %add3A_66, %mul3A_67 : i32
        %add3A_69 = vector.broadcast %mul3A_68 : i32 to vector<16xi32>
        %add3A_70 = arith.addi %add3A_56, %add3A_69 : vector<16xi32>
        %mul3A_71 = arith.constant 2 : i32
        %mul3A_72 = arith.muli %add3A_32, %mul3A_71 : i32
        %mul3A_73 = arith.constant 128 : i32
        %mul3A_74 = arith.muli %mul3A_72, %mul3A_73 : i32
        %mul3A_75 = arith.constant 16 : i32
        %mul3A_76 = arith.muli %add3A_66, %mul3A_75 : i32
        %add3A_77 = arith.addi %mul3A_74, %mul3A_76 : i32
        %swap3A = arith.index_cast %add3A_77 : i32 to index
        %swap3A_78 = tpu.vector_load %arg7[%swap3A] {strides = array<i32>} : memref<53760xi32, #tpu.memory_space<vmem>>, vector<16xi32>,
        tpu.vector_store %arg7[%swap3A], %add3A_70 {strides = array<i32>} : memref<53760xi32, #tpu.memory_space<vmem>>, vector<16xi32>,
        %mul3A_79 = arith.constant 2 : i32
        %mul3A_80 = arith.muli %add3A_32, %mul3A_79 : i32
        %mul3A_81 = arith.constant 128 : i32
        %mul3A_82 = arith.muli %mul3A_80, %mul3A_81 : i32
        %add3A_83 = arith.constant 128 : i32
        %add3A_84 = arith.addi %mul3A_82, %add3A_83 : i32
        %mul3A_85 = arith.constant 16 : i32
        %mul3A_86 = arith.muli %add3A_66, %mul3A_85 : i32
        %add3A_87 = arith.addi %add3A_84, %mul3A_86 : i32
        %swap3A_88 = arith.index_cast %add3A_87 : i32 to index
        %swap3A_89 = tpu.vector_load %arg7[%swap3A_88] {strides = array<i32>} : memref<53760xi32, #tpu.memory_space<vmem>>, vector<16xi32>,
        tpu.vector_store %arg7[%swap3A_88], %add3A_37 {strides = array<i32>} : memref<53760xi32, #tpu.memory_space<vmem>>, vector<16xi32>,
      }
      %scan3A_61 = arith.constant 8 : i32
    }
    %scan3A_15 = arith.constant 210 : i32
    %dma_wait3A = tpu.memref_slice %arg2[%mul3A_2] : memref<802816xi32, #tpu.memory_space<hbm>> -> memref<25088xi32, #tpu.memory_space<hbm>>
    %dma_wait3A_16 = tpu.memref_slice %arg2[%mul3A_2] : memref<802816xi32, #tpu.memory_space<hbm>> -> memref<25088xi32, #tpu.memory_space<hbm>>
    tpu.wait_dma2 semaphore(%arg8 : memref<!tpu.dma_semaphore, #tpu.memory_space<semaphore_mem>>) src(%dma_wait3A_16 : memref<25088xi32, #tpu.memory_space<hbm>>) dst(%arg5 : memref<25088xi32, #tpu.memory_space<vmem>>)
    %dma_wait3A_17 = tpu.memref_slice %arg3[%mul3A_5] : memref<802816xi32, #tpu.memory_space<hbm>> -> memref<25088xi32, #tpu.memory_space<hbm>>
    %dma_wait3A_18 = tpu.memref_slice %arg3[%mul3A_5] : memref<802816xi32, #tpu.memory_space<hbm>> -> memref<25088xi32, #tpu.memory_space<hbm>>
    tpu.wait_dma2 semaphore(%arg8 : memref<!tpu.dma_semaphore, #tpu.memory_space<semaphore_mem>>) src(%dma_wait3A_18 : memref<25088xi32, #tpu.memory_space<hbm>>) dst(%arg6 : memref<25088xi32, #tpu.memory_space<vmem>>)
    %scan3A_19 = arith.constant 0 : i32
    %scan3A_20 = arith.constant 0 : i32
    %scan3A_21 = arith.constant 0 : i32
    %scan3A_22 = arith.constant 1568 : i32
    %scan3A_23 = arith.addi %scan3A_21, %scan3A_22 : i32
    %scan3A_24 = arith.constant 1 : i32
    %scan3A_25:2 = scf.for %scan3A_28 = %scan3A_21 to %scan3A_23 step %scan3A_24 iter_args(%scan3A_29 = %scan3A_19, %scan3A_30 = %scan3A_20) -> (i32, i32)  : i32 {
      %mul3A_31 = arith.constant 1 : i32
      %mul3A_32 = arith.muli %scan3A_28, %mul3A_31 : i32
      %add3A_33 = arith.constant 0 : i32
      %add3A_34 = arith.addi %add3A_33, %mul3A_32 : i32
      %mul3A_35 = arith.constant 16 : i32
      %mul3A_36 = arith.muli %add3A_34, %mul3A_35 : i32
      %get3A = arith.index_cast %mul3A_36 : i32 to index
      %get3A_37 = tpu.vector_load %arg6[%get3A] {strides = array<i32>} : memref<25088xi32, #tpu.memory_space<vmem>>, vector<16xi32>,
      %mul3A_38 = arith.constant 16 : i32
      %mul3A_39 = arith.muli %add3A_34, %mul3A_38 : i32
      %get3A_40 = arith.index_cast %mul3A_39 : i32 to index
      %get3A_41 = tpu.vector_load %arg5[%get3A_40] {strides = array<i32>} : memref<25088xi32, #tpu.memory_space<vmem>>, vector<16xi32>,
      %lt3A = arith.constant 25000 : i32
      %lt3A_42 = vector.broadcast %lt3A : i32 to vector<16xi32>
      %lt3A_43 = arith.cmpi slt, %get3A_37, %lt3A_42 : vector<16xi32>
      %convert_element_type3A = arith.extui %lt3A_43 : vector<16xi1> to vector<16xi32>
      %broadcast_in_dim3A_44 = arith.constant true
      %broadcast_in_dim3A_45 = vector.broadcast %broadcast_in_dim3A_44 : i1 to vector<16xi1>
      %masked_cumsum3A = tpu.scan <sum>, %convert_element_type3A masked %broadcast_in_dim3A_45 : vector<16xi32>, vector<16xi1> -> vector<16xi32>
      %reduce_sum3A = arith.constant true
      %reduce_sum3A_46 = vector.broadcast %reduce_sum3A : i1 to vector<16xi1>
      %reduce_sum3A_47 = tpu.scan <sum>, %convert_element_type3A masked %reduce_sum3A_46 : vector<16xi32>, vector<16xi1> -> vector<16xi32>
      %reduce_sum3A_48 = vector.extract %reduce_sum3A_47[15] : i32 from vector<16xi32>
      %add3A_49 = vector.broadcast %scan3A_29 : i32 to vector<16xi32>
      %add3A_50 = arith.addi %add3A_49, %masked_cumsum3A : vector<16xi32>
      %sub3A = arith.constant 1 : i32
      %sub3A_51 = vector.broadcast %sub3A : i32 to vector<16xi32>
      %sub3A_52 = arith.subi %add3A_50, %sub3A_51 : vector<16xi32>
      %add3A_53 = vector.broadcast %scan3A_30 : i32 to vector<16xi32>
      %add3A_54 = arith.addi %add3A_53, %iota3A : vector<16xi32>
      %sub3A_55 = arith.subi %add3A_54, %masked_cumsum3A : vector<16xi32>
      %select_n3A = arith.select %lt3A_43, %sub3A_52, %sub3A_55 : vector<16xi1>, vector<16xi32>
      %shift_right_arithmetic3A = arith.constant 7 : i32
      %shift_right_arithmetic3A_56 = vector.broadcast %shift_right_arithmetic3A : i32 to vector<16xi32>
      %shift_right_arithmetic3A_57 = arith.shrsi %select_n3A, %shift_right_arithmetic3A_56 : vector<16xi32>
      %shift_right_arithmetic3A_58 = arith.constant 7 : i32
      %shift_right_arithmetic3A_59 = vector.broadcast %shift_right_arithmetic3A_58 : i32 to vector<16xi32>
      %shift_right_arithmetic3A_60 = arith.shrsi %select_n3A, %shift_right_arithmetic3A_59 : vector<16xi32>
      %add3A_61 = arith.constant 105 : i32
      %add3A_62 = vector.broadcast %add3A_61 : i32 to vector<16xi32>
      %add3A_63 = arith.addi %add3A_62, %shift_right_arithmetic3A_60 : vector<16xi32>
      %select_n3A_64 = arith.select %lt3A_43, %shift_right_arithmetic3A_57, %add3A_63 : vector<16xi1>, vector<16xi32>
      %min3A = arith.constant 209 : i32
      %min3A_65 = vector.broadcast %min3A : i32 to vector<16xi32>
      %min3A_66 = arith.minsi %select_n3A_64, %min3A_65 : vector<16xi32>
      %mul3A_67 = arith.constant 256 : i32
      %mul3A_68 = vector.broadcast %mul3A_67 : i32 to vector<16xi32>
      %mul3A_69 = arith.muli %min3A_66, %mul3A_68 : vector<16xi32>
      %and3A = arith.constant 127 : i32
      %and3A_70 = vector.broadcast %and3A : i32 to vector<16xi32>
      %and3A_71 = arith.andi %select_n3A, %and3A_70 : vector<16xi32>
      %add3A_72 = arith.addi %mul3A_69, %and3A_71 : vector<16xi32>
      %sub3A_73 = arith.constant 25000 : i32
      %sub3A_74 = vector.broadcast %sub3A_73 : i32 to vector<16xi32>
      %sub3A_75 = arith.subi %get3A_37, %sub3A_74 : vector<16xi32>
      %select_n3A_76 = arith.select %lt3A_43, %get3A_37, %sub3A_75 : vector<16xi1>, vector<16xi32>
      %lt3A_77 = arith.constant 25000 : i32
      %lt3A_78 = vector.broadcast %lt3A_77 : i32 to vector<16xi32>
      %lt3A_79 = arith.cmpi slt, %get3A_41, %lt3A_78 : vector<16xi32>
      %add3A_80 = arith.constant 88 : i32
      %add3A_81 = vector.broadcast %add3A_80 : i32 to vector<16xi32>
      %add3A_82 = arith.addi %get3A_41, %add3A_81 : vector<16xi32>
      %select_n3A_83 = arith.select %lt3A_79, %get3A_41, %add3A_82 : vector<16xi1>, vector<16xi32>
      tpu.vector_store_idx %arg7[%add3A_72], %select_n3A_83 : memref<53760xi32, #tpu.memory_space<vmem>>[vector<16xi32>], vector<16xi32>,
      %add3A_84 = arith.constant 128 : i32
      %add3A_85 = vector.broadcast %add3A_84 : i32 to vector<16xi32>
      %add3A_86 = arith.addi %add3A_72, %add3A_85 : vector<16xi32>
      tpu.vector_store_idx %arg7[%add3A_86], %select_n3A_76 : memref<53760xi32, #tpu.memory_space<vmem>>[vector<16xi32>], vector<16xi32>,
      %add3A_87 = arith.addi %scan3A_29, %reduce_sum3A_48 : i32
      %add3A_88 = arith.constant 16 : i32
      %add3A_89 = arith.addi %scan3A_30, %add3A_88 : i32
      %sub3A_90 = arith.subi %add3A_89, %reduce_sum3A_48 : i32
      scf.yield %add3A_87, %sub3A_90 : i32, i32
    }
    %scan3A_26 = arith.constant 1568 : i32
    %run_scoped3A = arith.constant 0 : i32
    "tpu.region"() ({
      %run_scoped3A_28 = tpu.sem_alloc : memref<!tpu.dma_semaphore, #tpu.memory_space<semaphore_mem>>
      %dma_start3A_29 = arith.constant 0 : i32
      %dma_start3A_30 = tpu.memref_slice %arg7[%dma_start3A_29] : memref<53760xi32, #tpu.memory_space<vmem>> -> memref<26880xi32, #tpu.memory_space<vmem>>
      %dma_start3A_31 = arith.constant 0 : i32
      %dma_start3A_32 = tpu.memref_slice %arg4[%run_scoped3A, %add3A, %dma_start3A_31] : memref<2x32x26880xi32, #tpu.memory_space<hbm>> -> memref<1x1x26880xi32, #tpu.memory_space<hbm>>
      %dma_start3A_33 = tpu.memref_squeeze %dma_start3A_32 : memref<1x1x26880xi32, #tpu.memory_space<hbm>> -> memref<26880xi32, #tpu.memory_space<hbm>>
      %dma_start3A_34 = arith.constant 0 : i32
      %dma_start3A_35 = tpu.memref_slice %arg4[%run_scoped3A, %add3A, %dma_start3A_34] : memref<2x32x26880xi32, #tpu.memory_space<hbm>> -> memref<1x1x26880xi32, #tpu.memory_space<hbm>>
      %dma_start3A_36 = tpu.memref_squeeze %dma_start3A_35 : memref<1x1x26880xi32, #tpu.memory_space<hbm>> -> memref<26880xi32, #tpu.memory_space<hbm>>
      %dma_start3A_37 = arith.constant 0 : i32
      %dma_start3A_38 = tpu.memref_slice %arg7[%dma_start3A_37] : memref<53760xi32, #tpu.memory_space<vmem>> -> memref<26880xi32, #tpu.memory_space<vmem>>
      tpu.enqueue_dma source(%dma_start3A_38 : memref<26880xi32, #tpu.memory_space<vmem>>) target(%dma_start3A_36 : memref<26880xi32, #tpu.memory_space<hbm>>) target_semaphore(%run_scoped3A_28 : memref<!tpu.dma_semaphore, #tpu.memory_space<semaphore_mem>>)
      %dma_wait3A_39 = arith.constant 0 : i32
      %dma_wait3A_40 = tpu.memref_slice %arg7[%dma_wait3A_39] : memref<53760xi32, #tpu.memory_space<vmem>> -> memref<26880xi32, #tpu.memory_space<vmem>>
      %dma_wait3A_41 = arith.constant 0 : i32
      %dma_wait3A_42 = tpu.memref_slice %arg4[%run_scoped3A, %add3A, %dma_wait3A_41] : memref<2x32x26880xi32, #tpu.memory_space<hbm>> -> memref<1x1x26880xi32, #tpu.memory_space<hbm>>
      %dma_wait3A_43 = tpu.memref_squeeze %dma_wait3A_42 : memref<1x1x26880xi32, #tpu.memory_space<hbm>> -> memref<26880xi32, #tpu.memory_space<hbm>>
      %dma_wait3A_44 = arith.constant 0 : i32
      %dma_wait3A_45 = tpu.memref_slice %arg4[%run_scoped3A, %add3A, %dma_wait3A_44] : memref<2x32x26880xi32, #tpu.memory_space<hbm>> -> memref<1x1x26880xi32, #tpu.memory_space<hbm>>
      %dma_wait3A_46 = tpu.memref_squeeze %dma_wait3A_45 : memref<1x1x26880xi32, #tpu.memory_space<hbm>> -> memref<26880xi32, #tpu.memory_space<hbm>>
      %dma_wait3A_47 = arith.constant 0 : i32
      %dma_wait3A_48 = tpu.memref_slice %arg7[%dma_wait3A_47] : memref<53760xi32, #tpu.memory_space<vmem>> -> memref<26880xi32, #tpu.memory_space<vmem>>
      tpu.wait_dma2 semaphore(%run_scoped3A_28 : memref<!tpu.dma_semaphore, #tpu.memory_space<semaphore_mem>>) src(%dma_wait3A_48 : memref<26880xi32, #tpu.memory_space<vmem>>) dst(%dma_wait3A_46 : memref<26880xi32, #tpu.memory_space<hbm>>)
      tpu.yield
    }) : () -> ()
    %run_scoped3A_27 = arith.constant 1 : i32
    "tpu.region"() ({
      %run_scoped3A_28 = tpu.sem_alloc : memref<!tpu.dma_semaphore, #tpu.memory_space<semaphore_mem>>
      %dma_start3A_29 = arith.constant 26880 : i32
      %dma_start3A_30 = tpu.memref_slice %arg7[%dma_start3A_29] : memref<53760xi32, #tpu.memory_space<vmem>> -> memref<26880xi32, #tpu.memory_space<vmem>>
      %dma_start3A_31 = arith.constant 0 : i32
      %dma_start3A_32 = tpu.memref_slice %arg4[%run_scoped3A_27, %add3A, %dma_start3A_31] : memref<2x32x26880xi32, #tpu.memory_space<hbm>> -> memref<1x1x26880xi32, #tpu.memory_space<hbm>>
      %dma_start3A_33 = tpu.memref_squeeze %dma_start3A_32 : memref<1x1x26880xi32, #tpu.memory_space<hbm>> -> memref<26880xi32, #tpu.memory_space<hbm>>
      %dma_start3A_34 = arith.constant 0 : i32
      %dma_start3A_35 = tpu.memref_slice %arg4[%run_scoped3A_27, %add3A, %dma_start3A_34] : memref<2x32x26880xi32, #tpu.memory_space<hbm>> -> memref<1x1x26880xi32, #tpu.memory_space<hbm>>
      %dma_start3A_36 = tpu.memref_squeeze %dma_start3A_35 : memref<1x1x26880xi32, #tpu.memory_space<hbm>> -> memref<26880xi32, #tpu.memory_space<hbm>>
      %dma_start3A_37 = arith.constant 26880 : i32
      %dma_start3A_38 = tpu.memref_slice %arg7[%dma_start3A_37] : memref<53760xi32, #tpu.memory_space<vmem>> -> memref<26880xi32, #tpu.memory_space<vmem>>
      tpu.enqueue_dma source(%dma_start3A_38 : memref<26880xi32, #tpu.memory_space<vmem>>) target(%dma_start3A_36 : memref<26880xi32, #tpu.memory_space<hbm>>) target_semaphore(%run_scoped3A_28 : memref<!tpu.dma_semaphore, #tpu.memory_space<semaphore_mem>>)
      %dma_wait3A_39 = arith.constant 26880 : i32
      %dma_wait3A_40 = tpu.memref_slice %arg7[%dma_wait3A_39] : memref<53760xi32, #tpu.memory_space<vmem>> -> memref<26880xi32, #tpu.memory_space<vmem>>
      %dma_wait3A_41 = arith.constant 0 : i32
      %dma_wait3A_42 = tpu.memref_slice %arg4[%run_scoped3A_27, %add3A, %dma_wait3A_41] : memref<2x32x26880xi32, #tpu.memory_space<hbm>> -> memref<1x1x26880xi32, #tpu.memory_space<hbm>>
      %dma_wait3A_43 = tpu.memref_squeeze %dma_wait3A_42 : memref<1x1x26880xi32, #tpu.memory_space<hbm>> -> memref<26880xi32, #tpu.memory_space<hbm>>
      %dma_wait3A_44 = arith.constant 0 : i32
      %dma_wait3A_45 = tpu.memref_slice %arg4[%run_scoped3A_27, %add3A, %dma_wait3A_44] : memref<2x32x26880xi32, #tpu.memory_space<hbm>> -> memref<1x1x26880xi32, #tpu.memory_space<hbm>>
      %dma_wait3A_46 = tpu.memref_squeeze %dma_wait3A_45 : memref<1x1x26880xi32, #tpu.memory_space<hbm>> -> memref<26880xi32, #tpu.memory_space<hbm>>
      %dma_wait3A_47 = arith.constant 26880 : i32
      %dma_wait3A_48 = tpu.memref_slice %arg7[%dma_wait3A_47] : memref<53760xi32, #tpu.memory_space<vmem>> -> memref<26880xi32, #tpu.memory_space<vmem>>
      tpu.wait_dma2 semaphore(%run_scoped3A_28 : memref<!tpu.dma_semaphore, #tpu.memory_space<semaphore_mem>>) src(%dma_wait3A_48 : memref<26880xi32, #tpu.memory_space<vmem>>) dst(%dma_wait3A_46 : memref<26880xi32, #tpu.memory_space<hbm>>)
      tpu.yield
    }) : () -> ()
    return
  }
}

#map = affine_map<(d0, d1) -> (0, 0)>
#map1 = affine_map<(d0, d1) -> (0, 0, 0, 0)>
#map2 = affine_map<(d0, d1) -> (0, 0, 0)>
module attributes {stable_mosaic.version = 14 : i64} {
  func.func @k(%arg0: i32, %arg1: i32, %arg2: memref<50176x64xf32, #tpu.memory_space<hbm>>, %arg3: memref<2x3360x2x128xi32, #tpu.memory_space<hbm>>, %arg4: memref<1568x64xf32, #tpu.memory_space<hbm>>, %arg5: memref<2x25088x64xf32, #tpu.memory_space<hbm>>, %arg6: memref<3x2x128xi32, #tpu.memory_space<vmem>>, %arg7: memref<3x128x64xf32, #tpu.memory_space<vmem>>, %arg8: memref<25088x64xf32, #tpu.memory_space<vmem_shared>>, %arg9: memref<!tpu.dma_semaphore, #tpu.memory_space<semaphore_mem>>, %arg10: memref<!tpu.dma_semaphore, #tpu.memory_space<semaphore_mem>>, %arg11: memref<!tpu.dma_semaphore, #tpu.memory_space<semaphore_mem>>, %arg12: memref<!tpu.dma_semaphore, #tpu.memory_space<semaphore_mem>>, %arg13: memref<!tpu.dma_semaphore, #tpu.memory_space<semaphore_mem>>, %arg14: memref<!tpu.dma_semaphore, #tpu.memory_space<semaphore_mem>>) attributes {dimension_semantics = [#tpu.dimension_semantics<core_parallel>, #tpu.dimension_semantics<subcore_parallel>], iteration_bounds = array<i64: 2, 16>, scalar_prefetch = 0 : i64, scratch_operands = 9 : i64, tpu.core_type = #tpu.core_type<sc_vector_subcore>, window_params = [{transform_indices = #map}, {transform_indices = #map1}, {transform_indices = #map}, {transform_indices = #map2}]} {
    %mul3A = arith.constant 1568 : i32
    %mul3A_0 = arith.muli %arg1, %mul3A : i32
    "tpu.region"() ({
      %run_scoped3A_101 = tpu.sem_alloc : memref<!tpu.dma_semaphore, #tpu.memory_space<semaphore_mem>>
      %dma_start3A_102 = arith.constant 0 : i32
      %dma_start3A_103 = tpu.memref_slice %arg8[%mul3A_0, %dma_start3A_102] : memref<25088x64xf32, #tpu.memory_space<vmem_shared>> -> memref<1568x64xf32, #tpu.memory_space<vmem_shared>>
      tpu.enqueue_dma source(%arg4 : memref<1568x64xf32, #tpu.memory_space<hbm>>) target(%dma_start3A_103 : memref<1568x64xf32, #tpu.memory_space<vmem_shared>>) target_semaphore(%run_scoped3A_101 : memref<!tpu.dma_semaphore, #tpu.memory_space<semaphore_mem>>)
      %dma_wait3A_104 = arith.constant 0 : i32
      %dma_wait3A_105 = tpu.memref_slice %arg8[%mul3A_0, %dma_wait3A_104] : memref<25088x64xf32, #tpu.memory_space<vmem_shared>> -> memref<1568x64xf32, #tpu.memory_space<vmem_shared>>
      tpu.wait_dma2 semaphore(%run_scoped3A_101 : memref<!tpu.dma_semaphore, #tpu.memory_space<semaphore_mem>>) src(%arg4 : memref<1568x64xf32, #tpu.memory_space<hbm>>) dst(%dma_wait3A_105 : memref<1568x64xf32, #tpu.memory_space<vmem_shared>>)
      tpu.yield
    }) : () -> ()
    %barrier3A = arith.constant 0 : index
    tpu.barrier barrier_id(%barrier3A)
    %mul3A_1 = arith.constant 210 : i32
    %mul3A_2 = arith.muli %arg1, %mul3A_1 : i32
    %add3A = arith.constant 0 : i32
    %add3A_3 = arith.addi %mul3A_2, %add3A : i32
    %run_scoped3A = arith.constant 0 : i32
    "tpu.region"() ({
      %run_scoped3A_101 = tpu.sem_alloc : memref<!tpu.dma_semaphore, #tpu.memory_space<semaphore_mem>>
      %dma_start3A_102 = arith.constant 0 : i32
      %dma_start3A_103 = arith.constant 0 : i32
      %dma_start3A_104 = tpu.memref_slice %arg6[%run_scoped3A, %dma_start3A_102, %dma_start3A_103] : memref<3x2x128xi32, #tpu.memory_space<vmem>> -> memref<1x2x128xi32, #tpu.memory_space<vmem>>
      %dma_start3A_105 = tpu.memref_squeeze %dma_start3A_104 : memref<1x2x128xi32, #tpu.memory_space<vmem>> -> memref<2x128xi32, #tpu.memory_space<vmem>>
      %dma_start3A_106 = arith.constant 0 : i32
      %dma_start3A_107 = arith.constant 0 : i32
      %dma_start3A_108 = tpu.memref_slice %arg3[%arg0, %add3A_3, %dma_start3A_106, %dma_start3A_107] : memref<2x3360x2x128xi32, #tpu.memory_space<hbm>> -> memref<1x1x2x128xi32, #tpu.memory_space<hbm>>
      %dma_start3A_109 = tpu.memref_squeeze %dma_start3A_108 : memref<1x1x2x128xi32, #tpu.memory_space<hbm>> -> memref<2x128xi32, #tpu.memory_space<hbm>>
      %dma_start3A_110 = arith.constant 0 : i32
      %dma_start3A_111 = arith.constant 0 : i32
      %dma_start3A_112 = tpu.memref_slice %arg6[%run_scoped3A, %dma_start3A_110, %dma_start3A_111] : memref<3x2x128xi32, #tpu.memory_space<vmem>> -> memref<1x2x128xi32, #tpu.memory_space<vmem>>
      %dma_start3A_113 = tpu.memref_squeeze %dma_start3A_112 : memref<1x2x128xi32, #tpu.memory_space<vmem>> -> memref<2x128xi32, #tpu.memory_space<vmem>>
      %dma_start3A_114 = arith.constant 0 : i32
      %dma_start3A_115 = arith.constant 0 : i32
      %dma_start3A_116 = tpu.memref_slice %arg3[%arg0, %add3A_3, %dma_start3A_114, %dma_start3A_115] : memref<2x3360x2x128xi32, #tpu.memory_space<hbm>> -> memref<1x1x2x128xi32, #tpu.memory_space<hbm>>
      %dma_start3A_117 = tpu.memref_squeeze %dma_start3A_116 : memref<1x1x2x128xi32, #tpu.memory_space<hbm>> -> memref<2x128xi32, #tpu.memory_space<hbm>>
      tpu.enqueue_dma source(%dma_start3A_117 : memref<2x128xi32, #tpu.memory_space<hbm>>) target(%dma_start3A_113 : memref<2x128xi32, #tpu.memory_space<vmem>>) target_semaphore(%run_scoped3A_101 : memref<!tpu.dma_semaphore, #tpu.memory_space<semaphore_mem>>)
      %dma_wait3A_118 = arith.constant 0 : i32
      %dma_wait3A_119 = arith.constant 0 : i32
      %dma_wait3A_120 = tpu.memref_slice %arg6[%run_scoped3A, %dma_wait3A_118, %dma_wait3A_119] : memref<3x2x128xi32, #tpu.memory_space<vmem>> -> memref<1x2x128xi32, #tpu.memory_space<vmem>>
      %dma_wait3A_121 = tpu.memref_squeeze %dma_wait3A_120 : memref<1x2x128xi32, #tpu.memory_space<vmem>> -> memref<2x128xi32, #tpu.memory_space<vmem>>
      %dma_wait3A_122 = arith.constant 0 : i32
      %dma_wait3A_123 = arith.constant 0 : i32
      %dma_wait3A_124 = tpu.memref_slice %arg3[%arg0, %add3A_3, %dma_wait3A_122, %dma_wait3A_123] : memref<2x3360x2x128xi32, #tpu.memory_space<hbm>> -> memref<1x1x2x128xi32, #tpu.memory_space<hbm>>
      %dma_wait3A_125 = tpu.memref_squeeze %dma_wait3A_124 : memref<1x1x2x128xi32, #tpu.memory_space<hbm>> -> memref<2x128xi32, #tpu.memory_space<hbm>>
      %dma_wait3A_126 = arith.constant 0 : i32
      %dma_wait3A_127 = arith.constant 0 : i32
      %dma_wait3A_128 = tpu.memref_slice %arg6[%run_scoped3A, %dma_wait3A_126, %dma_wait3A_127] : memref<3x2x128xi32, #tpu.memory_space<vmem>> -> memref<1x2x128xi32, #tpu.memory_space<vmem>>
      %dma_wait3A_129 = tpu.memref_squeeze %dma_wait3A_128 : memref<1x2x128xi32, #tpu.memory_space<vmem>> -> memref<2x128xi32, #tpu.memory_space<vmem>>
      %dma_wait3A_130 = arith.constant 0 : i32
      %dma_wait3A_131 = arith.constant 0 : i32
      %dma_wait3A_132 = tpu.memref_slice %arg3[%arg0, %add3A_3, %dma_wait3A_130, %dma_wait3A_131] : memref<2x3360x2x128xi32, #tpu.memory_space<hbm>> -> memref<1x1x2x128xi32, #tpu.memory_space<hbm>>
      %dma_wait3A_133 = tpu.memref_squeeze %dma_wait3A_132 : memref<1x1x2x128xi32, #tpu.memory_space<hbm>> -> memref<2x128xi32, #tpu.memory_space<hbm>>
      tpu.wait_dma2 semaphore(%run_scoped3A_101 : memref<!tpu.dma_semaphore, #tpu.memory_space<semaphore_mem>>) src(%dma_wait3A_133 : memref<2x128xi32, #tpu.memory_space<hbm>>) dst(%dma_wait3A_129 : memref<2x128xi32, #tpu.memory_space<vmem>>)
      tpu.yield
    }) : () -> ()
    %dma_start3A = arith.constant 0 : i32
    %dma_start3A_4 = arith.constant 0 : i32
    %dma_start3A_5 = arith.constant 0 : i32
    %dma_start3A_6 = arith.constant 0 : i32
    %dma_start3A_7 = arith.constant 0 : i32
    %dma_start3A_8 = tpu.memref_slice %arg7[%dma_start3A_5, %dma_start3A_6, %dma_start3A_7] : memref<3x128x64xf32, #tpu.memory_space<vmem>> -> memref<1x128x64xf32, #tpu.memory_space<vmem>>
    %dma_start3A_9 = tpu.memref_squeeze %dma_start3A_8 : memref<1x128x64xf32, #tpu.memory_space<vmem>> -> memref<128x64xf32, #tpu.memory_space<vmem>>
    %dma_start3A_10 = arith.constant 0 : i32
    %dma_start3A_11 = tpu.memref_slice %arg6[%dma_start3A, %dma_start3A_4, %dma_start3A_10] : memref<3x2x128xi32, #tpu.memory_space<vmem>> -> memref<1x1x128xi32, #tpu.memory_space<vmem>>
    %dma_start3A_12 = tpu.memref_squeeze %dma_start3A_11 : memref<1x1x128xi32, #tpu.memory_space<vmem>> -> memref<128xi32, #tpu.memory_space<vmem>>
    %dma_start3A_13 = arith.constant 0 : i32
    %dma_start3A_14 = arith.constant 0 : i32
    %dma_start3A_15 = tpu.memref_slice %arg2[%dma_start3A_13, %dma_start3A_14] : memref<50176x64xf32, #tpu.memory_space<hbm>> -> memref<50176x64xf32, #tpu.memory_space<hbm>>
    tpu.enqueue_indirect_dma source(%dma_start3A_15 : memref<50176x64xf32, #tpu.memory_space<hbm>>) target(%dma_start3A_9 : memref<128x64xf32, #tpu.memory_space<vmem>>) offsets(%dma_start3A_12 : memref<128xi32, #tpu.memory_space<vmem>>) semaphore(%arg9 : memref<!tpu.dma_semaphore, #tpu.memory_space<semaphore_mem>>)
    %add3A_16 = arith.constant 1 : i32
    %add3A_17 = arith.addi %mul3A_2, %add3A_16 : i32
    %run_scoped3A_18 = arith.constant 1 : i32
    "tpu.region"() ({
      %run_scoped3A_101 = tpu.sem_alloc : memref<!tpu.dma_semaphore, #tpu.memory_space<semaphore_mem>>
      %dma_start3A_102 = arith.constant 0 : i32
      %dma_start3A_103 = arith.constant 0 : i32
      %dma_start3A_104 = tpu.memref_slice %arg6[%run_scoped3A_18, %dma_start3A_102, %dma_start3A_103] : memref<3x2x128xi32, #tpu.memory_space<vmem>> -> memref<1x2x128xi32, #tpu.memory_space<vmem>>
      %dma_start3A_105 = tpu.memref_squeeze %dma_start3A_104 : memref<1x2x128xi32, #tpu.memory_space<vmem>> -> memref<2x128xi32, #tpu.memory_space<vmem>>
      %dma_start3A_106 = arith.constant 0 : i32
      %dma_start3A_107 = arith.constant 0 : i32
      %dma_start3A_108 = tpu.memref_slice %arg3[%arg0, %add3A_17, %dma_start3A_106, %dma_start3A_107] : memref<2x3360x2x128xi32, #tpu.memory_space<hbm>> -> memref<1x1x2x128xi32, #tpu.memory_space<hbm>>
      %dma_start3A_109 = tpu.memref_squeeze %dma_start3A_108 : memref<1x1x2x128xi32, #tpu.memory_space<hbm>> -> memref<2x128xi32, #tpu.memory_space<hbm>>
      %dma_start3A_110 = arith.constant 0 : i32
      %dma_start3A_111 = arith.constant 0 : i32
      %dma_start3A_112 = tpu.memref_slice %arg6[%run_scoped3A_18, %dma_start3A_110, %dma_start3A_111] : memref<3x2x128xi32, #tpu.memory_space<vmem>> -> memref<1x2x128xi32, #tpu.memory_space<vmem>>
      %dma_start3A_113 = tpu.memref_squeeze %dma_start3A_112 : memref<1x2x128xi32, #tpu.memory_space<vmem>> -> memref<2x128xi32, #tpu.memory_space<vmem>>
      %dma_start3A_114 = arith.constant 0 : i32
      %dma_start3A_115 = arith.constant 0 : i32
      %dma_start3A_116 = tpu.memref_slice %arg3[%arg0, %add3A_17, %dma_start3A_114, %dma_start3A_115] : memref<2x3360x2x128xi32, #tpu.memory_space<hbm>> -> memref<1x1x2x128xi32, #tpu.memory_space<hbm>>
      %dma_start3A_117 = tpu.memref_squeeze %dma_start3A_116 : memref<1x1x2x128xi32, #tpu.memory_space<hbm>> -> memref<2x128xi32, #tpu.memory_space<hbm>>
      tpu.enqueue_dma source(%dma_start3A_117 : memref<2x128xi32, #tpu.memory_space<hbm>>) target(%dma_start3A_113 : memref<2x128xi32, #tpu.memory_space<vmem>>) target_semaphore(%run_scoped3A_101 : memref<!tpu.dma_semaphore, #tpu.memory_space<semaphore_mem>>)
      %dma_wait3A_118 = arith.constant 0 : i32
      %dma_wait3A_119 = arith.constant 0 : i32
      %dma_wait3A_120 = tpu.memref_slice %arg6[%run_scoped3A_18, %dma_wait3A_118, %dma_wait3A_119] : memref<3x2x128xi32, #tpu.memory_space<vmem>> -> memref<1x2x128xi32, #tpu.memory_space<vmem>>
      %dma_wait3A_121 = tpu.memref_squeeze %dma_wait3A_120 : memref<1x2x128xi32, #tpu.memory_space<vmem>> -> memref<2x128xi32, #tpu.memory_space<vmem>>
      %dma_wait3A_122 = arith.constant 0 : i32
      %dma_wait3A_123 = arith.constant 0 : i32
      %dma_wait3A_124 = tpu.memref_slice %arg3[%arg0, %add3A_17, %dma_wait3A_122, %dma_wait3A_123] : memref<2x3360x2x128xi32, #tpu.memory_space<hbm>> -> memref<1x1x2x128xi32, #tpu.memory_space<hbm>>
      %dma_wait3A_125 = tpu.memref_squeeze %dma_wait3A_124 : memref<1x1x2x128xi32, #tpu.memory_space<hbm>> -> memref<2x128xi32, #tpu.memory_space<hbm>>
      %dma_wait3A_126 = arith.constant 0 : i32
      %dma_wait3A_127 = arith.constant 0 : i32
      %dma_wait3A_128 = tpu.memref_slice %arg6[%run_scoped3A_18, %dma_wait3A_126, %dma_wait3A_127] : memref<3x2x128xi32, #tpu.memory_space<vmem>> -> memref<1x2x128xi32, #tpu.memory_space<vmem>>
      %dma_wait3A_129 = tpu.memref_squeeze %dma_wait3A_128 : memref<1x2x128xi32, #tpu.memory_space<vmem>> -> memref<2x128xi32, #tpu.memory_space<vmem>>
      %dma_wait3A_130 = arith.constant 0 : i32
      %dma_wait3A_131 = arith.constant 0 : i32
      %dma_wait3A_132 = tpu.memref_slice %arg3[%arg0, %add3A_17, %dma_wait3A_130, %dma_wait3A_131] : memref<2x3360x2x128xi32, #tpu.memory_space<hbm>> -> memref<1x1x2x128xi32, #tpu.memory_space<hbm>>
      %dma_wait3A_133 = tpu.memref_squeeze %dma_wait3A_132 : memref<1x1x2x128xi32, #tpu.memory_space<hbm>> -> memref<2x128xi32, #tpu.memory_space<hbm>>
      tpu.wait_dma2 semaphore(%run_scoped3A_101 : memref<!tpu.dma_semaphore, #tpu.memory_space<semaphore_mem>>) src(%dma_wait3A_133 : memref<2x128xi32, #tpu.memory_space<hbm>>) dst(%dma_wait3A_129 : memref<2x128xi32, #tpu.memory_space<vmem>>)
      tpu.yield
    }) : () -> ()
    %dma_start3A_19 = arith.constant 1 : i32
    %dma_start3A_20 = arith.constant 0 : i32
    %dma_start3A_21 = arith.constant 1 : i32
    %dma_start3A_22 = arith.constant 0 : i32
    %dma_start3A_23 = arith.constant 0 : i32
    %dma_start3A_24 = tpu.memref_slice %arg7[%dma_start3A_21, %dma_start3A_22, %dma_start3A_23] : memref<3x128x64xf32, #tpu.memory_space<vmem>> -> memref<1x128x64xf32, #tpu.memory_space<vmem>>
    %dma_start3A_25 = tpu.memref_squeeze %dma_start3A_24 : memref<1x128x64xf32, #tpu.memory_space<vmem>> -> memref<128x64xf32, #tpu.memory_space<vmem>>
    %dma_start3A_26 = arith.constant 0 : i32
    %dma_start3A_27 = tpu.memref_slice %arg6[%dma_start3A_19, %dma_start3A_20, %dma_start3A_26] : memref<3x2x128xi32, #tpu.memory_space<vmem>> -> memref<1x1x128xi32, #tpu.memory_space<vmem>>
    %dma_start3A_28 = tpu.memref_squeeze %dma_start3A_27 : memref<1x1x128xi32, #tpu.memory_space<vmem>> -> memref<128xi32, #tpu.memory_space<vmem>>
    %dma_start3A_29 = arith.constant 0 : i32
    %dma_start3A_30 = arith.constant 0 : i32
    %dma_start3A_31 = tpu.memref_slice %arg2[%dma_start3A_29, %dma_start3A_30] : memref<50176x64xf32, #tpu.memory_space<hbm>> -> memref<50176x64xf32, #tpu.memory_space<hbm>>
    tpu.enqueue_indirect_dma source(%dma_start3A_31 : memref<50176x64xf32, #tpu.memory_space<hbm>>) target(%dma_start3A_25 : memref<128x64xf32, #tpu.memory_space<vmem>>) offsets(%dma_start3A_28 : memref<128xi32, #tpu.memory_space<vmem>>) semaphore(%arg10 : memref<!tpu.dma_semaphore, #tpu.memory_space<semaphore_mem>>)
    %add3A_32 = arith.constant 2 : i32
    %add3A_33 = arith.addi %mul3A_2, %add3A_32 : i32
    %run_scoped3A_34 = arith.constant 2 : i32
    "tpu.region"() ({
      %run_scoped3A_101 = tpu.sem_alloc : memref<!tpu.dma_semaphore, #tpu.memory_space<semaphore_mem>>
      %dma_start3A_102 = arith.constant 0 : i32
      %dma_start3A_103 = arith.constant 0 : i32
      %dma_start3A_104 = tpu.memref_slice %arg6[%run_scoped3A_34, %dma_start3A_102, %dma_start3A_103] : memref<3x2x128xi32, #tpu.memory_space<vmem>> -> memref<1x2x128xi32, #tpu.memory_space<vmem>>
      %dma_start3A_105 = tpu.memref_squeeze %dma_start3A_104 : memref<1x2x128xi32, #tpu.memory_space<vmem>> -> memref<2x128xi32, #tpu.memory_space<vmem>>
      %dma_start3A_106 = arith.constant 0 : i32
      %dma_start3A_107 = arith.constant 0 : i32
      %dma_start3A_108 = tpu.memref_slice %arg3[%arg0, %add3A_33, %dma_start3A_106, %dma_start3A_107] : memref<2x3360x2x128xi32, #tpu.memory_space<hbm>> -> memref<1x1x2x128xi32, #tpu.memory_space<hbm>>
      %dma_start3A_109 = tpu.memref_squeeze %dma_start3A_108 : memref<1x1x2x128xi32, #tpu.memory_space<hbm>> -> memref<2x128xi32, #tpu.memory_space<hbm>>
      %dma_start3A_110 = arith.constant 0 : i32
      %dma_start3A_111 = arith.constant 0 : i32
      %dma_start3A_112 = tpu.memref_slice %arg6[%run_scoped3A_34, %dma_start3A_110, %dma_start3A_111] : memref<3x2x128xi32, #tpu.memory_space<vmem>> -> memref<1x2x128xi32, #tpu.memory_space<vmem>>
      %dma_start3A_113 = tpu.memref_squeeze %dma_start3A_112 : memref<1x2x128xi32, #tpu.memory_space<vmem>> -> memref<2x128xi32, #tpu.memory_space<vmem>>
      %dma_start3A_114 = arith.constant 0 : i32
      %dma_start3A_115 = arith.constant 0 : i32
      %dma_start3A_116 = tpu.memref_slice %arg3[%arg0, %add3A_33, %dma_start3A_114, %dma_start3A_115] : memref<2x3360x2x128xi32, #tpu.memory_space<hbm>> -> memref<1x1x2x128xi32, #tpu.memory_space<hbm>>
      %dma_start3A_117 = tpu.memref_squeeze %dma_start3A_116 : memref<1x1x2x128xi32, #tpu.memory_space<hbm>> -> memref<2x128xi32, #tpu.memory_space<hbm>>
      tpu.enqueue_dma source(%dma_start3A_117 : memref<2x128xi32, #tpu.memory_space<hbm>>) target(%dma_start3A_113 : memref<2x128xi32, #tpu.memory_space<vmem>>) target_semaphore(%run_scoped3A_101 : memref<!tpu.dma_semaphore, #tpu.memory_space<semaphore_mem>>)
      %dma_wait3A_118 = arith.constant 0 : i32
      %dma_wait3A_119 = arith.constant 0 : i32
      %dma_wait3A_120 = tpu.memref_slice %arg6[%run_scoped3A_34, %dma_wait3A_118, %dma_wait3A_119] : memref<3x2x128xi32, #tpu.memory_space<vmem>> -> memref<1x2x128xi32, #tpu.memory_space<vmem>>
      %dma_wait3A_121 = tpu.memref_squeeze %dma_wait3A_120 : memref<1x2x128xi32, #tpu.memory_space<vmem>> -> memref<2x128xi32, #tpu.memory_space<vmem>>
      %dma_wait3A_122 = arith.constant 0 : i32
      %dma_wait3A_123 = arith.constant 0 : i32
      %dma_wait3A_124 = tpu.memref_slice %arg3[%arg0, %add3A_33, %dma_wait3A_122, %dma_wait3A_123] : memref<2x3360x2x128xi32, #tpu.memory_space<hbm>> -> memref<1x1x2x128xi32, #tpu.memory_space<hbm>>
      %dma_wait3A_125 = tpu.memref_squeeze %dma_wait3A_124 : memref<1x1x2x128xi32, #tpu.memory_space<hbm>> -> memref<2x128xi32, #tpu.memory_space<hbm>>
      %dma_wait3A_126 = arith.constant 0 : i32
      %dma_wait3A_127 = arith.constant 0 : i32
      %dma_wait3A_128 = tpu.memref_slice %arg6[%run_scoped3A_34, %dma_wait3A_126, %dma_wait3A_127] : memref<3x2x128xi32, #tpu.memory_space<vmem>> -> memref<1x2x128xi32, #tpu.memory_space<vmem>>
      %dma_wait3A_129 = tpu.memref_squeeze %dma_wait3A_128 : memref<1x2x128xi32, #tpu.memory_space<vmem>> -> memref<2x128xi32, #tpu.memory_space<vmem>>
      %dma_wait3A_130 = arith.constant 0 : i32
      %dma_wait3A_131 = arith.constant 0 : i32
      %dma_wait3A_132 = tpu.memref_slice %arg3[%arg0, %add3A_33, %dma_wait3A_130, %dma_wait3A_131] : memref<2x3360x2x128xi32, #tpu.memory_space<hbm>> -> memref<1x1x2x128xi32, #tpu.memory_space<hbm>>
      %dma_wait3A_133 = tpu.memref_squeeze %dma_wait3A_132 : memref<1x1x2x128xi32, #tpu.memory_space<hbm>> -> memref<2x128xi32, #tpu.memory_space<hbm>>
      tpu.wait_dma2 semaphore(%run_scoped3A_101 : memref<!tpu.dma_semaphore, #tpu.memory_space<semaphore_mem>>) src(%dma_wait3A_133 : memref<2x128xi32, #tpu.memory_space<hbm>>) dst(%dma_wait3A_129 : memref<2x128xi32, #tpu.memory_space<vmem>>)
      tpu.yield
    }) : () -> ()
    %dma_start3A_35 = arith.constant 2 : i32
    %dma_start3A_36 = arith.constant 0 : i32
    %dma_start3A_37 = arith.constant 2 : i32
    %dma_start3A_38 = arith.constant 0 : i32
    %dma_start3A_39 = arith.constant 0 : i32
    %dma_start3A_40 = tpu.memref_slice %arg7[%dma_start3A_37, %dma_start3A_38, %dma_start3A_39] : memref<3x128x64xf32, #tpu.memory_space<vmem>> -> memref<1x128x64xf32, #tpu.memory_space<vmem>>
    %dma_start3A_41 = tpu.memref_squeeze %dma_start3A_40 : memref<1x128x64xf32, #tpu.memory_space<vmem>> -> memref<128x64xf32, #tpu.memory_space<vmem>>
    %dma_start3A_42 = arith.constant 0 : i32
    %dma_start3A_43 = tpu.memref_slice %arg6[%dma_start3A_35, %dma_start3A_36, %dma_start3A_42] : memref<3x2x128xi32, #tpu.memory_space<vmem>> -> memref<1x1x128xi32, #tpu.memory_space<vmem>>
    %dma_start3A_44 = tpu.memref_squeeze %dma_start3A_43 : memref<1x1x128xi32, #tpu.memory_space<vmem>> -> memref<128xi32, #tpu.memory_space<vmem>>
    %dma_start3A_45 = arith.constant 0 : i32
    %dma_start3A_46 = arith.constant 0 : i32
    %dma_start3A_47 = tpu.memref_slice %arg2[%dma_start3A_45, %dma_start3A_46] : memref<50176x64xf32, #tpu.memory_space<hbm>> -> memref<50176x64xf32, #tpu.memory_space<hbm>>
    tpu.enqueue_indirect_dma source(%dma_start3A_47 : memref<50176x64xf32, #tpu.memory_space<hbm>>) target(%dma_start3A_41 : memref<128x64xf32, #tpu.memory_space<vmem>>) offsets(%dma_start3A_44 : memref<128xi32, #tpu.memory_space<vmem>>) semaphore(%arg11 : memref<!tpu.dma_semaphore, #tpu.memory_space<semaphore_mem>>)
    %scan3A = arith.constant 0 : i32
    %scan3A_48 = arith.constant 70 : i32
    %scan3A_49 = arith.addi %scan3A, %scan3A_48 : i32
    %scan3A_50 = arith.constant 1 : i32
    scf.for %scan3A_101 = %scan3A to %scan3A_49 step %scan3A_50  : i32 {
      %mul3A_102 = arith.constant 1 : i32
      %mul3A_103 = arith.muli %scan3A_101, %mul3A_102 : i32
      %add3A_104 = arith.constant 0 : i32
      %add3A_105 = arith.addi %add3A_104, %mul3A_103 : i32
      %mul3A_106 = arith.constant 3 : i32
      %mul3A_107 = arith.muli %add3A_105, %mul3A_106 : i32
      %add3A_108 = arith.constant 0 : i32
      %add3A_109 = arith.addi %mul3A_107, %add3A_108 : i32
      %dma_wait3A_110 = arith.constant 0 : i32
      %dma_wait3A_111 = arith.constant 0 : i32
      %dma_wait3A_112 = arith.constant 0 : i32
      %dma_wait3A_113 = tpu.memref_slice %arg7[%dma_wait3A_110, %dma_wait3A_111, %dma_wait3A_112] : memref<3x128x64xf32, #tpu.memory_space<vmem>> -> memref<1x128x64xf32, #tpu.memory_space<vmem>>
      %dma_wait3A_114 = tpu.memref_squeeze %dma_wait3A_113 : memref<1x128x64xf32, #tpu.memory_space<vmem>> -> memref<128x64xf32, #tpu.memory_space<vmem>>
      %dma_wait3A_115 = arith.constant 0 : i32
      %dma_wait3A_116 = arith.constant 0 : i32
      %dma_wait3A_117 = tpu.memref_slice %arg2[%dma_wait3A_115, %dma_wait3A_116] : memref<50176x64xf32, #tpu.memory_space<hbm>> -> memref<128x64xf32, #tpu.memory_space<hbm>>
      %dma_wait3A_118 = arith.constant 0 : i32
      %dma_wait3A_119 = arith.constant 0 : i32
      %dma_wait3A_120 = tpu.memref_slice %arg7[%dma_wait3A_110, %dma_wait3A_118, %dma_wait3A_119] : memref<3x128x64xf32, #tpu.memory_space<vmem>> -> memref<1x128x64xf32, #tpu.memory_space<vmem>>
      %dma_wait3A_121 = tpu.memref_squeeze %dma_wait3A_120 : memref<1x128x64xf32, #tpu.memory_space<vmem>> -> memref<128x64xf32, #tpu.memory_space<vmem>>
      %dma_wait3A_122 = arith.constant 0 : i32
      %dma_wait3A_123 = arith.constant 0 : i32
      %dma_wait3A_124 = tpu.memref_slice %arg2[%dma_wait3A_122, %dma_wait3A_123] : memref<50176x64xf32, #tpu.memory_space<hbm>> -> memref<128x64xf32, #tpu.memory_space<hbm>>
      tpu.wait_dma2 semaphore(%arg9 : memref<!tpu.dma_semaphore, #tpu.memory_space<semaphore_mem>>) src(%dma_wait3A_124 : memref<128x64xf32, #tpu.memory_space<hbm>>) dst(%dma_wait3A_121 : memref<128x64xf32, #tpu.memory_space<vmem>>)
      %dma_start3A_125 = arith.constant 0 : i32
      %dma_start3A_126 = arith.constant 0 : i32
      %dma_start3A_127 = arith.constant 1 : i32
      %dma_start3A_128 = arith.constant 0 : i32
      %dma_start3A_129 = arith.constant 0 : i32
      %dma_start3A_130 = tpu.memref_slice %arg7[%dma_start3A_125, %dma_start3A_128, %dma_start3A_129] : memref<3x128x64xf32, #tpu.memory_space<vmem>> -> memref<1x128x64xf32, #tpu.memory_space<vmem>>
      %dma_start3A_131 = tpu.memref_squeeze %dma_start3A_130 : memref<1x128x64xf32, #tpu.memory_space<vmem>> -> memref<128x64xf32, #tpu.memory_space<vmem>>
      %dma_start3A_132 = arith.constant 0 : i32
      %dma_start3A_133 = tpu.memref_slice %arg6[%dma_start3A_126, %dma_start3A_127, %dma_start3A_132] : memref<3x2x128xi32, #tpu.memory_space<vmem>> -> memref<1x1x128xi32, #tpu.memory_space<vmem>>
      %dma_start3A_134 = tpu.memref_squeeze %dma_start3A_133 : memref<1x1x128xi32, #tpu.memory_space<vmem>> -> memref<128xi32, #tpu.memory_space<vmem>>
      %dma_start3A_135 = arith.constant 0 : i32
      %dma_start3A_136 = arith.constant 0 : i32
      %dma_start3A_137 = tpu.memref_slice %arg8[%dma_start3A_135, %dma_start3A_136] : memref<25088x64xf32, #tpu.memory_space<vmem_shared>> -> memref<25088x64xf32, #tpu.memory_space<vmem_shared>>
      tpu.enqueue_indirect_dma source(%dma_start3A_131 : memref<128x64xf32, #tpu.memory_space<vmem>>) target(%dma_start3A_137 : memref<25088x64xf32, #tpu.memory_space<vmem_shared>>) offsets(%dma_start3A_134 : memref<128xi32, #tpu.memory_space<vmem>>) semaphore(%arg12 : memref<!tpu.dma_semaphore, #tpu.memory_space<semaphore_mem>>) {add = true}
      %ge3A = arith.constant 1 : i32
      %ge3A_138 = arith.cmpi sge, %add3A_109, %ge3A : i32
      %le3A = arith.constant 207 : i32
      %le3A_139 = arith.cmpi sle, %add3A_109, %le3A : i32
      %and3A = arith.andi %ge3A_138, %le3A_139 : i1
      %convert_element_type3A = arith.extui %and3A : i1 to i32
      %cond3A = arith.constant 0 : i32
      %cond3A_140 = arith.cmpi ne, %convert_element_type3A, %cond3A : i32
      scf.if %cond3A_140 {
        %dma_wait3A_221 = arith.constant 2 : i32
        %dma_wait3A_222 = arith.constant 0 : i32
        %dma_wait3A_223 = arith.constant 0 : i32
        %dma_wait3A_224 = tpu.memref_slice %arg7[%dma_wait3A_221, %dma_wait3A_222, %dma_wait3A_223] : memref<3x128x64xf32, #tpu.memory_space<vmem>> -> memref<1x128x64xf32, #tpu.memory_space<vmem>>
        %dma_wait3A_225 = tpu.memref_squeeze %dma_wait3A_224 : memref<1x128x64xf32, #tpu.memory_space<vmem>> -> memref<128x64xf32, #tpu.memory_space<vmem>>
        %dma_wait3A_226 = arith.constant 0 : i32
        %dma_wait3A_227 = arith.constant 0 : i32
        %dma_wait3A_228 = tpu.memref_slice %arg2[%dma_wait3A_226, %dma_wait3A_227] : memref<50176x64xf32, #tpu.memory_space<hbm>> -> memref<128x64xf32, #tpu.memory_space<hbm>>
        %dma_wait3A_229 = arith.constant 0 : i32
        %dma_wait3A_230 = arith.constant 0 : i32
        %dma_wait3A_231 = tpu.memref_slice %arg7[%dma_wait3A_221, %dma_wait3A_229, %dma_wait3A_230] : memref<3x128x64xf32, #tpu.memory_space<vmem>> -> memref<1x128x64xf32, #tpu.memory_space<vmem>>
        %dma_wait3A_232 = tpu.memref_squeeze %dma_wait3A_231 : memref<1x128x64xf32, #tpu.memory_space<vmem>> -> memref<128x64xf32, #tpu.memory_space<vmem>>
        %dma_wait3A_233 = arith.constant 0 : i32
        %dma_wait3A_234 = arith.constant 0 : i32
        %dma_wait3A_235 = tpu.memref_slice %arg2[%dma_wait3A_233, %dma_wait3A_234] : memref<50176x64xf32, #tpu.memory_space<hbm>> -> memref<128x64xf32, #tpu.memory_space<hbm>>
        tpu.wait_dma2 semaphore(%arg14 : memref<!tpu.dma_semaphore, #tpu.memory_space<semaphore_mem>>) src(%dma_wait3A_235 : memref<128x64xf32, #tpu.memory_space<hbm>>) dst(%dma_wait3A_232 : memref<128x64xf32, #tpu.memory_space<vmem>>)
        %add3A_236 = arith.addi %mul3A_2, %add3A_109 : i32
        %sub3A = arith.constant 1 : i32
        %sub3A_237 = arith.subi %add3A_236, %sub3A : i32
        %add3A_238 = arith.constant 3 : i32
        %add3A_239 = arith.addi %sub3A_237, %add3A_238 : i32
        %run_scoped3A_240 = arith.constant 2 : i32
        "tpu.region"() ({
          %run_scoped3A_254 = tpu.sem_alloc : memref<!tpu.dma_semaphore, #tpu.memory_space<semaphore_mem>>
          %dma_start3A_255 = arith.constant 0 : i32
          %dma_start3A_256 = arith.constant 0 : i32
          %dma_start3A_257 = tpu.memref_slice %arg6[%run_scoped3A_240, %dma_start3A_255, %dma_start3A_256] : memref<3x2x128xi32, #tpu.memory_space<vmem>> -> memref<1x2x128xi32, #tpu.memory_space<vmem>>
          %dma_start3A_258 = tpu.memref_squeeze %dma_start3A_257 : memref<1x2x128xi32, #tpu.memory_space<vmem>> -> memref<2x128xi32, #tpu.memory_space<vmem>>
          %dma_start3A_259 = arith.constant 0 : i32
          %dma_start3A_260 = arith.constant 0 : i32
          %dma_start3A_261 = tpu.memref_slice %arg3[%arg0, %add3A_239, %dma_start3A_259, %dma_start3A_260] : memref<2x3360x2x128xi32, #tpu.memory_space<hbm>> -> memref<1x1x2x128xi32, #tpu.memory_space<hbm>>
          %dma_start3A_262 = tpu.memref_squeeze %dma_start3A_261 : memref<1x1x2x128xi32, #tpu.memory_space<hbm>> -> memref<2x128xi32, #tpu.memory_space<hbm>>
          %dma_start3A_263 = arith.constant 0 : i32
          %dma_start3A_264 = arith.constant 0 : i32
          %dma_start3A_265 = tpu.memref_slice %arg6[%run_scoped3A_240, %dma_start3A_263, %dma_start3A_264] : memref<3x2x128xi32, #tpu.memory_space<vmem>> -> memref<1x2x128xi32, #tpu.memory_space<vmem>>
          %dma_start3A_266 = tpu.memref_squeeze %dma_start3A_265 : memref<1x2x128xi32, #tpu.memory_space<vmem>> -> memref<2x128xi32, #tpu.memory_space<vmem>>
          %dma_start3A_267 = arith.constant 0 : i32
          %dma_start3A_268 = arith.constant 0 : i32
          %dma_start3A_269 = tpu.memref_slice %arg3[%arg0, %add3A_239, %dma_start3A_267, %dma_start3A_268] : memref<2x3360x2x128xi32, #tpu.memory_space<hbm>> -> memref<1x1x2x128xi32, #tpu.memory_space<hbm>>
          %dma_start3A_270 = tpu.memref_squeeze %dma_start3A_269 : memref<1x1x2x128xi32, #tpu.memory_space<hbm>> -> memref<2x128xi32, #tpu.memory_space<hbm>>
          tpu.enqueue_dma source(%dma_start3A_270 : memref<2x128xi32, #tpu.memory_space<hbm>>) target(%dma_start3A_266 : memref<2x128xi32, #tpu.memory_space<vmem>>) target_semaphore(%run_scoped3A_254 : memref<!tpu.dma_semaphore, #tpu.memory_space<semaphore_mem>>)
          %dma_wait3A_271 = arith.constant 0 : i32
          %dma_wait3A_272 = arith.constant 0 : i32
          %dma_wait3A_273 = tpu.memref_slice %arg6[%run_scoped3A_240, %dma_wait3A_271, %dma_wait3A_272] : memref<3x2x128xi32, #tpu.memory_space<vmem>> -> memref<1x2x128xi32, #tpu.memory_space<vmem>>
          %dma_wait3A_274 = tpu.memref_squeeze %dma_wait3A_273 : memref<1x2x128xi32, #tpu.memory_space<vmem>> -> memref<2x128xi32, #tpu.memory_space<vmem>>
          %dma_wait3A_275 = arith.constant 0 : i32
          %dma_wait3A_276 = arith.constant 0 : i32
          %dma_wait3A_277 = tpu.memref_slice %arg3[%arg0, %add3A_239, %dma_wait3A_275, %dma_wait3A_276] : memref<2x3360x2x128xi32, #tpu.memory_space<hbm>> -> memref<1x1x2x128xi32, #tpu.memory_space<hbm>>
          %dma_wait3A_278 = tpu.memref_squeeze %dma_wait3A_277 : memref<1x1x2x128xi32, #tpu.memory_space<hbm>> -> memref<2x128xi32, #tpu.memory_space<hbm>>
          %dma_wait3A_279 = arith.constant 0 : i32
          %dma_wait3A_280 = arith.constant 0 : i32
          %dma_wait3A_281 = tpu.memref_slice %arg6[%run_scoped3A_240, %dma_wait3A_279, %dma_wait3A_280] : memref<3x2x128xi32, #tpu.memory_space<vmem>> -> memref<1x2x128xi32, #tpu.memory_space<vmem>>
          %dma_wait3A_282 = tpu.memref_squeeze %dma_wait3A_281 : memref<1x2x128xi32, #tpu.memory_space<vmem>> -> memref<2x128xi32, #tpu.memory_space<vmem>>
          %dma_wait3A_283 = arith.constant 0 : i32
          %dma_wait3A_284 = arith.constant 0 : i32
          %dma_wait3A_285 = tpu.memref_slice %arg3[%arg0, %add3A_239, %dma_wait3A_283, %dma_wait3A_284] : memref<2x3360x2x128xi32, #tpu.memory_space<hbm>> -> memref<1x1x2x128xi32, #tpu.memory_space<hbm>>
          %dma_wait3A_286 = tpu.memref_squeeze %dma_wait3A_285 : memref<1x1x2x128xi32, #tpu.memory_space<hbm>> -> memref<2x128xi32, #tpu.memory_space<hbm>>
          tpu.wait_dma2 semaphore(%run_scoped3A_254 : memref<!tpu.dma_semaphore, #tpu.memory_space<semaphore_mem>>) src(%dma_wait3A_286 : memref<2x128xi32, #tpu.memory_space<hbm>>) dst(%dma_wait3A_282 : memref<2x128xi32, #tpu.memory_space<vmem>>)
          tpu.yield
        }) : () -> ()
        %dma_start3A_241 = arith.constant 2 : i32
        %dma_start3A_242 = arith.constant 0 : i32
        %dma_start3A_243 = arith.constant 2 : i32
        %dma_start3A_244 = arith.constant 0 : i32
        %dma_start3A_245 = arith.constant 0 : i32
        %dma_start3A_246 = tpu.memref_slice %arg7[%dma_start3A_243, %dma_start3A_244, %dma_start3A_245] : memref<3x128x64xf32, #tpu.memory_space<vmem>> -> memref<1x128x64xf32, #tpu.memory_space<vmem>>
        %dma_start3A_247 = tpu.memref_squeeze %dma_start3A_246 : memref<1x128x64xf32, #tpu.memory_space<vmem>> -> memref<128x64xf32, #tpu.memory_space<vmem>>
        %dma_start3A_248 = arith.constant 0 : i32
        %dma_start3A_249 = tpu.memref_slice %arg6[%dma_start3A_241, %dma_start3A_242, %dma_start3A_248] : memref<3x2x128xi32, #tpu.memory_space<vmem>> -> memref<1x1x128xi32, #tpu.memory_space<vmem>>
        %dma_start3A_250 = tpu.memref_squeeze %dma_start3A_249 : memref<1x1x128xi32, #tpu.memory_space<vmem>> -> memref<128xi32, #tpu.memory_space<vmem>>
        %dma_start3A_251 = arith.constant 0 : i32
        %dma_start3A_252 = arith.constant 0 : i32
        %dma_start3A_253 = tpu.memref_slice %arg2[%dma_start3A_251, %dma_start3A_252] : memref<50176x64xf32, #tpu.memory_space<hbm>> -> memref<50176x64xf32, #tpu.memory_space<hbm>>
        tpu.enqueue_indirect_dma source(%dma_start3A_253 : memref<50176x64xf32, #tpu.memory_space<hbm>>) target(%dma_start3A_247 : memref<128x64xf32, #tpu.memory_space<vmem>>) offsets(%dma_start3A_250 : memref<128xi32, #tpu.memory_space<vmem>>) semaphore(%arg11 : memref<!tpu.dma_semaphore, #tpu.memory_space<semaphore_mem>>)
      } else {
      }
      %mul3A_141 = arith.constant 3 : i32
      %mul3A_142 = arith.muli %add3A_105, %mul3A_141 : i32
      %add3A_143 = arith.constant 1 : i32
      %add3A_144 = arith.addi %mul3A_142, %add3A_143 : i32
      %dma_wait3A_145 = arith.constant 1 : i32
      %dma_wait3A_146 = arith.constant 0 : i32
      %dma_wait3A_147 = arith.constant 0 : i32
      %dma_wait3A_148 = tpu.memref_slice %arg7[%dma_wait3A_145, %dma_wait3A_146, %dma_wait3A_147] : memref<3x128x64xf32, #tpu.memory_space<vmem>> -> memref<1x128x64xf32, #tpu.memory_space<vmem>>
      %dma_wait3A_149 = tpu.memref_squeeze %dma_wait3A_148 : memref<1x128x64xf32, #tpu.memory_space<vmem>> -> memref<128x64xf32, #tpu.memory_space<vmem>>
      %dma_wait3A_150 = arith.constant 0 : i32
      %dma_wait3A_151 = arith.constant 0 : i32
      %dma_wait3A_152 = tpu.memref_slice %arg2[%dma_wait3A_150, %dma_wait3A_151] : memref<50176x64xf32, #tpu.memory_space<hbm>> -> memref<128x64xf32, #tpu.memory_space<hbm>>
      %dma_wait3A_153 = arith.constant 0 : i32
      %dma_wait3A_154 = arith.constant 0 : i32
      %dma_wait3A_155 = tpu.memref_slice %arg7[%dma_wait3A_145, %dma_wait3A_153, %dma_wait3A_154] : memref<3x128x64xf32, #tpu.memory_space<vmem>> -> memref<1x128x64xf32, #tpu.memory_space<vmem>>
      %dma_wait3A_156 = tpu.memref_squeeze %dma_wait3A_155 : memref<1x128x64xf32, #tpu.memory_space<vmem>> -> memref<128x64xf32, #tpu.memory_space<vmem>>
      %dma_wait3A_157 = arith.constant 0 : i32
      %dma_wait3A_158 = arith.constant 0 : i32
      %dma_wait3A_159 = tpu.memref_slice %arg2[%dma_wait3A_157, %dma_wait3A_158] : memref<50176x64xf32, #tpu.memory_space<hbm>> -> memref<128x64xf32, #tpu.memory_space<hbm>>
      tpu.wait_dma2 semaphore(%arg10 : memref<!tpu.dma_semaphore, #tpu.memory_space<semaphore_mem>>) src(%dma_wait3A_159 : memref<128x64xf32, #tpu.memory_space<hbm>>) dst(%dma_wait3A_156 : memref<128x64xf32, #tpu.memory_space<vmem>>)
      %dma_start3A_160 = arith.constant 1 : i32
      %dma_start3A_161 = arith.constant 1 : i32
      %dma_start3A_162 = arith.constant 1 : i32
      %dma_start3A_163 = arith.constant 0 : i32
      %dma_start3A_164 = arith.constant 0 : i32
      %dma_start3A_165 = tpu.memref_slice %arg7[%dma_start3A_160, %dma_start3A_163, %dma_start3A_164] : memref<3x128x64xf32, #tpu.memory_space<vmem>> -> memref<1x128x64xf32, #tpu.memory_space<vmem>>
      %dma_start3A_166 = tpu.memref_squeeze %dma_start3A_165 : memref<1x128x64xf32, #tpu.memory_space<vmem>> -> memref<128x64xf32, #tpu.memory_space<vmem>>
      %dma_start3A_167 = arith.constant 0 : i32
      %dma_start3A_168 = tpu.memref_slice %arg6[%dma_start3A_161, %dma_start3A_162, %dma_start3A_167] : memref<3x2x128xi32, #tpu.memory_space<vmem>> -> memref<1x1x128xi32, #tpu.memory_space<vmem>>
      %dma_start3A_169 = tpu.memref_squeeze %dma_start3A_168 : memref<1x1x128xi32, #tpu.memory_space<vmem>> -> memref<128xi32, #tpu.memory_space<vmem>>
      %dma_start3A_170 = arith.constant 0 : i32
      %dma_start3A_171 = arith.constant 0 : i32
      %dma_start3A_172 = tpu.memref_slice %arg8[%dma_start3A_170, %dma_start3A_171] : memref<25088x64xf32, #tpu.memory_space<vmem_shared>> -> memref<25088x64xf32, #tpu.memory_space<vmem_shared>>
      tpu.enqueue_indirect_dma source(%dma_start3A_166 : memref<128x64xf32, #tpu.memory_space<vmem>>) target(%dma_start3A_172 : memref<25088x64xf32, #tpu.memory_space<vmem_shared>>) offsets(%dma_start3A_169 : memref<128xi32, #tpu.memory_space<vmem>>) semaphore(%arg13 : memref<!tpu.dma_semaphore, #tpu.memory_space<semaphore_mem>>) {add = true}
      %ge3A_173 = arith.constant 1 : i32
      %ge3A_174 = arith.cmpi sge, %add3A_144, %ge3A_173 : i32
      %le3A_175 = arith.constant 207 : i32
      %le3A_176 = arith.cmpi sle, %add3A_144, %le3A_175 : i32
      %and3A_177 = arith.andi %ge3A_174, %le3A_176 : i1
      %convert_element_type3A_178 = arith.extui %and3A_177 : i1 to i32
      %cond3A_179 = arith.constant 0 : i32
      %cond3A_180 = arith.cmpi ne, %convert_element_type3A_178, %cond3A_179 : i32
      scf.if %cond3A_180 {
        %dma_wait3A_221 = arith.constant 0 : i32
        %dma_wait3A_222 = arith.constant 0 : i32
        %dma_wait3A_223 = arith.constant 0 : i32
        %dma_wait3A_224 = tpu.memref_slice %arg7[%dma_wait3A_221, %dma_wait3A_222, %dma_wait3A_223] : memref<3x128x64xf32, #tpu.memory_space<vmem>> -> memref<1x128x64xf32, #tpu.memory_space<vmem>>
        %dma_wait3A_225 = tpu.memref_squeeze %dma_wait3A_224 : memref<1x128x64xf32, #tpu.memory_space<vmem>> -> memref<128x64xf32, #tpu.memory_space<vmem>>
        %dma_wait3A_226 = arith.constant 0 : i32
        %dma_wait3A_227 = arith.constant 0 : i32
        %dma_wait3A_228 = tpu.memref_slice %arg2[%dma_wait3A_226, %dma_wait3A_227] : memref<50176x64xf32, #tpu.memory_space<hbm>> -> memref<128x64xf32, #tpu.memory_space<hbm>>
        %dma_wait3A_229 = arith.constant 0 : i32
        %dma_wait3A_230 = arith.constant 0 : i32
        %dma_wait3A_231 = tpu.memref_slice %arg7[%dma_wait3A_221, %dma_wait3A_229, %dma_wait3A_230] : memref<3x128x64xf32, #tpu.memory_space<vmem>> -> memref<1x128x64xf32, #tpu.memory_space<vmem>>
        %dma_wait3A_232 = tpu.memref_squeeze %dma_wait3A_231 : memref<1x128x64xf32, #tpu.memory_space<vmem>> -> memref<128x64xf32, #tpu.memory_space<vmem>>
        %dma_wait3A_233 = arith.constant 0 : i32
        %dma_wait3A_234 = arith.constant 0 : i32
        %dma_wait3A_235 = tpu.memref_slice %arg2[%dma_wait3A_233, %dma_wait3A_234] : memref<50176x64xf32, #tpu.memory_space<hbm>> -> memref<128x64xf32, #tpu.memory_space<hbm>>
        tpu.wait_dma2 semaphore(%arg12 : memref<!tpu.dma_semaphore, #tpu.memory_space<semaphore_mem>>) src(%dma_wait3A_235 : memref<128x64xf32, #tpu.memory_space<hbm>>) dst(%dma_wait3A_232 : memref<128x64xf32, #tpu.memory_space<vmem>>)
        %add3A_236 = arith.addi %mul3A_2, %add3A_144 : i32
        %sub3A = arith.constant 1 : i32
        %sub3A_237 = arith.subi %add3A_236, %sub3A : i32
        %add3A_238 = arith.constant 3 : i32
        %add3A_239 = arith.addi %sub3A_237, %add3A_238 : i32
        %run_scoped3A_240 = arith.constant 0 : i32
        "tpu.region"() ({
          %run_scoped3A_254 = tpu.sem_alloc : memref<!tpu.dma_semaphore, #tpu.memory_space<semaphore_mem>>
          %dma_start3A_255 = arith.constant 0 : i32
          %dma_start3A_256 = arith.constant 0 : i32
          %dma_start3A_257 = tpu.memref_slice %arg6[%run_scoped3A_240, %dma_start3A_255, %dma_start3A_256] : memref<3x2x128xi32, #tpu.memory_space<vmem>> -> memref<1x2x128xi32, #tpu.memory_space<vmem>>
          %dma_start3A_258 = tpu.memref_squeeze %dma_start3A_257 : memref<1x2x128xi32, #tpu.memory_space<vmem>> -> memref<2x128xi32, #tpu.memory_space<vmem>>
          %dma_start3A_259 = arith.constant 0 : i32
          %dma_start3A_260 = arith.constant 0 : i32
          %dma_start3A_261 = tpu.memref_slice %arg3[%arg0, %add3A_239, %dma_start3A_259, %dma_start3A_260] : memref<2x3360x2x128xi32, #tpu.memory_space<hbm>> -> memref<1x1x2x128xi32, #tpu.memory_space<hbm>>
          %dma_start3A_262 = tpu.memref_squeeze %dma_start3A_261 : memref<1x1x2x128xi32, #tpu.memory_space<hbm>> -> memref<2x128xi32, #tpu.memory_space<hbm>>
          %dma_start3A_263 = arith.constant 0 : i32
          %dma_start3A_264 = arith.constant 0 : i32
          %dma_start3A_265 = tpu.memref_slice %arg6[%run_scoped3A_240, %dma_start3A_263, %dma_start3A_264] : memref<3x2x128xi32, #tpu.memory_space<vmem>> -> memref<1x2x128xi32, #tpu.memory_space<vmem>>
          %dma_start3A_266 = tpu.memref_squeeze %dma_start3A_265 : memref<1x2x128xi32, #tpu.memory_space<vmem>> -> memref<2x128xi32, #tpu.memory_space<vmem>>
          %dma_start3A_267 = arith.constant 0 : i32
          %dma_start3A_268 = arith.constant 0 : i32
          %dma_start3A_269 = tpu.memref_slice %arg3[%arg0, %add3A_239, %dma_start3A_267, %dma_start3A_268] : memref<2x3360x2x128xi32, #tpu.memory_space<hbm>> -> memref<1x1x2x128xi32, #tpu.memory_space<hbm>>
          %dma_start3A_270 = tpu.memref_squeeze %dma_start3A_269 : memref<1x1x2x128xi32, #tpu.memory_space<hbm>> -> memref<2x128xi32, #tpu.memory_space<hbm>>
          tpu.enqueue_dma source(%dma_start3A_270 : memref<2x128xi32, #tpu.memory_space<hbm>>) target(%dma_start3A_266 : memref<2x128xi32, #tpu.memory_space<vmem>>) target_semaphore(%run_scoped3A_254 : memref<!tpu.dma_semaphore, #tpu.memory_space<semaphore_mem>>)
          %dma_wait3A_271 = arith.constant 0 : i32
          %dma_wait3A_272 = arith.constant 0 : i32
          %dma_wait3A_273 = tpu.memref_slice %arg6[%run_scoped3A_240, %dma_wait3A_271, %dma_wait3A_272] : memref<3x2x128xi32, #tpu.memory_space<vmem>> -> memref<1x2x128xi32, #tpu.memory_space<vmem>>
          %dma_wait3A_274 = tpu.memref_squeeze %dma_wait3A_273 : memref<1x2x128xi32, #tpu.memory_space<vmem>> -> memref<2x128xi32, #tpu.memory_space<vmem>>
          %dma_wait3A_275 = arith.constant 0 : i32
          %dma_wait3A_276 = arith.constant 0 : i32
          %dma_wait3A_277 = tpu.memref_slice %arg3[%arg0, %add3A_239, %dma_wait3A_275, %dma_wait3A_276] : memref<2x3360x2x128xi32, #tpu.memory_space<hbm>> -> memref<1x1x2x128xi32, #tpu.memory_space<hbm>>
          %dma_wait3A_278 = tpu.memref_squeeze %dma_wait3A_277 : memref<1x1x2x128xi32, #tpu.memory_space<hbm>> -> memref<2x128xi32, #tpu.memory_space<hbm>>
          %dma_wait3A_279 = arith.constant 0 : i32
          %dma_wait3A_280 = arith.constant 0 : i32
          %dma_wait3A_281 = tpu.memref_slice %arg6[%run_scoped3A_240, %dma_wait3A_279, %dma_wait3A_280] : memref<3x2x128xi32, #tpu.memory_space<vmem>> -> memref<1x2x128xi32, #tpu.memory_space<vmem>>
          %dma_wait3A_282 = tpu.memref_squeeze %dma_wait3A_281 : memref<1x2x128xi32, #tpu.memory_space<vmem>> -> memref<2x128xi32, #tpu.memory_space<vmem>>
          %dma_wait3A_283 = arith.constant 0 : i32
          %dma_wait3A_284 = arith.constant 0 : i32
          %dma_wait3A_285 = tpu.memref_slice %arg3[%arg0, %add3A_239, %dma_wait3A_283, %dma_wait3A_284] : memref<2x3360x2x128xi32, #tpu.memory_space<hbm>> -> memref<1x1x2x128xi32, #tpu.memory_space<hbm>>
          %dma_wait3A_286 = tpu.memref_squeeze %dma_wait3A_285 : memref<1x1x2x128xi32, #tpu.memory_space<hbm>> -> memref<2x128xi32, #tpu.memory_space<hbm>>
          tpu.wait_dma2 semaphore(%run_scoped3A_254 : memref<!tpu.dma_semaphore, #tpu.memory_space<semaphore_mem>>) src(%dma_wait3A_286 : memref<2x128xi32, #tpu.memory_space<hbm>>) dst(%dma_wait3A_282 : memref<2x128xi32, #tpu.memory_space<vmem>>)
          tpu.yield
        }) : () -> ()
        %dma_start3A_241 = arith.constant 0 : i32
        %dma_start3A_242 = arith.constant 0 : i32
        %dma_start3A_243 = arith.constant 0 : i32
        %dma_start3A_244 = arith.constant 0 : i32
        %dma_start3A_245 = arith.constant 0 : i32
        %dma_start3A_246 = tpu.memref_slice %arg7[%dma_start3A_243, %dma_start3A_244, %dma_start3A_245] : memref<3x128x64xf32, #tpu.memory_space<vmem>> -> memref<1x128x64xf32, #tpu.memory_space<vmem>>
        %dma_start3A_247 = tpu.memref_squeeze %dma_start3A_246 : memref<1x128x64xf32, #tpu.memory_space<vmem>> -> memref<128x64xf32, #tpu.memory_space<vmem>>
        %dma_start3A_248 = arith.constant 0 : i32
        %dma_start3A_249 = tpu.memref_slice %arg6[%dma_start3A_241, %dma_start3A_242, %dma_start3A_248] : memref<3x2x128xi32, #tpu.memory_space<vmem>> -> memref<1x1x128xi32, #tpu.memory_space<vmem>>
        %dma_start3A_250 = tpu.memref_squeeze %dma_start3A_249 : memref<1x1x128xi32, #tpu.memory_space<vmem>> -> memref<128xi32, #tpu.memory_space<vmem>>
        %dma_start3A_251 = arith.constant 0 : i32
        %dma_start3A_252 = arith.constant 0 : i32
        %dma_start3A_253 = tpu.memref_slice %arg2[%dma_start3A_251, %dma_start3A_252] : memref<50176x64xf32, #tpu.memory_space<hbm>> -> memref<50176x64xf32, #tpu.memory_space<hbm>>
        tpu.enqueue_indirect_dma source(%dma_start3A_253 : memref<50176x64xf32, #tpu.memory_space<hbm>>) target(%dma_start3A_247 : memref<128x64xf32, #tpu.memory_space<vmem>>) offsets(%dma_start3A_250 : memref<128xi32, #tpu.memory_space<vmem>>) semaphore(%arg9 : memref<!tpu.dma_semaphore, #tpu.memory_space<semaphore_mem>>)
      } else {
      }
      %mul3A_181 = arith.constant 3 : i32
      %mul3A_182 = arith.muli %add3A_105, %mul3A_181 : i32
      %add3A_183 = arith.constant 2 : i32
      %add3A_184 = arith.addi %mul3A_182, %add3A_183 : i32
      %dma_wait3A_185 = arith.constant 2 : i32
      %dma_wait3A_186 = arith.constant 0 : i32
      %dma_wait3A_187 = arith.constant 0 : i32
      %dma_wait3A_188 = tpu.memref_slice %arg7[%dma_wait3A_185, %dma_wait3A_186, %dma_wait3A_187] : memref<3x128x64xf32, #tpu.memory_space<vmem>> -> memref<1x128x64xf32, #tpu.memory_space<vmem>>
      %dma_wait3A_189 = tpu.memref_squeeze %dma_wait3A_188 : memref<1x128x64xf32, #tpu.memory_space<vmem>> -> memref<128x64xf32, #tpu.memory_space<vmem>>
      %dma_wait3A_190 = arith.constant 0 : i32
      %dma_wait3A_191 = arith.constant 0 : i32
      %dma_wait3A_192 = tpu.memref_slice %arg2[%dma_wait3A_190, %dma_wait3A_191] : memref<50176x64xf32, #tpu.memory_space<hbm>> -> memref<128x64xf32, #tpu.memory_space<hbm>>
      %dma_wait3A_193 = arith.constant 0 : i32
      %dma_wait3A_194 = arith.constant 0 : i32
      %dma_wait3A_195 = tpu.memref_slice %arg7[%dma_wait3A_185, %dma_wait3A_193, %dma_wait3A_194] : memref<3x128x64xf32, #tpu.memory_space<vmem>> -> memref<1x128x64xf32, #tpu.memory_space<vmem>>
      %dma_wait3A_196 = tpu.memref_squeeze %dma_wait3A_195 : memref<1x128x64xf32, #tpu.memory_space<vmem>> -> memref<128x64xf32, #tpu.memory_space<vmem>>
      %dma_wait3A_197 = arith.constant 0 : i32
      %dma_wait3A_198 = arith.constant 0 : i32
      %dma_wait3A_199 = tpu.memref_slice %arg2[%dma_wait3A_197, %dma_wait3A_198] : memref<50176x64xf32, #tpu.memory_space<hbm>> -> memref<128x64xf32, #tpu.memory_space<hbm>>
      tpu.wait_dma2 semaphore(%arg11 : memref<!tpu.dma_semaphore, #tpu.memory_space<semaphore_mem>>) src(%dma_wait3A_199 : memref<128x64xf32, #tpu.memory_space<hbm>>) dst(%dma_wait3A_196 : memref<128x64xf32, #tpu.memory_space<vmem>>)
      %dma_start3A_200 = arith.constant 2 : i32
      %dma_start3A_201 = arith.constant 2 : i32
      %dma_start3A_202 = arith.constant 1 : i32
      %dma_start3A_203 = arith.constant 0 : i32
      %dma_start3A_204 = arith.constant 0 : i32
      %dma_start3A_205 = tpu.memref_slice %arg7[%dma_start3A_200, %dma_start3A_203, %dma_start3A_204] : memref<3x128x64xf32, #tpu.memory_space<vmem>> -> memref<1x128x64xf32, #tpu.memory_space<vmem>>
      %dma_start3A_206 = tpu.memref_squeeze %dma_start3A_205 : memref<1x128x64xf32, #tpu.memory_space<vmem>> -> memref<128x64xf32, #tpu.memory_space<vmem>>
      %dma_start3A_207 = arith.constant 0 : i32
      %dma_start3A_208 = tpu.memref_slice %arg6[%dma_start3A_201, %dma_start3A_202, %dma_start3A_207] : memref<3x2x128xi32, #tpu.memory_space<vmem>> -> memref<1x1x128xi32, #tpu.memory_space<vmem>>
      %dma_start3A_209 = tpu.memref_squeeze %dma_start3A_208 : memref<1x1x128xi32, #tpu.memory_space<vmem>> -> memref<128xi32, #tpu.memory_space<vmem>>
      %dma_start3A_210 = arith.constant 0 : i32
      %dma_start3A_211 = arith.constant 0 : i32
      %dma_start3A_212 = tpu.memref_slice %arg8[%dma_start3A_210, %dma_start3A_211] : memref<25088x64xf32, #tpu.memory_space<vmem_shared>> -> memref<25088x64xf32, #tpu.memory_space<vmem_shared>>
      tpu.enqueue_indirect_dma source(%dma_start3A_206 : memref<128x64xf32, #tpu.memory_space<vmem>>) target(%dma_start3A_212 : memref<25088x64xf32, #tpu.memory_space<vmem_shared>>) offsets(%dma_start3A_209 : memref<128xi32, #tpu.memory_space<vmem>>) semaphore(%arg14 : memref<!tpu.dma_semaphore, #tpu.memory_space<semaphore_mem>>) {add = true}
      %ge3A_213 = arith.constant 1 : i32
      %ge3A_214 = arith.cmpi sge, %add3A_184, %ge3A_213 : i32
      %le3A_215 = arith.constant 207 : i32
      %le3A_216 = arith.cmpi sle, %add3A_184, %le3A_215 : i32
      %and3A_217 = arith.andi %ge3A_214, %le3A_216 : i1
      %convert_element_type3A_218 = arith.extui %and3A_217 : i1 to i32
      %cond3A_219 = arith.constant 0 : i32
      %cond3A_220 = arith.cmpi ne, %convert_element_type3A_218, %cond3A_219 : i32
      scf.if %cond3A_220 {
        %dma_wait3A_221 = arith.constant 1 : i32
        %dma_wait3A_222 = arith.constant 0 : i32
        %dma_wait3A_223 = arith.constant 0 : i32
        %dma_wait3A_224 = tpu.memref_slice %arg7[%dma_wait3A_221, %dma_wait3A_222, %dma_wait3A_223] : memref<3x128x64xf32, #tpu.memory_space<vmem>> -> memref<1x128x64xf32, #tpu.memory_space<vmem>>
        %dma_wait3A_225 = tpu.memref_squeeze %dma_wait3A_224 : memref<1x128x64xf32, #tpu.memory_space<vmem>> -> memref<128x64xf32, #tpu.memory_space<vmem>>
        %dma_wait3A_226 = arith.constant 0 : i32
        %dma_wait3A_227 = arith.constant 0 : i32
        %dma_wait3A_228 = tpu.memref_slice %arg2[%dma_wait3A_226, %dma_wait3A_227] : memref<50176x64xf32, #tpu.memory_space<hbm>> -> memref<128x64xf32, #tpu.memory_space<hbm>>
        %dma_wait3A_229 = arith.constant 0 : i32
        %dma_wait3A_230 = arith.constant 0 : i32
        %dma_wait3A_231 = tpu.memref_slice %arg7[%dma_wait3A_221, %dma_wait3A_229, %dma_wait3A_230] : memref<3x128x64xf32, #tpu.memory_space<vmem>> -> memref<1x128x64xf32, #tpu.memory_space<vmem>>
        %dma_wait3A_232 = tpu.memref_squeeze %dma_wait3A_231 : memref<1x128x64xf32, #tpu.memory_space<vmem>> -> memref<128x64xf32, #tpu.memory_space<vmem>>
        %dma_wait3A_233 = arith.constant 0 : i32
        %dma_wait3A_234 = arith.constant 0 : i32
        %dma_wait3A_235 = tpu.memref_slice %arg2[%dma_wait3A_233, %dma_wait3A_234] : memref<50176x64xf32, #tpu.memory_space<hbm>> -> memref<128x64xf32, #tpu.memory_space<hbm>>
        tpu.wait_dma2 semaphore(%arg13 : memref<!tpu.dma_semaphore, #tpu.memory_space<semaphore_mem>>) src(%dma_wait3A_235 : memref<128x64xf32, #tpu.memory_space<hbm>>) dst(%dma_wait3A_232 : memref<128x64xf32, #tpu.memory_space<vmem>>)
        %add3A_236 = arith.addi %mul3A_2, %add3A_184 : i32
        %sub3A = arith.constant 1 : i32
        %sub3A_237 = arith.subi %add3A_236, %sub3A : i32
        %add3A_238 = arith.constant 3 : i32
        %add3A_239 = arith.addi %sub3A_237, %add3A_238 : i32
        %run_scoped3A_240 = arith.constant 1 : i32
        "tpu.region"() ({
          %run_scoped3A_254 = tpu.sem_alloc : memref<!tpu.dma_semaphore, #tpu.memory_space<semaphore_mem>>
          %dma_start3A_255 = arith.constant 0 : i32
          %dma_start3A_256 = arith.constant 0 : i32
          %dma_start3A_257 = tpu.memref_slice %arg6[%run_scoped3A_240, %dma_start3A_255, %dma_start3A_256] : memref<3x2x128xi32, #tpu.memory_space<vmem>> -> memref<1x2x128xi32, #tpu.memory_space<vmem>>
          %dma_start3A_258 = tpu.memref_squeeze %dma_start3A_257 : memref<1x2x128xi32, #tpu.memory_space<vmem>> -> memref<2x128xi32, #tpu.memory_space<vmem>>
          %dma_start3A_259 = arith.constant 0 : i32
          %dma_start3A_260 = arith.constant 0 : i32
          %dma_start3A_261 = tpu.memref_slice %arg3[%arg0, %add3A_239, %dma_start3A_259, %dma_start3A_260] : memref<2x3360x2x128xi32, #tpu.memory_space<hbm>> -> memref<1x1x2x128xi32, #tpu.memory_space<hbm>>
          %dma_start3A_262 = tpu.memref_squeeze %dma_start3A_261 : memref<1x1x2x128xi32, #tpu.memory_space<hbm>> -> memref<2x128xi32, #tpu.memory_space<hbm>>
          %dma_start3A_263 = arith.constant 0 : i32
          %dma_start3A_264 = arith.constant 0 : i32
          %dma_start3A_265 = tpu.memref_slice %arg6[%run_scoped3A_240, %dma_start3A_263, %dma_start3A_264] : memref<3x2x128xi32, #tpu.memory_space<vmem>> -> memref<1x2x128xi32, #tpu.memory_space<vmem>>
          %dma_start3A_266 = tpu.memref_squeeze %dma_start3A_265 : memref<1x2x128xi32, #tpu.memory_space<vmem>> -> memref<2x128xi32, #tpu.memory_space<vmem>>
          %dma_start3A_267 = arith.constant 0 : i32
          %dma_start3A_268 = arith.constant 0 : i32
          %dma_start3A_269 = tpu.memref_slice %arg3[%arg0, %add3A_239, %dma_start3A_267, %dma_start3A_268] : memref<2x3360x2x128xi32, #tpu.memory_space<hbm>> -> memref<1x1x2x128xi32, #tpu.memory_space<hbm>>
          %dma_start3A_270 = tpu.memref_squeeze %dma_start3A_269 : memref<1x1x2x128xi32, #tpu.memory_space<hbm>> -> memref<2x128xi32, #tpu.memory_space<hbm>>
          tpu.enqueue_dma source(%dma_start3A_270 : memref<2x128xi32, #tpu.memory_space<hbm>>) target(%dma_start3A_266 : memref<2x128xi32, #tpu.memory_space<vmem>>) target_semaphore(%run_scoped3A_254 : memref<!tpu.dma_semaphore, #tpu.memory_space<semaphore_mem>>)
          %dma_wait3A_271 = arith.constant 0 : i32
          %dma_wait3A_272 = arith.constant 0 : i32
          %dma_wait3A_273 = tpu.memref_slice %arg6[%run_scoped3A_240, %dma_wait3A_271, %dma_wait3A_272] : memref<3x2x128xi32, #tpu.memory_space<vmem>> -> memref<1x2x128xi32, #tpu.memory_space<vmem>>
          %dma_wait3A_274 = tpu.memref_squeeze %dma_wait3A_273 : memref<1x2x128xi32, #tpu.memory_space<vmem>> -> memref<2x128xi32, #tpu.memory_space<vmem>>
          %dma_wait3A_275 = arith.constant 0 : i32
          %dma_wait3A_276 = arith.constant 0 : i32
          %dma_wait3A_277 = tpu.memref_slice %arg3[%arg0, %add3A_239, %dma_wait3A_275, %dma_wait3A_276] : memref<2x3360x2x128xi32, #tpu.memory_space<hbm>> -> memref<1x1x2x128xi32, #tpu.memory_space<hbm>>
          %dma_wait3A_278 = tpu.memref_squeeze %dma_wait3A_277 : memref<1x1x2x128xi32, #tpu.memory_space<hbm>> -> memref<2x128xi32, #tpu.memory_space<hbm>>
          %dma_wait3A_279 = arith.constant 0 : i32
          %dma_wait3A_280 = arith.constant 0 : i32
          %dma_wait3A_281 = tpu.memref_slice %arg6[%run_scoped3A_240, %dma_wait3A_279, %dma_wait3A_280] : memref<3x2x128xi32, #tpu.memory_space<vmem>> -> memref<1x2x128xi32, #tpu.memory_space<vmem>>
          %dma_wait3A_282 = tpu.memref_squeeze %dma_wait3A_281 : memref<1x2x128xi32, #tpu.memory_space<vmem>> -> memref<2x128xi32, #tpu.memory_space<vmem>>
          %dma_wait3A_283 = arith.constant 0 : i32
          %dma_wait3A_284 = arith.constant 0 : i32
          %dma_wait3A_285 = tpu.memref_slice %arg3[%arg0, %add3A_239, %dma_wait3A_283, %dma_wait3A_284] : memref<2x3360x2x128xi32, #tpu.memory_space<hbm>> -> memref<1x1x2x128xi32, #tpu.memory_space<hbm>>
          %dma_wait3A_286 = tpu.memref_squeeze %dma_wait3A_285 : memref<1x1x2x128xi32, #tpu.memory_space<hbm>> -> memref<2x128xi32, #tpu.memory_space<hbm>>
          tpu.wait_dma2 semaphore(%run_scoped3A_254 : memref<!tpu.dma_semaphore, #tpu.memory_space<semaphore_mem>>) src(%dma_wait3A_286 : memref<2x128xi32, #tpu.memory_space<hbm>>) dst(%dma_wait3A_282 : memref<2x128xi32, #tpu.memory_space<vmem>>)
          tpu.yield
        }) : () -> ()
        %dma_start3A_241 = arith.constant 1 : i32
        %dma_start3A_242 = arith.constant 0 : i32
        %dma_start3A_243 = arith.constant 1 : i32
        %dma_start3A_244 = arith.constant 0 : i32
        %dma_start3A_245 = arith.constant 0 : i32
        %dma_start3A_246 = tpu.memref_slice %arg7[%dma_start3A_243, %dma_start3A_244, %dma_start3A_245] : memref<3x128x64xf32, #tpu.memory_space<vmem>> -> memref<1x128x64xf32, #tpu.memory_space<vmem>>
        %dma_start3A_247 = tpu.memref_squeeze %dma_start3A_246 : memref<1x128x64xf32, #tpu.memory_space<vmem>> -> memref<128x64xf32, #tpu.memory_space<vmem>>
        %dma_start3A_248 = arith.constant 0 : i32
        %dma_start3A_249 = tpu.memref_slice %arg6[%dma_start3A_241, %dma_start3A_242, %dma_start3A_248] : memref<3x2x128xi32, #tpu.memory_space<vmem>> -> memref<1x1x128xi32, #tpu.memory_space<vmem>>
        %dma_start3A_250 = tpu.memref_squeeze %dma_start3A_249 : memref<1x1x128xi32, #tpu.memory_space<vmem>> -> memref<128xi32, #tpu.memory_space<vmem>>
        %dma_start3A_251 = arith.constant 0 : i32
        %dma_start3A_252 = arith.constant 0 : i32
        %dma_start3A_253 = tpu.memref_slice %arg2[%dma_start3A_251, %dma_start3A_252] : memref<50176x64xf32, #tpu.memory_space<hbm>> -> memref<50176x64xf32, #tpu.memory_space<hbm>>
        tpu.enqueue_indirect_dma source(%dma_start3A_253 : memref<50176x64xf32, #tpu.memory_space<hbm>>) target(%dma_start3A_247 : memref<128x64xf32, #tpu.memory_space<vmem>>) offsets(%dma_start3A_250 : memref<128xi32, #tpu.memory_space<vmem>>) semaphore(%arg10 : memref<!tpu.dma_semaphore, #tpu.memory_space<semaphore_mem>>)
      } else {
      }
    }
    %scan3A_51 = arith.constant 70 : i32
    %dma_wait3A = arith.constant 0 : i32
    %dma_wait3A_52 = arith.constant 0 : i32
    %dma_wait3A_53 = arith.constant 0 : i32
    %dma_wait3A_54 = tpu.memref_slice %arg7[%dma_wait3A, %dma_wait3A_52, %dma_wait3A_53] : memref<3x128x64xf32, #tpu.memory_space<vmem>> -> memref<1x128x64xf32, #tpu.memory_space<vmem>>
    %dma_wait3A_55 = tpu.memref_squeeze %dma_wait3A_54 : memref<1x128x64xf32, #tpu.memory_space<vmem>> -> memref<128x64xf32, #tpu.memory_space<vmem>>
    %dma_wait3A_56 = arith.constant 0 : i32
    %dma_wait3A_57 = arith.constant 0 : i32
    %dma_wait3A_58 = tpu.memref_slice %arg2[%dma_wait3A_56, %dma_wait3A_57] : memref<50176x64xf32, #tpu.memory_space<hbm>> -> memref<128x64xf32, #tpu.memory_space<hbm>>
    %dma_wait3A_59 = arith.constant 0 : i32
    %dma_wait3A_60 = arith.constant 0 : i32
    %dma_wait3A_61 = tpu.memref_slice %arg7[%dma_wait3A, %dma_wait3A_59, %dma_wait3A_60] : memref<3x128x64xf32, #tpu.memory_space<vmem>> -> memref<1x128x64xf32, #tpu.memory_space<vmem>>
    %dma_wait3A_62 = tpu.memref_squeeze %dma_wait3A_61 : memref<1x128x64xf32, #tpu.memory_space<vmem>> -> memref<128x64xf32, #tpu.memory_space<vmem>>
    %dma_wait3A_63 = arith.constant 0 : i32
    %dma_wait3A_64 = arith.constant 0 : i32
    %dma_wait3A_65 = tpu.memref_slice %arg2[%dma_wait3A_63, %dma_wait3A_64] : memref<50176x64xf32, #tpu.memory_space<hbm>> -> memref<128x64xf32, #tpu.memory_space<hbm>>
    tpu.wait_dma2 semaphore(%arg12 : memref<!tpu.dma_semaphore, #tpu.memory_space<semaphore_mem>>) src(%dma_wait3A_65 : memref<128x64xf32, #tpu.memory_space<hbm>>) dst(%dma_wait3A_62 : memref<128x64xf32, #tpu.memory_space<vmem>>)
    %dma_wait3A_66 = arith.constant 1 : i32
    %dma_wait3A_67 = arith.constant 0 : i32
    %dma_wait3A_68 = arith.constant 0 : i32
    %dma_wait3A_69 = tpu.memref_slice %arg7[%dma_wait3A_66, %dma_wait3A_67, %dma_wait3A_68] : memref<3x128x64xf32, #tpu.memory_space<vmem>> -> memref<1x128x64xf32, #tpu.memory_space<vmem>>
    %dma_wait3A_70 = tpu.memref_squeeze %dma_wait3A_69 : memref<1x128x64xf32, #tpu.memory_space<vmem>> -> memref<128x64xf32, #tpu.memory_space<vmem>>
    %dma_wait3A_71 = arith.constant 0 : i32
    %dma_wait3A_72 = arith.constant 0 : i32
    %dma_wait3A_73 = tpu.memref_slice %arg2[%dma_wait3A_71, %dma_wait3A_72] : memref<50176x64xf32, #tpu.memory_space<hbm>> -> memref<128x64xf32, #tpu.memory_space<hbm>>
    %dma_wait3A_74 = arith.constant 0 : i32
    %dma_wait3A_75 = arith.constant 0 : i32
    %dma_wait3A_76 = tpu.memref_slice %arg7[%dma_wait3A_66, %dma_wait3A_74, %dma_wait3A_75] : memref<3x128x64xf32, #tpu.memory_space<vmem>> -> memref<1x128x64xf32, #tpu.memory_space<vmem>>
    %dma_wait3A_77 = tpu.memref_squeeze %dma_wait3A_76 : memref<1x128x64xf32, #tpu.memory_space<vmem>> -> memref<128x64xf32, #tpu.memory_space<vmem>>
    %dma_wait3A_78 = arith.constant 0 : i32
    %dma_wait3A_79 = arith.constant 0 : i32
    %dma_wait3A_80 = tpu.memref_slice %arg2[%dma_wait3A_78, %dma_wait3A_79] : memref<50176x64xf32, #tpu.memory_space<hbm>> -> memref<128x64xf32, #tpu.memory_space<hbm>>
    tpu.wait_dma2 semaphore(%arg13 : memref<!tpu.dma_semaphore, #tpu.memory_space<semaphore_mem>>) src(%dma_wait3A_80 : memref<128x64xf32, #tpu.memory_space<hbm>>) dst(%dma_wait3A_77 : memref<128x64xf32, #tpu.memory_space<vmem>>)
    %dma_wait3A_81 = arith.constant 2 : i32
    %dma_wait3A_82 = arith.constant 0 : i32
    %dma_wait3A_83 = arith.constant 0 : i32
    %dma_wait3A_84 = tpu.memref_slice %arg7[%dma_wait3A_81, %dma_wait3A_82, %dma_wait3A_83] : memref<3x128x64xf32, #tpu.memory_space<vmem>> -> memref<1x128x64xf32, #tpu.memory_space<vmem>>
    %dma_wait3A_85 = tpu.memref_squeeze %dma_wait3A_84 : memref<1x128x64xf32, #tpu.memory_space<vmem>> -> memref<128x64xf32, #tpu.memory_space<vmem>>
    %dma_wait3A_86 = arith.constant 0 : i32
    %dma_wait3A_87 = arith.constant 0 : i32
    %dma_wait3A_88 = tpu.memref_slice %arg2[%dma_wait3A_86, %dma_wait3A_87] : memref<50176x64xf32, #tpu.memory_space<hbm>> -> memref<128x64xf32, #tpu.memory_space<hbm>>
    %dma_wait3A_89 = arith.constant 0 : i32
    %dma_wait3A_90 = arith.constant 0 : i32
    %dma_wait3A_91 = tpu.memref_slice %arg7[%dma_wait3A_81, %dma_wait3A_89, %dma_wait3A_90] : memref<3x128x64xf32, #tpu.memory_space<vmem>> -> memref<1x128x64xf32, #tpu.memory_space<vmem>>
    %dma_wait3A_92 = tpu.memref_squeeze %dma_wait3A_91 : memref<1x128x64xf32, #tpu.memory_space<vmem>> -> memref<128x64xf32, #tpu.memory_space<vmem>>
    %dma_wait3A_93 = arith.constant 0 : i32
    %dma_wait3A_94 = arith.constant 0 : i32
    %dma_wait3A_95 = tpu.memref_slice %arg2[%dma_wait3A_93, %dma_wait3A_94] : memref<50176x64xf32, #tpu.memory_space<hbm>> -> memref<128x64xf32, #tpu.memory_space<hbm>>
    tpu.wait_dma2 semaphore(%arg14 : memref<!tpu.dma_semaphore, #tpu.memory_space<semaphore_mem>>) src(%dma_wait3A_95 : memref<128x64xf32, #tpu.memory_space<hbm>>) dst(%dma_wait3A_92 : memref<128x64xf32, #tpu.memory_space<vmem>>)
    %barrier3A_96 = arith.constant 0 : index
    tpu.barrier barrier_id(%barrier3A_96)
    %mul3A_97 = arith.constant 1568 : i32
    %mul3A_98 = arith.muli %arg1, %mul3A_97 : i32
    %mul3A_99 = arith.constant 1568 : i32
    %mul3A_100 = arith.muli %arg1, %mul3A_99 : i32
    "tpu.region"() ({
      %run_scoped3A_101 = tpu.sem_alloc : memref<!tpu.dma_semaphore, #tpu.memory_space<semaphore_mem>>
      %dma_start3A_102 = arith.constant 0 : i32
      %dma_start3A_103 = tpu.memref_slice %arg5[%arg0, %mul3A_100, %dma_start3A_102] : memref<2x25088x64xf32, #tpu.memory_space<hbm>> -> memref<1x1568x64xf32, #tpu.memory_space<hbm>>
      %dma_start3A_104 = tpu.memref_squeeze %dma_start3A_103 : memref<1x1568x64xf32, #tpu.memory_space<hbm>> -> memref<1568x64xf32, #tpu.memory_space<hbm>>
      %dma_start3A_105 = arith.constant 0 : i32
      %dma_start3A_106 = tpu.memref_slice %arg8[%mul3A_98, %dma_start3A_105] : memref<25088x64xf32, #tpu.memory_space<vmem_shared>> -> memref<1568x64xf32, #tpu.memory_space<vmem_shared>>
      tpu.enqueue_dma source(%dma_start3A_106 : memref<1568x64xf32, #tpu.memory_space<vmem_shared>>) target(%dma_start3A_104 : memref<1568x64xf32, #tpu.memory_space<hbm>>) target_semaphore(%run_scoped3A_101 : memref<!tpu.dma_semaphore, #tpu.memory_space<semaphore_mem>>)
      %dma_wait3A_107 = arith.constant 0 : i32
      %dma_wait3A_108 = tpu.memref_slice %arg5[%arg0, %mul3A_100, %dma_wait3A_107] : memref<2x25088x64xf32, #tpu.memory_space<hbm>> -> memref<1x1568x64xf32, #tpu.memory_space<hbm>>
      %dma_wait3A_109 = tpu.memref_squeeze %dma_wait3A_108 : memref<1x1568x64xf32, #tpu.memory_space<hbm>> -> memref<1568x64xf32, #tpu.memory_space<hbm>>
      %dma_wait3A_110 = arith.constant 0 : i32
      %dma_wait3A_111 = tpu.memref_slice %arg8[%mul3A_98, %dma_wait3A_110] : memref<25088x64xf32, #tpu.memory_space<vmem_shared>> -> memref<1568x64xf32, #tpu.memory_space<vmem_shared>>
      tpu.wait_dma2 semaphore(%run_scoped3A_101 : memref<!tpu.dma_semaphore, #tpu.memory_space<semaphore_mem>>) src(%dma_wait3A_111 : memref<1568x64xf32, #tpu.memory_space<vmem_shared>>) dst(%dma_wait3A_109 : memref<1568x64xf32, #tpu.memory_space<hbm>>)
      tpu.yield
    }) : () -> ()
    return
  }
}

#map = affine_map<(d0, d1) -> (0, 0)>
#map1 = affine_map<(d0, d1) -> (0, 0, 0, 0)>
#map2 = affine_map<(d0, d1) -> (0, 0, 0)>
module attributes {stable_mosaic.version = 14 : i64} {
  func.func @k(%arg0: i32, %arg1: i32, %arg2: memref<50176x64xf32, #tpu.memory_space<hbm>>, %arg3: memref<2x3360x2x128xi32, #tpu.memory_space<hbm>>, %arg4: memref<1568x64xf32, #tpu.memory_space<hbm>>, %arg5: memref<2x25088x64xf32, #tpu.memory_space<hbm>>, %arg6: memref<3x2x128xi32, #tpu.memory_space<vmem>>, %arg7: memref<3x128x64xf32, #tpu.memory_space<vmem>>, %arg8: memref<25088x64xf32, #tpu.memory_space<vmem_shared>>, %arg9: memref<!tpu.dma_semaphore, #tpu.memory_space<semaphore_mem>>, %arg10: memref<!tpu.dma_semaphore, #tpu.memory_space<semaphore_mem>>, %arg11: memref<!tpu.dma_semaphore, #tpu.memory_space<semaphore_mem>>, %arg12: memref<!tpu.dma_semaphore, #tpu.memory_space<semaphore_mem>>, %arg13: memref<!tpu.dma_semaphore, #tpu.memory_space<semaphore_mem>>, %arg14: memref<!tpu.dma_semaphore, #tpu.memory_space<semaphore_mem>>) attributes {dimension_semantics = [#tpu.dimension_semantics<core_parallel>, #tpu.dimension_semantics<subcore_parallel>], iteration_bounds = array<i64: 2, 16>, scalar_prefetch = 0 : i64, scratch_operands = 9 : i64, tpu.core_type = #tpu.core_type<sc_vector_subcore>, window_params = [{transform_indices = #map}, {transform_indices = #map1}, {transform_indices = #map}, {transform_indices = #map2}]} {
    %mul3A = arith.constant 1568 : i32
    %mul3A_0 = arith.muli %arg1, %mul3A : i32
    "tpu.region"() ({
      %run_scoped3A_101 = tpu.sem_alloc : memref<!tpu.dma_semaphore, #tpu.memory_space<semaphore_mem>>
      %dma_start3A_102 = arith.constant 0 : i32
      %dma_start3A_103 = tpu.memref_slice %arg8[%mul3A_0, %dma_start3A_102] : memref<25088x64xf32, #tpu.memory_space<vmem_shared>> -> memref<1568x64xf32, #tpu.memory_space<vmem_shared>>
      tpu.enqueue_dma source(%arg4 : memref<1568x64xf32, #tpu.memory_space<hbm>>) target(%dma_start3A_103 : memref<1568x64xf32, #tpu.memory_space<vmem_shared>>) target_semaphore(%run_scoped3A_101 : memref<!tpu.dma_semaphore, #tpu.memory_space<semaphore_mem>>)
      %dma_wait3A_104 = arith.constant 0 : i32
      %dma_wait3A_105 = tpu.memref_slice %arg8[%mul3A_0, %dma_wait3A_104] : memref<25088x64xf32, #tpu.memory_space<vmem_shared>> -> memref<1568x64xf32, #tpu.memory_space<vmem_shared>>
      tpu.wait_dma2 semaphore(%run_scoped3A_101 : memref<!tpu.dma_semaphore, #tpu.memory_space<semaphore_mem>>) src(%arg4 : memref<1568x64xf32, #tpu.memory_space<hbm>>) dst(%dma_wait3A_105 : memref<1568x64xf32, #tpu.memory_space<vmem_shared>>)
      tpu.yield
    }) : () -> ()
    %barrier3A = arith.constant 0 : index
    tpu.barrier barrier_id(%barrier3A)
    %mul3A_1 = arith.constant 210 : i32
    %mul3A_2 = arith.muli %arg1, %mul3A_1 : i32
    %add3A = arith.constant 0 : i32
    %add3A_3 = arith.addi %mul3A_2, %add3A : i32
    %run_scoped3A = arith.constant 0 : i32
    "tpu.region"() ({
      %run_scoped3A_101 = tpu.sem_alloc : memref<!tpu.dma_semaphore, #tpu.memory_space<semaphore_mem>>
      %dma_start3A_102 = arith.constant 0 : i32
      %dma_start3A_103 = arith.constant 0 : i32
      %dma_start3A_104 = tpu.memref_slice %arg6[%run_scoped3A, %dma_start3A_102, %dma_start3A_103] : memref<3x2x128xi32, #tpu.memory_space<vmem>> -> memref<1x2x128xi32, #tpu.memory_space<vmem>>
      %dma_start3A_105 = tpu.memref_squeeze %dma_start3A_104 : memref<1x2x128xi32, #tpu.memory_space<vmem>> -> memref<2x128xi32, #tpu.memory_space<vmem>>
      %dma_start3A_106 = arith.constant 0 : i32
      %dma_start3A_107 = arith.constant 0 : i32
      %dma_start3A_108 = tpu.memref_slice %arg3[%arg0, %add3A_3, %dma_start3A_106, %dma_start3A_107] : memref<2x3360x2x128xi32, #tpu.memory_space<hbm>> -> memref<1x1x2x128xi32, #tpu.memory_space<hbm>>
      %dma_start3A_109 = tpu.memref_squeeze %dma_start3A_108 : memref<1x1x2x128xi32, #tpu.memory_space<hbm>> -> memref<2x128xi32, #tpu.memory_space<hbm>>
      %dma_start3A_110 = arith.constant 0 : i32
      %dma_start3A_111 = arith.constant 0 : i32
      %dma_start3A_112 = tpu.memref_slice %arg6[%run_scoped3A, %dma_start3A_110, %dma_start3A_111] : memref<3x2x128xi32, #tpu.memory_space<vmem>> -> memref<1x2x128xi32, #tpu.memory_space<vmem>>
      %dma_start3A_113 = tpu.memref_squeeze %dma_start3A_112 : memref<1x2x128xi32, #tpu.memory_space<vmem>> -> memref<2x128xi32, #tpu.memory_space<vmem>>
      %dma_start3A_114 = arith.constant 0 : i32
      %dma_start3A_115 = arith.constant 0 : i32
      %dma_start3A_116 = tpu.memref_slice %arg3[%arg0, %add3A_3, %dma_start3A_114, %dma_start3A_115] : memref<2x3360x2x128xi32, #tpu.memory_space<hbm>> -> memref<1x1x2x128xi32, #tpu.memory_space<hbm>>
      %dma_start3A_117 = tpu.memref_squeeze %dma_start3A_116 : memref<1x1x2x128xi32, #tpu.memory_space<hbm>> -> memref<2x128xi32, #tpu.memory_space<hbm>>
      tpu.enqueue_dma source(%dma_start3A_117 : memref<2x128xi32, #tpu.memory_space<hbm>>) target(%dma_start3A_113 : memref<2x128xi32, #tpu.memory_space<vmem>>) target_semaphore(%run_scoped3A_101 : memref<!tpu.dma_semaphore, #tpu.memory_space<semaphore_mem>>)
      %dma_wait3A_118 = arith.constant 0 : i32
      %dma_wait3A_119 = arith.constant 0 : i32
      %dma_wait3A_120 = tpu.memref_slice %arg6[%run_scoped3A, %dma_wait3A_118, %dma_wait3A_119] : memref<3x2x128xi32, #tpu.memory_space<vmem>> -> memref<1x2x128xi32, #tpu.memory_space<vmem>>
      %dma_wait3A_121 = tpu.memref_squeeze %dma_wait3A_120 : memref<1x2x128xi32, #tpu.memory_space<vmem>> -> memref<2x128xi32, #tpu.memory_space<vmem>>
      %dma_wait3A_122 = arith.constant 0 : i32
      %dma_wait3A_123 = arith.constant 0 : i32
      %dma_wait3A_124 = tpu.memref_slice %arg3[%arg0, %add3A_3, %dma_wait3A_122, %dma_wait3A_123] : memref<2x3360x2x128xi32, #tpu.memory_space<hbm>> -> memref<1x1x2x128xi32, #tpu.memory_space<hbm>>
      %dma_wait3A_125 = tpu.memref_squeeze %dma_wait3A_124 : memref<1x1x2x128xi32, #tpu.memory_space<hbm>> -> memref<2x128xi32, #tpu.memory_space<hbm>>
      %dma_wait3A_126 = arith.constant 0 : i32
      %dma_wait3A_127 = arith.constant 0 : i32
      %dma_wait3A_128 = tpu.memref_slice %arg6[%run_scoped3A, %dma_wait3A_126, %dma_wait3A_127] : memref<3x2x128xi32, #tpu.memory_space<vmem>> -> memref<1x2x128xi32, #tpu.memory_space<vmem>>
      %dma_wait3A_129 = tpu.memref_squeeze %dma_wait3A_128 : memref<1x2x128xi32, #tpu.memory_space<vmem>> -> memref<2x128xi32, #tpu.memory_space<vmem>>
      %dma_wait3A_130 = arith.constant 0 : i32
      %dma_wait3A_131 = arith.constant 0 : i32
      %dma_wait3A_132 = tpu.memref_slice %arg3[%arg0, %add3A_3, %dma_wait3A_130, %dma_wait3A_131] : memref<2x3360x2x128xi32, #tpu.memory_space<hbm>> -> memref<1x1x2x128xi32, #tpu.memory_space<hbm>>
      %dma_wait3A_133 = tpu.memref_squeeze %dma_wait3A_132 : memref<1x1x2x128xi32, #tpu.memory_space<hbm>> -> memref<2x128xi32, #tpu.memory_space<hbm>>
      tpu.wait_dma2 semaphore(%run_scoped3A_101 : memref<!tpu.dma_semaphore, #tpu.memory_space<semaphore_mem>>) src(%dma_wait3A_133 : memref<2x128xi32, #tpu.memory_space<hbm>>) dst(%dma_wait3A_129 : memref<2x128xi32, #tpu.memory_space<vmem>>)
      tpu.yield
    }) : () -> ()
    %dma_start3A = arith.constant 0 : i32
    %dma_start3A_4 = arith.constant 0 : i32
    %dma_start3A_5 = arith.constant 0 : i32
    %dma_start3A_6 = arith.constant 0 : i32
    %dma_start3A_7 = arith.constant 0 : i32
    %dma_start3A_8 = tpu.memref_slice %arg7[%dma_start3A_5, %dma_start3A_6, %dma_start3A_7] : memref<3x128x64xf32, #tpu.memory_space<vmem>> -> memref<1x128x64xf32, #tpu.memory_space<vmem>>
    %dma_start3A_9 = tpu.memref_squeeze %dma_start3A_8 : memref<1x128x64xf32, #tpu.memory_space<vmem>> -> memref<128x64xf32, #tpu.memory_space<vmem>>
    %dma_start3A_10 = arith.constant 0 : i32
    %dma_start3A_11 = tpu.memref_slice %arg6[%dma_start3A, %dma_start3A_4, %dma_start3A_10] : memref<3x2x128xi32, #tpu.memory_space<vmem>> -> memref<1x1x128xi32, #tpu.memory_space<vmem>>
    %dma_start3A_12 = tpu.memref_squeeze %dma_start3A_11 : memref<1x1x128xi32, #tpu.memory_space<vmem>> -> memref<128xi32, #tpu.memory_space<vmem>>
    %dma_start3A_13 = arith.constant 0 : i32
    %dma_start3A_14 = arith.constant 0 : i32
    %dma_start3A_15 = tpu.memref_slice %arg2[%dma_start3A_13, %dma_start3A_14] : memref<50176x64xf32, #tpu.memory_space<hbm>> -> memref<50176x64xf32, #tpu.memory_space<hbm>>
    tpu.enqueue_indirect_dma source(%dma_start3A_15 : memref<50176x64xf32, #tpu.memory_space<hbm>>) target(%dma_start3A_9 : memref<128x64xf32, #tpu.memory_space<vmem>>) offsets(%dma_start3A_12 : memref<128xi32, #tpu.memory_space<vmem>>) semaphore(%arg9 : memref<!tpu.dma_semaphore, #tpu.memory_space<semaphore_mem>>)
    %add3A_16 = arith.constant 1 : i32
    %add3A_17 = arith.addi %mul3A_2, %add3A_16 : i32
    %run_scoped3A_18 = arith.constant 1 : i32
    "tpu.region"() ({
      %run_scoped3A_101 = tpu.sem_alloc : memref<!tpu.dma_semaphore, #tpu.memory_space<semaphore_mem>>
      %dma_start3A_102 = arith.constant 0 : i32
      %dma_start3A_103 = arith.constant 0 : i32
      %dma_start3A_104 = tpu.memref_slice %arg6[%run_scoped3A_18, %dma_start3A_102, %dma_start3A_103] : memref<3x2x128xi32, #tpu.memory_space<vmem>> -> memref<1x2x128xi32, #tpu.memory_space<vmem>>
      %dma_start3A_105 = tpu.memref_squeeze %dma_start3A_104 : memref<1x2x128xi32, #tpu.memory_space<vmem>> -> memref<2x128xi32, #tpu.memory_space<vmem>>
      %dma_start3A_106 = arith.constant 0 : i32
      %dma_start3A_107 = arith.constant 0 : i32
      %dma_start3A_108 = tpu.memref_slice %arg3[%arg0, %add3A_17, %dma_start3A_106, %dma_start3A_107] : memref<2x3360x2x128xi32, #tpu.memory_space<hbm>> -> memref<1x1x2x128xi32, #tpu.memory_space<hbm>>
      %dma_start3A_109 = tpu.memref_squeeze %dma_start3A_108 : memref<1x1x2x128xi32, #tpu.memory_space<hbm>> -> memref<2x128xi32, #tpu.memory_space<hbm>>
      %dma_start3A_110 = arith.constant 0 : i32
      %dma_start3A_111 = arith.constant 0 : i32
      %dma_start3A_112 = tpu.memref_slice %arg6[%run_scoped3A_18, %dma_start3A_110, %dma_start3A_111] : memref<3x2x128xi32, #tpu.memory_space<vmem>> -> memref<1x2x128xi32, #tpu.memory_space<vmem>>
      %dma_start3A_113 = tpu.memref_squeeze %dma_start3A_112 : memref<1x2x128xi32, #tpu.memory_space<vmem>> -> memref<2x128xi32, #tpu.memory_space<vmem>>
      %dma_start3A_114 = arith.constant 0 : i32
      %dma_start3A_115 = arith.constant 0 : i32
      %dma_start3A_116 = tpu.memref_slice %arg3[%arg0, %add3A_17, %dma_start3A_114, %dma_start3A_115] : memref<2x3360x2x128xi32, #tpu.memory_space<hbm>> -> memref<1x1x2x128xi32, #tpu.memory_space<hbm>>
      %dma_start3A_117 = tpu.memref_squeeze %dma_start3A_116 : memref<1x1x2x128xi32, #tpu.memory_space<hbm>> -> memref<2x128xi32, #tpu.memory_space<hbm>>
      tpu.enqueue_dma source(%dma_start3A_117 : memref<2x128xi32, #tpu.memory_space<hbm>>) target(%dma_start3A_113 : memref<2x128xi32, #tpu.memory_space<vmem>>) target_semaphore(%run_scoped3A_101 : memref<!tpu.dma_semaphore, #tpu.memory_space<semaphore_mem>>)
      %dma_wait3A_118 = arith.constant 0 : i32
      %dma_wait3A_119 = arith.constant 0 : i32
      %dma_wait3A_120 = tpu.memref_slice %arg6[%run_scoped3A_18, %dma_wait3A_118, %dma_wait3A_119] : memref<3x2x128xi32, #tpu.memory_space<vmem>> -> memref<1x2x128xi32, #tpu.memory_space<vmem>>
      %dma_wait3A_121 = tpu.memref_squeeze %dma_wait3A_120 : memref<1x2x128xi32, #tpu.memory_space<vmem>> -> memref<2x128xi32, #tpu.memory_space<vmem>>
      %dma_wait3A_122 = arith.constant 0 : i32
      %dma_wait3A_123 = arith.constant 0 : i32
      %dma_wait3A_124 = tpu.memref_slice %arg3[%arg0, %add3A_17, %dma_wait3A_122, %dma_wait3A_123] : memref<2x3360x2x128xi32, #tpu.memory_space<hbm>> -> memref<1x1x2x128xi32, #tpu.memory_space<hbm>>
      %dma_wait3A_125 = tpu.memref_squeeze %dma_wait3A_124 : memref<1x1x2x128xi32, #tpu.memory_space<hbm>> -> memref<2x128xi32, #tpu.memory_space<hbm>>
      %dma_wait3A_126 = arith.constant 0 : i32
      %dma_wait3A_127 = arith.constant 0 : i32
      %dma_wait3A_128 = tpu.memref_slice %arg6[%run_scoped3A_18, %dma_wait3A_126, %dma_wait3A_127] : memref<3x2x128xi32, #tpu.memory_space<vmem>> -> memref<1x2x128xi32, #tpu.memory_space<vmem>>
      %dma_wait3A_129 = tpu.memref_squeeze %dma_wait3A_128 : memref<1x2x128xi32, #tpu.memory_space<vmem>> -> memref<2x128xi32, #tpu.memory_space<vmem>>
      %dma_wait3A_130 = arith.constant 0 : i32
      %dma_wait3A_131 = arith.constant 0 : i32
      %dma_wait3A_132 = tpu.memref_slice %arg3[%arg0, %add3A_17, %dma_wait3A_130, %dma_wait3A_131] : memref<2x3360x2x128xi32, #tpu.memory_space<hbm>> -> memref<1x1x2x128xi32, #tpu.memory_space<hbm>>
      %dma_wait3A_133 = tpu.memref_squeeze %dma_wait3A_132 : memref<1x1x2x128xi32, #tpu.memory_space<hbm>> -> memref<2x128xi32, #tpu.memory_space<hbm>>
      tpu.wait_dma2 semaphore(%run_scoped3A_101 : memref<!tpu.dma_semaphore, #tpu.memory_space<semaphore_mem>>) src(%dma_wait3A_133 : memref<2x128xi32, #tpu.memory_space<hbm>>) dst(%dma_wait3A_129 : memref<2x128xi32, #tpu.memory_space<vmem>>)
      tpu.yield
    }) : () -> ()
    %dma_start3A_19 = arith.constant 1 : i32
    %dma_start3A_20 = arith.constant 0 : i32
    %dma_start3A_21 = arith.constant 1 : i32
    %dma_start3A_22 = arith.constant 0 : i32
    %dma_start3A_23 = arith.constant 0 : i32
    %dma_start3A_24 = tpu.memref_slice %arg7[%dma_start3A_21, %dma_start3A_22, %dma_start3A_23] : memref<3x128x64xf32, #tpu.memory_space<vmem>> -> memref<1x128x64xf32, #tpu.memory_space<vmem>>
    %dma_start3A_25 = tpu.memref_squeeze %dma_start3A_24 : memref<1x128x64xf32, #tpu.memory_space<vmem>> -> memref<128x64xf32, #tpu.memory_space<vmem>>
    %dma_start3A_26 = arith.constant 0 : i32
    %dma_start3A_27 = tpu.memref_slice %arg6[%dma_start3A_19, %dma_start3A_20, %dma_start3A_26] : memref<3x2x128xi32, #tpu.memory_space<vmem>> -> memref<1x1x128xi32, #tpu.memory_space<vmem>>
    %dma_start3A_28 = tpu.memref_squeeze %dma_start3A_27 : memref<1x1x128xi32, #tpu.memory_space<vmem>> -> memref<128xi32, #tpu.memory_space<vmem>>
    %dma_start3A_29 = arith.constant 0 : i32
    %dma_start3A_30 = arith.constant 0 : i32
    %dma_start3A_31 = tpu.memref_slice %arg2[%dma_start3A_29, %dma_start3A_30] : memref<50176x64xf32, #tpu.memory_space<hbm>> -> memref<50176x64xf32, #tpu.memory_space<hbm>>
    tpu.enqueue_indirect_dma source(%dma_start3A_31 : memref<50176x64xf32, #tpu.memory_space<hbm>>) target(%dma_start3A_25 : memref<128x64xf32, #tpu.memory_space<vmem>>) offsets(%dma_start3A_28 : memref<128xi32, #tpu.memory_space<vmem>>) semaphore(%arg10 : memref<!tpu.dma_semaphore, #tpu.memory_space<semaphore_mem>>)
    %add3A_32 = arith.constant 2 : i32
    %add3A_33 = arith.addi %mul3A_2, %add3A_32 : i32
    %run_scoped3A_34 = arith.constant 2 : i32
    "tpu.region"() ({
      %run_scoped3A_101 = tpu.sem_alloc : memref<!tpu.dma_semaphore, #tpu.memory_space<semaphore_mem>>
      %dma_start3A_102 = arith.constant 0 : i32
      %dma_start3A_103 = arith.constant 0 : i32
      %dma_start3A_104 = tpu.memref_slice %arg6[%run_scoped3A_34, %dma_start3A_102, %dma_start3A_103] : memref<3x2x128xi32, #tpu.memory_space<vmem>> -> memref<1x2x128xi32, #tpu.memory_space<vmem>>
      %dma_start3A_105 = tpu.memref_squeeze %dma_start3A_104 : memref<1x2x128xi32, #tpu.memory_space<vmem>> -> memref<2x128xi32, #tpu.memory_space<vmem>>
      %dma_start3A_106 = arith.constant 0 : i32
      %dma_start3A_107 = arith.constant 0 : i32
      %dma_start3A_108 = tpu.memref_slice %arg3[%arg0, %add3A_33, %dma_start3A_106, %dma_start3A_107] : memref<2x3360x2x128xi32, #tpu.memory_space<hbm>> -> memref<1x1x2x128xi32, #tpu.memory_space<hbm>>
      %dma_start3A_109 = tpu.memref_squeeze %dma_start3A_108 : memref<1x1x2x128xi32, #tpu.memory_space<hbm>> -> memref<2x128xi32, #tpu.memory_space<hbm>>
      %dma_start3A_110 = arith.constant 0 : i32
      %dma_start3A_111 = arith.constant 0 : i32
      %dma_start3A_112 = tpu.memref_slice %arg6[%run_scoped3A_34, %dma_start3A_110, %dma_start3A_111] : memref<3x2x128xi32, #tpu.memory_space<vmem>> -> memref<1x2x128xi32, #tpu.memory_space<vmem>>
      %dma_start3A_113 = tpu.memref_squeeze %dma_start3A_112 : memref<1x2x128xi32, #tpu.memory_space<vmem>> -> memref<2x128xi32, #tpu.memory_space<vmem>>
      %dma_start3A_114 = arith.constant 0 : i32
      %dma_start3A_115 = arith.constant 0 : i32
      %dma_start3A_116 = tpu.memref_slice %arg3[%arg0, %add3A_33, %dma_start3A_114, %dma_start3A_115] : memref<2x3360x2x128xi32, #tpu.memory_space<hbm>> -> memref<1x1x2x128xi32, #tpu.memory_space<hbm>>
      %dma_start3A_117 = tpu.memref_squeeze %dma_start3A_116 : memref<1x1x2x128xi32, #tpu.memory_space<hbm>> -> memref<2x128xi32, #tpu.memory_space<hbm>>
      tpu.enqueue_dma source(%dma_start3A_117 : memref<2x128xi32, #tpu.memory_space<hbm>>) target(%dma_start3A_113 : memref<2x128xi32, #tpu.memory_space<vmem>>) target_semaphore(%run_scoped3A_101 : memref<!tpu.dma_semaphore, #tpu.memory_space<semaphore_mem>>)
      %dma_wait3A_118 = arith.constant 0 : i32
      %dma_wait3A_119 = arith.constant 0 : i32
      %dma_wait3A_120 = tpu.memref_slice %arg6[%run_scoped3A_34, %dma_wait3A_118, %dma_wait3A_119] : memref<3x2x128xi32, #tpu.memory_space<vmem>> -> memref<1x2x128xi32, #tpu.memory_space<vmem>>
      %dma_wait3A_121 = tpu.memref_squeeze %dma_wait3A_120 : memref<1x2x128xi32, #tpu.memory_space<vmem>> -> memref<2x128xi32, #tpu.memory_space<vmem>>
      %dma_wait3A_122 = arith.constant 0 : i32
      %dma_wait3A_123 = arith.constant 0 : i32
      %dma_wait3A_124 = tpu.memref_slice %arg3[%arg0, %add3A_33, %dma_wait3A_122, %dma_wait3A_123] : memref<2x3360x2x128xi32, #tpu.memory_space<hbm>> -> memref<1x1x2x128xi32, #tpu.memory_space<hbm>>
      %dma_wait3A_125 = tpu.memref_squeeze %dma_wait3A_124 : memref<1x1x2x128xi32, #tpu.memory_space<hbm>> -> memref<2x128xi32, #tpu.memory_space<hbm>>
      %dma_wait3A_126 = arith.constant 0 : i32
      %dma_wait3A_127 = arith.constant 0 : i32
      %dma_wait3A_128 = tpu.memref_slice %arg6[%run_scoped3A_34, %dma_wait3A_126, %dma_wait3A_127] : memref<3x2x128xi32, #tpu.memory_space<vmem>> -> memref<1x2x128xi32, #tpu.memory_space<vmem>>
      %dma_wait3A_129 = tpu.memref_squeeze %dma_wait3A_128 : memref<1x2x128xi32, #tpu.memory_space<vmem>> -> memref<2x128xi32, #tpu.memory_space<vmem>>
      %dma_wait3A_130 = arith.constant 0 : i32
      %dma_wait3A_131 = arith.constant 0 : i32
      %dma_wait3A_132 = tpu.memref_slice %arg3[%arg0, %add3A_33, %dma_wait3A_130, %dma_wait3A_131] : memref<2x3360x2x128xi32, #tpu.memory_space<hbm>> -> memref<1x1x2x128xi32, #tpu.memory_space<hbm>>
      %dma_wait3A_133 = tpu.memref_squeeze %dma_wait3A_132 : memref<1x1x2x128xi32, #tpu.memory_space<hbm>> -> memref<2x128xi32, #tpu.memory_space<hbm>>
      tpu.wait_dma2 semaphore(%run_scoped3A_101 : memref<!tpu.dma_semaphore, #tpu.memory_space<semaphore_mem>>) src(%dma_wait3A_133 : memref<2x128xi32, #tpu.memory_space<hbm>>) dst(%dma_wait3A_129 : memref<2x128xi32, #tpu.memory_space<vmem>>)
      tpu.yield
    }) : () -> ()
    %dma_start3A_35 = arith.constant 2 : i32
    %dma_start3A_36 = arith.constant 0 : i32
    %dma_start3A_37 = arith.constant 2 : i32
    %dma_start3A_38 = arith.constant 0 : i32
    %dma_start3A_39 = arith.constant 0 : i32
    %dma_start3A_40 = tpu.memref_slice %arg7[%dma_start3A_37, %dma_start3A_38, %dma_start3A_39] : memref<3x128x64xf32, #tpu.memory_space<vmem>> -> memref<1x128x64xf32, #tpu.memory_space<vmem>>
    %dma_start3A_41 = tpu.memref_squeeze %dma_start3A_40 : memref<1x128x64xf32, #tpu.memory_space<vmem>> -> memref<128x64xf32, #tpu.memory_space<vmem>>
    %dma_start3A_42 = arith.constant 0 : i32
    %dma_start3A_43 = tpu.memref_slice %arg6[%dma_start3A_35, %dma_start3A_36, %dma_start3A_42] : memref<3x2x128xi32, #tpu.memory_space<vmem>> -> memref<1x1x128xi32, #tpu.memory_space<vmem>>
    %dma_start3A_44 = tpu.memref_squeeze %dma_start3A_43 : memref<1x1x128xi32, #tpu.memory_space<vmem>> -> memref<128xi32, #tpu.memory_space<vmem>>
    %dma_start3A_45 = arith.constant 0 : i32
    %dma_start3A_46 = arith.constant 0 : i32
    %dma_start3A_47 = tpu.memref_slice %arg2[%dma_start3A_45, %dma_start3A_46] : memref<50176x64xf32, #tpu.memory_space<hbm>> -> memref<50176x64xf32, #tpu.memory_space<hbm>>
    tpu.enqueue_indirect_dma source(%dma_start3A_47 : memref<50176x64xf32, #tpu.memory_space<hbm>>) target(%dma_start3A_41 : memref<128x64xf32, #tpu.memory_space<vmem>>) offsets(%dma_start3A_44 : memref<128xi32, #tpu.memory_space<vmem>>) semaphore(%arg11 : memref<!tpu.dma_semaphore, #tpu.memory_space<semaphore_mem>>)
    %scan3A = arith.constant 0 : i32
    %scan3A_48 = arith.constant 70 : i32
    %scan3A_49 = arith.addi %scan3A, %scan3A_48 : i32
    %scan3A_50 = arith.constant 1 : i32
    scf.for %scan3A_101 = %scan3A to %scan3A_49 step %scan3A_50  : i32 {
      %mul3A_102 = arith.constant 1 : i32
      %mul3A_103 = arith.muli %scan3A_101, %mul3A_102 : i32
      %add3A_104 = arith.constant 0 : i32
      %add3A_105 = arith.addi %add3A_104, %mul3A_103 : i32
      %mul3A_106 = arith.constant 3 : i32
      %mul3A_107 = arith.muli %add3A_105, %mul3A_106 : i32
      %add3A_108 = arith.constant 0 : i32
      %add3A_109 = arith.addi %mul3A_107, %add3A_108 : i32
      %dma_wait3A_110 = arith.constant 0 : i32
      %dma_wait3A_111 = arith.constant 0 : i32
      %dma_wait3A_112 = arith.constant 0 : i32
      %dma_wait3A_113 = tpu.memref_slice %arg7[%dma_wait3A_110, %dma_wait3A_111, %dma_wait3A_112] : memref<3x128x64xf32, #tpu.memory_space<vmem>> -> memref<1x128x64xf32, #tpu.memory_space<vmem>>
      %dma_wait3A_114 = tpu.memref_squeeze %dma_wait3A_113 : memref<1x128x64xf32, #tpu.memory_space<vmem>> -> memref<128x64xf32, #tpu.memory_space<vmem>>
      %dma_wait3A_115 = arith.constant 0 : i32
      %dma_wait3A_116 = arith.constant 0 : i32
      %dma_wait3A_117 = tpu.memref_slice %arg2[%dma_wait3A_115, %dma_wait3A_116] : memref<50176x64xf32, #tpu.memory_space<hbm>> -> memref<128x64xf32, #tpu.memory_space<hbm>>
      %dma_wait3A_118 = arith.constant 0 : i32
      %dma_wait3A_119 = arith.constant 0 : i32
      %dma_wait3A_120 = tpu.memref_slice %arg7[%dma_wait3A_110, %dma_wait3A_118, %dma_wait3A_119] : memref<3x128x64xf32, #tpu.memory_space<vmem>> -> memref<1x128x64xf32, #tpu.memory_space<vmem>>
      %dma_wait3A_121 = tpu.memref_squeeze %dma_wait3A_120 : memref<1x128x64xf32, #tpu.memory_space<vmem>> -> memref<128x64xf32, #tpu.memory_space<vmem>>
      %dma_wait3A_122 = arith.constant 0 : i32
      %dma_wait3A_123 = arith.constant 0 : i32
      %dma_wait3A_124 = tpu.memref_slice %arg2[%dma_wait3A_122, %dma_wait3A_123] : memref<50176x64xf32, #tpu.memory_space<hbm>> -> memref<128x64xf32, #tpu.memory_space<hbm>>
      tpu.wait_dma2 semaphore(%arg9 : memref<!tpu.dma_semaphore, #tpu.memory_space<semaphore_mem>>) src(%dma_wait3A_124 : memref<128x64xf32, #tpu.memory_space<hbm>>) dst(%dma_wait3A_121 : memref<128x64xf32, #tpu.memory_space<vmem>>)
      %dma_start3A_125 = arith.constant 0 : i32
      %dma_start3A_126 = arith.constant 0 : i32
      %dma_start3A_127 = arith.constant 1 : i32
      %dma_start3A_128 = arith.constant 0 : i32
      %dma_start3A_129 = arith.constant 0 : i32
      %dma_start3A_130 = tpu.memref_slice %arg7[%dma_start3A_125, %dma_start3A_128, %dma_start3A_129] : memref<3x128x64xf32, #tpu.memory_space<vmem>> -> memref<1x128x64xf32, #tpu.memory_space<vmem>>
      %dma_start3A_131 = tpu.memref_squeeze %dma_start3A_130 : memref<1x128x64xf32, #tpu.memory_space<vmem>> -> memref<128x64xf32, #tpu.memory_space<vmem>>
      %dma_start3A_132 = arith.constant 0 : i32
      %dma_start3A_133 = tpu.memref_slice %arg6[%dma_start3A_126, %dma_start3A_127, %dma_start3A_132] : memref<3x2x128xi32, #tpu.memory_space<vmem>> -> memref<1x1x128xi32, #tpu.memory_space<vmem>>
      %dma_start3A_134 = tpu.memref_squeeze %dma_start3A_133 : memref<1x1x128xi32, #tpu.memory_space<vmem>> -> memref<128xi32, #tpu.memory_space<vmem>>
      %dma_start3A_135 = arith.constant 0 : i32
      %dma_start3A_136 = arith.constant 0 : i32
      %dma_start3A_137 = tpu.memref_slice %arg8[%dma_start3A_135, %dma_start3A_136] : memref<25088x64xf32, #tpu.memory_space<vmem_shared>> -> memref<25088x64xf32, #tpu.memory_space<vmem_shared>>
      tpu.enqueue_indirect_dma source(%dma_start3A_131 : memref<128x64xf32, #tpu.memory_space<vmem>>) target(%dma_start3A_137 : memref<25088x64xf32, #tpu.memory_space<vmem_shared>>) offsets(%dma_start3A_134 : memref<128xi32, #tpu.memory_space<vmem>>) semaphore(%arg12 : memref<!tpu.dma_semaphore, #tpu.memory_space<semaphore_mem>>) {add = true}
      %ge3A = arith.constant 1 : i32
      %ge3A_138 = arith.cmpi sge, %add3A_109, %ge3A : i32
      %le3A = arith.constant 207 : i32
      %le3A_139 = arith.cmpi sle, %add3A_109, %le3A : i32
      %and3A = arith.andi %ge3A_138, %le3A_139 : i1
      %convert_element_type3A = arith.extui %and3A : i1 to i32
      %cond3A = arith.constant 0 : i32
      %cond3A_140 = arith.cmpi ne, %convert_element_type3A, %cond3A : i32
      scf.if %cond3A_140 {
        %dma_wait3A_221 = arith.constant 2 : i32
        %dma_wait3A_222 = arith.constant 0 : i32
        %dma_wait3A_223 = arith.constant 0 : i32
        %dma_wait3A_224 = tpu.memref_slice %arg7[%dma_wait3A_221, %dma_wait3A_222, %dma_wait3A_223] : memref<3x128x64xf32, #tpu.memory_space<vmem>> -> memref<1x128x64xf32, #tpu.memory_space<vmem>>
        %dma_wait3A_225 = tpu.memref_squeeze %dma_wait3A_224 : memref<1x128x64xf32, #tpu.memory_space<vmem>> -> memref<128x64xf32, #tpu.memory_space<vmem>>
        %dma_wait3A_226 = arith.constant 0 : i32
        %dma_wait3A_227 = arith.constant 0 : i32
        %dma_wait3A_228 = tpu.memref_slice %arg2[%dma_wait3A_226, %dma_wait3A_227] : memref<50176x64xf32, #tpu.memory_space<hbm>> -> memref<128x64xf32, #tpu.memory_space<hbm>>
        %dma_wait3A_229 = arith.constant 0 : i32
        %dma_wait3A_230 = arith.constant 0 : i32
        %dma_wait3A_231 = tpu.memref_slice %arg7[%dma_wait3A_221, %dma_wait3A_229, %dma_wait3A_230] : memref<3x128x64xf32, #tpu.memory_space<vmem>> -> memref<1x128x64xf32, #tpu.memory_space<vmem>>
        %dma_wait3A_232 = tpu.memref_squeeze %dma_wait3A_231 : memref<1x128x64xf32, #tpu.memory_space<vmem>> -> memref<128x64xf32, #tpu.memory_space<vmem>>
        %dma_wait3A_233 = arith.constant 0 : i32
        %dma_wait3A_234 = arith.constant 0 : i32
        %dma_wait3A_235 = tpu.memref_slice %arg2[%dma_wait3A_233, %dma_wait3A_234] : memref<50176x64xf32, #tpu.memory_space<hbm>> -> memref<128x64xf32, #tpu.memory_space<hbm>>
        tpu.wait_dma2 semaphore(%arg14 : memref<!tpu.dma_semaphore, #tpu.memory_space<semaphore_mem>>) src(%dma_wait3A_235 : memref<128x64xf32, #tpu.memory_space<hbm>>) dst(%dma_wait3A_232 : memref<128x64xf32, #tpu.memory_space<vmem>>)
        %add3A_236 = arith.addi %mul3A_2, %add3A_109 : i32
        %sub3A = arith.constant 1 : i32
        %sub3A_237 = arith.subi %add3A_236, %sub3A : i32
        %add3A_238 = arith.constant 3 : i32
        %add3A_239 = arith.addi %sub3A_237, %add3A_238 : i32
        %run_scoped3A_240 = arith.constant 2 : i32
        "tpu.region"() ({
          %run_scoped3A_254 = tpu.sem_alloc : memref<!tpu.dma_semaphore, #tpu.memory_space<semaphore_mem>>
          %dma_start3A_255 = arith.constant 0 : i32
          %dma_start3A_256 = arith.constant 0 : i32
          %dma_start3A_257 = tpu.memref_slice %arg6[%run_scoped3A_240, %dma_start3A_255, %dma_start3A_256] : memref<3x2x128xi32, #tpu.memory_space<vmem>> -> memref<1x2x128xi32, #tpu.memory_space<vmem>>
          %dma_start3A_258 = tpu.memref_squeeze %dma_start3A_257 : memref<1x2x128xi32, #tpu.memory_space<vmem>> -> memref<2x128xi32, #tpu.memory_space<vmem>>
          %dma_start3A_259 = arith.constant 0 : i32
          %dma_start3A_260 = arith.constant 0 : i32
          %dma_start3A_261 = tpu.memref_slice %arg3[%arg0, %add3A_239, %dma_start3A_259, %dma_start3A_260] : memref<2x3360x2x128xi32, #tpu.memory_space<hbm>> -> memref<1x1x2x128xi32, #tpu.memory_space<hbm>>
          %dma_start3A_262 = tpu.memref_squeeze %dma_start3A_261 : memref<1x1x2x128xi32, #tpu.memory_space<hbm>> -> memref<2x128xi32, #tpu.memory_space<hbm>>
          %dma_start3A_263 = arith.constant 0 : i32
          %dma_start3A_264 = arith.constant 0 : i32
          %dma_start3A_265 = tpu.memref_slice %arg6[%run_scoped3A_240, %dma_start3A_263, %dma_start3A_264] : memref<3x2x128xi32, #tpu.memory_space<vmem>> -> memref<1x2x128xi32, #tpu.memory_space<vmem>>
          %dma_start3A_266 = tpu.memref_squeeze %dma_start3A_265 : memref<1x2x128xi32, #tpu.memory_space<vmem>> -> memref<2x128xi32, #tpu.memory_space<vmem>>
          %dma_start3A_267 = arith.constant 0 : i32
          %dma_start3A_268 = arith.constant 0 : i32
          %dma_start3A_269 = tpu.memref_slice %arg3[%arg0, %add3A_239, %dma_start3A_267, %dma_start3A_268] : memref<2x3360x2x128xi32, #tpu.memory_space<hbm>> -> memref<1x1x2x128xi32, #tpu.memory_space<hbm>>
          %dma_start3A_270 = tpu.memref_squeeze %dma_start3A_269 : memref<1x1x2x128xi32, #tpu.memory_space<hbm>> -> memref<2x128xi32, #tpu.memory_space<hbm>>
          tpu.enqueue_dma source(%dma_start3A_270 : memref<2x128xi32, #tpu.memory_space<hbm>>) target(%dma_start3A_266 : memref<2x128xi32, #tpu.memory_space<vmem>>) target_semaphore(%run_scoped3A_254 : memref<!tpu.dma_semaphore, #tpu.memory_space<semaphore_mem>>)
          %dma_wait3A_271 = arith.constant 0 : i32
          %dma_wait3A_272 = arith.constant 0 : i32
          %dma_wait3A_273 = tpu.memref_slice %arg6[%run_scoped3A_240, %dma_wait3A_271, %dma_wait3A_272] : memref<3x2x128xi32, #tpu.memory_space<vmem>> -> memref<1x2x128xi32, #tpu.memory_space<vmem>>
          %dma_wait3A_274 = tpu.memref_squeeze %dma_wait3A_273 : memref<1x2x128xi32, #tpu.memory_space<vmem>> -> memref<2x128xi32, #tpu.memory_space<vmem>>
          %dma_wait3A_275 = arith.constant 0 : i32
          %dma_wait3A_276 = arith.constant 0 : i32
          %dma_wait3A_277 = tpu.memref_slice %arg3[%arg0, %add3A_239, %dma_wait3A_275, %dma_wait3A_276] : memref<2x3360x2x128xi32, #tpu.memory_space<hbm>> -> memref<1x1x2x128xi32, #tpu.memory_space<hbm>>
          %dma_wait3A_278 = tpu.memref_squeeze %dma_wait3A_277 : memref<1x1x2x128xi32, #tpu.memory_space<hbm>> -> memref<2x128xi32, #tpu.memory_space<hbm>>
          %dma_wait3A_279 = arith.constant 0 : i32
          %dma_wait3A_280 = arith.constant 0 : i32
          %dma_wait3A_281 = tpu.memref_slice %arg6[%run_scoped3A_240, %dma_wait3A_279, %dma_wait3A_280] : memref<3x2x128xi32, #tpu.memory_space<vmem>> -> memref<1x2x128xi32, #tpu.memory_space<vmem>>
          %dma_wait3A_282 = tpu.memref_squeeze %dma_wait3A_281 : memref<1x2x128xi32, #tpu.memory_space<vmem>> -> memref<2x128xi32, #tpu.memory_space<vmem>>
          %dma_wait3A_283 = arith.constant 0 : i32
          %dma_wait3A_284 = arith.constant 0 : i32
          %dma_wait3A_285 = tpu.memref_slice %arg3[%arg0, %add3A_239, %dma_wait3A_283, %dma_wait3A_284] : memref<2x3360x2x128xi32, #tpu.memory_space<hbm>> -> memref<1x1x2x128xi32, #tpu.memory_space<hbm>>
          %dma_wait3A_286 = tpu.memref_squeeze %dma_wait3A_285 : memref<1x1x2x128xi32, #tpu.memory_space<hbm>> -> memref<2x128xi32, #tpu.memory_space<hbm>>
          tpu.wait_dma2 semaphore(%run_scoped3A_254 : memref<!tpu.dma_semaphore, #tpu.memory_space<semaphore_mem>>) src(%dma_wait3A_286 : memref<2x128xi32, #tpu.memory_space<hbm>>) dst(%dma_wait3A_282 : memref<2x128xi32, #tpu.memory_space<vmem>>)
          tpu.yield
        }) : () -> ()
        %dma_start3A_241 = arith.constant 2 : i32
        %dma_start3A_242 = arith.constant 0 : i32
        %dma_start3A_243 = arith.constant 2 : i32
        %dma_start3A_244 = arith.constant 0 : i32
        %dma_start3A_245 = arith.constant 0 : i32
        %dma_start3A_246 = tpu.memref_slice %arg7[%dma_start3A_243, %dma_start3A_244, %dma_start3A_245] : memref<3x128x64xf32, #tpu.memory_space<vmem>> -> memref<1x128x64xf32, #tpu.memory_space<vmem>>
        %dma_start3A_247 = tpu.memref_squeeze %dma_start3A_246 : memref<1x128x64xf32, #tpu.memory_space<vmem>> -> memref<128x64xf32, #tpu.memory_space<vmem>>
        %dma_start3A_248 = arith.constant 0 : i32
        %dma_start3A_249 = tpu.memref_slice %arg6[%dma_start3A_241, %dma_start3A_242, %dma_start3A_248] : memref<3x2x128xi32, #tpu.memory_space<vmem>> -> memref<1x1x128xi32, #tpu.memory_space<vmem>>
        %dma_start3A_250 = tpu.memref_squeeze %dma_start3A_249 : memref<1x1x128xi32, #tpu.memory_space<vmem>> -> memref<128xi32, #tpu.memory_space<vmem>>
        %dma_start3A_251 = arith.constant 0 : i32
        %dma_start3A_252 = arith.constant 0 : i32
        %dma_start3A_253 = tpu.memref_slice %arg2[%dma_start3A_251, %dma_start3A_252] : memref<50176x64xf32, #tpu.memory_space<hbm>> -> memref<50176x64xf32, #tpu.memory_space<hbm>>
        tpu.enqueue_indirect_dma source(%dma_start3A_253 : memref<50176x64xf32, #tpu.memory_space<hbm>>) target(%dma_start3A_247 : memref<128x64xf32, #tpu.memory_space<vmem>>) offsets(%dma_start3A_250 : memref<128xi32, #tpu.memory_space<vmem>>) semaphore(%arg11 : memref<!tpu.dma_semaphore, #tpu.memory_space<semaphore_mem>>)
      } else {
      }
      %mul3A_141 = arith.constant 3 : i32
      %mul3A_142 = arith.muli %add3A_105, %mul3A_141 : i32
      %add3A_143 = arith.constant 1 : i32
      %add3A_144 = arith.addi %mul3A_142, %add3A_143 : i32
      %dma_wait3A_145 = arith.constant 1 : i32
      %dma_wait3A_146 = arith.constant 0 : i32
      %dma_wait3A_147 = arith.constant 0 : i32
      %dma_wait3A_148 = tpu.memref_slice %arg7[%dma_wait3A_145, %dma_wait3A_146, %dma_wait3A_147] : memref<3x128x64xf32, #tpu.memory_space<vmem>> -> memref<1x128x64xf32, #tpu.memory_space<vmem>>
      %dma_wait3A_149 = tpu.memref_squeeze %dma_wait3A_148 : memref<1x128x64xf32, #tpu.memory_space<vmem>> -> memref<128x64xf32, #tpu.memory_space<vmem>>
      %dma_wait3A_150 = arith.constant 0 : i32
      %dma_wait3A_151 = arith.constant 0 : i32
      %dma_wait3A_152 = tpu.memref_slice %arg2[%dma_wait3A_150, %dma_wait3A_151] : memref<50176x64xf32, #tpu.memory_space<hbm>> -> memref<128x64xf32, #tpu.memory_space<hbm>>
      %dma_wait3A_153 = arith.constant 0 : i32
      %dma_wait3A_154 = arith.constant 0 : i32
      %dma_wait3A_155 = tpu.memref_slice %arg7[%dma_wait3A_145, %dma_wait3A_153, %dma_wait3A_154] : memref<3x128x64xf32, #tpu.memory_space<vmem>> -> memref<1x128x64xf32, #tpu.memory_space<vmem>>
      %dma_wait3A_156 = tpu.memref_squeeze %dma_wait3A_155 : memref<1x128x64xf32, #tpu.memory_space<vmem>> -> memref<128x64xf32, #tpu.memory_space<vmem>>
      %dma_wait3A_157 = arith.constant 0 : i32
      %dma_wait3A_158 = arith.constant 0 : i32
      %dma_wait3A_159 = tpu.memref_slice %arg2[%dma_wait3A_157, %dma_wait3A_158] : memref<50176x64xf32, #tpu.memory_space<hbm>> -> memref<128x64xf32, #tpu.memory_space<hbm>>
      tpu.wait_dma2 semaphore(%arg10 : memref<!tpu.dma_semaphore, #tpu.memory_space<semaphore_mem>>) src(%dma_wait3A_159 : memref<128x64xf32, #tpu.memory_space<hbm>>) dst(%dma_wait3A_156 : memref<128x64xf32, #tpu.memory_space<vmem>>)
      %dma_start3A_160 = arith.constant 1 : i32
      %dma_start3A_161 = arith.constant 1 : i32
      %dma_start3A_162 = arith.constant 1 : i32
      %dma_start3A_163 = arith.constant 0 : i32
      %dma_start3A_164 = arith.constant 0 : i32
      %dma_start3A_165 = tpu.memref_slice %arg7[%dma_start3A_160, %dma_start3A_163, %dma_start3A_164] : memref<3x128x64xf32, #tpu.memory_space<vmem>> -> memref<1x128x64xf32, #tpu.memory_space<vmem>>
      %dma_start3A_166 = tpu.memref_squeeze %dma_start3A_165 : memref<1x128x64xf32, #tpu.memory_space<vmem>> -> memref<128x64xf32, #tpu.memory_space<vmem>>
      %dma_start3A_167 = arith.constant 0 : i32
      %dma_start3A_168 = tpu.memref_slice %arg6[%dma_start3A_161, %dma_start3A_162, %dma_start3A_167] : memref<3x2x128xi32, #tpu.memory_space<vmem>> -> memref<1x1x128xi32, #tpu.memory_space<vmem>>
      %dma_start3A_169 = tpu.memref_squeeze %dma_start3A_168 : memref<1x1x128xi32, #tpu.memory_space<vmem>> -> memref<128xi32, #tpu.memory_space<vmem>>
      %dma_start3A_170 = arith.constant 0 : i32
      %dma_start3A_171 = arith.constant 0 : i32
      %dma_start3A_172 = tpu.memref_slice %arg8[%dma_start3A_170, %dma_start3A_171] : memref<25088x64xf32, #tpu.memory_space<vmem_shared>> -> memref<25088x64xf32, #tpu.memory_space<vmem_shared>>
      tpu.enqueue_indirect_dma source(%dma_start3A_166 : memref<128x64xf32, #tpu.memory_space<vmem>>) target(%dma_start3A_172 : memref<25088x64xf32, #tpu.memory_space<vmem_shared>>) offsets(%dma_start3A_169 : memref<128xi32, #tpu.memory_space<vmem>>) semaphore(%arg13 : memref<!tpu.dma_semaphore, #tpu.memory_space<semaphore_mem>>) {add = true}
      %ge3A_173 = arith.constant 1 : i32
      %ge3A_174 = arith.cmpi sge, %add3A_144, %ge3A_173 : i32
      %le3A_175 = arith.constant 207 : i32
      %le3A_176 = arith.cmpi sle, %add3A_144, %le3A_175 : i32
      %and3A_177 = arith.andi %ge3A_174, %le3A_176 : i1
      %convert_element_type3A_178 = arith.extui %and3A_177 : i1 to i32
      %cond3A_179 = arith.constant 0 : i32
      %cond3A_180 = arith.cmpi ne, %convert_element_type3A_178, %cond3A_179 : i32
      scf.if %cond3A_180 {
        %dma_wait3A_221 = arith.constant 0 : i32
        %dma_wait3A_222 = arith.constant 0 : i32
        %dma_wait3A_223 = arith.constant 0 : i32
        %dma_wait3A_224 = tpu.memref_slice %arg7[%dma_wait3A_221, %dma_wait3A_222, %dma_wait3A_223] : memref<3x128x64xf32, #tpu.memory_space<vmem>> -> memref<1x128x64xf32, #tpu.memory_space<vmem>>
        %dma_wait3A_225 = tpu.memref_squeeze %dma_wait3A_224 : memref<1x128x64xf32, #tpu.memory_space<vmem>> -> memref<128x64xf32, #tpu.memory_space<vmem>>
        %dma_wait3A_226 = arith.constant 0 : i32
        %dma_wait3A_227 = arith.constant 0 : i32
        %dma_wait3A_228 = tpu.memref_slice %arg2[%dma_wait3A_226, %dma_wait3A_227] : memref<50176x64xf32, #tpu.memory_space<hbm>> -> memref<128x64xf32, #tpu.memory_space<hbm>>
        %dma_wait3A_229 = arith.constant 0 : i32
        %dma_wait3A_230 = arith.constant 0 : i32
        %dma_wait3A_231 = tpu.memref_slice %arg7[%dma_wait3A_221, %dma_wait3A_229, %dma_wait3A_230] : memref<3x128x64xf32, #tpu.memory_space<vmem>> -> memref<1x128x64xf32, #tpu.memory_space<vmem>>
        %dma_wait3A_232 = tpu.memref_squeeze %dma_wait3A_231 : memref<1x128x64xf32, #tpu.memory_space<vmem>> -> memref<128x64xf32, #tpu.memory_space<vmem>>
        %dma_wait3A_233 = arith.constant 0 : i32
        %dma_wait3A_234 = arith.constant 0 : i32
        %dma_wait3A_235 = tpu.memref_slice %arg2[%dma_wait3A_233, %dma_wait3A_234] : memref<50176x64xf32, #tpu.memory_space<hbm>> -> memref<128x64xf32, #tpu.memory_space<hbm>>
        tpu.wait_dma2 semaphore(%arg12 : memref<!tpu.dma_semaphore, #tpu.memory_space<semaphore_mem>>) src(%dma_wait3A_235 : memref<128x64xf32, #tpu.memory_space<hbm>>) dst(%dma_wait3A_232 : memref<128x64xf32, #tpu.memory_space<vmem>>)
        %add3A_236 = arith.addi %mul3A_2, %add3A_144 : i32
        %sub3A = arith.constant 1 : i32
        %sub3A_237 = arith.subi %add3A_236, %sub3A : i32
        %add3A_238 = arith.constant 3 : i32
        %add3A_239 = arith.addi %sub3A_237, %add3A_238 : i32
        %run_scoped3A_240 = arith.constant 0 : i32
        "tpu.region"() ({
          %run_scoped3A_254 = tpu.sem_alloc : memref<!tpu.dma_semaphore, #tpu.memory_space<semaphore_mem>>
          %dma_start3A_255 = arith.constant 0 : i32
          %dma_start3A_256 = arith.constant 0 : i32
          %dma_start3A_257 = tpu.memref_slice %arg6[%run_scoped3A_240, %dma_start3A_255, %dma_start3A_256] : memref<3x2x128xi32, #tpu.memory_space<vmem>> -> memref<1x2x128xi32, #tpu.memory_space<vmem>>
          %dma_start3A_258 = tpu.memref_squeeze %dma_start3A_257 : memref<1x2x128xi32, #tpu.memory_space<vmem>> -> memref<2x128xi32, #tpu.memory_space<vmem>>
          %dma_start3A_259 = arith.constant 0 : i32
          %dma_start3A_260 = arith.constant 0 : i32
          %dma_start3A_261 = tpu.memref_slice %arg3[%arg0, %add3A_239, %dma_start3A_259, %dma_start3A_260] : memref<2x3360x2x128xi32, #tpu.memory_space<hbm>> -> memref<1x1x2x128xi32, #tpu.memory_space<hbm>>
          %dma_start3A_262 = tpu.memref_squeeze %dma_start3A_261 : memref<1x1x2x128xi32, #tpu.memory_space<hbm>> -> memref<2x128xi32, #tpu.memory_space<hbm>>
          %dma_start3A_263 = arith.constant 0 : i32
          %dma_start3A_264 = arith.constant 0 : i32
          %dma_start3A_265 = tpu.memref_slice %arg6[%run_scoped3A_240, %dma_start3A_263, %dma_start3A_264] : memref<3x2x128xi32, #tpu.memory_space<vmem>> -> memref<1x2x128xi32, #tpu.memory_space<vmem>>
          %dma_start3A_266 = tpu.memref_squeeze %dma_start3A_265 : memref<1x2x128xi32, #tpu.memory_space<vmem>> -> memref<2x128xi32, #tpu.memory_space<vmem>>
          %dma_start3A_267 = arith.constant 0 : i32
          %dma_start3A_268 = arith.constant 0 : i32
          %dma_start3A_269 = tpu.memref_slice %arg3[%arg0, %add3A_239, %dma_start3A_267, %dma_start3A_268] : memref<2x3360x2x128xi32, #tpu.memory_space<hbm>> -> memref<1x1x2x128xi32, #tpu.memory_space<hbm>>
          %dma_start3A_270 = tpu.memref_squeeze %dma_start3A_269 : memref<1x1x2x128xi32, #tpu.memory_space<hbm>> -> memref<2x128xi32, #tpu.memory_space<hbm>>
          tpu.enqueue_dma source(%dma_start3A_270 : memref<2x128xi32, #tpu.memory_space<hbm>>) target(%dma_start3A_266 : memref<2x128xi32, #tpu.memory_space<vmem>>) target_semaphore(%run_scoped3A_254 : memref<!tpu.dma_semaphore, #tpu.memory_space<semaphore_mem>>)
          %dma_wait3A_271 = arith.constant 0 : i32
          %dma_wait3A_272 = arith.constant 0 : i32
          %dma_wait3A_273 = tpu.memref_slice %arg6[%run_scoped3A_240, %dma_wait3A_271, %dma_wait3A_272] : memref<3x2x128xi32, #tpu.memory_space<vmem>> -> memref<1x2x128xi32, #tpu.memory_space<vmem>>
          %dma_wait3A_274 = tpu.memref_squeeze %dma_wait3A_273 : memref<1x2x128xi32, #tpu.memory_space<vmem>> -> memref<2x128xi32, #tpu.memory_space<vmem>>
          %dma_wait3A_275 = arith.constant 0 : i32
          %dma_wait3A_276 = arith.constant 0 : i32
          %dma_wait3A_277 = tpu.memref_slice %arg3[%arg0, %add3A_239, %dma_wait3A_275, %dma_wait3A_276] : memref<2x3360x2x128xi32, #tpu.memory_space<hbm>> -> memref<1x1x2x128xi32, #tpu.memory_space<hbm>>
          %dma_wait3A_278 = tpu.memref_squeeze %dma_wait3A_277 : memref<1x1x2x128xi32, #tpu.memory_space<hbm>> -> memref<2x128xi32, #tpu.memory_space<hbm>>
          %dma_wait3A_279 = arith.constant 0 : i32
          %dma_wait3A_280 = arith.constant 0 : i32
          %dma_wait3A_281 = tpu.memref_slice %arg6[%run_scoped3A_240, %dma_wait3A_279, %dma_wait3A_280] : memref<3x2x128xi32, #tpu.memory_space<vmem>> -> memref<1x2x128xi32, #tpu.memory_space<vmem>>
          %dma_wait3A_282 = tpu.memref_squeeze %dma_wait3A_281 : memref<1x2x128xi32, #tpu.memory_space<vmem>> -> memref<2x128xi32, #tpu.memory_space<vmem>>
          %dma_wait3A_283 = arith.constant 0 : i32
          %dma_wait3A_284 = arith.constant 0 : i32
          %dma_wait3A_285 = tpu.memref_slice %arg3[%arg0, %add3A_239, %dma_wait3A_283, %dma_wait3A_284] : memref<2x3360x2x128xi32, #tpu.memory_space<hbm>> -> memref<1x1x2x128xi32, #tpu.memory_space<hbm>>
          %dma_wait3A_286 = tpu.memref_squeeze %dma_wait3A_285 : memref<1x1x2x128xi32, #tpu.memory_space<hbm>> -> memref<2x128xi32, #tpu.memory_space<hbm>>
          tpu.wait_dma2 semaphore(%run_scoped3A_254 : memref<!tpu.dma_semaphore, #tpu.memory_space<semaphore_mem>>) src(%dma_wait3A_286 : memref<2x128xi32, #tpu.memory_space<hbm>>) dst(%dma_wait3A_282 : memref<2x128xi32, #tpu.memory_space<vmem>>)
          tpu.yield
        }) : () -> ()
        %dma_start3A_241 = arith.constant 0 : i32
        %dma_start3A_242 = arith.constant 0 : i32
        %dma_start3A_243 = arith.constant 0 : i32
        %dma_start3A_244 = arith.constant 0 : i32
        %dma_start3A_245 = arith.constant 0 : i32
        %dma_start3A_246 = tpu.memref_slice %arg7[%dma_start3A_243, %dma_start3A_244, %dma_start3A_245] : memref<3x128x64xf32, #tpu.memory_space<vmem>> -> memref<1x128x64xf32, #tpu.memory_space<vmem>>
        %dma_start3A_247 = tpu.memref_squeeze %dma_start3A_246 : memref<1x128x64xf32, #tpu.memory_space<vmem>> -> memref<128x64xf32, #tpu.memory_space<vmem>>
        %dma_start3A_248 = arith.constant 0 : i32
        %dma_start3A_249 = tpu.memref_slice %arg6[%dma_start3A_241, %dma_start3A_242, %dma_start3A_248] : memref<3x2x128xi32, #tpu.memory_space<vmem>> -> memref<1x1x128xi32, #tpu.memory_space<vmem>>
        %dma_start3A_250 = tpu.memref_squeeze %dma_start3A_249 : memref<1x1x128xi32, #tpu.memory_space<vmem>> -> memref<128xi32, #tpu.memory_space<vmem>>
        %dma_start3A_251 = arith.constant 0 : i32
        %dma_start3A_252 = arith.constant 0 : i32
        %dma_start3A_253 = tpu.memref_slice %arg2[%dma_start3A_251, %dma_start3A_252] : memref<50176x64xf32, #tpu.memory_space<hbm>> -> memref<50176x64xf32, #tpu.memory_space<hbm>>
        tpu.enqueue_indirect_dma source(%dma_start3A_253 : memref<50176x64xf32, #tpu.memory_space<hbm>>) target(%dma_start3A_247 : memref<128x64xf32, #tpu.memory_space<vmem>>) offsets(%dma_start3A_250 : memref<128xi32, #tpu.memory_space<vmem>>) semaphore(%arg9 : memref<!tpu.dma_semaphore, #tpu.memory_space<semaphore_mem>>)
      } else {
      }
      %mul3A_181 = arith.constant 3 : i32
      %mul3A_182 = arith.muli %add3A_105, %mul3A_181 : i32
      %add3A_183 = arith.constant 2 : i32
      %add3A_184 = arith.addi %mul3A_182, %add3A_183 : i32
      %dma_wait3A_185 = arith.constant 2 : i32
      %dma_wait3A_186 = arith.constant 0 : i32
      %dma_wait3A_187 = arith.constant 0 : i32
      %dma_wait3A_188 = tpu.memref_slice %arg7[%dma_wait3A_185, %dma_wait3A_186, %dma_wait3A_187] : memref<3x128x64xf32, #tpu.memory_space<vmem>> -> memref<1x128x64xf32, #tpu.memory_space<vmem>>
      %dma_wait3A_189 = tpu.memref_squeeze %dma_wait3A_188 : memref<1x128x64xf32, #tpu.memory_space<vmem>> -> memref<128x64xf32, #tpu.memory_space<vmem>>
      %dma_wait3A_190 = arith.constant 0 : i32
      %dma_wait3A_191 = arith.constant 0 : i32
      %dma_wait3A_192 = tpu.memref_slice %arg2[%dma_wait3A_190, %dma_wait3A_191] : memref<50176x64xf32, #tpu.memory_space<hbm>> -> memref<128x64xf32, #tpu.memory_space<hbm>>
      %dma_wait3A_193 = arith.constant 0 : i32
      %dma_wait3A_194 = arith.constant 0 : i32
      %dma_wait3A_195 = tpu.memref_slice %arg7[%dma_wait3A_185, %dma_wait3A_193, %dma_wait3A_194] : memref<3x128x64xf32, #tpu.memory_space<vmem>> -> memref<1x128x64xf32, #tpu.memory_space<vmem>>
      %dma_wait3A_196 = tpu.memref_squeeze %dma_wait3A_195 : memref<1x128x64xf32, #tpu.memory_space<vmem>> -> memref<128x64xf32, #tpu.memory_space<vmem>>
      %dma_wait3A_197 = arith.constant 0 : i32
      %dma_wait3A_198 = arith.constant 0 : i32
      %dma_wait3A_199 = tpu.memref_slice %arg2[%dma_wait3A_197, %dma_wait3A_198] : memref<50176x64xf32, #tpu.memory_space<hbm>> -> memref<128x64xf32, #tpu.memory_space<hbm>>
      tpu.wait_dma2 semaphore(%arg11 : memref<!tpu.dma_semaphore, #tpu.memory_space<semaphore_mem>>) src(%dma_wait3A_199 : memref<128x64xf32, #tpu.memory_space<hbm>>) dst(%dma_wait3A_196 : memref<128x64xf32, #tpu.memory_space<vmem>>)
      %dma_start3A_200 = arith.constant 2 : i32
      %dma_start3A_201 = arith.constant 2 : i32
      %dma_start3A_202 = arith.constant 1 : i32
      %dma_start3A_203 = arith.constant 0 : i32
      %dma_start3A_204 = arith.constant 0 : i32
      %dma_start3A_205 = tpu.memref_slice %arg7[%dma_start3A_200, %dma_start3A_203, %dma_start3A_204] : memref<3x128x64xf32, #tpu.memory_space<vmem>> -> memref<1x128x64xf32, #tpu.memory_space<vmem>>
      %dma_start3A_206 = tpu.memref_squeeze %dma_start3A_205 : memref<1x128x64xf32, #tpu.memory_space<vmem>> -> memref<128x64xf32, #tpu.memory_space<vmem>>
      %dma_start3A_207 = arith.constant 0 : i32
      %dma_start3A_208 = tpu.memref_slice %arg6[%dma_start3A_201, %dma_start3A_202, %dma_start3A_207] : memref<3x2x128xi32, #tpu.memory_space<vmem>> -> memref<1x1x128xi32, #tpu.memory_space<vmem>>
      %dma_start3A_209 = tpu.memref_squeeze %dma_start3A_208 : memref<1x1x128xi32, #tpu.memory_space<vmem>> -> memref<128xi32, #tpu.memory_space<vmem>>
      %dma_start3A_210 = arith.constant 0 : i32
      %dma_start3A_211 = arith.constant 0 : i32
      %dma_start3A_212 = tpu.memref_slice %arg8[%dma_start3A_210, %dma_start3A_211] : memref<25088x64xf32, #tpu.memory_space<vmem_shared>> -> memref<25088x64xf32, #tpu.memory_space<vmem_shared>>
      tpu.enqueue_indirect_dma source(%dma_start3A_206 : memref<128x64xf32, #tpu.memory_space<vmem>>) target(%dma_start3A_212 : memref<25088x64xf32, #tpu.memory_space<vmem_shared>>) offsets(%dma_start3A_209 : memref<128xi32, #tpu.memory_space<vmem>>) semaphore(%arg14 : memref<!tpu.dma_semaphore, #tpu.memory_space<semaphore_mem>>) {add = true}
      %ge3A_213 = arith.constant 1 : i32
      %ge3A_214 = arith.cmpi sge, %add3A_184, %ge3A_213 : i32
      %le3A_215 = arith.constant 207 : i32
      %le3A_216 = arith.cmpi sle, %add3A_184, %le3A_215 : i32
      %and3A_217 = arith.andi %ge3A_214, %le3A_216 : i1
      %convert_element_type3A_218 = arith.extui %and3A_217 : i1 to i32
      %cond3A_219 = arith.constant 0 : i32
      %cond3A_220 = arith.cmpi ne, %convert_element_type3A_218, %cond3A_219 : i32
      scf.if %cond3A_220 {
        %dma_wait3A_221 = arith.constant 1 : i32
        %dma_wait3A_222 = arith.constant 0 : i32
        %dma_wait3A_223 = arith.constant 0 : i32
        %dma_wait3A_224 = tpu.memref_slice %arg7[%dma_wait3A_221, %dma_wait3A_222, %dma_wait3A_223] : memref<3x128x64xf32, #tpu.memory_space<vmem>> -> memref<1x128x64xf32, #tpu.memory_space<vmem>>
        %dma_wait3A_225 = tpu.memref_squeeze %dma_wait3A_224 : memref<1x128x64xf32, #tpu.memory_space<vmem>> -> memref<128x64xf32, #tpu.memory_space<vmem>>
        %dma_wait3A_226 = arith.constant 0 : i32
        %dma_wait3A_227 = arith.constant 0 : i32
        %dma_wait3A_228 = tpu.memref_slice %arg2[%dma_wait3A_226, %dma_wait3A_227] : memref<50176x64xf32, #tpu.memory_space<hbm>> -> memref<128x64xf32, #tpu.memory_space<hbm>>
        %dma_wait3A_229 = arith.constant 0 : i32
        %dma_wait3A_230 = arith.constant 0 : i32
        %dma_wait3A_231 = tpu.memref_slice %arg7[%dma_wait3A_221, %dma_wait3A_229, %dma_wait3A_230] : memref<3x128x64xf32, #tpu.memory_space<vmem>> -> memref<1x128x64xf32, #tpu.memory_space<vmem>>
        %dma_wait3A_232 = tpu.memref_squeeze %dma_wait3A_231 : memref<1x128x64xf32, #tpu.memory_space<vmem>> -> memref<128x64xf32, #tpu.memory_space<vmem>>
        %dma_wait3A_233 = arith.constant 0 : i32
        %dma_wait3A_234 = arith.constant 0 : i32
        %dma_wait3A_235 = tpu.memref_slice %arg2[%dma_wait3A_233, %dma_wait3A_234] : memref<50176x64xf32, #tpu.memory_space<hbm>> -> memref<128x64xf32, #tpu.memory_space<hbm>>
        tpu.wait_dma2 semaphore(%arg13 : memref<!tpu.dma_semaphore, #tpu.memory_space<semaphore_mem>>) src(%dma_wait3A_235 : memref<128x64xf32, #tpu.memory_space<hbm>>) dst(%dma_wait3A_232 : memref<128x64xf32, #tpu.memory_space<vmem>>)
        %add3A_236 = arith.addi %mul3A_2, %add3A_184 : i32
        %sub3A = arith.constant 1 : i32
        %sub3A_237 = arith.subi %add3A_236, %sub3A : i32
        %add3A_238 = arith.constant 3 : i32
        %add3A_239 = arith.addi %sub3A_237, %add3A_238 : i32
        %run_scoped3A_240 = arith.constant 1 : i32
        "tpu.region"() ({
          %run_scoped3A_254 = tpu.sem_alloc : memref<!tpu.dma_semaphore, #tpu.memory_space<semaphore_mem>>
          %dma_start3A_255 = arith.constant 0 : i32
          %dma_start3A_256 = arith.constant 0 : i32
          %dma_start3A_257 = tpu.memref_slice %arg6[%run_scoped3A_240, %dma_start3A_255, %dma_start3A_256] : memref<3x2x128xi32, #tpu.memory_space<vmem>> -> memref<1x2x128xi32, #tpu.memory_space<vmem>>
          %dma_start3A_258 = tpu.memref_squeeze %dma_start3A_257 : memref<1x2x128xi32, #tpu.memory_space<vmem>> -> memref<2x128xi32, #tpu.memory_space<vmem>>
          %dma_start3A_259 = arith.constant 0 : i32
          %dma_start3A_260 = arith.constant 0 : i32
          %dma_start3A_261 = tpu.memref_slice %arg3[%arg0, %add3A_239, %dma_start3A_259, %dma_start3A_260] : memref<2x3360x2x128xi32, #tpu.memory_space<hbm>> -> memref<1x1x2x128xi32, #tpu.memory_space<hbm>>
          %dma_start3A_262 = tpu.memref_squeeze %dma_start3A_261 : memref<1x1x2x128xi32, #tpu.memory_space<hbm>> -> memref<2x128xi32, #tpu.memory_space<hbm>>
          %dma_start3A_263 = arith.constant 0 : i32
          %dma_start3A_264 = arith.constant 0 : i32
          %dma_start3A_265 = tpu.memref_slice %arg6[%run_scoped3A_240, %dma_start3A_263, %dma_start3A_264] : memref<3x2x128xi32, #tpu.memory_space<vmem>> -> memref<1x2x128xi32, #tpu.memory_space<vmem>>
          %dma_start3A_266 = tpu.memref_squeeze %dma_start3A_265 : memref<1x2x128xi32, #tpu.memory_space<vmem>> -> memref<2x128xi32, #tpu.memory_space<vmem>>
          %dma_start3A_267 = arith.constant 0 : i32
          %dma_start3A_268 = arith.constant 0 : i32
          %dma_start3A_269 = tpu.memref_slice %arg3[%arg0, %add3A_239, %dma_start3A_267, %dma_start3A_268] : memref<2x3360x2x128xi32, #tpu.memory_space<hbm>> -> memref<1x1x2x128xi32, #tpu.memory_space<hbm>>
          %dma_start3A_270 = tpu.memref_squeeze %dma_start3A_269 : memref<1x1x2x128xi32, #tpu.memory_space<hbm>> -> memref<2x128xi32, #tpu.memory_space<hbm>>
          tpu.enqueue_dma source(%dma_start3A_270 : memref<2x128xi32, #tpu.memory_space<hbm>>) target(%dma_start3A_266 : memref<2x128xi32, #tpu.memory_space<vmem>>) target_semaphore(%run_scoped3A_254 : memref<!tpu.dma_semaphore, #tpu.memory_space<semaphore_mem>>)
          %dma_wait3A_271 = arith.constant 0 : i32
          %dma_wait3A_272 = arith.constant 0 : i32
          %dma_wait3A_273 = tpu.memref_slice %arg6[%run_scoped3A_240, %dma_wait3A_271, %dma_wait3A_272] : memref<3x2x128xi32, #tpu.memory_space<vmem>> -> memref<1x2x128xi32, #tpu.memory_space<vmem>>
          %dma_wait3A_274 = tpu.memref_squeeze %dma_wait3A_273 : memref<1x2x128xi32, #tpu.memory_space<vmem>> -> memref<2x128xi32, #tpu.memory_space<vmem>>
          %dma_wait3A_275 = arith.constant 0 : i32
          %dma_wait3A_276 = arith.constant 0 : i32
          %dma_wait3A_277 = tpu.memref_slice %arg3[%arg0, %add3A_239, %dma_wait3A_275, %dma_wait3A_276] : memref<2x3360x2x128xi32, #tpu.memory_space<hbm>> -> memref<1x1x2x128xi32, #tpu.memory_space<hbm>>
          %dma_wait3A_278 = tpu.memref_squeeze %dma_wait3A_277 : memref<1x1x2x128xi32, #tpu.memory_space<hbm>> -> memref<2x128xi32, #tpu.memory_space<hbm>>
          %dma_wait3A_279 = arith.constant 0 : i32
          %dma_wait3A_280 = arith.constant 0 : i32
          %dma_wait3A_281 = tpu.memref_slice %arg6[%run_scoped3A_240, %dma_wait3A_279, %dma_wait3A_280] : memref<3x2x128xi32, #tpu.memory_space<vmem>> -> memref<1x2x128xi32, #tpu.memory_space<vmem>>
          %dma_wait3A_282 = tpu.memref_squeeze %dma_wait3A_281 : memref<1x2x128xi32, #tpu.memory_space<vmem>> -> memref<2x128xi32, #tpu.memory_space<vmem>>
          %dma_wait3A_283 = arith.constant 0 : i32
          %dma_wait3A_284 = arith.constant 0 : i32
          %dma_wait3A_285 = tpu.memref_slice %arg3[%arg0, %add3A_239, %dma_wait3A_283, %dma_wait3A_284] : memref<2x3360x2x128xi32, #tpu.memory_space<hbm>> -> memref<1x1x2x128xi32, #tpu.memory_space<hbm>>
          %dma_wait3A_286 = tpu.memref_squeeze %dma_wait3A_285 : memref<1x1x2x128xi32, #tpu.memory_space<hbm>> -> memref<2x128xi32, #tpu.memory_space<hbm>>
          tpu.wait_dma2 semaphore(%run_scoped3A_254 : memref<!tpu.dma_semaphore, #tpu.memory_space<semaphore_mem>>) src(%dma_wait3A_286 : memref<2x128xi32, #tpu.memory_space<hbm>>) dst(%dma_wait3A_282 : memref<2x128xi32, #tpu.memory_space<vmem>>)
          tpu.yield
        }) : () -> ()
        %dma_start3A_241 = arith.constant 1 : i32
        %dma_start3A_242 = arith.constant 0 : i32
        %dma_start3A_243 = arith.constant 1 : i32
        %dma_start3A_244 = arith.constant 0 : i32
        %dma_start3A_245 = arith.constant 0 : i32
        %dma_start3A_246 = tpu.memref_slice %arg7[%dma_start3A_243, %dma_start3A_244, %dma_start3A_245] : memref<3x128x64xf32, #tpu.memory_space<vmem>> -> memref<1x128x64xf32, #tpu.memory_space<vmem>>
        %dma_start3A_247 = tpu.memref_squeeze %dma_start3A_246 : memref<1x128x64xf32, #tpu.memory_space<vmem>> -> memref<128x64xf32, #tpu.memory_space<vmem>>
        %dma_start3A_248 = arith.constant 0 : i32
        %dma_start3A_249 = tpu.memref_slice %arg6[%dma_start3A_241, %dma_start3A_242, %dma_start3A_248] : memref<3x2x128xi32, #tpu.memory_space<vmem>> -> memref<1x1x128xi32, #tpu.memory_space<vmem>>
        %dma_start3A_250 = tpu.memref_squeeze %dma_start3A_249 : memref<1x1x128xi32, #tpu.memory_space<vmem>> -> memref<128xi32, #tpu.memory_space<vmem>>
        %dma_start3A_251 = arith.constant 0 : i32
        %dma_start3A_252 = arith.constant 0 : i32
        %dma_start3A_253 = tpu.memref_slice %arg2[%dma_start3A_251, %dma_start3A_252] : memref<50176x64xf32, #tpu.memory_space<hbm>> -> memref<50176x64xf32, #tpu.memory_space<hbm>>
        tpu.enqueue_indirect_dma source(%dma_start3A_253 : memref<50176x64xf32, #tpu.memory_space<hbm>>) target(%dma_start3A_247 : memref<128x64xf32, #tpu.memory_space<vmem>>) offsets(%dma_start3A_250 : memref<128xi32, #tpu.memory_space<vmem>>) semaphore(%arg10 : memref<!tpu.dma_semaphore, #tpu.memory_space<semaphore_mem>>)
      } else {
      }
    }
    %scan3A_51 = arith.constant 70 : i32
    %dma_wait3A = arith.constant 0 : i32
    %dma_wait3A_52 = arith.constant 0 : i32
    %dma_wait3A_53 = arith.constant 0 : i32
    %dma_wait3A_54 = tpu.memref_slice %arg7[%dma_wait3A, %dma_wait3A_52, %dma_wait3A_53] : memref<3x128x64xf32, #tpu.memory_space<vmem>> -> memref<1x128x64xf32, #tpu.memory_space<vmem>>
    %dma_wait3A_55 = tpu.memref_squeeze %dma_wait3A_54 : memref<1x128x64xf32, #tpu.memory_space<vmem>> -> memref<128x64xf32, #tpu.memory_space<vmem>>
    %dma_wait3A_56 = arith.constant 0 : i32
    %dma_wait3A_57 = arith.constant 0 : i32
    %dma_wait3A_58 = tpu.memref_slice %arg2[%dma_wait3A_56, %dma_wait3A_57] : memref<50176x64xf32, #tpu.memory_space<hbm>> -> memref<128x64xf32, #tpu.memory_space<hbm>>
    %dma_wait3A_59 = arith.constant 0 : i32
    %dma_wait3A_60 = arith.constant 0 : i32
    %dma_wait3A_61 = tpu.memref_slice %arg7[%dma_wait3A, %dma_wait3A_59, %dma_wait3A_60] : memref<3x128x64xf32, #tpu.memory_space<vmem>> -> memref<1x128x64xf32, #tpu.memory_space<vmem>>
    %dma_wait3A_62 = tpu.memref_squeeze %dma_wait3A_61 : memref<1x128x64xf32, #tpu.memory_space<vmem>> -> memref<128x64xf32, #tpu.memory_space<vmem>>
    %dma_wait3A_63 = arith.constant 0 : i32
    %dma_wait3A_64 = arith.constant 0 : i32
    %dma_wait3A_65 = tpu.memref_slice %arg2[%dma_wait3A_63, %dma_wait3A_64] : memref<50176x64xf32, #tpu.memory_space<hbm>> -> memref<128x64xf32, #tpu.memory_space<hbm>>
    tpu.wait_dma2 semaphore(%arg12 : memref<!tpu.dma_semaphore, #tpu.memory_space<semaphore_mem>>) src(%dma_wait3A_65 : memref<128x64xf32, #tpu.memory_space<hbm>>) dst(%dma_wait3A_62 : memref<128x64xf32, #tpu.memory_space<vmem>>)
    %dma_wait3A_66 = arith.constant 1 : i32
    %dma_wait3A_67 = arith.constant 0 : i32
    %dma_wait3A_68 = arith.constant 0 : i32
    %dma_wait3A_69 = tpu.memref_slice %arg7[%dma_wait3A_66, %dma_wait3A_67, %dma_wait3A_68] : memref<3x128x64xf32, #tpu.memory_space<vmem>> -> memref<1x128x64xf32, #tpu.memory_space<vmem>>
    %dma_wait3A_70 = tpu.memref_squeeze %dma_wait3A_69 : memref<1x128x64xf32, #tpu.memory_space<vmem>> -> memref<128x64xf32, #tpu.memory_space<vmem>>
    %dma_wait3A_71 = arith.constant 0 : i32
    %dma_wait3A_72 = arith.constant 0 : i32
    %dma_wait3A_73 = tpu.memref_slice %arg2[%dma_wait3A_71, %dma_wait3A_72] : memref<50176x64xf32, #tpu.memory_space<hbm>> -> memref<128x64xf32, #tpu.memory_space<hbm>>
    %dma_wait3A_74 = arith.constant 0 : i32
    %dma_wait3A_75 = arith.constant 0 : i32
    %dma_wait3A_76 = tpu.memref_slice %arg7[%dma_wait3A_66, %dma_wait3A_74, %dma_wait3A_75] : memref<3x128x64xf32, #tpu.memory_space<vmem>> -> memref<1x128x64xf32, #tpu.memory_space<vmem>>
    %dma_wait3A_77 = tpu.memref_squeeze %dma_wait3A_76 : memref<1x128x64xf32, #tpu.memory_space<vmem>> -> memref<128x64xf32, #tpu.memory_space<vmem>>
    %dma_wait3A_78 = arith.constant 0 : i32
    %dma_wait3A_79 = arith.constant 0 : i32
    %dma_wait3A_80 = tpu.memref_slice %arg2[%dma_wait3A_78, %dma_wait3A_79] : memref<50176x64xf32, #tpu.memory_space<hbm>> -> memref<128x64xf32, #tpu.memory_space<hbm>>
    tpu.wait_dma2 semaphore(%arg13 : memref<!tpu.dma_semaphore, #tpu.memory_space<semaphore_mem>>) src(%dma_wait3A_80 : memref<128x64xf32, #tpu.memory_space<hbm>>) dst(%dma_wait3A_77 : memref<128x64xf32, #tpu.memory_space<vmem>>)
    %dma_wait3A_81 = arith.constant 2 : i32
    %dma_wait3A_82 = arith.constant 0 : i32
    %dma_wait3A_83 = arith.constant 0 : i32
    %dma_wait3A_84 = tpu.memref_slice %arg7[%dma_wait3A_81, %dma_wait3A_82, %dma_wait3A_83] : memref<3x128x64xf32, #tpu.memory_space<vmem>> -> memref<1x128x64xf32, #tpu.memory_space<vmem>>
    %dma_wait3A_85 = tpu.memref_squeeze %dma_wait3A_84 : memref<1x128x64xf32, #tpu.memory_space<vmem>> -> memref<128x64xf32, #tpu.memory_space<vmem>>
    %dma_wait3A_86 = arith.constant 0 : i32
    %dma_wait3A_87 = arith.constant 0 : i32
    %dma_wait3A_88 = tpu.memref_slice %arg2[%dma_wait3A_86, %dma_wait3A_87] : memref<50176x64xf32, #tpu.memory_space<hbm>> -> memref<128x64xf32, #tpu.memory_space<hbm>>
    %dma_wait3A_89 = arith.constant 0 : i32
    %dma_wait3A_90 = arith.constant 0 : i32
    %dma_wait3A_91 = tpu.memref_slice %arg7[%dma_wait3A_81, %dma_wait3A_89, %dma_wait3A_90] : memref<3x128x64xf32, #tpu.memory_space<vmem>> -> memref<1x128x64xf32, #tpu.memory_space<vmem>>
    %dma_wait3A_92 = tpu.memref_squeeze %dma_wait3A_91 : memref<1x128x64xf32, #tpu.memory_space<vmem>> -> memref<128x64xf32, #tpu.memory_space<vmem>>
    %dma_wait3A_93 = arith.constant 0 : i32
    %dma_wait3A_94 = arith.constant 0 : i32
    %dma_wait3A_95 = tpu.memref_slice %arg2[%dma_wait3A_93, %dma_wait3A_94] : memref<50176x64xf32, #tpu.memory_space<hbm>> -> memref<128x64xf32, #tpu.memory_space<hbm>>
    tpu.wait_dma2 semaphore(%arg14 : memref<!tpu.dma_semaphore, #tpu.memory_space<semaphore_mem>>) src(%dma_wait3A_95 : memref<128x64xf32, #tpu.memory_space<hbm>>) dst(%dma_wait3A_92 : memref<128x64xf32, #tpu.memory_space<vmem>>)
    %barrier3A_96 = arith.constant 0 : index
    tpu.barrier barrier_id(%barrier3A_96)
    %mul3A_97 = arith.constant 1568 : i32
    %mul3A_98 = arith.muli %arg1, %mul3A_97 : i32
    %mul3A_99 = arith.constant 1568 : i32
    %mul3A_100 = arith.muli %arg1, %mul3A_99 : i32
    "tpu.region"() ({
      %run_scoped3A_101 = tpu.sem_alloc : memref<!tpu.dma_semaphore, #tpu.memory_space<semaphore_mem>>
      %dma_start3A_102 = arith.constant 0 : i32
      %dma_start3A_103 = tpu.memref_slice %arg5[%arg0, %mul3A_100, %dma_start3A_102] : memref<2x25088x64xf32, #tpu.memory_space<hbm>> -> memref<1x1568x64xf32, #tpu.memory_space<hbm>>
      %dma_start3A_104 = tpu.memref_squeeze %dma_start3A_103 : memref<1x1568x64xf32, #tpu.memory_space<hbm>> -> memref<1568x64xf32, #tpu.memory_space<hbm>>
      %dma_start3A_105 = arith.constant 0 : i32
      %dma_start3A_106 = tpu.memref_slice %arg8[%mul3A_98, %dma_start3A_105] : memref<25088x64xf32, #tpu.memory_space<vmem_shared>> -> memref<1568x64xf32, #tpu.memory_space<vmem_shared>>
      tpu.enqueue_dma source(%dma_start3A_106 : memref<1568x64xf32, #tpu.memory_space<vmem_shared>>) target(%dma_start3A_104 : memref<1568x64xf32, #tpu.memory_space<hbm>>) target_semaphore(%run_scoped3A_101 : memref<!tpu.dma_semaphore, #tpu.memory_space<semaphore_mem>>)
      %dma_wait3A_107 = arith.constant 0 : i32
      %dma_wait3A_108 = tpu.memref_slice %arg5[%arg0, %mul3A_100, %dma_wait3A_107] : memref<2x25088x64xf32, #tpu.memory_space<hbm>> -> memref<1x1568x64xf32, #tpu.memory_space<hbm>>
      %dma_wait3A_109 = tpu.memref_squeeze %dma_wait3A_108 : memref<1x1568x64xf32, #tpu.memory_space<hbm>> -> memref<1568x64xf32, #tpu.memory_space<hbm>>
      %dma_wait3A_110 = arith.constant 0 : i32
      %dma_wait3A_111 = tpu.memref_slice %arg8[%mul3A_98, %dma_wait3A_110] : memref<25088x64xf32, #tpu.memory_space<vmem_shared>> -> memref<1568x64xf32, #tpu.memory_space<vmem_shared>>
      tpu.wait_dma2 semaphore(%run_scoped3A_101 : memref<!tpu.dma_semaphore, #tpu.memory_space<semaphore_mem>>) src(%dma_wait3A_111 : memref<1568x64xf32, #tpu.memory_space<vmem_shared>>) dst(%dma_wait3A_109 : memref<1568x64xf32, #tpu.memory_space<hbm>>)
      tpu.yield
    }) : () -> ()
    return
  }
}

module attributes {stable_mosaic.version = 14 : i64} {
  func.func @body(%arg0: i32, %arg1: memref<784x32xf32, #tpu.memory_space<vmem>>, %arg2: memref<784x128xf32, #tpu.memory_space<vmem>>, %arg3: memref<784x128xf32, #tpu.memory_space<vmem>>) attributes {dimension_semantics = [#tpu.dimension_semantics<arbitrary>], iteration_bounds = array<i64: 32>, scalar_prefetch = 0 : i64, scratch_operands = 0 : i64, tpu.core_type = #tpu.core_type<tc>, window_params = [{transform_indices = @transform_0, window_bounds = array<i64: 784, 32>}, {transform_indices = @transform_1, window_bounds = array<i64: 784, 128>}, {transform_indices = @transform_2, window_bounds = array<i64: 784, 128>}]} {
    %get3A = arith.constant 0 : index
    %get3A_0 = arith.constant 0 : index
    %get3A_1 = vector.load %arg2[%get3A, %get3A_0] : memref<784x128xf32, #tpu.memory_space<vmem>>, vector<784x128xf32>
    %get3A_2 = arith.constant 0 : index
    %get3A_3 = arith.constant 0 : index
    %get3A_4 = vector.load %arg1[%get3A_2, %get3A_3] : memref<784x32xf32, #tpu.memory_space<vmem>>, vector<784x32xf32>
    %slice3A = vector.extract_strided_slice %get3A_4 {offsets = [0, 0], sizes = [784, 1], strides = [1, 1]} : vector<784x32xf32> to vector<784x1xf32>
    %slice3A_5 = vector.extract_strided_slice %get3A_4 {offsets = [0, 16], sizes = [784, 1], strides = [1, 1]} : vector<784x32xf32> to vector<784x1xf32>
    %gt3A = arith.constant 0.000000e+00 : f32
    %gt3A_6 = vector.broadcast %gt3A : f32 to vector<784x1xf32>
    %gt3A_7 = arith.cmpf ogt, %slice3A, %gt3A_6 : vector<784x1xf32>
    %rsqrt3A = math.rsqrt %slice3A : vector<784x1xf32>
    %jit3A = arith.constant 0.000000e+00 : f32
    %broadcast_in_dim3A = vector.broadcast %jit3A : f32 to vector<784x1xf32>
    %select_n3A = arith.select %gt3A_7, %rsqrt3A, %broadcast_in_dim3A : vector<784x1xi1>, vector<784x1xf32>
    %gt3A_8 = arith.constant 0.000000e+00 : f32
    %gt3A_9 = vector.broadcast %gt3A_8 : f32 to vector<784x1xf32>
    %gt3A_10 = arith.cmpf ogt, %slice3A_5, %gt3A_9 : vector<784x1xf32>
    %rsqrt3A_11 = math.rsqrt %slice3A_5 : vector<784x1xf32>
    %jit3A_12 = arith.constant 0.000000e+00 : f32
    %broadcast_in_dim3A_13 = vector.broadcast %jit3A_12 : f32 to vector<784x1xf32>
    %select_n3A_14 = arith.select %gt3A_10, %rsqrt3A_11, %broadcast_in_dim3A_13 : vector<784x1xi1>, vector<784x1xf32>
    %broadcast_in_dim3A_15 = vector.shape_cast %select_n3A : vector<784x1xf32> to vector<784x1xf32>
    %broadcast_in_dim3A_16 = vector.broadcast %broadcast_in_dim3A_15 : vector<784x1xf32> to vector<784x64xf32>
    %broadcast_in_dim3A_17 = vector.shape_cast %select_n3A_14 : vector<784x1xf32> to vector<784x1xf32>
    %broadcast_in_dim3A_18 = vector.broadcast %broadcast_in_dim3A_17 : vector<784x1xf32> to vector<784x64xf32>
    %concatenate3A = tpu.concatenate %broadcast_in_dim3A_16, %broadcast_in_dim3A_18 in 1 : vector<784x64xf32>, vector<784x64xf32> -> vector<784x128xf32>
    %mul3A = arith.mulf %get3A_1, %concatenate3A : vector<784x128xf32>
    %swap3A = arith.constant 0 : index
    %swap3A_19 = arith.constant 0 : index
    %swap3A_20 = vector.load %arg3[%swap3A, %swap3A_19] : memref<784x128xf32, #tpu.memory_space<vmem>>, vector<784x128xf32>
    tpu.vector_store %arg3[%swap3A, %swap3A_19], %mul3A {strides = array<i32>} : memref<784x128xf32, #tpu.memory_space<vmem>>, vector<784x128xf32>,
    return
  }
  func.func @transform_0(%arg0: i32) -> (i32, i32) {
    %c0_i32 = arith.constant 0 : i32
    %c0_i32_0 = arith.constant 0 : i32
    return %arg0, %c0_i32 : i32, i32
  }
  func.func @transform_1(%arg0: i32) -> (i32, i32) {
    %c0_i32 = arith.constant 0 : i32
    %c0_i32_0 = arith.constant 0 : i32
    return %arg0, %c0_i32 : i32, i32
  }
  func.func @transform_2(%arg0: i32) -> (i32, i32) {
    %c0_i32 = arith.constant 0 : i32
    %c0_i32_0 = arith.constant 0 : i32
    return %arg0, %c0_i32 : i32, i32
  }
}

module attributes {stable_mosaic.version = 14 : i64} {
  func.func @body(%arg0: i32, %arg1: memref<784x128xf32, #tpu.memory_space<vmem>>, %arg2: memref<784x32xf32, #tpu.memory_space<vmem>>, %arg3: memref<784x128xf32, #tpu.memory_space<vmem>>, %arg4: memref<784x128xf32, #tpu.memory_space<vmem>>) attributes {dimension_semantics = [#tpu.dimension_semantics<arbitrary>], iteration_bounds = array<i64: 32>, scalar_prefetch = 0 : i64, scratch_operands = 0 : i64, tpu.core_type = #tpu.core_type<tc>, window_params = [{transform_indices = @transform_0, window_bounds = array<i64: 784, 128>}, {transform_indices = @transform_1, window_bounds = array<i64: 784, 32>}, {transform_indices = @transform_2, window_bounds = array<i64: 784, 128>}, {transform_indices = @transform_3, window_bounds = array<i64: 784, 128>}]} {
    %get3A = arith.constant 0 : index
    %get3A_0 = arith.constant 0 : index
    %get3A_1 = vector.load %arg2[%get3A, %get3A_0] : memref<784x32xf32, #tpu.memory_space<vmem>>, vector<784x32xf32>
    %slice3A = vector.extract_strided_slice %get3A_1 {offsets = [0, 0], sizes = [784, 1], strides = [1, 1]} : vector<784x32xf32> to vector<784x1xf32>
    %slice3A_2 = vector.extract_strided_slice %get3A_1 {offsets = [0, 16], sizes = [784, 1], strides = [1, 1]} : vector<784x32xf32> to vector<784x1xf32>
    %gt3A = arith.constant 0.000000e+00 : f32
    %gt3A_3 = vector.broadcast %gt3A : f32 to vector<784x1xf32>
    %gt3A_4 = arith.cmpf ogt, %slice3A, %gt3A_3 : vector<784x1xf32>
    %rsqrt3A = math.rsqrt %slice3A : vector<784x1xf32>
    %jit3A = arith.constant 0.000000e+00 : f32
    %broadcast_in_dim3A = vector.broadcast %jit3A : f32 to vector<784x1xf32>
    %select_n3A = arith.select %gt3A_4, %rsqrt3A, %broadcast_in_dim3A : vector<784x1xi1>, vector<784x1xf32>
    %gt3A_5 = arith.constant 0.000000e+00 : f32
    %gt3A_6 = vector.broadcast %gt3A_5 : f32 to vector<784x1xf32>
    %gt3A_7 = arith.cmpf ogt, %slice3A_2, %gt3A_6 : vector<784x1xf32>
    %rsqrt3A_8 = math.rsqrt %slice3A_2 : vector<784x1xf32>
    %jit3A_9 = arith.constant 0.000000e+00 : f32
    %broadcast_in_dim3A_10 = vector.broadcast %jit3A_9 : f32 to vector<784x1xf32>
    %select_n3A_11 = arith.select %gt3A_7, %rsqrt3A_8, %broadcast_in_dim3A_10 : vector<784x1xi1>, vector<784x1xf32>
    %broadcast_in_dim3A_12 = vector.shape_cast %select_n3A : vector<784x1xf32> to vector<784x1xf32>
    %broadcast_in_dim3A_13 = vector.broadcast %broadcast_in_dim3A_12 : vector<784x1xf32> to vector<784x64xf32>
    %broadcast_in_dim3A_14 = vector.shape_cast %select_n3A_11 : vector<784x1xf32> to vector<784x1xf32>
    %broadcast_in_dim3A_15 = vector.broadcast %broadcast_in_dim3A_14 : vector<784x1xf32> to vector<784x64xf32>
    %concatenate3A = tpu.concatenate %broadcast_in_dim3A_13, %broadcast_in_dim3A_15 in 1 : vector<784x64xf32>, vector<784x64xf32> -> vector<784x128xf32>
    %get3A_16 = arith.constant 0 : index
    %get3A_17 = arith.constant 0 : index
    %get3A_18 = vector.load %arg1[%get3A_16, %get3A_17] : memref<784x128xf32, #tpu.memory_space<vmem>>, vector<784x128xf32>
    %ge3A = arith.constant 0.000000e+00 : f32
    %ge3A_19 = vector.broadcast %ge3A : f32 to vector<784x128xf32>
    %ge3A_20 = arith.cmpf oge, %get3A_18, %ge3A_19 : vector<784x128xf32>
    %mul3A = arith.constant 0.00999999977 : f32
    %mul3A_21 = vector.broadcast %mul3A : f32 to vector<784x128xf32>
    %mul3A_22 = arith.mulf %mul3A_21, %get3A_18 : vector<784x128xf32>
    %select_n3A_23 = arith.select %ge3A_20, %get3A_18, %mul3A_22 : vector<784x128xi1>, vector<784x128xf32>
    %slice3A_24 = vector.extract_strided_slice %select_n3A_23 {offsets = [0, 0], sizes = [784, 64], strides = [1, 1]} : vector<784x128xf32> to vector<784x64xf32>
    %slice3A_25 = vector.extract_strided_slice %select_n3A_23 {offsets = [0, 0], sizes = [784, 64], strides = [1, 1]} : vector<784x128xf32> to vector<784x64xf32>
    %mul3A_26 = arith.mulf %slice3A_24, %slice3A_25 : vector<784x64xf32>
    %reduce_sum3A = arith.constant dense<0.000000e+00> : vector<784xf32>
    %reduce_sum3A_27 = vector.multi_reduction <add>, %mul3A_26, %reduce_sum3A [1] : vector<784x64xf32> to vector<784xf32>
    %broadcast_in_dim3A_28 = vector.shape_cast %reduce_sum3A_27 : vector<784xf32> to vector<784x1xf32>
    %slice3A_29 = vector.extract_strided_slice %select_n3A_23 {offsets = [0, 64], sizes = [784, 64], strides = [1, 1]} : vector<784x128xf32> to vector<784x64xf32>
    %slice3A_30 = vector.extract_strided_slice %select_n3A_23 {offsets = [0, 64], sizes = [784, 64], strides = [1, 1]} : vector<784x128xf32> to vector<784x64xf32>
    %mul3A_31 = arith.mulf %slice3A_29, %slice3A_30 : vector<784x64xf32>
    %reduce_sum3A_32 = arith.constant dense<0.000000e+00> : vector<784xf32>
    %reduce_sum3A_33 = vector.multi_reduction <add>, %mul3A_31, %reduce_sum3A_32 [1] : vector<784x64xf32> to vector<784xf32>
    %broadcast_in_dim3A_34 = vector.shape_cast %reduce_sum3A_33 : vector<784xf32> to vector<784x1xf32>
    %sqrt3A = math.sqrt %broadcast_in_dim3A_28 : vector<784x1xf32>
    %max3A = arith.constant 9.99999996E-13 : f32
    %max3A_35 = vector.broadcast %max3A : f32 to vector<784x1xf32>
    %max3A_36 = arith.maximumf %sqrt3A, %max3A_35 : vector<784x1xf32>
    %div3A = arith.constant 1.000000e+00 : f32
    %div3A_37 = vector.broadcast %div3A : f32 to vector<784x1xf32>
    %div3A_38 = arith.divf %div3A_37, %max3A_36 : vector<784x1xf32>
    %sqrt3A_39 = math.sqrt %broadcast_in_dim3A_34 : vector<784x1xf32>
    %max3A_40 = arith.constant 9.99999996E-13 : f32
    %max3A_41 = vector.broadcast %max3A_40 : f32 to vector<784x1xf32>
    %max3A_42 = arith.maximumf %sqrt3A_39, %max3A_41 : vector<784x1xf32>
    %div3A_43 = arith.constant 1.000000e+00 : f32
    %div3A_44 = vector.broadcast %div3A_43 : f32 to vector<784x1xf32>
    %div3A_45 = arith.divf %div3A_44, %max3A_42 : vector<784x1xf32>
    %broadcast_in_dim3A_46 = vector.shape_cast %div3A_38 : vector<784x1xf32> to vector<784x1xf32>
    %broadcast_in_dim3A_47 = vector.broadcast %broadcast_in_dim3A_46 : vector<784x1xf32> to vector<784x64xf32>
    %broadcast_in_dim3A_48 = vector.shape_cast %div3A_45 : vector<784x1xf32> to vector<784x1xf32>
    %broadcast_in_dim3A_49 = vector.broadcast %broadcast_in_dim3A_48 : vector<784x1xf32> to vector<784x64xf32>
    %concatenate3A_50 = tpu.concatenate %broadcast_in_dim3A_47, %broadcast_in_dim3A_49 in 1 : vector<784x64xf32>, vector<784x64xf32> -> vector<784x128xf32>
    %mul3A_51 = arith.mulf %select_n3A_23, %concatenate3A_50 : vector<784x128xf32>
    %swap3A = arith.constant 0 : index
    %swap3A_52 = arith.constant 0 : index
    %swap3A_53 = vector.load %arg3[%swap3A, %swap3A_52] : memref<784x128xf32, #tpu.memory_space<vmem>>, vector<784x128xf32>
    tpu.vector_store %arg3[%swap3A, %swap3A_52], %mul3A_51 {strides = array<i32>} : memref<784x128xf32, #tpu.memory_space<vmem>>, vector<784x128xf32>,
    %mul3A_54 = arith.mulf %mul3A_51, %concatenate3A : vector<784x128xf32>
    %swap3A_55 = arith.constant 0 : index
    %swap3A_56 = arith.constant 0 : index
    %swap3A_57 = vector.load %arg4[%swap3A_55, %swap3A_56] : memref<784x128xf32, #tpu.memory_space<vmem>>, vector<784x128xf32>
    tpu.vector_store %arg4[%swap3A_55, %swap3A_56], %mul3A_54 {strides = array<i32>} : memref<784x128xf32, #tpu.memory_space<vmem>>, vector<784x128xf32>,
    return
  }
  func.func @transform_0(%arg0: i32) -> (i32, i32) {
    %c0_i32 = arith.constant 0 : i32
    %c0_i32_0 = arith.constant 0 : i32
    return %arg0, %c0_i32 : i32, i32
  }
  func.func @transform_1(%arg0: i32) -> (i32, i32) {
    %c0_i32 = arith.constant 0 : i32
    %c0_i32_0 = arith.constant 0 : i32
    return %arg0, %c0_i32 : i32, i32
  }
  func.func @transform_2(%arg0: i32) -> (i32, i32) {
    %c0_i32 = arith.constant 0 : i32
    %c0_i32_0 = arith.constant 0 : i32
    return %arg0, %c0_i32 : i32, i32
  }
  func.func @transform_3(%arg0: i32) -> (i32, i32) {
    %c0_i32 = arith.constant 0 : i32
    %c0_i32_0 = arith.constant 0 : i32
    return %arg0, %c0_i32 : i32, i32
  }
}

module attributes {stable_mosaic.version = 14 : i64} {
  func.func @body(%arg0: i32, %arg1: memref<784x128xf32, #tpu.memory_space<vmem>>, %arg2: memref<784x128xf32, #tpu.memory_space<vmem>>, %arg3: memref<784x128xf32, #tpu.memory_space<vmem>>, %arg4: memref<784x128xf32, #tpu.memory_space<vmem>>, %arg5: memref<784x128xf32, #tpu.memory_space<vmem>>) attributes {dimension_semantics = [#tpu.dimension_semantics<arbitrary>], iteration_bounds = array<i64: 32>, scalar_prefetch = 0 : i64, scratch_operands = 0 : i64, tpu.core_type = #tpu.core_type<tc>, window_params = [{transform_indices = @transform_0, window_bounds = array<i64: 784, 128>}, {transform_indices = @transform_1, window_bounds = array<i64: 784, 128>}, {transform_indices = @transform_2, window_bounds = array<i64: 784, 128>}, {transform_indices = @transform_3, window_bounds = array<i64: 784, 128>}, {transform_indices = @transform_4, window_bounds = array<i64: 784, 128>}]} {
    %get3A = arith.constant 0 : index
    %get3A_0 = arith.constant 0 : index
    %get3A_1 = vector.load %arg1[%get3A, %get3A_0] : memref<784x128xf32, #tpu.memory_space<vmem>>, vector<784x128xf32>
    %get3A_2 = arith.constant 0 : index
    %get3A_3 = arith.constant 0 : index
    %get3A_4 = vector.load %arg2[%get3A_2, %get3A_3] : memref<784x128xf32, #tpu.memory_space<vmem>>, vector<784x128xf32>
    %add3A = arith.addf %get3A_1, %get3A_4 : vector<784x128xf32>
    %get3A_5 = arith.constant 0 : index
    %get3A_6 = arith.constant 0 : index
    %get3A_7 = vector.load %arg3[%get3A_5, %get3A_6] : memref<784x128xf32, #tpu.memory_space<vmem>>, vector<784x128xf32>
    %add3A_8 = arith.addf %add3A, %get3A_7 : vector<784x128xf32>
    %get3A_9 = arith.constant 0 : index
    %get3A_10 = arith.constant 0 : index
    %get3A_11 = vector.load %arg4[%get3A_9, %get3A_10] : memref<784x128xf32, #tpu.memory_space<vmem>>, vector<784x128xf32>
    %add3A_12 = arith.addf %add3A_8, %get3A_11 : vector<784x128xf32>
    %mul3A = arith.constant 2.500000e-01 : f32
    %mul3A_13 = vector.broadcast %mul3A : f32 to vector<784x128xf32>
    %mul3A_14 = arith.mulf %mul3A_13, %add3A_12 : vector<784x128xf32>
    %swap3A = arith.constant 0 : index
    %swap3A_15 = arith.constant 0 : index
    %swap3A_16 = vector.load %arg5[%swap3A, %swap3A_15] : memref<784x128xf32, #tpu.memory_space<vmem>>, vector<784x128xf32>
    tpu.vector_store %arg5[%swap3A, %swap3A_15], %mul3A_14 {strides = array<i32>} : memref<784x128xf32, #tpu.memory_space<vmem>>, vector<784x128xf32>,
    return
  }
  func.func @transform_0(%arg0: i32) -> (i32, i32) {
    %c0_i32 = arith.constant 0 : i32
    %c0_i32_0 = arith.constant 0 : i32
    return %arg0, %c0_i32 : i32, i32
  }
  func.func @transform_1(%arg0: i32) -> (i32, i32) {
    %c0_i32 = arith.constant 0 : i32
    %c0_i32_0 = arith.constant 0 : i32
    return %arg0, %c0_i32 : i32, i32
  }
  func.func @transform_2(%arg0: i32) -> (i32, i32) {
    %c0_i32 = arith.constant 0 : i32
    %c0_i32_0 = arith.constant 0 : i32
    return %arg0, %c0_i32 : i32, i32
  }
  func.func @transform_3(%arg0: i32) -> (i32, i32) {
    %c0_i32 = arith.constant 0 : i32
    %c0_i32_0 = arith.constant 0 : i32
    return %arg0, %c0_i32 : i32, i32
  }
  func.func @transform_4(%arg0: i32) -> (i32, i32) {
    %c0_i32 = arith.constant 0 : i32
    %c0_i32_0 = arith.constant 0 : i32
    return %arg0, %c0_i32 : i32, i32
  }
}

</mosaic_0001>

<sc_bundles>
// kernel: kernel.12.cloned.1.call-start
scs
__scs_entry_jumppad:
0x0: {  	(pc) =	sbr.rel $0x88, $3  }
0x1: {  	(tag) =	ssettag $0x0;
	lr =	simm.s32 $0x1  }
0x2: {  	[smem:$0x3F9F] =	sst lr;
	_ =	strace $0xD0000000  }
0x3: {  	_ = 	snop  }
0x4: {  	_ = 	snop  }
0x5: {  	_ = 	snop  }
0x6: {  	_ = 	snop  }
0x7: {  	_ = 	snop  }
__scs_overlays_trampoline_lowered:
0x8: {  	[smem:$0x3FAE] =	sst s0  }
0x9: {  	[smem:$0x3FAF] =	sst s1  }
0xa: {  	[smem:$0x3FB0] =	sst s2  }
0xb: {  	[smem:$0x3FB1] =	sst s3  }
0xc: {  	[smem:$0x3FB2] =	sst s4  }
0xd: {  	[smem:$0x3FB3] =	sst s5  }
0xe: {  	[smem:$0x3FB4] =	sst s6  }
0xf: {  	[smem:$0x3FB5] =	sst s7  }
0x10: {  	[smem:$0x3FB6] =	sst s8  }
0x11: {  	[smem:$0x3FB7] =	sst s9;
	s0 =	simm.s32 @!p0 $0x0  }
0x12: {  	s1 =	sld [smem:$0x3F9D];
	s0 =	simm.s32 @p0 $0x1  }
0x13: {  	[smem:$0x3FB8] =	sst s0;
	s0 =	simm.s32 @!p1 $0x0  }
0x14: {  	s2 =	sld [smem:$0x3F9C];
	s0 =	simm.s32 @p1 $0x1  }
0x15: {  	[smem:$0x3FB9] =	sst s0;
	s0 =	simm.s32 @!p2 $0x0  }
0x16: {  	s3 =	sld [smem:$0x3FDB];
	s0 =	simm.s32 @p2 $0x1  }
0x17: {  	s4 =	simm.s32 $0x1BF5;
	[smem:$0x3FBB] =	sst s0  }
0x18: {  	s0 =	sld [smem:$0x3F9E];
	_ =	swait.ge [sflag:s4], $0x0  }
0x19: {  	s7 =	sld [smem:$0x3F9F]  }
0x1a: {  	s8 =	sadd.s32 $0xFFFFE003, lr  }
0x1b: {  	s9 =	sadd.s32 $0xFFFFFEF7, lr;
	s5 =	simm.s32 $0xFFFFFFFF;
	p2 =	slt.u32 s8, $0xFFFFF086  }
0x1c: {  	p1 =	slt.u32 s9, $0xF7A;
	s5 =	simm.s32 @!p2 $0x0  }
0x1d: {  	s5 =	simm.s32 @p1 $0x1;
	p0 =	seq.s32 s7, s2  }
0x1e: {  	s7 =	smul.u32 @!p0 $0xF7A, s2;
	p2 =	seq.s32 @!p0 s5, $0x0  }
0x1f: {  	s9 =	smul.u32 $0xF7A, s1;
	s8 =	simm.s32 @!p0 $0x1BF5;
	p2 =	por !p2, p0  }
0x20: {  	[sflag:s8] =	ssyncset.s32 @!p0 $0xFFFFF086;
	s6 =	sadd.s32 @!p0 s3, s7;
	s7 =	simm.s32 @!p0 $0x108  }
0x21: {  	s3 =	sadd.s32 s3, s9;
	s6 =	sadd.s32 @!p0 $0x88, s6;
	s7 =	simm.s32 @p2 $0x1082  }
0x22: {  	[simem:s7], [sflag:s8] =	dma.local @!p0 [hbm:s6], $0xF7A  }
0x23: {  	s9 =	sor.u32 $0xD0000000, s2;
	s6 =	simm.s32 $0x108;
	_ =	swait.ge @!p0 [sflag:s8], $0x0  }
0x24: {  	s3 =	sadd.s32 $0x88, s3;
	s6 =	simm.s32 @!p1 $0x1082;
	[sflag:s4] =	ssyncset.s32 $0xFFFFF086  }
0x25: {  	[simem:s6], [sflag:s4] =	dma.local [hbm:s3], $0xF7A  }
0x26: {  	[smem:$0x3F9F] =	sst s1;
	(tag) =	ssettag s2;
	_ =	strace s9  }
0x27: {  	s1 =	sld [smem:$0x3FAF]  }
0x28: {  	s2 =	sld [smem:$0x3FB0]  }
0x29: {  	s4 =	sld [smem:$0x3FB2]  }
0x2a: {  	p0 =	seq.s32 s5, $0x0;
	s5 =	sld [smem:$0x3FB3]  }
0x2b: {  	s6 =	sld [smem:$0x3FB4]  }
0x2c: {  	s7 =	sld [smem:$0x3FB5]  }
0x2d: {  	s3 =	simm.s32 $0x108;
	s8 =	sld [smem:$0x3FB6]  }
0x2e: {  	s3 =	simm.s32 @!p0 $0x1082;
	s9 =	sld [smem:$0x3FB7]  }
0x2f: {  	lr =	sadd.s32 s0, s3;
	s0 =	sld [smem:$0x3FAE]  }
0x30: {  	s3 =	sld [smem:$0x3FB1]  }
0x31: {  	[smem:$0x3FBA] =	sst s10  }
0x32: {  	s10 =	sld [smem:$0x3FB8];
	_ =	sdelay $0x3  }
0x33: {  	p0 =	seq.s32 s10, $0x1;
	s10 =	sld [smem:$0x3FBA];
	_ =	sdelay $0x3  }
0x34: {  	[smem:$0x3FBA] =	sst s10  }
0x35: {  	s10 =	sld [smem:$0x3FB9];
	_ =	sdelay $0x3  }
0x36: {  	p1 =	seq.s32 s10, $0x1;
	s10 =	sld [smem:$0x3FBA];
	_ =	sdelay $0x3  }
0x37: {  	[smem:$0x3FBA] =	sst s10  }
0x38: {  	s10 =	sld [smem:$0x3FBB]  }
0x39: {  	_ = 	snop;
	(pc) =	sbr.ind lr, $3  }
0x3a: {  	_ = 	snop  }
0x3b: {  	_ = 	snop  }
0x3c: {  	p2 =	seq.s32 s10, $0x1;
	s10 =	sld [smem:$0x3FBA]  }
0x3d: {  	_ =	shalt  }
0x3e: {  	_ =	shalt  }
0x3f: {  	_ =	shalt  }
0x40: {  	_ =	shalt  }
0x41: {  	_ =	shalt  }
0x42: {  	_ =	shalt  }
0x43: {  	_ =	shalt  }
0x44: {  	_ =	shalt  }
0x45: {  	_ =	shalt  }
0x46: {  	_ =	shalt  }
0x47: {  	_ =	shalt  }
0x48: {  	_ =	shalt  }
0x49: {  	_ =	shalt  }
0x4a: {  	_ =	shalt  }
0x4b: {  	_ =	shalt  }
0x4c: {  	_ =	shalt  }
0x4d: {  	_ =	shalt  }
0x4e: {  	_ =	shalt  }
0x4f: {  	_ =	shalt  }
0x50: {  	_ =	shalt  }
0x51: {  	_ =	shalt  }
0x52: {  	_ =	shalt  }
0x53: {  	_ =	shalt  }
0x54: {  	_ =	shalt  }
0x55: {  	_ =	shalt  }
0x56: {  	_ =	shalt  }
0x57: {  	_ =	shalt  }
0x58: {  	_ =	shalt  }
0x59: {  	_ =	shalt  }
0x5a: {  	_ =	shalt  }
0x5b: {  	_ =	shalt  }
0x5c: {  	_ =	shalt  }
0x5d: {  	_ =	shalt  }
0x5e: {  	_ =	shalt  }
0x5f: {  	_ =	shalt  }
0x60: {  	_ =	shalt  }
0x61: {  	_ =	shalt  }
0x62: {  	_ =	shalt  }
0x63: {  	_ =	shalt  }
0x64: {  	_ =	shalt  }
0x65: {  	_ =	shalt  }
0x66: {  	_ =	shalt  }
0x67: {  	_ =	shalt  }
0x68: {  	_ =	shalt  }
0x69: {  	_ =	shalt  }
0x6a: {  	_ =	shalt  }
0x6b: {  	_ =	shalt  }
0x6c: {  	_ =	shalt  }
0x6d: {  	_ =	shalt  }
0x6e: {  	_ =	shalt  }
0x6f: {  	_ =	shalt  }
0x70: {  	_ =	shalt  }
0x71: {  	_ =	shalt  }
0x72: {  	_ =	shalt  }
0x73: {  	_ =	shalt  }
0x74: {  	_ =	shalt  }
0x75: {  	_ =	shalt  }
0x76: {  	_ =	shalt  }
0x77: {  	_ =	shalt  }
0x78: {  	_ =	shalt  }
0x79: {  	_ =	shalt  }
0x7a: {  	_ =	shalt  }
0x7b: {  	_ =	shalt  }
0x7c: {  	_ =	shalt  }
0x7d: {  	_ =	shalt  }
0x7e: {  	_ =	shalt  }
0x7f: {  	_ =	shalt  }
0x80: {  	_ =	shalt  }
0x81: {  	_ =	shalt  }
0x82: {  	_ =	shalt  }
0x83: {  	_ =	shalt  }
0x84: {  	_ =	shalt  }
0x85: {  	_ =	shalt  }
0x86: {  	_ =	shalt  }
0x87: {  	_ =	shalt  }
.Lfunc_end0:
.L_simem_size_0:
called_computation_lowered:
.L_overlay_start_0:
0x88: {  	s2 =	sld [smem:$0x3FD9]  }
0x89: {  	s3 =	sld [smem:$0x3FFE];
	_ =	sdelay $0x1  }
0x8a: {  	s1 =	srdreg.scid  }
0x8b: {  	s0 =	sand.u32 $0x1, s1  }
0x8c: {  	s17 =	sshll.u32 s0, $0xA;
	s2 =	sadd.s32 s3, s2  }
0x8d: {  	s2 =	sadd.s32 s2, s17  }
0x8e: {  	[smem:$0x3FC6] =	sst s2  }
0x8f: {  	_ = 	snop  }
0x90: {  	s2 =	sld [smem:$0x3FD0];
	(tm) =	ssettm $0x1  }
0x91: {  	s18 =	sld [smem:$0x3FFB];
	_ =	sdelay $0x3  }
0x92: {  	_ =	strace s18  }
0x93: {  	s3 =	sld [smem:$0x3FFC];
	_ =	sdelay $0x3  }
0x94: {  	_ =	strace s3  }
0x95: {  	s3 =	sld [smem:$0x3FFD];
	_ =	sdelay $0x3  }
0x96: {  	_ =	strace s3  }
0x97: {  	_ =	strace $0x8FFFFFFF  }
0x98: {  	s19 =	sld [smem:$0x3FDB];
	_ =	sdelay $0x1  }
0x99: {  	s4 =	simm.s32 $_scs_section_size  }
0x9a: {  	s5 =	simm.s32 $_size__tile_overlayer_lowered;
	s6 =	simm.s32 $_tile_overlayer_lowered  }
0x9b: {  	s22 =	simm.s32 $0x1BFF;
	s21 =	sshll.u32 s6, $0x1;
	s3 =	sadd.s32 s4, s19  }
0x9c: {  	s7 =	simm.s32 $0x0;
	s20 =	sshll.u32 s5, $0x1;
	s5 =	sadd.s32 s21, s3  }
0x9d: {  	[timem:s7], [sflag:s22] =	dma.local [hbm:s5], s20  }
0x9e: {  	_ =	swait.ge [sflag:s22], s20  }
0x9f: {  	s4 =	ssub.s32 $0x0, s20;
	[sflag:s22] =	ssyncset.done $0x0  }
0xa0: {  	[sflag:s22] =	ssyncadd.s32 s4;
	_ =	sdelay $0x1  }
0xa1: {  	s23 =	simm.s32 $0x1B8B  }
0xa2: {  	_ =	swait.ge [sflag:s23], $0x1  }
0xa3: {  	[sflag:s23] =	ssyncset.done $0x0  }
0xa4: {  	s25 =	simm.s32 $0x1B8E;
	s24 =	sld [smem:$0x3FFE];
	[sflag:s23] =	ssyncadd.s32 $0xFFFFFFFF  }
0xa5: {  	s26 =	simm.s32 $execute0_lowered;
	[smem:$0x3FD2] =	sst s25  }
0xa6: {  	s5 =	sshll.u32 s26, $0x1;
	_ =	strace $0x80000046;
	[dreg:$0x1] =	wrdreg $0xFFFFFFFF  }
0xa7: {  	s28 =	simm.s32 $_size_execute0_lowered;
	s3 =	sadd.s32 s3, s5;
	[dreg:$0x0] =	wrdreg $0x0  }
0xa8: {  	s5 =	sshll.u32 s28, $0x1;
	[dreg:$0x2] =	wrdreg s3  }
0xa9: {  	[dreg:$0x3] =	wrdreg s5  }
0xaa: {  	[dreg:$0x4] =	wrdreg $0xC0  }
0xab: {  	_ =	task [dreg:s7], $0x5FFFF  }
0xac: {  	[dreg:$0x1] =	wrdreg $0xFFFFFFFF  }
0xad: {  	[dreg:$0x0] =	wrdreg $0x60  }
0xae: {  	[dreg:$0x2] =	wrdreg s24  }
0xaf: {  	[dreg:$0x3] =	wrdreg s2  }
0xb0: {  	[dreg:$0x4] =	wrdreg $0x9  }
0xb1: {  	_ =	task.clear_ibuf [dreg:s7], $0x5FFFF;
	_ =	strace $0x90000046  }
0xb2: {  	s29 =	simm.s32 $0x9;
	_ =	strace $0x80000048  }
0xb3: {  	_ =	swait.ge [sflag:s29], $0x1  }
0xb4: {  	[sflag:s29] =	ssyncadd.s32 $0xFFFFFFFF  }
0xb5: {  	_ =	strace $0x90000048  }
0xb6: {  	_ =	sfence  }
0xb7: {  	s30 =	sld [smem:$0x0];
	_ =	sdelay $0x2  }
0xb8: {  	s31 =	sshll.u32 s1, $0xD;
	s1 =	sshrl.u32 s1, $0x2  }
0xb9: {  	s3 =	sand.u32 $0x4000, s31;
	s1 =	sadd.s32 s1, s30  }
0xba: {  	s0 =	sor.u32 s3, s0;
	s1 =	sshll.u32 s1, $0x11  }
0xbb: {  	s0 =	sor.u32 s1, s0  }
0xbc: {  	s0 =	sadd.s32 $0x8F2B, s0  }
0xbd: {  	[sflag:s0] =	ssyncadd.remote.s32 $0x1  }
0xbe: {  	_ =	sfence.sel $0xFFFF  }
0xbf: {  	[dreg:$0x0] =	wrdreg $0xFFFFFFFF;
	(pc) =	sbr.abs _section_cstart, $3  }
0xc0: {  	[dreg:$0x1] =	wrdreg $0xFFFFFFFF  }
0xc1: {  	_ =	task.clear_ibuf [dreg:s7], $0x2FFFF;
	_ =	strace $0x9FFFFFFF  }
0xc2: {  	(tm) =	ssettm $0x7FFFFFFF  }
0xc3: {  	_ =	shalt  }
tec
execute0_lowered:
.L_overlay_start_1:
0x0: {  	(tag) =	ssettag $0x1  }
0x1: {  	s0 =	srdreg.scid;
	s3 =	rddreg [dreg:$0x0]  }
0x2: {  	s5 =	rddreg [dreg:$0x1];
	s1 =	stileid.u32;
	s2 =	simm.s32 $0x0  }
0x3: {  	s11 =	simm.s32 $0xC400;
	s12 =	simm.s32 $0x2;
	s4 =	sand.u32 $0x1, s0  }
0x4: {  	s13 =	simm.s32 $0x12D00;
	s14 =	simm.s32 $0x0;
	s6 =	sshll.u32 s4, $0x4  }
0x5: {  	s0 =	rddreg [dreg:$0x2];
	s10 =	smul.u32 $0x320A, s1;
	s6 =	sor.u32 s1, s6  }
0x6: {  	[smem:$0x7FF] =	sst s2;
	s8 =	ssub.s32 $0x2, s4;
	s7 =	smul.u32 $0xC40, s6  }
0x7: {  	_ =	strace $0x80000047;
	s31 =	sshrl.u32 s8, $0x1;
	s6 =	smul.u32 $0x6900, s6  }
0x8: {  	s9 =	smul.u32 $0x320A0, s4;
	s8 =	ssub.s32 s8, s31;
	s7 =	sadd.s32 s7, s3  }
0x9: {  	s6 =	sshrl.u32 s6, $0x3;
	s3 =	sadd.s32 $0x3000, s7;
	s4 =	sadd.s32 $0x1B800, s7  }
0xa: {  	v0 =	vlaneseq.u32;
	s5 =	sadd.s32 s5, s6;
	s7 =	smax.u32 s8, $0x1;
	s8 =	sadd.s32 s10, s9  }
0xb: {  	v2 =	vimm.s32 $0x0;
	v1 =	vadd.s32 $0x61A8, v0;
	s9 =	simm.s32 $0x6200;
	s10 =	simm.s32 $0x1;
	s6 =	sadd.s32 $0x1A400, s5  }
.LBB2_1:
0xc: {  	s15 =	smulhi.u32 $0x57619F1, s8;
	_ =	sdelay $0x1  }
0xd: {  	s15 =	sshrl.u32 s15, $0x6  }
0xe: {  	s15 =	smul.u32 $0xBB8, s15;
	_ =	sdelay $0x1  }
0xf: {  	s18 =	ssub.s32 s8, s15  }
0x10: {  	v3 =	vmov s18  }
0x11: {  	[tilespmem:s2], [sflag:$0x1] =	stream.linear.gather [hbm4b:s3+s2], $0x6200, $0x38;
	v4 =	vadd.s32 $0x70, v3;
	[tilespmem:$0x19600] =	vst v63  }
0x12: {  	v5 =	vadd.s32 $0x10, v3;
	v4 =	vbroadcast v4, $0x0  }
0x13: {  	[tilespmem:s9], [sflag:$0x1] =	stream.linear.gather [hbm4b:s4+s2], $0x6200, $0x38;
	v6 =	vadd.s32 $0x20, v3;
	v5 =	vbroadcast v5, $0x0;
	[tilespmem:$0x19600] =	vst v63  }
0x14: {  	s15 =	simm.s32 $0xC480;
	v7 =	vadd.s32 $0x30, v3;
	v6 =	vbroadcast v6, $0x0;
	v4 =	vadd.s32 v0, v4  }
0x15: {  	v8 =	vadd.s32 $0x40, v3;
	v7 =	vbroadcast v7, $0x0;
	v5 =	vadd.s32 v0, v5;
	[tilespmem:s15+$0xFFFFFFF0] =	vst v4  }
0x16: {  	v8 =	vbroadcast v8, $0x0;
	v4 =	vadd.s32 $0x50, v3;
	[tilespmem:s15+$0xFFFFFF90] =	vst v5;
	v5 =	vadd.s32 v0, v6  }
0x17: {  	v3 =	vadd.s32 $0x60, v3;
	v6 =	vadd.s32 v0, v7;
	v4 =	vbroadcast v4, $0x0;
	[tilespmem:s15+$0xFFFFFFA0] =	vst v5  }
0x18: {  	v5 =	vbroadcast v3, $0x0;
	v3 =	vadd.s32 v0, v8;
	[tilespmem:s15+$0xFFFFFFB0] =	vst v6  }
0x19: {  	s16 =	simm.s32 $0x10;
	s17 =	sadd.s32 $0x3D, s8;
	[tilespmem:s15+$0xFFFFFFC0] =	vst v3;
	v6 =	vadd.s32 v0, v4  }
0x1a: {  	s19 =	simm.s32 $0x0;
	s20 =	smulhi.u32 $0x57619F1, s17;
	v3 =	vadd.s32 s18, v0;
	s18 =	simm.s32 $0x20;
	v4 =	vadd.s32 v0, v5;
	[tilespmem:s15+$0xFFFFFFD0] =	vst v6  }
.LBB2_2:
0x1b: {  	p0 =	sne.s32 s18, $0xD10;
	s21 =	sand.u32 $0x30, s19;
	[tilespmem:s15+$0xFFFFFFE0] =	vst v4;
	s19 =	smov.u32 s16  }
0x1c: {  	s16 =	smov.u32 s18;
	s20 =	sshrl.u32 s20, $0x6;
	v4 =	vadd.s32 s21, v1;
	[tilespmem:s15+$0xFFFFFF80] =	vst v3  }
0x1d: {  	s20 =	smul.u32 $0xBB8, s20;
	[tilespmem:s15+$0x0] =	vst v4  }
0x1e: {  	[tilespmem:s15+$0x10] =	vst v4  }
0x1f: {  	s20 =	ssub.s32 s17, s20;
	[tilespmem:s15+$0x20] =	vst v4  }
0x20: {  	v5 =	vmov s20;
	v3 =	vadd.s32 s20, v0;
	[tilespmem:s15+$0x30] =	vst v4  }
0x21: {  	v6 =	vadd.s32 $0x10, v5;
	v7 =	vadd.s32 $0x20, v5;
	v8 =	vadd.s32 $0x70, v5;
	[tilespmem:s15+$0x40] =	vst v4  }
0x22: {  	v9 =	vadd.s32 $0x30, v5;
	v10 =	vadd.s32 $0x40, v5;
	v8 =	vbroadcast v8, $0x0;
	[tilespmem:s15+$0x50] =	vst v4  }
0x23: {  	v11 =	vadd.s32 $0x50, v5;
	v5 =	vadd.s32 $0x60, v5;
	v6 =	vbroadcast v6, $0x0;
	[tilespmem:s15+$0x60] =	vst v4  }
0x24: {  	v7 =	vbroadcast v7, $0x0;
	v9 =	vbroadcast v9, $0x0;
	v8 =	vadd.s32 v0, v8;
	[tilespmem:s15+$0x70] =	vst v4;
	s15 =	sadd.s32 $0x100, s15  }
0x25: {  	v4 =	vadd.s32 v0, v6;
	v6 =	vbroadcast v10, $0x0;
	v10 =	vbroadcast v11, $0x0;
	[tilespmem:s15+$0xFFFFFFF0] =	vst v8  }
.Ltmp0:
0x26: {  	v5 =	vbroadcast v5, $0x0;
	[tilespmem:s15+$0xFFFFFF90] =	vst v4;
	v4 =	vadd.s32 v0, v7;
	v7 =	vadd.s32 v0, v9;
	(pc) =	sbr.rel @p0 .LBB2_2-.Ltmp0, $4  }
0x27: {  	v6 =	vadd.s32 v0, v6;
	v8 =	vadd.s32 v0, v10;
	[tilespmem:s15+$0xFFFFFFA0] =	vst v4  }
0x28: {  	v4 =	vadd.s32 v0, v5;
	[tilespmem:s15+$0xFFFFFFB0] =	vst v7  }
0x29: {  	s17 =	sadd.s32 $0x3D, s17;
	[tilespmem:s15+$0xFFFFFFC0] =	vst v6  }
0x2a: {  	s18 =	sadd.s32 $0x10, s18;
	s20 =	smulhi.u32 $0x57619F1, s17;
	[tilespmem:s15+$0xFFFFFFD0] =	vst v8  }
0x2b: {  	s18 =	sand.u32 $0x30, s19;
	[tilespmem:s15+$0xFFFFFFE0] =	vst v4  }
0x2c: {  	[tilespmem:s15+$0xFFFFFF80] =	vst v3;
	v48 =	vadd.s32 s18, v1  }
0x2d: {  	s25 =	sshrl.u32 s20, $0x6;
	[tilespmem:s15+$0x0] =	vst v48  }
0x2e: {  	s26 =	smul.u32 $0xBB8, s25;
	[tilespmem:s15+$0x10] =	vst v48  }
0x2f: {  	[tilespmem:s15+$0x20] =	vst v48  }
0x30: {  	[tilespmem:s15+$0x30] =	vst v48;
	s17 =	ssub.s32 s17, s26  }
0x31: {  	[tilespmem:s15+$0x40] =	vst v48;
	v3 =	vmov s17  }
0x32: {  	[tilespmem:s15+$0x50] =	vst v48;
	v5 =	vadd.s32 $0x70, v3  }
0x33: {  	[tilespmem:s15+$0x60] =	vst v48;
	v53 =	vadd.s32 s17, v0;
	v6 =	vadd.s32 $0x10, v3;
	v5 =	vbroadcast v5, $0x0  }
0x34: {  	s28 =	sadd.s32 $0x100, s15;
	[tilespmem:s15+$0x70] =	vst v48;
	v7 =	vadd.s32 $0x20, v3;
	v8 =	vadd.s32 $0x30, v3;
	v6 =	vbroadcast v6, $0x0  }
0x35: {  	v49 =	vadd.s32 $0x40, v3;
	[tilespmem:s28+$0xFFFFFF80] =	vst v53;
	v7 =	vbroadcast v7, $0x0;
	v5 =	vadd.s32 v0, v5  }
0x36: {  	v50 =	vadd.s32 $0x50, v3;
	v8 =	vbroadcast v8, $0x0;
	v6 =	vadd.s32 v0, v6;
	[tilespmem:s28+$0xFFFFFFF0] =	vst v5  }
0x37: {  	v3 =	vadd.s32 $0x60, v3;
	v4 =	vbroadcast v49, $0x0;
	v51 =	vadd.s32 v0, v7;
	[tilespmem:s28+$0xFFFFFF90] =	vst v6  }
0x38: {  	v3 =	vbroadcast v3, $0x0;
	v52 =	vadd.s32 v0, v8;
	[tilespmem:s28+$0xFFFFFFA0] =	vst v51  }
0x39: {  	v4 =	vadd.s32 v0, v4;
	[tilespmem:s28+$0xFFFFFFB0] =	vst v52  }
0x3a: {  	s16 =	sand.u32 $0x30, s16;
	v3 =	vadd.s32 v0, v3;
	[tilespmem:s28+$0xFFFFFFC0] =	vst v4  }
0x3b: {  	[tilespmem:s28+$0xFFFFFFE0] =	vst v3;
	v3 =	vadd.s32 s16, v1  }
0x3c: {  	[tilespmem:s28+$0x0] =	vst v3  }
0x3d: {  	[tilespmem:s28+$0x10] =	vst v3  }
0x3e: {  	[tilespmem:s28+$0x20] =	vst v3  }
0x3f: {  	[tilespmem:s28+$0x30] =	vst v3  }
0x40: {  	[tilespmem:s28+$0x40] =	vst v3  }
0x41: {  	v5 =	vbroadcast v50, $0x0;
	[tilespmem:s28+$0x50] =	vst v3  }
0x42: {  	[tilespmem:s28+$0x60] =	vst v3  }
0x43: {  	[tilespmem:s28+$0x70] =	vst v3;
	v5 =	vadd.s32 v0, v5  }
0x44: {  	[tilespmem:s28+$0xFFFFFFD0] =	vst v5  }
0x45: {  	_ =	swait.ge [sflag:s10], $0x6200  }
0x46: {  	[sflag:s10] =	ssyncset.done $0x0  }
0x47: {  	[sflag:s10] =	ssyncadd.s32 $0xFFFF9E00  }
0x48: {  	_ =	swait.ge [sflag:s10], $0x6200  }
0x49: {  	[sflag:s10] =	ssyncset.done $0x0  }
0x4a: {  	s29 =	simm.s32 $0x0;
	[sflag:s10] =	ssyncadd.s32 $0xFFFF9E00  }
0x4b: {  	v3 =	vld [tilespmem:s29+$0x6200];
	_ =	sdelay $0x4  }
0x4c: {  	vm0 =	vlt.s32 v3, $0x61A8  }
0x4d: {  	v54 =	vsel vm0, $0x1, v2  }
0x4e: {  	(xrf0) =	vadd.scan.msk.s32 $0xffff, v54;
	_ =	sdelay $0x2  }
0x4f: {  	s30 =	simm.s32 $0x0  }
0x50: {  	v55 =	vmov s30  }
0x51: {  	v4 =	vadd.s32 $0xFFFFFFFF, v55  }
0x52: {  	v4 =	vbroadcast v4, $0x0;
	v56, _, _ =	vpop (xrf0)  }
0x53: {  	v57 =	vsub.s32 s30, v56;
	(v2sf) =	vpush v56, $0xF  }
0x54: {  	v4 =	vadd.s32 v56, v4;
	v58 =	vadd.s32 v0, v57  }
0x55: {  	v4 =	vsel vm0, v4, v58  }
0x56: {  	v5 =	vshra.s32 v4, $0x7  }
0x57: {  	v59 =	vadd.s32 $0x69, v5  }
0x58: {  	v5 =	vsel vm0, v5, v59  }
0x59: {  	vm1 =	vlt.s32 v5, $0xD1  }
0x5a: {  	v5 =	vnsel vm1, $0xD1, v5  }
0x5b: {  	v60 =	vld [tilespmem:s29+$0x0];
	v61 =	vand.u32 $0x78, v4;
	v5 =	vshll.u32 v5, $0x8  }
0x5c: {  	v4 =	vand.u32 $0x7, v4;
	v5 =	vor.u32 v61, v5  }
0x5d: {  	v4 =	vor.u32 v4, v5  }
0x5e: {  	v5 =	vor.u32 $0x80, v4;
	_ =	sdelay $0x1  }
0x5f: {  	vm15 =	vlt.s32 v60, $0x61A8;
	v62 =	vadd.s32 $0x58, v60  }
0x60: {  	v63 =	vadd.s32 $0xFFFF9E58, v3;
	v6 =	vsel vm15, v60, v62  }
0x61: {  	s15 =	simm.s32 $0x80;
	v3 =	vsel vm0, v3, v63;
	[tilespmem:v4+s11+$0x0] =	vst.idx.msk $0xffff, v6;
	s31 =	spop (v2sf)  }
0x62: {  	s17 =	simm.s32 $0x10;
	[tilespmem:v5+s11+$0x0] =	vst.idx.msk $0xffff, v3;
	s16 =	sadd.s32 $0x0, s31;
	s18 =	ssub.s32 $0x0, s31  }
.LBB2_4:
0x63: {  	p0 =	sne.s32 s15, $0x187C0  }
0x64: {  	v3 =	vld [tilespmem:s17+$0x6200];
	s18 =	sadd.s32 $0x10, s18;
	s19 =	smov.u32 s15;
	s15 =	sadd.s32 $0x40, s15  }
0x65: {  	_ =	sdelay $0x3  }
0x66: {  	vm0 =	vlt.s32 v3, $0x61A8;
	v4 =	vadd.s32 $0xFFFF9E58, v3  }
0x67: {  	v5 =	vsel vm0, $0x1, v2;
	v3 =	vsel vm0, v3, v4  }
0x68: {  	(xrf0) =	vadd.scan.msk.s32 $0xffff, v5;
	_ =	sdelay $0x3  }
0x69: {  	v4 =	vmov s16  }
0x6a: {  	v4 =	vadd.s32 $0xFFFFFFFF, v4  }
0x6b: {  	v4 =	vbroadcast v4, $0x0;
	v5, _, _ =	vpop (xrf0)  }
0x6c: {  	v6 =	vsub.s32 s18, v5;
	(v2sf) =	vpush v5, $0xF  }
0x6d: {  	v4 =	vadd.s32 v5, v4;
	v5 =	vadd.s32 v0, v6  }
0x6e: {  	v4 =	vsel vm0, v4, v5  }
0x6f: {  	v5 =	vshra.s32 v4, $0x7  }
0x70: {  	v6 =	vadd.s32 $0x69, v5  }
0x71: {  	v5 =	vsel vm0, v5, v6  }
0x72: {  	vm0 =	vlt.s32 v5, $0xD1  }
0x73: {  	v5 =	vnsel vm0, $0xD1, v5  }
0x74: {  	v7 =	vand.u32 $0x78, v4;
	v6 =	vld [tilespmem:s17+$0x0];
	v5 =	vshll.u32 v5, $0x8  }
0x75: {  	v4 =	vand.u32 $0x7, v4;
	v5 =	vor.u32 v7, v5  }
0x76: {  	v4 =	vor.u32 v4, v5  }
0x77: {  	v5 =	vor.u32 $0x80, v4  }
.Ltmp1:
0x78: {  	(pc) =	sbr.rel @p0 .LBB2_4-.Ltmp1, $4  }
0x79: {  	vm0 =	vlt.s32 v6, $0x61A8;
	v7 =	vadd.s32 $0x58, v6  }
0x7a: {  	v6 =	vsel vm0, v6, v7  }
0x7b: {  	[tilespmem:v4+s11+$0x0] =	vst.idx.msk $0xffff, v6;
	s20 =	spop (v2sf)  }
0x7c: {  	s17 =	sshra.s32 s19, $0x2;
	[tilespmem:v5+s11+$0x0] =	vst.idx.msk $0xffff, v3;
	s16 =	sadd.s32 s16, s20;
	s18 =	ssub.s32 s18, s20  }
0x7d: {  	v3 =	vld [tilespmem:s17+$0x6200];
	_ =	sdelay $0x4  }
0x7e: {  	vm0 =	vlt.s32 v3, $0x61A8  }
0x7f: {  	v4 =	vsel vm0, $0x1, v2  }
0x80: {  	(xrf0) =	vadd.scan.msk.s32 $0xffff, v4;
	_ =	sdelay $0x3  }
0x81: {  	v58 =	vmov s16  }
0x82: {  	v4 =	vadd.s32 $0xFFFFFFFF, v58  }
0x83: {  	s15 =	sadd.s32 $0x10, s18;
	v4 =	vbroadcast v4, $0x0;
	v5, _, _ =	vpop (xrf0)  }
0x84: {  	v6 =	vsub.s32 s15, v5  }
0x85: {  	(v2sf) =	vpush v5, $0xF;
	v4 =	vadd.s32 v5, v4;
	v59 =	vadd.s32 v0, v6  }
0x86: {  	v4 =	vsel vm0, v4, v59  }
0x87: {  	v5 =	vshra.s32 v4, $0x7  }
0x88: {  	v60 =	vadd.s32 $0x69, v5  }
0x89: {  	v5 =	vsel vm0, v5, v60  }
0x8a: {  	vm1 =	vlt.s32 v5, $0xD1  }
0x8b: {  	v5 =	vnsel vm1, $0xD1, v5  }
0x8c: {  	v61 =	vld [tilespmem:s17+$0x0];
	v7 =	vand.u32 $0x78, v4;
	v5 =	vshll.u32 v5, $0x8  }
0x8d: {  	v4 =	vand.u32 $0x7, v4;
	v5 =	vor.u32 v7, v5  }
0x8e: {  	v4 =	vor.u32 v4, v5  }
0x8f: {  	v5 =	vor.u32 $0x80, v4;
	_ =	sdelay $0x1  }
0x90: {  	vm15 =	vlt.s32 v61, $0x61A8;
	v62 =	vadd.s32 $0x58, v61  }
0x91: {  	v63 =	vadd.s32 $0xFFFF9E58, v3;
	v6 =	vsel vm15, v61, v62  }
0x92: {  	v3 =	vsel vm0, v3, v63;
	[tilespmem:v4+s11+$0x0] =	vst.idx.msk $0xffff, v6  }
0x93: {  	s31 =	spop (v2sf);
	[tilespmem:v5+s11+$0x0] =	vst.idx.msk $0xffff, v3  }
0x94: {  	[hbm4b:s5+s2] =	stream.linear.scatter [tilespmem:s11], [sflag:$0x2], $0x6900, $0x38;
	[tilespmem:$0x19600] =	vst v63  }
0x95: {  	s14 =	sadd.s32 $0x1, s14;
	_ =	swait.ge [sflag:s12], $0x6900  }
0x96: {  	p0 =	sne.s32 s14, s7;
	[sflag:s12] =	ssyncset.done $0x0  }
.Ltmp2:
0x97: {  	[sflag:s12] =	ssyncadd.s32 $0xFFFF9700;
	(pc) =	sbr.rel @p0 .LBB2_1-.Ltmp2, $4  }
0x98: {  	[hbm4b:s6+s2] =	stream.linear.scatter [tilespmem:s13], [sflag:$0x2], $0x6900, $0x38;
	[tilespmem:$0x19600] =	vst v63  }
0x99: {  	_ =	swait.ge [sflag:s12], $0x6900  }
0x9a: {  	[sflag:s12] =	ssyncset.done $0x0  }
0x9b: {  	[sflag:s12] =	ssyncadd.s32 $0xFFFF9700  }
0x9c: {  	_ =	sfence.sel $0x180000  }
0x9d: {  	[bflag:$0x0] =	sbarrier.arrive $0xFFFF  }
0x9e: {  	p0 =	sne.s32 s1, $0x0;
	_ =	strace $0x90000047  }
0x9f: {  	s0 =	sadd.s32 @!p0 $0x100000, s0;
	[bflag:$0x2] =	sbarrier.arrive $0xFFFF  }
0xa0: {  	[sflag:s0] =	ssyncadd.tile.s32 @!p0 $0x1;
	_ =	shalt  }
.Lfunc_end2:
_tile_overlayer_lowered:
.L_overlay_start_2:
0xa1: {  	(tag) =	ssettag $0x2  }
0xa2: {  	s0 =	rddreg [dreg:$0x0];
	s2 =	stileid.u32  }
0xa3: {  	s1 =	rddreg [dreg:$0x1];
	p0 =	sne.s32 s2, $0x0  }
0xa4: {  	s3 =	rddreg [dreg:$0x2];
	[bflag:$0x3] =	sbarrier.arrive $0xFFFF;
	s2 =	simm.s32 @!p0 $0x1C02  }
0xa5: {  	[timem:s3], [sflag:s2] =	dma.local @!p0 [hbm:s0], s1  }
0xa6: {  	s0 =	simm.s32 @!p0 $0x2  }
0xa7: {  	_ =	swait.ge @!p0 [sflag:s0], s1  }
0xa8: {  	s1 =	ssub.s32 @!p0 $0x0, s1;
	[sflag:s0] =	ssyncset.done @!p0 $0x0  }
0xa9: {  	[sflag:s0] =	ssyncadd.s32 @!p0 s1  }
0xaa: {  	[bflag:$0x3] =	sbarrier.arrive $0xFFFF  }
0xab: {  	_ =	shalt  }

// kernel: kernel.15.cloned.1.call-start
scs
__scs_entry_jumppad:
0x0: {  	(pc) =	sbr.rel $0x88, $3  }
0x1: {  	(tag) =	ssettag $0x0;
	lr =	simm.s32 $0x1  }
0x2: {  	[smem:$0x3F9F] =	sst lr;
	_ =	strace $0xD0000000  }
0x3: {  	_ = 	snop  }
0x4: {  	_ = 	snop  }
0x5: {  	_ = 	snop  }
0x6: {  	_ = 	snop  }
0x7: {  	_ = 	snop  }
__scs_overlays_trampoline_lowered:
0x8: {  	[smem:$0x3FAE] =	sst s0  }
0x9: {  	[smem:$0x3FAF] =	sst s1  }
0xa: {  	[smem:$0x3FB0] =	sst s2  }
0xb: {  	[smem:$0x3FB1] =	sst s3  }
0xc: {  	[smem:$0x3FB2] =	sst s4  }
0xd: {  	[smem:$0x3FB3] =	sst s5  }
0xe: {  	[smem:$0x3FB4] =	sst s6  }
0xf: {  	[smem:$0x3FB5] =	sst s7  }
0x10: {  	[smem:$0x3FB6] =	sst s8  }
0x11: {  	[smem:$0x3FB7] =	sst s9;
	s0 =	simm.s32 @!p0 $0x0  }
0x12: {  	s1 =	sld [smem:$0x3F9D];
	s0 =	simm.s32 @p0 $0x1  }
0x13: {  	[smem:$0x3FB8] =	sst s0;
	s0 =	simm.s32 @!p1 $0x0  }
0x14: {  	s2 =	sld [smem:$0x3F9C];
	s0 =	simm.s32 @p1 $0x1  }
0x15: {  	[smem:$0x3FB9] =	sst s0;
	s0 =	simm.s32 @!p2 $0x0  }
0x16: {  	s3 =	sld [smem:$0x3FDB];
	s0 =	simm.s32 @p2 $0x1  }
0x17: {  	s4 =	simm.s32 $0x1BF5;
	[smem:$0x3FBB] =	sst s0  }
0x18: {  	s0 =	sld [smem:$0x3F9E];
	_ =	swait.ge [sflag:s4], $0x0  }
0x19: {  	s7 =	sld [smem:$0x3F9F]  }
0x1a: {  	s8 =	sadd.s32 $0xFFFFE003, lr  }
0x1b: {  	s9 =	sadd.s32 $0xFFFFFEF7, lr;
	s5 =	simm.s32 $0xFFFFFFFF;
	p2 =	slt.u32 s8, $0xFFFFF086  }
0x1c: {  	p1 =	slt.u32 s9, $0xF7A;
	s5 =	simm.s32 @!p2 $0x0  }
0x1d: {  	s5 =	simm.s32 @p1 $0x1;
	p0 =	seq.s32 s7, s2  }
0x1e: {  	s7 =	smul.u32 @!p0 $0xF7A, s2;
	p2 =	seq.s32 @!p0 s5, $0x0  }
0x1f: {  	s9 =	smul.u32 $0xF7A, s1;
	s8 =	simm.s32 @!p0 $0x1BF5;
	p2 =	por !p2, p0  }
0x20: {  	[sflag:s8] =	ssyncset.s32 @!p0 $0xFFFFF086;
	s6 =	sadd.s32 @!p0 s3, s7;
	s7 =	simm.s32 @!p0 $0x108  }
0x21: {  	s3 =	sadd.s32 s3, s9;
	s6 =	sadd.s32 @!p0 $0x88, s6;
	s7 =	simm.s32 @p2 $0x1082  }
0x22: {  	[simem:s7], [sflag:s8] =	dma.local @!p0 [hbm:s6], $0xF7A  }
0x23: {  	s9 =	sor.u32 $0xD0000000, s2;
	s6 =	simm.s32 $0x108;
	_ =	swait.ge @!p0 [sflag:s8], $0x0  }
0x24: {  	s3 =	sadd.s32 $0x88, s3;
	s6 =	simm.s32 @!p1 $0x1082;
	[sflag:s4] =	ssyncset.s32 $0xFFFFF086  }
0x25: {  	[simem:s6], [sflag:s4] =	dma.local [hbm:s3], $0xF7A  }
0x26: {  	[smem:$0x3F9F] =	sst s1;
	(tag) =	ssettag s2;
	_ =	strace s9  }
0x27: {  	s1 =	sld [smem:$0x3FAF]  }
0x28: {  	s2 =	sld [smem:$0x3FB0]  }
0x29: {  	s4 =	sld [smem:$0x3FB2]  }
0x2a: {  	p0 =	seq.s32 s5, $0x0;
	s5 =	sld [smem:$0x3FB3]  }
0x2b: {  	s6 =	sld [smem:$0x3FB4]  }
0x2c: {  	s7 =	sld [smem:$0x3FB5]  }
0x2d: {  	s3 =	simm.s32 $0x108;
	s8 =	sld [smem:$0x3FB6]  }
0x2e: {  	s3 =	simm.s32 @!p0 $0x1082;
	s9 =	sld [smem:$0x3FB7]  }
0x2f: {  	lr =	sadd.s32 s0, s3;
	s0 =	sld [smem:$0x3FAE]  }
0x30: {  	s3 =	sld [smem:$0x3FB1]  }
0x31: {  	[smem:$0x3FBA] =	sst s10  }
0x32: {  	s10 =	sld [smem:$0x3FB8];
	_ =	sdelay $0x3  }
0x33: {  	p0 =	seq.s32 s10, $0x1;
	s10 =	sld [smem:$0x3FBA];
	_ =	sdelay $0x3  }
0x34: {  	[smem:$0x3FBA] =	sst s10  }
0x35: {  	s10 =	sld [smem:$0x3FB9];
	_ =	sdelay $0x3  }
0x36: {  	p1 =	seq.s32 s10, $0x1;
	s10 =	sld [smem:$0x3FBA];
	_ =	sdelay $0x3  }
0x37: {  	[smem:$0x3FBA] =	sst s10  }
0x38: {  	s10 =	sld [smem:$0x3FBB]  }
0x39: {  	_ = 	snop;
	(pc) =	sbr.ind lr, $3  }
0x3a: {  	_ = 	snop  }
0x3b: {  	_ = 	snop  }
0x3c: {  	p2 =	seq.s32 s10, $0x1;
	s10 =	sld [smem:$0x3FBA]  }
0x3d: {  	_ =	shalt  }
0x3e: {  	_ =	shalt  }
0x3f: {  	_ =	shalt  }
0x40: {  	_ =	shalt  }
0x41: {  	_ =	shalt  }
0x42: {  	_ =	shalt  }
0x43: {  	_ =	shalt  }
0x44: {  	_ =	shalt  }
0x45: {  	_ =	shalt  }
0x46: {  	_ =	shalt  }
0x47: {  	_ =	shalt  }
0x48: {  	_ =	shalt  }
0x49: {  	_ =	shalt  }
0x4a: {  	_ =	shalt  }
0x4b: {  	_ =	shalt  }
0x4c: {  	_ =	shalt  }
0x4d: {  	_ =	shalt  }
0x4e: {  	_ =	shalt  }
0x4f: {  	_ =	shalt  }
0x50: {  	_ =	shalt  }
0x51: {  	_ =	shalt  }
0x52: {  	_ =	shalt  }
0x53: {  	_ =	shalt  }
0x54: {  	_ =	shalt  }
0x55: {  	_ =	shalt  }
0x56: {  	_ =	shalt  }
0x57: {  	_ =	shalt  }
0x58: {  	_ =	shalt  }
0x59: {  	_ =	shalt  }
0x5a: {  	_ =	shalt  }
0x5b: {  	_ =	shalt  }
0x5c: {  	_ =	shalt  }
0x5d: {  	_ =	shalt  }
0x5e: {  	_ =	shalt  }
0x5f: {  	_ =	shalt  }
0x60: {  	_ =	shalt  }
0x61: {  	_ =	shalt  }
0x62: {  	_ =	shalt  }
0x63: {  	_ =	shalt  }
0x64: {  	_ =	shalt  }
0x65: {  	_ =	shalt  }
0x66: {  	_ =	shalt  }
0x67: {  	_ =	shalt  }
0x68: {  	_ =	shalt  }
0x69: {  	_ =	shalt  }
0x6a: {  	_ =	shalt  }
0x6b: {  	_ =	shalt  }
0x6c: {  	_ =	shalt  }
0x6d: {  	_ =	shalt  }
0x6e: {  	_ =	shalt  }
0x6f: {  	_ =	shalt  }
0x70: {  	_ =	shalt  }
0x71: {  	_ =	shalt  }
0x72: {  	_ =	shalt  }
0x73: {  	_ =	shalt  }
0x74: {  	_ =	shalt  }
0x75: {  	_ =	shalt  }
0x76: {  	_ =	shalt  }
0x77: {  	_ =	shalt  }
0x78: {  	_ =	shalt  }
0x79: {  	_ =	shalt  }
0x7a: {  	_ =	shalt  }
0x7b: {  	_ =	shalt  }
0x7c: {  	_ =	shalt  }
0x7d: {  	_ =	shalt  }
0x7e: {  	_ =	shalt  }
0x7f: {  	_ =	shalt  }
0x80: {  	_ =	shalt  }
0x81: {  	_ =	shalt  }
0x82: {  	_ =	shalt  }
0x83: {  	_ =	shalt  }
0x84: {  	_ =	shalt  }
0x85: {  	_ =	shalt  }
0x86: {  	_ =	shalt  }
0x87: {  	_ =	shalt  }
.Lfunc_end0:
.L_simem_size_0:
called_computation.1_lowered:
.L_overlay_start_0:
0x88: {  	s2 =	sld [smem:$0x3FD9]  }
0x89: {  	s3 =	sld [smem:$0x3FFE];
	_ =	sdelay $0x1  }
0x8a: {  	s1 =	srdreg.scid  }
0x8b: {  	s0 =	sand.u32 $0x1, s1  }
0x8c: {  	s17 =	sshll.u32 s0, $0xA;
	s2 =	sadd.s32 s3, s2  }
0x8d: {  	s2 =	sadd.s32 s2, s17  }
0x8e: {  	[smem:$0x3FC6] =	sst s2  }
0x8f: {  	_ = 	snop  }
0x90: {  	s2 =	sld [smem:$0x3FD0];
	(tm) =	ssettm $0x1  }
0x91: {  	s18 =	sld [smem:$0x3FFB];
	_ =	sdelay $0x3  }
0x92: {  	_ =	strace s18  }
0x93: {  	s3 =	sld [smem:$0x3FFC];
	_ =	sdelay $0x3  }
0x94: {  	_ =	strace s3  }
0x95: {  	s3 =	sld [smem:$0x3FFD];
	_ =	sdelay $0x3  }
0x96: {  	_ =	strace s3  }
0x97: {  	_ =	strace $0x8FFFFFFF  }
0x98: {  	s19 =	sld [smem:$0x3FDB];
	_ =	sdelay $0x1  }
0x99: {  	s4 =	simm.s32 $_scs_section_size  }
0x9a: {  	s5 =	simm.s32 $_size__tile_overlayer_lowered;
	s6 =	simm.s32 $_tile_overlayer_lowered  }
0x9b: {  	s22 =	simm.s32 $0x1BFF;
	s21 =	sshll.u32 s6, $0x1;
	s3 =	sadd.s32 s4, s19  }
0x9c: {  	s7 =	simm.s32 $0x0;
	s20 =	sshll.u32 s5, $0x1;
	s5 =	sadd.s32 s21, s3  }
0x9d: {  	[timem:s7], [sflag:s22] =	dma.local [hbm:s5], s20  }
0x9e: {  	_ =	swait.ge [sflag:s22], s20  }
0x9f: {  	s4 =	ssub.s32 $0x0, s20;
	[sflag:s22] =	ssyncset.done $0x0  }
0xa0: {  	[sflag:s22] =	ssyncadd.s32 s4;
	_ =	sdelay $0x1  }
0xa1: {  	s23 =	simm.s32 $0x1B8B  }
0xa2: {  	_ =	swait.ge [sflag:s23], $0x1  }
0xa3: {  	[sflag:s23] =	ssyncset.done $0x0  }
0xa4: {  	s25 =	simm.s32 $0x1B8E;
	s24 =	sld [smem:$0x3FFE];
	[sflag:s23] =	ssyncadd.s32 $0xFFFFFFFF  }
0xa5: {  	s26 =	simm.s32 $execute0_lowered;
	[smem:$0x3FD2] =	sst s25  }
0xa6: {  	s5 =	sshll.u32 s26, $0x1;
	_ =	strace $0x80000049;
	[dreg:$0x1] =	wrdreg $0xFFFFFFFF  }
0xa7: {  	s28 =	simm.s32 $_size_execute0_lowered;
	s3 =	sadd.s32 s3, s5;
	[dreg:$0x0] =	wrdreg $0x0  }
0xa8: {  	s5 =	sshll.u32 s28, $0x1;
	[dreg:$0x2] =	wrdreg s3  }
0xa9: {  	[dreg:$0x3] =	wrdreg s5  }
0xaa: {  	[dreg:$0x4] =	wrdreg $0xC0  }
0xab: {  	_ =	task [dreg:s7], $0x5FFFF  }
0xac: {  	[dreg:$0x1] =	wrdreg $0xFFFFFFFF  }
0xad: {  	[dreg:$0x0] =	wrdreg $0x60  }
0xae: {  	[dreg:$0x2] =	wrdreg s2  }
0xaf: {  	[dreg:$0x3] =	wrdreg s24  }
0xb0: {  	[dreg:$0x4] =	wrdreg $0x12000  }
0xb1: {  	[dreg:$0x5] =	wrdreg $0x9  }
0xb2: {  	_ =	task.clear_ibuf [dreg:s7], $0x6FFFF;
	_ =	strace $0x90000049  }
0xb3: {  	s29 =	simm.s32 $0x9;
	_ =	strace $0x8000004B  }
0xb4: {  	_ =	swait.ge [sflag:s29], $0x1  }
0xb5: {  	[sflag:s29] =	ssyncadd.s32 $0xFFFFFFFF  }
0xb6: {  	_ =	strace $0x9000004B  }
0xb7: {  	_ =	sfence  }
0xb8: {  	s30 =	sld [smem:$0x0];
	_ =	sdelay $0x2  }
0xb9: {  	s31 =	sshll.u32 s1, $0xD;
	s1 =	sshrl.u32 s1, $0x2  }
0xba: {  	s3 =	sand.u32 $0x4000, s31;
	s1 =	sadd.s32 s1, s30  }
0xbb: {  	s0 =	sor.u32 s3, s0;
	s1 =	sshll.u32 s1, $0x11  }
0xbc: {  	s0 =	sor.u32 s1, s0  }
0xbd: {  	s0 =	sadd.s32 $0x8F2B, s0  }
0xbe: {  	[sflag:s0] =	ssyncadd.remote.s32 $0x1  }
0xbf: {  	_ =	sfence.sel $0xFFFF  }
0xc0: {  	[dreg:$0x0] =	wrdreg $0xFFFFFFFF;
	(pc) =	sbr.abs _section_cstart, $3  }
0xc1: {  	[dreg:$0x1] =	wrdreg $0xFFFFFFFF  }
0xc2: {  	_ =	task.clear_ibuf [dreg:s7], $0x2FFFF;
	_ =	strace $0x9FFFFFFF  }
0xc3: {  	(tm) =	ssettm $0x7FFFFFFF  }
tec
execute0_lowered:
.L_overlay_start_1:
0x0: {  	(tag) =	ssettag $0x1  }
0x1: {  	s1 =	rddreg [dreg:$0x0]  }
0x2: {  	s0 =	rddreg [dreg:$0x1]  }
0x3: {  	s2 =	srdreg.scid;
	s9 =	stileid.u32  }
0x4: {  	s3 =	rddreg [dreg:$0x2];
	s4 =	simm.s32 $0x0;
	s13 =	simm.s32 $0xA00  }
0x5: {  	s14 =	simm.s32 $0x7;
	s17 =	simm.s32 $0x6;
	s18 =	simm.s32 $0x80  }
0x6: {  	s19 =	simm.s32 $0x180;
	s20 =	simm.s32 $0x280;
	s21 =	simm.s32 $0x380  }
0x7: {  	s28 =	simm.s32 $0x680;
	s29 =	simm.s32 $0x3;
	s30 =	simm.s32 $0x780  }
0x8: {  	s31 =	simm.s32 $0x4;
	s2 =	sand.u32 $0x1, s2;
	s5 =	smul.u32 $0x6200, s9  }
0x9: {  	[smem:$0x7FF] =	sst s4;
	s8 =	smul.u32 $0xD200, s9;
	s10 =	sadd.s32 $0x3000, s0  }
0xa: {  	s22 =	sadd.s32 $0x3200, s0;
	s26 =	sshll.u32 s9, $0x6;
	s6 =	smul.u32 $0x62000, s2  }
0xb: {  	s7 =	smul.u32 $0xD2000, s2;
	_ =	strace $0x8000004A;
	[dreg:$0x4] =	wrdreg s10  }
0xc: {  	[dreg:$0x5] =	wrdreg s22;
	s2 =	ssub.s32 $0x2, s2;
	s15 =	sor.u32 $0x1C07, s26  }
0xd: {  	s22 =	simm.s32 $0x480;
	s26 =	simm.s32 $0x2;
	s23 =	sshrl.u32 s2, $0x1  }
0xe: {  	s6 =	sadd.s32 s5, s6;
	s8 =	sadd.s32 s8, s7;
	s2 =	ssub.s32 s2, s23  }
0xf: {  	s5 =	sadd.s32 s5, s3;
	s23 =	simm.s32 $0x500;
	s6 =	sshrl.u32 s6, $0x3  }
0x10: {  	s7 =	sshrl.u32 s8, $0x3;
	s24 =	sadd.s32 $0xF00, s8;
	s25 =	smax.u32 s2, $0x1  }
0x11: {  	s12 =	sadd.s32 $0xA00, s8;
	s16 =	sshrl.u32 s5, $0x3;
	s2 =	simm.s32 $0x880  }
0x12: {  	s5 =	simm.s32 $0x980;
	s0 =	sadd.s32 s6, s0;
	s7 =	sadd.s32 s1, s7  }
0x13: {  	s6 =	sshrl.u32 s24, $0x3;
	[dreg:$0x9] =	wrdreg s25;
	s24 =	simm.s32 $0x1  }
0x14: {  	s25 =	simm.s32 $0x580;
	[dreg:$0x6] =	wrdreg s7;
	s7 =	sadd.s32 $0xA0, s7  }
0x15: {  	s0 =	sadd.s32 $0x4000, s0;
	s11 =	sadd.s32 s6, s1;
	[dreg:$0x7] =	wrdreg s7  }
0x16: {  	s6 =	simm.s32 $0x0;
	[dreg:$0x8] =	wrdreg s0;
	s0 =	simm.s32 $0x5  }
.LBB2_1:
0x17: {  	s7 =	rddreg [dreg:$0x4]  }
0x18: {  	[tilespmem:s13], [sflag:$0x7] =	stream.linear.gather [hbm4b:s7+s4], $0x800, $0x38;
	[tilespmem:$0x7400] =	vst v63  }
0x19: {  	_ =	swait.ge [sflag:s14], $0x800  }
0x1a: {  	[sflag:s14] =	ssyncset.done $0x0  }
0x1b: {  	s8 =	rddreg [dreg:$0x5];
	[sflag:s14] =	ssyncadd.s32 $0xFFFFF800  }
0x1c: {  	[spmem:s16], [sflag:s15] =	dma.local [hbm:s8], $0xC40  }
0x1d: {  	_ =	swait.ge [sflag:s14], $0xC40  }
0x1e: {  	[sflag:s14] =	ssyncset.done $0x0  }
0x1f: {  	[sflag:s14] =	ssyncadd.s32 $0xFFFFF3C0  }
0x20: {  	[bflag:$0x0] =	sbarrier.arrive $0xFFFF  }
0x21: {  	s9 =	rddreg [dreg:$0x6]  }
0x22: {  	[tilespmem:s4], [sflag:$0x6] =	stream.linear.gather [hbm4b:s9+s4], $0x500, $0x38;
	[tilespmem:$0x7400] =	vst v63  }
0x23: {  	_ =	swait.ge [sflag:s17], $0x500  }
0x24: {  	[sflag:s17] =	ssyncset.done $0x0  }
0x25: {  	[sflag:s17] =	ssyncadd.s32 $0xFFFFFB00  }
0x26: {  	[spmem:s3] =	stream.indirect.scatter.add.f32 [tilespmem:s13], [sflag:$0x1], $0x10, s18, s18, $0xb8;
	[tilespmem:$0x7400] =	vst v63  }
0x27: {  	_ = 	snop  }
0x28: {  	[spmem:s3] =	stream.indirect.scatter.add.f32 [tilespmem:s13], [sflag:$0x2], $0x10, s19, s18, $0xb8;
	[tilespmem:$0x7400] =	vst v63  }
0x29: {  	_ = 	snop  }
0x2a: {  	[spmem:s3] =	stream.indirect.scatter.add.f32 [tilespmem:s13], [sflag:$0x3], $0x10, s20, s18, $0xb8;
	[tilespmem:$0x7400] =	vst v63  }
0x2b: {  	_ = 	snop  }
0x2c: {  	[spmem:s3] =	stream.indirect.scatter.add.f32 [tilespmem:s13], [sflag:$0x4], $0x10, s21, s18, $0xb8;
	[tilespmem:$0x7400] =	vst v63  }
0x2d: {  	_ = 	snop  }
0x2e: {  	[spmem:s3] =	stream.indirect.scatter.add.f32 [tilespmem:s13], [sflag:$0x5], $0x10, s22, s18, $0xb8;
	[tilespmem:$0x7400] =	vst v63  }
0x2f: {  	s10 =	rddreg [dreg:$0x7]  }
0x30: {  	[tilespmem:s23], [sflag:$0x6] =	stream.linear.gather [hbm4b:s10+s4], $0x500, $0x38;
	[tilespmem:$0x7400] =	vst v63  }
0x31: {  	_ =	swait.ge [sflag:s17], $0x500  }
0x32: {  	[sflag:s17] =	ssyncset.done $0x0  }
0x33: {  	[sflag:s17] =	ssyncadd.s32 $0xFFFFFB00  }
0x34: {  	_ =	swait.ge [sflag:s24], $0x800  }
0x35: {  	[sflag:s24] =	ssyncset.done $0x0  }
0x36: {  	[sflag:s24] =	ssyncadd.s32 $0xFFFFF800  }
0x37: {  	[spmem:s3] =	stream.indirect.scatter.add.f32 [tilespmem:s13], [sflag:$0x1], $0x10, s25, s18, $0xb8;
	[tilespmem:$0x7400] =	vst v63  }
0x38: {  	_ =	swait.ge [sflag:s26], $0x800  }
0x39: {  	[sflag:s26] =	ssyncset.done $0x0  }
0x3a: {  	[sflag:s26] =	ssyncadd.s32 $0xFFFFF800  }
0x3b: {  	[spmem:s3] =	stream.indirect.scatter.add.f32 [tilespmem:s13], [sflag:$0x2], $0x10, s28, s18, $0xb8;
	[tilespmem:$0x7400] =	vst v63  }
0x3c: {  	_ =	swait.ge [sflag:s29], $0x800  }
0x3d: {  	[sflag:s29] =	ssyncset.done $0x0  }
0x3e: {  	[sflag:s29] =	ssyncadd.s32 $0xFFFFF800  }
0x3f: {  	[spmem:s3] =	stream.indirect.scatter.add.f32 [tilespmem:s13], [sflag:$0x3], $0x10, s30, s18, $0xb8;
	[tilespmem:$0x7400] =	vst v63  }
0x40: {  	_ =	swait.ge [sflag:s31], $0x800  }
0x41: {  	[sflag:s31] =	ssyncset.done $0x0  }
0x42: {  	[sflag:s31] =	ssyncadd.s32 $0xFFFFF800  }
0x43: {  	[spmem:s3] =	stream.indirect.scatter.add.f32 [tilespmem:s13], [sflag:$0x4], $0x10, s2, s18, $0xb8;
	[tilespmem:$0x7400] =	vst v63  }
0x44: {  	_ =	swait.ge [sflag:s0], $0x800  }
0x45: {  	[sflag:s0] =	ssyncset.done $0x0  }
0x46: {  	s8 =	sshrl.u32 s12, $0x3;
	[sflag:s0] =	ssyncadd.s32 $0xFFFFF800  }
0x47: {  	[spmem:s3] =	stream.indirect.scatter.add.f32 [tilespmem:s13], [sflag:$0x5], $0x10, s5, s18, $0xb8;
	[tilespmem:$0x7400] =	vst v63  }
0x48: {  	s8 =	sadd.s32 s1, s8  }
0x49: {  	[tilespmem:s4], [sflag:$0x6] =	stream.linear.gather [hbm4b:s8+s4], $0x500, $0x38;
	[tilespmem:$0x7400] =	vst v63  }
0x4a: {  	_ =	swait.ge [sflag:s17], $0x500  }
0x4b: {  	[sflag:s17] =	ssyncset.done $0x0  }
0x4c: {  	[sflag:s17] =	ssyncadd.s32 $0xFFFFFB00  }
0x4d: {  	_ =	swait.ge [sflag:s24], $0x800  }
0x4e: {  	[sflag:s24] =	ssyncset.done $0x0  }
0x4f: {  	[sflag:s24] =	ssyncadd.s32 $0xFFFFF800  }
0x50: {  	[spmem:s3] =	stream.indirect.scatter.add.f32 [tilespmem:s13], [sflag:$0x1], $0x10, s18, s18, $0xb8;
	[tilespmem:$0x7400] =	vst v63  }
0x51: {  	_ =	swait.ge [sflag:s26], $0x800  }
0x52: {  	[sflag:s26] =	ssyncset.done $0x0  }
0x53: {  	[sflag:s26] =	ssyncadd.s32 $0xFFFFF800  }
0x54: {  	[spmem:s3] =	stream.indirect.scatter.add.f32 [tilespmem:s13], [sflag:$0x2], $0x10, s19, s18, $0xb8;
	[tilespmem:$0x7400] =	vst v63  }
0x55: {  	_ =	swait.ge [sflag:s29], $0x800  }
0x56: {  	[sflag:s29] =	ssyncset.done $0x0  }
0x57: {  	[sflag:s29] =	ssyncadd.s32 $0xFFFFF800  }
0x58: {  	[spmem:s3] =	stream.indirect.scatter.add.f32 [tilespmem:s13], [sflag:$0x3], $0x10, s20, s18, $0xb8;
	[tilespmem:$0x7400] =	vst v63  }
0x59: {  	_ =	swait.ge [sflag:s31], $0x800  }
0x5a: {  	[sflag:s31] =	ssyncset.done $0x0  }
0x5b: {  	[sflag:s31] =	ssyncadd.s32 $0xFFFFF800  }
0x5c: {  	[spmem:s3] =	stream.indirect.scatter.add.f32 [tilespmem:s13], [sflag:$0x4], $0x10, s21, s18, $0xb8;
	[tilespmem:$0x7400] =	vst v63  }
0x5d: {  	_ =	swait.ge [sflag:s0], $0x800  }
0x5e: {  	s9 =	sadd.s32 $0xA00, s12;
	[sflag:s0] =	ssyncset.done $0x0  }
0x5f: {  	s10 =	sadd.s32 $0x0, s11;
	s8 =	simm.s32 $0x140;
	[sflag:s0] =	ssyncadd.s32 $0xFFFFF800  }
0x60: {  	[spmem:s3] =	stream.indirect.scatter.add.f32 [tilespmem:s13], [sflag:$0x5], $0x10, s22, s18, $0xb8;
	[tilespmem:$0x7400] =	vst v63  }
.LBB2_2:
0x61: {  	[tilespmem:s23], [sflag:$0x6] =	stream.linear.gather [hbm4b:s10+s4], $0x500, $0x38;
	[tilespmem:$0x7400] =	vst v63  }
0x62: {  	s10 =	smov.u32 s8  }
0x63: {  	p0 =	sne.s32 s8, $0x17C0;
	s8 =	sadd.s32 $0x140, s8;
	_ =	swait.ge [sflag:s17], $0x500  }
0x64: {  	[sflag:s17] =	ssyncset.done $0x0  }
0x65: {  	[sflag:s17] =	ssyncadd.s32 $0xFFFFFB00  }
0x66: {  	_ =	swait.ge [sflag:s24], $0x800  }
0x67: {  	[sflag:s24] =	ssyncset.done $0x0  }
0x68: {  	[sflag:s24] =	ssyncadd.s32 $0xFFFFF800  }
0x69: {  	[spmem:s3] =	stream.indirect.scatter.add.f32 [tilespmem:s13], [sflag:$0x1], $0x10, s25, s18, $0xb8;
	[tilespmem:$0x7400] =	vst v63  }
0x6a: {  	_ =	swait.ge [sflag:s26], $0x800  }
0x6b: {  	[sflag:s26] =	ssyncset.done $0x0  }
0x6c: {  	[sflag:s26] =	ssyncadd.s32 $0xFFFFF800  }
0x6d: {  	[spmem:s3] =	stream.indirect.scatter.add.f32 [tilespmem:s13], [sflag:$0x2], $0x10, s28, s18, $0xb8;
	[tilespmem:$0x7400] =	vst v63  }
0x6e: {  	_ =	swait.ge [sflag:s29], $0x800  }
0x6f: {  	[sflag:s29] =	ssyncset.done $0x0  }
0x70: {  	[sflag:s29] =	ssyncadd.s32 $0xFFFFF800  }
0x71: {  	[spmem:s3] =	stream.indirect.scatter.add.f32 [tilespmem:s13], [sflag:$0x3], $0x10, s30, s18, $0xb8;
	[tilespmem:$0x7400] =	vst v63  }
0x72: {  	_ =	swait.ge [sflag:s31], $0x800  }
0x73: {  	[sflag:s31] =	ssyncset.done $0x0  }
0x74: {  	[sflag:s31] =	ssyncadd.s32 $0xFFFFF800  }
0x75: {  	[spmem:s3] =	stream.indirect.scatter.add.f32 [tilespmem:s13], [sflag:$0x4], $0x10, s2, s18, $0xb8;
	[tilespmem:$0x7400] =	vst v63  }
0x76: {  	_ =	swait.ge [sflag:s0], $0x800  }
0x77: {  	[sflag:s0] =	ssyncset.done $0x0  }
0x78: {  	s7 =	sshrl.u32 s9, $0x3;
	[sflag:s0] =	ssyncadd.s32 $0xFFFFF800  }
0x79: {  	[spmem:s3] =	stream.indirect.scatter.add.f32 [tilespmem:s13], [sflag:$0x5], $0x10, s5, s18, $0xb8;
	[tilespmem:$0x7400] =	vst v63  }
0x7a: {  	s7 =	sadd.s32 s1, s7  }
0x7b: {  	[tilespmem:s4], [sflag:$0x6] =	stream.linear.gather [hbm4b:s7+s4], $0x500, $0x38;
	[tilespmem:$0x7400] =	vst v63  }
0x7c: {  	_ =	swait.ge [sflag:s17], $0x500  }
0x7d: {  	[sflag:s17] =	ssyncset.done $0x0  }
0x7e: {  	[sflag:s17] =	ssyncadd.s32 $0xFFFFFB00  }
0x7f: {  	_ =	swait.ge [sflag:s24], $0x800  }
0x80: {  	[sflag:s24] =	ssyncset.done $0x0  }
0x81: {  	[sflag:s24] =	ssyncadd.s32 $0xFFFFF800  }
0x82: {  	[spmem:s3] =	stream.indirect.scatter.add.f32 [tilespmem:s13], [sflag:$0x1], $0x10, s18, s18, $0xb8;
	[tilespmem:$0x7400] =	vst v63  }
0x83: {  	_ =	swait.ge [sflag:s26], $0x800  }
0x84: {  	[sflag:s26] =	ssyncset.done $0x0  }
0x85: {  	[sflag:s26] =	ssyncadd.s32 $0xFFFFF800  }
0x86: {  	[spmem:s3] =	stream.indirect.scatter.add.f32 [tilespmem:s13], [sflag:$0x2], $0x10, s19, s18, $0xb8;
	[tilespmem:$0x7400] =	vst v63  }
0x87: {  	_ =	swait.ge [sflag:s29], $0x800  }
0x88: {  	[sflag:s29] =	ssyncset.done $0x0  }
0x89: {  	[sflag:s29] =	ssyncadd.s32 $0xFFFFF800  }
0x8a: {  	[spmem:s3] =	stream.indirect.scatter.add.f32 [tilespmem:s13], [sflag:$0x3], $0x10, s20, s18, $0xb8;
	[tilespmem:$0x7400] =	vst v63  }
0x8b: {  	_ =	swait.ge [sflag:s31], $0x800  }
0x8c: {  	[sflag:s31] =	ssyncset.done $0x0  }
0x8d: {  	[sflag:s31] =	ssyncadd.s32 $0xFFFFF800  }
0x8e: {  	[spmem:s3] =	stream.indirect.scatter.add.f32 [tilespmem:s13], [sflag:$0x4], $0x10, s21, s18, $0xb8;
	[tilespmem:$0x7400] =	vst v63  }
.Ltmp0:
0x8f: {  	_ =	swait.ge [sflag:s0], $0x800;
	(pc) =	sbr.rel @p0 .LBB2_2-.Ltmp0, $4  }
0x90: {  	[sflag:s0] =	ssyncset.done $0x0  }
0x91: {  	[sflag:s0] =	ssyncadd.s32 $0xFFFFF800  }
0x92: {  	[spmem:s3] =	stream.indirect.scatter.add.f32 [tilespmem:s13], [sflag:$0x5], $0x10, s22, s18, $0xb8;
	[tilespmem:$0x7400] =	vst v63  }
0x93: {  	s9 =	sadd.s32 $0xA00, s9;
	s10 =	sadd.s32 s10, s11  }
0x94: {  	[tilespmem:s23], [sflag:$0x6] =	stream.linear.gather [hbm4b:s10+s4], $0x500, $0x38;
	[tilespmem:$0x7400] =	vst v63  }
0x95: {  	_ =	swait.ge [sflag:s17], $0x500  }
0x96: {  	[sflag:s17] =	ssyncset.done $0x0  }
0x97: {  	[sflag:s17] =	ssyncadd.s32 $0xFFFFFB00  }
0x98: {  	_ =	swait.ge [sflag:s24], $0x800  }
0x99: {  	[sflag:s24] =	ssyncset.done $0x0  }
0x9a: {  	[sflag:s24] =	ssyncadd.s32 $0xFFFFF800  }
0x9b: {  	[spmem:s3] =	stream.indirect.scatter.add.f32 [tilespmem:s13], [sflag:$0x1], $0x10, s25, s18, $0xb8;
	[tilespmem:$0x7400] =	vst v63  }
0x9c: {  	_ =	swait.ge [sflag:s26], $0x800  }
0x9d: {  	[sflag:s26] =	ssyncset.done $0x0  }
0x9e: {  	[sflag:s26] =	ssyncadd.s32 $0xFFFFF800  }
0x9f: {  	[spmem:s3] =	stream.indirect.scatter.add.f32 [tilespmem:s13], [sflag:$0x2], $0x10, s28, s18, $0xb8;
	[tilespmem:$0x7400] =	vst v63  }
0xa0: {  	_ =	swait.ge [sflag:s29], $0x800  }
0xa1: {  	[sflag:s29] =	ssyncset.done $0x0  }
0xa2: {  	[sflag:s29] =	ssyncadd.s32 $0xFFFFF800  }
0xa3: {  	[spmem:s3] =	stream.indirect.scatter.add.f32 [tilespmem:s13], [sflag:$0x3], $0x10, s30, s18, $0xb8;
	[tilespmem:$0x7400] =	vst v63  }
0xa4: {  	_ =	swait.ge [sflag:s31], $0x800  }
0xa5: {  	[sflag:s31] =	ssyncset.done $0x0  }
0xa6: {  	[sflag:s31] =	ssyncadd.s32 $0xFFFFF800  }
0xa7: {  	[spmem:s3] =	stream.indirect.scatter.add.f32 [tilespmem:s13], [sflag:$0x4], $0x10, s2, s18, $0xb8;
	[tilespmem:$0x7400] =	vst v63  }
0xa8: {  	_ =	swait.ge [sflag:s0], $0x800  }
0xa9: {  	[sflag:s0] =	ssyncset.done $0x0  }
0xaa: {  	[sflag:s0] =	ssyncadd.s32 $0xFFFFF800  }
0xab: {  	[spmem:s3] =	stream.indirect.scatter.add.f32 [tilespmem:s13], [sflag:$0x5], $0x10, s5, s18, $0xb8;
	[tilespmem:$0x7400] =	vst v63  }
0xac: {  	_ =	swait.ge [sflag:s24], $0x800  }
0xad: {  	[sflag:s24] =	ssyncset.done $0x0  }
0xae: {  	[sflag:s24] =	ssyncadd.s32 $0xFFFFF800  }
0xaf: {  	_ =	swait.ge [sflag:s26], $0x800  }
0xb0: {  	[sflag:s26] =	ssyncset.done $0x0  }
0xb1: {  	[sflag:s26] =	ssyncadd.s32 $0xFFFFF800  }
0xb2: {  	_ =	swait.ge [sflag:s29], $0x800  }
0xb3: {  	[sflag:s29] =	ssyncset.done $0x0  }
0xb4: {  	[sflag:s29] =	ssyncadd.s32 $0xFFFFF800  }
0xb5: {  	_ =	swait.ge [sflag:s31], $0x800  }
0xb6: {  	[sflag:s31] =	ssyncset.done $0x0  }
0xb7: {  	[sflag:s31] =	ssyncadd.s32 $0xFFFFF800  }
0xb8: {  	_ =	swait.ge [sflag:s0], $0x800  }
0xb9: {  	[sflag:s0] =	ssyncset.done $0x0  }
0xba: {  	[sflag:s0] =	ssyncadd.s32 $0xFFFFF800  }
0xbb: {  	[bflag:$0x0] =	sbarrier.arrive $0xFFFF  }
0xbc: {  	s7 =	rddreg [dreg:$0x8]  }
0xbd: {  	[hbm:s7], [sflag:s15] =	dma.local [spmem:s16], $0xC40  }
0xbe: {  	_ =	swait.ge [sflag:s14], $0xC40  }
0xbf: {  	s6 =	sadd.s32 $0x1, s6;
	s10 =	rddreg [dreg:$0x9]  }
0xc0: {  	p0 =	sne.s32 s6, s10  }
.Ltmp1:
0xc1: {  	_ = 	snop;
	(pc) =	sbr.rel @p0 .LBB2_1-.Ltmp1, $3  }
0xc2: {  	_ =	sdelay $0x1  }
0xc3: {  	[sflag:s14] =	ssyncset.done $0x0  }
0xc4: {  	[sflag:s14] =	ssyncadd.s32 $0xFFFFF3C0  }
0xc5: {  	_ =	sfence.sel $0x180000  }
0xc6: {  	[bflag:$0x0] =	sbarrier.arrive $0xFFFF  }
0xc7: {  	_ =	strace $0x9000004A  }
0xc8: {  	s0 =	stileid.u32;
	[bflag:$0x2] =	sbarrier.arrive $0xFFFF  }
0xc9: {  	p0 =	sne.s32 s0, $0x0;
	s0 =	rddreg [dreg:$0x3]  }
0xca: {  	s0 =	sadd.s32 @!p0 $0x100000, s0  }
0xcb: {  	[sflag:s0] =	ssyncadd.tile.s32 @!p0 $0x1;
	_ =	shalt  }
.Lfunc_end2:
_tile_overlayer_lowered:
.L_overlay_start_2:
0xcc: {  	(tag) =	ssettag $0x2  }
0xcd: {  	s0 =	rddreg [dreg:$0x0];
	s2 =	stileid.u32  }
0xce: {  	s1 =	rddreg [dreg:$0x1];
	p0 =	sne.s32 s2, $0x0  }
0xcf: {  	s3 =	rddreg [dreg:$0x2];
	[bflag:$0x3] =	sbarrier.arrive $0xFFFF;
	s2 =	simm.s32 @!p0 $0x1C07  }
0xd0: {  	[timem:s3], [sflag:s2] =	dma.local @!p0 [hbm:s0], s1  }
0xd1: {  	s0 =	simm.s32 @!p0 $0x7  }
0xd2: {  	_ =	swait.ge @!p0 [sflag:s0], s1  }
0xd3: {  	s1 =	ssub.s32 @!p0 $0x0, s1;
	[sflag:s0] =	ssyncset.done @!p0 $0x0  }
0xd4: {  	[sflag:s0] =	ssyncadd.s32 @!p0 s1  }
0xd5: {  	[bflag:$0x3] =	sbarrier.arrive $0xFFFF  }
0xd6: {  	_ =	shalt  }

// kernel: kernel.18.cloned.1.call-start
scs
__scs_entry_jumppad:
0x0: {  	(pc) =	sbr.rel $0x88, $3  }
0x1: {  	(tag) =	ssettag $0x0;
	lr =	simm.s32 $0x1  }
0x2: {  	[smem:$0x3F9F] =	sst lr;
	_ =	strace $0xD0000000  }
0x3: {  	_ = 	snop  }
0x4: {  	_ = 	snop  }
0x5: {  	_ = 	snop  }
0x6: {  	_ = 	snop  }
0x7: {  	_ = 	snop  }
__scs_overlays_trampoline_lowered:
0x8: {  	[smem:$0x3FAE] =	sst s0  }
0x9: {  	[smem:$0x3FAF] =	sst s1  }
0xa: {  	[smem:$0x3FB0] =	sst s2  }
0xb: {  	[smem:$0x3FB1] =	sst s3  }
0xc: {  	[smem:$0x3FB2] =	sst s4  }
0xd: {  	[smem:$0x3FB3] =	sst s5  }
0xe: {  	[smem:$0x3FB4] =	sst s6  }
0xf: {  	[smem:$0x3FB5] =	sst s7  }
0x10: {  	[smem:$0x3FB6] =	sst s8  }
0x11: {  	[smem:$0x3FB7] =	sst s9;
	s0 =	simm.s32 @!p0 $0x0  }
0x12: {  	s1 =	sld [smem:$0x3F9D];
	s0 =	simm.s32 @p0 $0x1  }
0x13: {  	[smem:$0x3FB8] =	sst s0;
	s0 =	simm.s32 @!p1 $0x0  }
0x14: {  	s2 =	sld [smem:$0x3F9C];
	s0 =	simm.s32 @p1 $0x1  }
0x15: {  	[smem:$0x3FB9] =	sst s0;
	s0 =	simm.s32 @!p2 $0x0  }
0x16: {  	s3 =	sld [smem:$0x3FDB];
	s0 =	simm.s32 @p2 $0x1  }
0x17: {  	s4 =	simm.s32 $0x1BF5;
	[smem:$0x3FBB] =	sst s0  }
0x18: {  	s0 =	sld [smem:$0x3F9E];
	_ =	swait.ge [sflag:s4], $0x0  }
0x19: {  	s7 =	sld [smem:$0x3F9F]  }
0x1a: {  	s8 =	sadd.s32 $0xFFFFE003, lr  }
0x1b: {  	s9 =	sadd.s32 $0xFFFFFEF7, lr;
	s5 =	simm.s32 $0xFFFFFFFF;
	p2 =	slt.u32 s8, $0xFFFFF086  }
0x1c: {  	p1 =	slt.u32 s9, $0xF7A;
	s5 =	simm.s32 @!p2 $0x0  }
0x1d: {  	s5 =	simm.s32 @p1 $0x1;
	p0 =	seq.s32 s7, s2  }
0x1e: {  	s7 =	smul.u32 @!p0 $0xF7A, s2;
	p2 =	seq.s32 @!p0 s5, $0x0  }
0x1f: {  	s9 =	smul.u32 $0xF7A, s1;
	s8 =	simm.s32 @!p0 $0x1BF5;
	p2 =	por !p2, p0  }
0x20: {  	[sflag:s8] =	ssyncset.s32 @!p0 $0xFFFFF086;
	s6 =	sadd.s32 @!p0 s3, s7;
	s7 =	simm.s32 @!p0 $0x108  }
0x21: {  	s3 =	sadd.s32 s3, s9;
	s6 =	sadd.s32 @!p0 $0x88, s6;
	s7 =	simm.s32 @p2 $0x1082  }
0x22: {  	[simem:s7], [sflag:s8] =	dma.local @!p0 [hbm:s6], $0xF7A  }
0x23: {  	s9 =	sor.u32 $0xD0000000, s2;
	s6 =	simm.s32 $0x108;
	_ =	swait.ge @!p0 [sflag:s8], $0x0  }
0x24: {  	s3 =	sadd.s32 $0x88, s3;
	s6 =	simm.s32 @!p1 $0x1082;
	[sflag:s4] =	ssyncset.s32 $0xFFFFF086  }
0x25: {  	[simem:s6], [sflag:s4] =	dma.local [hbm:s3], $0xF7A  }
0x26: {  	[smem:$0x3F9F] =	sst s1;
	(tag) =	ssettag s2;
	_ =	strace s9  }
0x27: {  	s1 =	sld [smem:$0x3FAF]  }
0x28: {  	s2 =	sld [smem:$0x3FB0]  }
0x29: {  	s4 =	sld [smem:$0x3FB2]  }
0x2a: {  	p0 =	seq.s32 s5, $0x0;
	s5 =	sld [smem:$0x3FB3]  }
0x2b: {  	s6 =	sld [smem:$0x3FB4]  }
0x2c: {  	s7 =	sld [smem:$0x3FB5]  }
0x2d: {  	s3 =	simm.s32 $0x108;
	s8 =	sld [smem:$0x3FB6]  }
0x2e: {  	s3 =	simm.s32 @!p0 $0x1082;
	s9 =	sld [smem:$0x3FB7]  }
0x2f: {  	lr =	sadd.s32 s0, s3;
	s0 =	sld [smem:$0x3FAE]  }
0x30: {  	s3 =	sld [smem:$0x3FB1]  }
0x31: {  	[smem:$0x3FBA] =	sst s10  }
0x32: {  	s10 =	sld [smem:$0x3FB8];
	_ =	sdelay $0x3  }
0x33: {  	p0 =	seq.s32 s10, $0x1;
	s10 =	sld [smem:$0x3FBA];
	_ =	sdelay $0x3  }
0x34: {  	[smem:$0x3FBA] =	sst s10  }
0x35: {  	s10 =	sld [smem:$0x3FB9];
	_ =	sdelay $0x3  }
0x36: {  	p1 =	seq.s32 s10, $0x1;
	s10 =	sld [smem:$0x3FBA];
	_ =	sdelay $0x3  }
0x37: {  	[smem:$0x3FBA] =	sst s10  }
0x38: {  	s10 =	sld [smem:$0x3FBB]  }
0x39: {  	_ = 	snop;
	(pc) =	sbr.ind lr, $3  }
0x3a: {  	_ = 	snop  }
0x3b: {  	_ = 	snop  }
0x3c: {  	p2 =	seq.s32 s10, $0x1;
	s10 =	sld [smem:$0x3FBA]  }
0x3d: {  	_ =	shalt  }
0x3e: {  	_ =	shalt  }
0x3f: {  	_ =	shalt  }
0x40: {  	_ =	shalt  }
0x41: {  	_ =	shalt  }
0x42: {  	_ =	shalt  }
0x43: {  	_ =	shalt  }
0x44: {  	_ =	shalt  }
0x45: {  	_ =	shalt  }
0x46: {  	_ =	shalt  }
0x47: {  	_ =	shalt  }
0x48: {  	_ =	shalt  }
0x49: {  	_ =	shalt  }
0x4a: {  	_ =	shalt  }
0x4b: {  	_ =	shalt  }
0x4c: {  	_ =	shalt  }
0x4d: {  	_ =	shalt  }
0x4e: {  	_ =	shalt  }
0x4f: {  	_ =	shalt  }
0x50: {  	_ =	shalt  }
0x51: {  	_ =	shalt  }
0x52: {  	_ =	shalt  }
0x53: {  	_ =	shalt  }
0x54: {  	_ =	shalt  }
0x55: {  	_ =	shalt  }
0x56: {  	_ =	shalt  }
0x57: {  	_ =	shalt  }
0x58: {  	_ =	shalt  }
0x59: {  	_ =	shalt  }
0x5a: {  	_ =	shalt  }
0x5b: {  	_ =	shalt  }
0x5c: {  	_ =	shalt  }
0x5d: {  	_ =	shalt  }
0x5e: {  	_ =	shalt  }
0x5f: {  	_ =	shalt  }
0x60: {  	_ =	shalt  }
0x61: {  	_ =	shalt  }
0x62: {  	_ =	shalt  }
0x63: {  	_ =	shalt  }
0x64: {  	_ =	shalt  }
0x65: {  	_ =	shalt  }
0x66: {  	_ =	shalt  }
0x67: {  	_ =	shalt  }
0x68: {  	_ =	shalt  }
0x69: {  	_ =	shalt  }
0x6a: {  	_ =	shalt  }
0x6b: {  	_ =	shalt  }
0x6c: {  	_ =	shalt  }
0x6d: {  	_ =	shalt  }
0x6e: {  	_ =	shalt  }
0x6f: {  	_ =	shalt  }
0x70: {  	_ =	shalt  }
0x71: {  	_ =	shalt  }
0x72: {  	_ =	shalt  }
0x73: {  	_ =	shalt  }
0x74: {  	_ =	shalt  }
0x75: {  	_ =	shalt  }
0x76: {  	_ =	shalt  }
0x77: {  	_ =	shalt  }
0x78: {  	_ =	shalt  }
0x79: {  	_ =	shalt  }
0x7a: {  	_ =	shalt  }
0x7b: {  	_ =	shalt  }
0x7c: {  	_ =	shalt  }
0x7d: {  	_ =	shalt  }
0x7e: {  	_ =	shalt  }
0x7f: {  	_ =	shalt  }
0x80: {  	_ =	shalt  }
0x81: {  	_ =	shalt  }
0x82: {  	_ =	shalt  }
0x83: {  	_ =	shalt  }
0x84: {  	_ =	shalt  }
0x85: {  	_ =	shalt  }
0x86: {  	_ =	shalt  }
0x87: {  	_ =	shalt  }
.Lfunc_end0:
.L_simem_size_0:
called_computation.2_lowered:
.L_overlay_start_0:
0x88: {  	s2 =	sld [smem:$0x3FD9]  }
0x89: {  	s3 =	sld [smem:$0x3FFE];
	_ =	sdelay $0x1  }
0x8a: {  	s1 =	srdreg.scid  }
0x8b: {  	s0 =	sand.u32 $0x1, s1  }
0x8c: {  	s17 =	sshll.u32 s0, $0xA;
	s2 =	sadd.s32 s3, s2  }
0x8d: {  	s2 =	sadd.s32 s2, s17  }
0x8e: {  	[smem:$0x3FC6] =	sst s2  }
0x8f: {  	_ = 	snop  }
0x90: {  	s2 =	sld [smem:$0x3FD0];
	(tm) =	ssettm $0x1  }
0x91: {  	s18 =	sld [smem:$0x3FFB];
	_ =	sdelay $0x3  }
0x92: {  	_ =	strace s18  }
0x93: {  	s3 =	sld [smem:$0x3FFC];
	_ =	sdelay $0x3  }
0x94: {  	_ =	strace s3  }
0x95: {  	s3 =	sld [smem:$0x3FFD];
	_ =	sdelay $0x3  }
0x96: {  	_ =	strace s3  }
0x97: {  	_ =	strace $0x8FFFFFFF  }
0x98: {  	s19 =	sld [smem:$0x3FDB];
	_ =	sdelay $0x1  }
0x99: {  	s4 =	simm.s32 $_scs_section_size  }
0x9a: {  	s5 =	simm.s32 $_size__tile_overlayer_lowered;
	s6 =	simm.s32 $_tile_overlayer_lowered  }
0x9b: {  	s22 =	simm.s32 $0x1BFF;
	s21 =	sshll.u32 s6, $0x1;
	s3 =	sadd.s32 s4, s19  }
0x9c: {  	s7 =	simm.s32 $0x0;
	s20 =	sshll.u32 s5, $0x1;
	s5 =	sadd.s32 s21, s3  }
0x9d: {  	[timem:s7], [sflag:s22] =	dma.local [hbm:s5], s20  }
0x9e: {  	_ =	swait.ge [sflag:s22], s20  }
0x9f: {  	s4 =	ssub.s32 $0x0, s20;
	[sflag:s22] =	ssyncset.done $0x0  }
0xa0: {  	[sflag:s22] =	ssyncadd.s32 s4;
	_ =	sdelay $0x1  }
0xa1: {  	s23 =	simm.s32 $0x1B8B  }
0xa2: {  	_ =	swait.ge [sflag:s23], $0x1  }
0xa3: {  	[sflag:s23] =	ssyncset.done $0x0  }
0xa4: {  	s25 =	simm.s32 $0x1B8E;
	s24 =	sld [smem:$0x3FFE];
	[sflag:s23] =	ssyncadd.s32 $0xFFFFFFFF  }
0xa5: {  	s26 =	simm.s32 $execute0_lowered;
	[smem:$0x3FD2] =	sst s25  }
0xa6: {  	s5 =	sshll.u32 s26, $0x1;
	_ =	strace $0x8000004C;
	[dreg:$0x1] =	wrdreg $0xFFFFFFFF  }
0xa7: {  	s28 =	simm.s32 $_size_execute0_lowered;
	s3 =	sadd.s32 s3, s5;
	[dreg:$0x0] =	wrdreg $0x0  }
0xa8: {  	s5 =	sshll.u32 s28, $0x1;
	[dreg:$0x2] =	wrdreg s3  }
0xa9: {  	[dreg:$0x3] =	wrdreg s5  }
0xaa: {  	[dreg:$0x4] =	wrdreg $0xC0  }
0xab: {  	_ =	task [dreg:s7], $0x5FFFF  }
0xac: {  	[dreg:$0x1] =	wrdreg $0xFFFFFFFF  }
0xad: {  	[dreg:$0x0] =	wrdreg $0x60  }
0xae: {  	[dreg:$0x2] =	wrdreg s24  }
0xaf: {  	[dreg:$0x3] =	wrdreg s2  }
0xb0: {  	[dreg:$0x4] =	wrdreg $0x63000  }
0xb1: {  	[dreg:$0x5] =	wrdreg $0x9  }
0xb2: {  	_ =	task.clear_ibuf [dreg:s7], $0x6FFFF;
	_ =	strace $0x9000004C  }
0xb3: {  	s29 =	simm.s32 $0x9;
	_ =	strace $0x8000004E  }
0xb4: {  	_ =	swait.ge [sflag:s29], $0x1  }
0xb5: {  	[sflag:s29] =	ssyncadd.s32 $0xFFFFFFFF  }
0xb6: {  	_ =	strace $0x9000004E  }
0xb7: {  	_ =	sfence  }
0xb8: {  	s30 =	sld [smem:$0x0];
	_ =	sdelay $0x2  }
0xb9: {  	s31 =	sshll.u32 s1, $0xD;
	s1 =	sshrl.u32 s1, $0x2  }
0xba: {  	s3 =	sand.u32 $0x4000, s31;
	s1 =	sadd.s32 s1, s30  }
0xbb: {  	s0 =	sor.u32 s3, s0;
	s1 =	sshll.u32 s1, $0x11  }
0xbc: {  	s0 =	sor.u32 s1, s0  }
0xbd: {  	s0 =	sadd.s32 $0x8F2B, s0  }
0xbe: {  	[sflag:s0] =	ssyncadd.remote.s32 $0x1  }
0xbf: {  	_ =	sfence.sel $0xFFFF  }
0xc0: {  	[dreg:$0x0] =	wrdreg $0xFFFFFFFF;
	(pc) =	sbr.abs _section_cstart, $3  }
0xc1: {  	[dreg:$0x1] =	wrdreg $0xFFFFFFFF  }
0xc2: {  	_ =	task.clear_ibuf [dreg:s7], $0x2FFFF;
	_ =	strace $0x9FFFFFFF  }
0xc3: {  	(tm) =	ssettm $0x7FFFFFFF  }
tec
execute0_lowered:
.L_overlay_start_1:
0x0: {  	(tag) =	ssettag $0x1  }
0x1: {  	s0 =	rddreg [dreg:$0x0]  }
0x2: {  	s2 =	rddreg [dreg:$0x1]  }
0x3: {  	s3 =	rddreg [dreg:$0x2];
	s1 =	srdreg.scid  }
0x4: {  	s11 =	stileid.u32;
	s4 =	simm.s32 $0x0;
	s16 =	simm.s32 $0x7  }
0x5: {  	s17 =	simm.s32 $0x80;
	s18 =	simm.s32 $0x300;
	s28 =	simm.s32 $0x280  }
0x6: {  	s29 =	simm.s32 $0x4;
	s30 =	simm.s32 $0x5;
	s31 =	simm.s32 $0x6  }
0x7: {  	s1 =	sand.u32 $0x1, s1;
	s6 =	smul.u32 $0x18800, s11;
	[smem:$0x7FF] =	sst s4  }
0x8: {  	s5 =	sadd.s32 $0xE0800, s0;
	s10 =	smul.u32 $0xD200, s11;
	s12 =	sadd.s32 $0x3000, s0  }
0x9: {  	s19 =	sshll.u32 s11, $0x6;
	s7 =	smul.u32 $0x188000, s1;
	_ =	strace $0x8000004D  }
0xa: {  	s8 =	ssub.s32 $0x2, s1;
	s1 =	smul.u32 $0xD2000, s1;
	[dreg:$0x4] =	wrdreg s12  }
0xb: {  	s9 =	sshrl.u32 s8, $0x1;
	s13 =	sadd.s32 s6, s3;
	s7 =	sadd.s32 s6, s7  }
0xc: {  	s8 =	ssub.s32 s8, s9;
	s1 =	sadd.s32 s10, s1;
	s15 =	sshrl.u32 s13, $0x3  }
0xd: {  	s7 =	sshrl.u32 s7, $0x3;
	s20 =	sshrl.u32 s1, $0x3;
	s21 =	sadd.s32 $0x200, s1  }
0xe: {  	s24 =	sadd.s32 $0x400, s1;
	s25 =	smax.u32 s8, $0x1;
	s0 =	sadd.s32 s7, s0  }
0xf: {  	s7 =	sor.u32 $0x1C07, s19;
	s22 =	sadd.s32 s2, s20;
	s23 =	sshrl.u32 s21, $0x3  }
0x10: {  	s9 =	sshrl.u32 s24, $0x3;
	[dreg:$0x8] =	wrdreg s25;
	s19 =	simm.s32 $0x100  }
0x11: {  	s20 =	simm.s32 $0x2300;
	s21 =	simm.s32 $0x200;
	s24 =	simm.s32 $0x2  }
.Ltmp0:
0x12: {  	s25 =	simm.s32 $0x180;
	[dreg:$0x5] =	wrdreg s22;
	(pc) =	sbr.rel .LBB2_1-.Ltmp0, $4  }
0x13: {  	s10 =	sadd.s32 $0x20, s22;
	s6 =	sadd.s32 s2, s23;
	s0 =	sadd.s32 $0x142800, s0  }
0x14: {  	s26 =	sadd.s32 s9, s2;
	s9 =	sadd.s32 $0x300, s1;
	[dreg:$0x6] =	wrdreg s10  }
0x15: {  	s22 =	simm.s32 $0x4300;
	s23 =	simm.s32 $0x1;
	[dreg:$0x7] =	wrdreg s0  }
0x16: {  	[dreg:$0x9] =	wrdreg s26;
	s26 =	simm.s32 $0x3;
	s0 =	simm.s32 $0x0  }
.LBB2_4:
0x17: {  	_ =	swait.ge [sflag:s26], $0x2000  }
0x18: {  	[sflag:s26] =	ssyncset.done $0x0  }
0x19: {  	[sflag:s26] =	ssyncadd.s32 $0xFFFFE000  }
0x1a: {  	[spmem:s3] =	stream.indirect.scatter.add.f32 [tilespmem:s22], [sflag:$0x6], $0x40, s28, s17, $0xb8;
	[tilespmem:$0x1EB00] =	vst v63  }
0x1b: {  	_ =	swait.ge [sflag:s29], $0x2000  }
0x1c: {  	[sflag:s29] =	ssyncset.done $0x0  }
0x1d: {  	[sflag:s29] =	ssyncadd.s32 $0xFFFFE000  }
0x1e: {  	_ =	swait.ge [sflag:s30], $0x2000  }
0x1f: {  	[sflag:s30] =	ssyncset.done $0x0  }
0x20: {  	[sflag:s30] =	ssyncadd.s32 $0xFFFFE000  }
0x21: {  	_ =	swait.ge [sflag:s31], $0x2000  }
0x22: {  	[sflag:s31] =	ssyncset.done $0x0  }
0x23: {  	[sflag:s31] =	ssyncadd.s32 $0xFFFFE000  }
0x24: {  	[bflag:$0x0] =	sbarrier.arrive $0xFFFF  }
0x25: {  	s1 =	rddreg [dreg:$0x7]  }
0x26: {  	[hbm:s1], [sflag:s7] =	dma.local [spmem:s15], $0x3100  }
0x27: {  	_ =	swait.ge [sflag:s16], $0x3100  }
0x28: {  	s0 =	sadd.s32 $0x1, s0;
	s14 =	rddreg [dreg:$0x8]  }
0x29: {  	p0 =	sne.s32 s0, s14  }
.Ltmp1:
0x2a: {  	_ = 	snop;
	(pc) =	sbr.rel @!p0 .LBB2_5-.Ltmp1, $3  }
0x2b: {  	_ =	sdelay $0x1  }
0x2c: {  	[sflag:s16] =	ssyncset.done $0x0  }
0x2d: {  	[sflag:s16] =	ssyncadd.s32 $0xFFFFCF00  }
.LBB2_1:
0x2e: {  	s1 =	rddreg [dreg:$0x4]  }
0x2f: {  	[spmem:s15], [sflag:s7] =	dma.local [hbm:s1], $0x3100  }
0x30: {  	_ =	swait.ge [sflag:s16], $0x3100  }
0x31: {  	[sflag:s16] =	ssyncset.done $0x0  }
0x32: {  	[sflag:s16] =	ssyncadd.s32 $0xFFFFCF00  }
0x33: {  	[bflag:$0x0] =	sbarrier.arrive $0xFFFF  }
0x34: {  	s13 =	rddreg [dreg:$0x5]  }
0x35: {  	[tilespmem:s4], [sflag:$0x7] =	stream.linear.gather [hbm4b:s13+s4], $0x100, $0x38;
	[tilespmem:$0x1EB00] =	vst v63  }
0x36: {  	_ =	swait.ge [sflag:s16], $0x100  }
0x37: {  	[sflag:s16] =	ssyncset.done $0x0  }
0x38: {  	[sflag:s16] =	ssyncadd.s32 $0xFFFFFF00  }
0x39: {  	[tilespmem:s18], [sflag:$0x1] =	stream.indirect.gather [hbm4b:s5+s17], $0x40, s4, s17, $0xb8;
	[tilespmem:$0x1EB00] =	vst v63  }
0x3a: {  	s14 =	rddreg [dreg:$0x6]  }
0x3b: {  	[tilespmem:s19], [sflag:$0x7] =	stream.linear.gather [hbm4b:s14+s4], $0x100, $0x38;
	[tilespmem:$0x1EB00] =	vst v63  }
0x3c: {  	_ =	swait.ge [sflag:s16], $0x100  }
0x3d: {  	[sflag:s16] =	ssyncset.done $0x0  }
0x3e: {  	[sflag:s16] =	ssyncadd.s32 $0xFFFFFF00  }
0x3f: {  	[tilespmem:s20], [sflag:$0x2] =	stream.indirect.gather [hbm4b:s5+s17], $0x40, s19, s17, $0xb8;
	[tilespmem:$0x1EB00] =	vst v63  }
0x40: {  	_ = 	snop  }
0x41: {  	[tilespmem:s21], [sflag:$0x7] =	stream.linear.gather [hbm4b:s6+s4], $0x100, $0x38;
	[tilespmem:$0x1EB00] =	vst v63  }
0x42: {  	_ =	swait.ge [sflag:s16], $0x100  }
0x43: {  	s10 =	smov.u32 s6;
	s1 =	simm.s32 $0xFFFFFFFF;
	[sflag:s16] =	ssyncset.done $0x0  }
0x44: {  	s14 =	smov.u32 s9;
	s13 =	rddreg [dreg:$0x9];
	[sflag:s16] =	ssyncadd.s32 $0xFFFFFF00  }
0x45: {  	[tilespmem:s22], [sflag:$0x3] =	stream.indirect.gather [hbm4b:s5+s17], $0x40, s21, s17, $0xb8;
	[tilespmem:$0x1EB00] =	vst v63  }
.LBB2_2:
0x46: {  	_ =	swait.ge [sflag:s23], $0x2000  }
0x47: {  	p0 =	sgt.u32 s1, $0xCE;
	[sflag:s23] =	ssyncset.done $0x0  }
0x48: {  	s11 =	simm.s32 @!p0 $0x6;
	[sflag:s23] =	ssyncadd.s32 $0xFFFFE000  }
0x49: {  	[spmem:s3] =	stream.indirect.scatter.add.f32 [tilespmem:s18], [sflag:$0x4], $0x40, s17, s17, $0xb8;
	[tilespmem:$0x1EB00] =	vst v63  }
0x4a: {  	_ =	swait.ge @!p0 [sflag:s11], $0x2000  }
0x4b: {  	[sflag:s11] =	ssyncset.done @!p0 $0x0  }
0x4c: {  	s12 =	simm.s32 @!p0 $0x200;
	[sflag:s11] =	ssyncadd.s32 @!p0 $0xFFFFE000;
	s11 =	simm.s32 @!p0 $0x0  }
0x4d: {  	[tilespmem:s12], [sflag:$0x7] =	stream.linear.gather @!p0 [hbm4b:s10+s11], $0x100, $0x38;
	[tilespmem:$0x1EB00] =	vst v63  }
0x4e: {  	s11 =	simm.s32 @!p0 $0x7  }
0x4f: {  	_ =	swait.ge @!p0 [sflag:s11], $0x100  }
0x50: {  	[sflag:s11] =	ssyncset.done @!p0 $0x0  }
0x51: {  	s8 =	simm.s32 @!p0 $0x4300;
	[sflag:s11] =	ssyncadd.s32 @!p0 $0xFFFFFF00;
	s11 =	simm.s32 @!p0 $0x80  }
0x52: {  	[tilespmem:s8], [sflag:$0x3] =	stream.indirect.gather @!p0 [hbm4b:s5+s11], $0x40, s12, s11, $0xb8;
	[tilespmem:$0x1EB00] =	vst v63  }
0x53: {  	p0 =	seq.s32 s1, $0xCE  }
.Ltmp2:
0x54: {  	_ = 	snop;
	(pc) =	sbr.rel @p0 .LBB2_4-.Ltmp2, $4  }
0x55: {  	_ =	swait.ge [sflag:s24], $0x2000  }
0x56: {  	[sflag:s24] =	ssyncset.done $0x0  }
0x57: {  	[sflag:s24] =	ssyncadd.s32 $0xFFFFE000  }
0x58: {  	[spmem:s3] =	stream.indirect.scatter.add.f32 [tilespmem:s20], [sflag:$0x5], $0x40, s25, s17, $0xb8;
	[tilespmem:$0x1EB00] =	vst v63  }
0x59: {  	_ =	swait.ge [sflag:s29], $0x2000  }
0x5a: {  	s8 =	sshrl.u32 s14, $0x3;
	[sflag:s29] =	ssyncset.done $0x0  }
0x5b: {  	s8 =	sadd.s32 s2, s8;
	[sflag:s29] =	ssyncadd.s32 $0xFFFFE000  }
0x5c: {  	[tilespmem:s4], [sflag:$0x7] =	stream.linear.gather [hbm4b:s8+s4], $0x100, $0x38;
	[tilespmem:$0x1EB00] =	vst v63  }
0x5d: {  	_ =	swait.ge [sflag:s16], $0x100  }
0x5e: {  	[sflag:s16] =	ssyncset.done $0x0  }
0x5f: {  	[sflag:s16] =	ssyncadd.s32 $0xFFFFFF00  }
0x60: {  	[tilespmem:s18], [sflag:$0x1] =	stream.indirect.gather [hbm4b:s5+s17], $0x40, s4, s17, $0xb8;
	[tilespmem:$0x1EB00] =	vst v63  }
0x61: {  	_ =	swait.ge [sflag:s26], $0x2000  }
0x62: {  	[sflag:s26] =	ssyncset.done $0x0  }
0x63: {  	[sflag:s26] =	ssyncadd.s32 $0xFFFFE000  }
0x64: {  	[spmem:s3] =	stream.indirect.scatter.add.f32 [tilespmem:s22], [sflag:$0x6], $0x40, s28, s17, $0xb8;
	[tilespmem:$0x1EB00] =	vst v63  }
0x65: {  	_ =	swait.ge [sflag:s30], $0x2000  }
0x66: {  	[sflag:s30] =	ssyncset.done $0x0  }
0x67: {  	[sflag:s30] =	ssyncadd.s32 $0xFFFFE000  }
0x68: {  	[tilespmem:s19], [sflag:$0x7] =	stream.linear.gather [hbm4b:s13+s4], $0x100, $0x38;
	[tilespmem:$0x1EB00] =	vst v63  }
.Ltmp3:
0x69: {  	_ = 	snop;
	(pc) =	sbr.rel .LBB2_2-.Ltmp3, $4  }
0x6a: {  	_ =	swait.ge [sflag:s16], $0x100  }
0x6b: {  	s14 =	sadd.s32 $0x300, s14;
	s1 =	sadd.s32 $0x3, s1;
	[sflag:s16] =	ssyncset.done $0x0  }
0x6c: {  	s10 =	sadd.s32 $0x60, s10;
	s13 =	sadd.s32 $0x60, s13;
	[sflag:s16] =	ssyncadd.s32 $0xFFFFFF00  }
0x6d: {  	[tilespmem:s20], [sflag:$0x2] =	stream.indirect.gather [hbm4b:s5+s17], $0x40, s19, s17, $0xb8;
	[tilespmem:$0x1EB00] =	vst v63  }
.LBB2_5:
0x6e: {  	_ =	sfence.sel $0x180000  }
0x6f: {  	[bflag:$0x0] =	sbarrier.arrive $0xFFFF  }
0x70: {  	_ =	strace $0x9000004D  }
0x71: {  	s0 =	stileid.u32;
	[bflag:$0x2] =	sbarrier.arrive $0xFFFF  }
0x72: {  	p0 =	sne.s32 s0, $0x0;
	s0 =	rddreg [dreg:$0x3]  }
0x73: {  	s0 =	sadd.s32 @!p0 $0x100000, s0  }
0x74: {  	[sflag:s0] =	ssyncadd.tile.s32 @!p0 $0x1;
	_ =	shalt  }
.Lfunc_end2:
_tile_overlayer_lowered:
.L_overlay_start_2:
0x75: {  	(tag) =	ssettag $0x2  }
0x76: {  	s0 =	rddreg [dreg:$0x0];
	s2 =	stileid.u32  }
0x77: {  	s1 =	rddreg [dreg:$0x1];
	p0 =	sne.s32 s2, $0x0  }
0x78: {  	s3 =	rddreg [dreg:$0x2];
	[bflag:$0x3] =	sbarrier.arrive $0xFFFF;
	s2 =	simm.s32 @!p0 $0x1C07  }
0x79: {  	[timem:s3], [sflag:s2] =	dma.local @!p0 [hbm:s0], s1  }
0x7a: {  	s0 =	simm.s32 @!p0 $0x7  }
0x7b: {  	_ =	swait.ge @!p0 [sflag:s0], s1  }
0x7c: {  	s1 =	ssub.s32 @!p0 $0x0, s1;
	[sflag:s0] =	ssyncset.done @!p0 $0x0  }
0x7d: {  	[sflag:s0] =	ssyncadd.s32 @!p0 s1  }
0x7e: {  	[bflag:$0x3] =	sbarrier.arrive $0xFFFF  }
0x7f: {  	_ =	shalt  }

// kernel: kernel.21.cloned.1.call-start
scs
__scs_entry_jumppad:
0x0: {  	(pc) =	sbr.rel $0x88, $3  }
0x1: {  	(tag) =	ssettag $0x0;
	lr =	simm.s32 $0x1  }
0x2: {  	[smem:$0x3F9F] =	sst lr;
	_ =	strace $0xD0000000  }
0x3: {  	_ = 	snop  }
0x4: {  	_ = 	snop  }
0x5: {  	_ = 	snop  }
0x6: {  	_ = 	snop  }
0x7: {  	_ = 	snop  }
__scs_overlays_trampoline_lowered:
0x8: {  	[smem:$0x3FAE] =	sst s0  }
0x9: {  	[smem:$0x3FAF] =	sst s1  }
0xa: {  	[smem:$0x3FB0] =	sst s2  }
0xb: {  	[smem:$0x3FB1] =	sst s3  }
0xc: {  	[smem:$0x3FB2] =	sst s4  }
0xd: {  	[smem:$0x3FB3] =	sst s5  }
0xe: {  	[smem:$0x3FB4] =	sst s6  }
0xf: {  	[smem:$0x3FB5] =	sst s7  }
0x10: {  	[smem:$0x3FB6] =	sst s8  }
0x11: {  	[smem:$0x3FB7] =	sst s9;
	s0 =	simm.s32 @!p0 $0x0  }
0x12: {  	s1 =	sld [smem:$0x3F9D];
	s0 =	simm.s32 @p0 $0x1  }
0x13: {  	[smem:$0x3FB8] =	sst s0;
	s0 =	simm.s32 @!p1 $0x0  }
0x14: {  	s2 =	sld [smem:$0x3F9C];
	s0 =	simm.s32 @p1 $0x1  }
0x15: {  	[smem:$0x3FB9] =	sst s0;
	s0 =	simm.s32 @!p2 $0x0  }
0x16: {  	s3 =	sld [smem:$0x3FDB];
	s0 =	simm.s32 @p2 $0x1  }
0x17: {  	s4 =	simm.s32 $0x1BF5;
	[smem:$0x3FBB] =	sst s0  }
0x18: {  	s0 =	sld [smem:$0x3F9E];
	_ =	swait.ge [sflag:s4], $0x0  }
0x19: {  	s7 =	sld [smem:$0x3F9F]  }
0x1a: {  	s8 =	sadd.s32 $0xFFFFE003, lr  }
0x1b: {  	s9 =	sadd.s32 $0xFFFFFEF7, lr;
	s5 =	simm.s32 $0xFFFFFFFF;
	p2 =	slt.u32 s8, $0xFFFFF086  }
0x1c: {  	p1 =	slt.u32 s9, $0xF7A;
	s5 =	simm.s32 @!p2 $0x0  }
0x1d: {  	s5 =	simm.s32 @p1 $0x1;
	p0 =	seq.s32 s7, s2  }
0x1e: {  	s7 =	smul.u32 @!p0 $0xF7A, s2;
	p2 =	seq.s32 @!p0 s5, $0x0  }
0x1f: {  	s9 =	smul.u32 $0xF7A, s1;
	s8 =	simm.s32 @!p0 $0x1BF5;
	p2 =	por !p2, p0  }
0x20: {  	[sflag:s8] =	ssyncset.s32 @!p0 $0xFFFFF086;
	s6 =	sadd.s32 @!p0 s3, s7;
	s7 =	simm.s32 @!p0 $0x108  }
0x21: {  	s3 =	sadd.s32 s3, s9;
	s6 =	sadd.s32 @!p0 $0x88, s6;
	s7 =	simm.s32 @p2 $0x1082  }
0x22: {  	[simem:s7], [sflag:s8] =	dma.local @!p0 [hbm:s6], $0xF7A  }
0x23: {  	s9 =	sor.u32 $0xD0000000, s2;
	s6 =	simm.s32 $0x108;
	_ =	swait.ge @!p0 [sflag:s8], $0x0  }
0x24: {  	s3 =	sadd.s32 $0x88, s3;
	s6 =	simm.s32 @!p1 $0x1082;
	[sflag:s4] =	ssyncset.s32 $0xFFFFF086  }
0x25: {  	[simem:s6], [sflag:s4] =	dma.local [hbm:s3], $0xF7A  }
0x26: {  	[smem:$0x3F9F] =	sst s1;
	(tag) =	ssettag s2;
	_ =	strace s9  }
0x27: {  	s1 =	sld [smem:$0x3FAF]  }
0x28: {  	s2 =	sld [smem:$0x3FB0]  }
0x29: {  	s4 =	sld [smem:$0x3FB2]  }
0x2a: {  	p0 =	seq.s32 s5, $0x0;
	s5 =	sld [smem:$0x3FB3]  }
0x2b: {  	s6 =	sld [smem:$0x3FB4]  }
0x2c: {  	s7 =	sld [smem:$0x3FB5]  }
0x2d: {  	s3 =	simm.s32 $0x108;
	s8 =	sld [smem:$0x3FB6]  }
0x2e: {  	s3 =	simm.s32 @!p0 $0x1082;
	s9 =	sld [smem:$0x3FB7]  }
0x2f: {  	lr =	sadd.s32 s0, s3;
	s0 =	sld [smem:$0x3FAE]  }
0x30: {  	s3 =	sld [smem:$0x3FB1]  }
0x31: {  	[smem:$0x3FBA] =	sst s10  }
0x32: {  	s10 =	sld [smem:$0x3FB8];
	_ =	sdelay $0x3  }
0x33: {  	p0 =	seq.s32 s10, $0x1;
	s10 =	sld [smem:$0x3FBA];
	_ =	sdelay $0x3  }
0x34: {  	[smem:$0x3FBA] =	sst s10  }
0x35: {  	s10 =	sld [smem:$0x3FB9];
	_ =	sdelay $0x3  }
0x36: {  	p1 =	seq.s32 s10, $0x1;
	s10 =	sld [smem:$0x3FBA];
	_ =	sdelay $0x3  }
0x37: {  	[smem:$0x3FBA] =	sst s10  }
0x38: {  	s10 =	sld [smem:$0x3FBB]  }
0x39: {  	_ = 	snop;
	(pc) =	sbr.ind lr, $3  }
0x3a: {  	_ = 	snop  }
0x3b: {  	_ = 	snop  }
0x3c: {  	p2 =	seq.s32 s10, $0x1;
	s10 =	sld [smem:$0x3FBA]  }
0x3d: {  	_ =	shalt  }
0x3e: {  	_ =	shalt  }
0x3f: {  	_ =	shalt  }
0x40: {  	_ =	shalt  }
0x41: {  	_ =	shalt  }
0x42: {  	_ =	shalt  }
0x43: {  	_ =	shalt  }
0x44: {  	_ =	shalt  }
0x45: {  	_ =	shalt  }
0x46: {  	_ =	shalt  }
0x47: {  	_ =	shalt  }
0x48: {  	_ =	shalt  }
0x49: {  	_ =	shalt  }
0x4a: {  	_ =	shalt  }
0x4b: {  	_ =	shalt  }
0x4c: {  	_ =	shalt  }
0x4d: {  	_ =	shalt  }
0x4e: {  	_ =	shalt  }
0x4f: {  	_ =	shalt  }
0x50: {  	_ =	shalt  }
0x51: {  	_ =	shalt  }
0x52: {  	_ =	shalt  }
0x53: {  	_ =	shalt  }
0x54: {  	_ =	shalt  }
0x55: {  	_ =	shalt  }
0x56: {  	_ =	shalt  }
0x57: {  	_ =	shalt  }
0x58: {  	_ =	shalt  }
0x59: {  	_ =	shalt  }
0x5a: {  	_ =	shalt  }
0x5b: {  	_ =	shalt  }
0x5c: {  	_ =	shalt  }
0x5d: {  	_ =	shalt  }
0x5e: {  	_ =	shalt  }
0x5f: {  	_ =	shalt  }
0x60: {  	_ =	shalt  }
0x61: {  	_ =	shalt  }
0x62: {  	_ =	shalt  }
0x63: {  	_ =	shalt  }
0x64: {  	_ =	shalt  }
0x65: {  	_ =	shalt  }
0x66: {  	_ =	shalt  }
0x67: {  	_ =	shalt  }
0x68: {  	_ =	shalt  }
0x69: {  	_ =	shalt  }
0x6a: {  	_ =	shalt  }
0x6b: {  	_ =	shalt  }
0x6c: {  	_ =	shalt  }
0x6d: {  	_ =	shalt  }
0x6e: {  	_ =	shalt  }
0x6f: {  	_ =	shalt  }
0x70: {  	_ =	shalt  }
0x71: {  	_ =	shalt  }
0x72: {  	_ =	shalt  }
0x73: {  	_ =	shalt  }
0x74: {  	_ =	shalt  }
0x75: {  	_ =	shalt  }
0x76: {  	_ =	shalt  }
0x77: {  	_ =	shalt  }
0x78: {  	_ =	shalt  }
0x79: {  	_ =	shalt  }
0x7a: {  	_ =	shalt  }
0x7b: {  	_ =	shalt  }
0x7c: {  	_ =	shalt  }
0x7d: {  	_ =	shalt  }
0x7e: {  	_ =	shalt  }
0x7f: {  	_ =	shalt  }
0x80: {  	_ =	shalt  }
0x81: {  	_ =	shalt  }
0x82: {  	_ =	shalt  }
0x83: {  	_ =	shalt  }
0x84: {  	_ =	shalt  }
0x85: {  	_ =	shalt  }
0x86: {  	_ =	shalt  }
0x87: {  	_ =	shalt  }
.Lfunc_end0:
.L_simem_size_0:
called_computation.3_lowered:
.L_overlay_start_0:
0x88: {  	s2 =	sld [smem:$0x3FD9]  }
0x89: {  	s3 =	sld [smem:$0x3FFE];
	_ =	sdelay $0x1  }
0x8a: {  	s1 =	srdreg.scid  }
0x8b: {  	s0 =	sand.u32 $0x1, s1  }
0x8c: {  	s17 =	sshll.u32 s0, $0xA;
	s2 =	sadd.s32 s3, s2  }
0x8d: {  	s2 =	sadd.s32 s2, s17  }
0x8e: {  	[smem:$0x3FC6] =	sst s2  }
0x8f: {  	_ = 	snop  }
0x90: {  	s2 =	sld [smem:$0x3FD0];
	(tm) =	ssettm $0x1  }
0x91: {  	s18 =	sld [smem:$0x3FFB];
	_ =	sdelay $0x3  }
0x92: {  	_ =	strace s18  }
0x93: {  	s3 =	sld [smem:$0x3FFC];
	_ =	sdelay $0x3  }
0x94: {  	_ =	strace s3  }
0x95: {  	s3 =	sld [smem:$0x3FFD];
	_ =	sdelay $0x3  }
0x96: {  	_ =	strace s3  }
0x97: {  	_ =	strace $0x8FFFFFFF  }
0x98: {  	s19 =	sld [smem:$0x3FDB];
	_ =	sdelay $0x1  }
0x99: {  	s4 =	simm.s32 $_scs_section_size  }
0x9a: {  	s5 =	simm.s32 $_size__tile_overlayer_lowered;
	s6 =	simm.s32 $_tile_overlayer_lowered  }
0x9b: {  	s22 =	simm.s32 $0x1BFF;
	s21 =	sshll.u32 s6, $0x1;
	s3 =	sadd.s32 s4, s19  }
0x9c: {  	s7 =	simm.s32 $0x0;
	s20 =	sshll.u32 s5, $0x1;
	s5 =	sadd.s32 s21, s3  }
0x9d: {  	[timem:s7], [sflag:s22] =	dma.local [hbm:s5], s20  }
0x9e: {  	_ =	swait.ge [sflag:s22], s20  }
0x9f: {  	s4 =	ssub.s32 $0x0, s20;
	[sflag:s22] =	ssyncset.done $0x0  }
0xa0: {  	[sflag:s22] =	ssyncadd.s32 s4;
	_ =	sdelay $0x1  }
0xa1: {  	s23 =	simm.s32 $0x1B8B  }
0xa2: {  	_ =	swait.ge [sflag:s23], $0x1  }
0xa3: {  	[sflag:s23] =	ssyncset.done $0x0  }
0xa4: {  	s25 =	simm.s32 $0x1B8E;
	s24 =	sld [smem:$0x3FFE];
	[sflag:s23] =	ssyncadd.s32 $0xFFFFFFFF  }
0xa5: {  	s26 =	simm.s32 $execute0_lowered;
	[smem:$0x3FD2] =	sst s25  }
0xa6: {  	s5 =	sshll.u32 s26, $0x1;
	_ =	strace $0x8000004F;
	[dreg:$0x1] =	wrdreg $0xFFFFFFFF  }
0xa7: {  	s28 =	simm.s32 $_size_execute0_lowered;
	s3 =	sadd.s32 s3, s5;
	[dreg:$0x0] =	wrdreg $0x0  }
0xa8: {  	s5 =	sshll.u32 s28, $0x1;
	[dreg:$0x2] =	wrdreg s3  }
0xa9: {  	[dreg:$0x3] =	wrdreg s5  }
0xaa: {  	[dreg:$0x4] =	wrdreg $0xC0  }
0xab: {  	_ =	task [dreg:s7], $0x5FFFF  }
0xac: {  	[dreg:$0x1] =	wrdreg $0xFFFFFFFF  }
0xad: {  	[dreg:$0x0] =	wrdreg $0x60  }
0xae: {  	[dreg:$0x2] =	wrdreg s24  }
0xaf: {  	[dreg:$0x3] =	wrdreg s2  }
0xb0: {  	[dreg:$0x4] =	wrdreg $0x63000  }
0xb1: {  	[dreg:$0x5] =	wrdreg $0x9  }
0xb2: {  	_ =	task.clear_ibuf [dreg:s7], $0x6FFFF;
	_ =	strace $0x9000004F  }
0xb3: {  	s29 =	simm.s32 $0x9;
	_ =	strace $0x80000051  }
0xb4: {  	_ =	swait.ge [sflag:s29], $0x1  }
0xb5: {  	[sflag:s29] =	ssyncadd.s32 $0xFFFFFFFF  }
0xb6: {  	_ =	strace $0x90000051  }
0xb7: {  	_ =	sfence  }
0xb8: {  	s30 =	sld [smem:$0x0];
	_ =	sdelay $0x2  }
0xb9: {  	s31 =	sshll.u32 s1, $0xD;
	s1 =	sshrl.u32 s1, $0x2  }
0xba: {  	s3 =	sand.u32 $0x4000, s31;
	s1 =	sadd.s32 s1, s30  }
0xbb: {  	s0 =	sor.u32 s3, s0;
	s1 =	sshll.u32 s1, $0x11  }
0xbc: {  	s0 =	sor.u32 s1, s0  }
0xbd: {  	s0 =	sadd.s32 $0x8F2B, s0  }
0xbe: {  	[sflag:s0] =	ssyncadd.remote.s32 $0x1  }
0xbf: {  	_ =	sfence.sel $0xFFFF  }
0xc0: {  	[dreg:$0x0] =	wrdreg $0xFFFFFFFF;
	(pc) =	sbr.abs _section_cstart, $3  }
0xc1: {  	[dreg:$0x1] =	wrdreg $0xFFFFFFFF  }
0xc2: {  	_ =	task.clear_ibuf [dreg:s7], $0x2FFFF;
	_ =	strace $0x9FFFFFFF  }
0xc3: {  	(tm) =	ssettm $0x7FFFFFFF  }
tec
execute0_lowered:
.L_overlay_start_1:
0x0: {  	(tag) =	ssettag $0x1  }
0x1: {  	s0 =	rddreg [dreg:$0x0]  }
0x2: {  	s2 =	rddreg [dreg:$0x1]  }
0x3: {  	s3 =	rddreg [dreg:$0x2];
	s1 =	srdreg.scid  }
0x4: {  	s11 =	stileid.u32;
	s4 =	simm.s32 $0x0;
	s16 =	simm.s32 $0x7  }
0x5: {  	s17 =	simm.s32 $0x80;
	s18 =	simm.s32 $0x300;
	s28 =	simm.s32 $0x280  }
0x6: {  	s29 =	simm.s32 $0x4;
	s30 =	simm.s32 $0x5;
	s31 =	simm.s32 $0x6  }
0x7: {  	s1 =	sand.u32 $0x1, s1;
	s6 =	smul.u32 $0x18800, s11;
	[smem:$0x7FF] =	sst s4  }
0x8: {  	s5 =	sadd.s32 $0xE0800, s0;
	s10 =	smul.u32 $0xD200, s11;
	s12 =	sadd.s32 $0x3000, s0  }
0x9: {  	s19 =	sshll.u32 s11, $0x6;
	s7 =	smul.u32 $0x188000, s1;
	_ =	strace $0x80000050  }
0xa: {  	s8 =	ssub.s32 $0x2, s1;
	s1 =	smul.u32 $0xD2000, s1;
	[dreg:$0x4] =	wrdreg s12  }
0xb: {  	s9 =	sshrl.u32 s8, $0x1;
	s13 =	sadd.s32 s6, s3;
	s7 =	sadd.s32 s6, s7  }
0xc: {  	s8 =	ssub.s32 s8, s9;
	s1 =	sadd.s32 s10, s1;
	s15 =	sshrl.u32 s13, $0x3  }
0xd: {  	s7 =	sshrl.u32 s7, $0x3;
	s20 =	sshrl.u32 s1, $0x3;
	s21 =	sadd.s32 $0x200, s1  }
0xe: {  	s24 =	sadd.s32 $0x400, s1;
	s25 =	smax.u32 s8, $0x1;
	s0 =	sadd.s32 s7, s0  }
0xf: {  	s7 =	sor.u32 $0x1C07, s19;
	s22 =	sadd.s32 s2, s20;
	s23 =	sshrl.u32 s21, $0x3  }
0x10: {  	s9 =	sshrl.u32 s24, $0x3;
	[dreg:$0x8] =	wrdreg s25;
	s19 =	simm.s32 $0x100  }
0x11: {  	s20 =	simm.s32 $0x2300;
	s21 =	simm.s32 $0x200;
	s24 =	simm.s32 $0x2  }
.Ltmp0:
0x12: {  	s25 =	simm.s32 $0x180;
	[dreg:$0x5] =	wrdreg s22;
	(pc) =	sbr.rel .LBB2_1-.Ltmp0, $4  }
0x13: {  	s10 =	sadd.s32 $0x20, s22;
	s6 =	sadd.s32 s2, s23;
	s0 =	sadd.s32 $0x1A4800, s0  }
0x14: {  	s26 =	sadd.s32 s9, s2;
	s9 =	sadd.s32 $0x300, s1;
	[dreg:$0x6] =	wrdreg s10  }
0x15: {  	s22 =	simm.s32 $0x4300;
	s23 =	simm.s32 $0x1;
	[dreg:$0x7] =	wrdreg s0  }
0x16: {  	[dreg:$0x9] =	wrdreg s26;
	s26 =	simm.s32 $0x3;
	s0 =	simm.s32 $0x0  }
.LBB2_4:
0x17: {  	_ =	swait.ge [sflag:s26], $0x2000  }
0x18: {  	[sflag:s26] =	ssyncset.done $0x0  }
0x19: {  	[sflag:s26] =	ssyncadd.s32 $0xFFFFE000  }
0x1a: {  	[spmem:s3] =	stream.indirect.scatter.add.f32 [tilespmem:s22], [sflag:$0x6], $0x40, s28, s17, $0xb8;
	[tilespmem:$0x1EB00] =	vst v63  }
0x1b: {  	_ =	swait.ge [sflag:s29], $0x2000  }
0x1c: {  	[sflag:s29] =	ssyncset.done $0x0  }
0x1d: {  	[sflag:s29] =	ssyncadd.s32 $0xFFFFE000  }
0x1e: {  	_ =	swait.ge [sflag:s30], $0x2000  }
0x1f: {  	[sflag:s30] =	ssyncset.done $0x0  }
0x20: {  	[sflag:s30] =	ssyncadd.s32 $0xFFFFE000  }
0x21: {  	_ =	swait.ge [sflag:s31], $0x2000  }
0x22: {  	[sflag:s31] =	ssyncset.done $0x0  }
0x23: {  	[sflag:s31] =	ssyncadd.s32 $0xFFFFE000  }
0x24: {  	[bflag:$0x0] =	sbarrier.arrive $0xFFFF  }
0x25: {  	s1 =	rddreg [dreg:$0x7]  }
0x26: {  	[hbm:s1], [sflag:s7] =	dma.local [spmem:s15], $0x3100  }
0x27: {  	_ =	swait.ge [sflag:s16], $0x3100  }
0x28: {  	s0 =	sadd.s32 $0x1, s0;
	s14 =	rddreg [dreg:$0x8]  }
0x29: {  	p0 =	sne.s32 s0, s14  }
.Ltmp1:
0x2a: {  	_ = 	snop;
	(pc) =	sbr.rel @!p0 .LBB2_5-.Ltmp1, $3  }
0x2b: {  	_ =	sdelay $0x1  }
0x2c: {  	[sflag:s16] =	ssyncset.done $0x0  }
0x2d: {  	[sflag:s16] =	ssyncadd.s32 $0xFFFFCF00  }
.LBB2_1:
0x2e: {  	s1 =	rddreg [dreg:$0x4]  }
0x2f: {  	[spmem:s15], [sflag:s7] =	dma.local [hbm:s1], $0x3100  }
0x30: {  	_ =	swait.ge [sflag:s16], $0x3100  }
0x31: {  	[sflag:s16] =	ssyncset.done $0x0  }
0x32: {  	[sflag:s16] =	ssyncadd.s32 $0xFFFFCF00  }
0x33: {  	[bflag:$0x0] =	sbarrier.arrive $0xFFFF  }
0x34: {  	s13 =	rddreg [dreg:$0x5]  }
0x35: {  	[tilespmem:s4], [sflag:$0x7] =	stream.linear.gather [hbm4b:s13+s4], $0x100, $0x38;
	[tilespmem:$0x1EB00] =	vst v63  }
0x36: {  	_ =	swait.ge [sflag:s16], $0x100  }
0x37: {  	[sflag:s16] =	ssyncset.done $0x0  }
0x38: {  	[sflag:s16] =	ssyncadd.s32 $0xFFFFFF00  }
0x39: {  	[tilespmem:s18], [sflag:$0x1] =	stream.indirect.gather [hbm4b:s5+s17], $0x40, s4, s17, $0xb8;
	[tilespmem:$0x1EB00] =	vst v63  }
0x3a: {  	s14 =	rddreg [dreg:$0x6]  }
0x3b: {  	[tilespmem:s19], [sflag:$0x7] =	stream.linear.gather [hbm4b:s14+s4], $0x100, $0x38;
	[tilespmem:$0x1EB00] =	vst v63  }
0x3c: {  	_ =	swait.ge [sflag:s16], $0x100  }
0x3d: {  	[sflag:s16] =	ssyncset.done $0x0  }
0x3e: {  	[sflag:s16] =	ssyncadd.s32 $0xFFFFFF00  }
0x3f: {  	[tilespmem:s20], [sflag:$0x2] =	stream.indirect.gather [hbm4b:s5+s17], $0x40, s19, s17, $0xb8;
	[tilespmem:$0x1EB00] =	vst v63  }
0x40: {  	_ = 	snop  }
0x41: {  	[tilespmem:s21], [sflag:$0x7] =	stream.linear.gather [hbm4b:s6+s4], $0x100, $0x38;
	[tilespmem:$0x1EB00] =	vst v63  }
0x42: {  	_ =	swait.ge [sflag:s16], $0x100  }
0x43: {  	s10 =	smov.u32 s6;
	s1 =	simm.s32 $0xFFFFFFFF;
	[sflag:s16] =	ssyncset.done $0x0  }
0x44: {  	s14 =	smov.u32 s9;
	s13 =	rddreg [dreg:$0x9];
	[sflag:s16] =	ssyncadd.s32 $0xFFFFFF00  }
0x45: {  	[tilespmem:s22], [sflag:$0x3] =	stream.indirect.gather [hbm4b:s5+s17], $0x40, s21, s17, $0xb8;
	[tilespmem:$0x1EB00] =	vst v63  }
.LBB2_2:
0x46: {  	_ =	swait.ge [sflag:s23], $0x2000  }
0x47: {  	p0 =	sgt.u32 s1, $0xCE;
	[sflag:s23] =	ssyncset.done $0x0  }
0x48: {  	s11 =	simm.s32 @!p0 $0x6;
	[sflag:s23] =	ssyncadd.s32 $0xFFFFE000  }
0x49: {  	[spmem:s3] =	stream.indirect.scatter.add.f32 [tilespmem:s18], [sflag:$0x4], $0x40, s17, s17, $0xb8;
	[tilespmem:$0x1EB00] =	vst v63  }
0x4a: {  	_ =	swait.ge @!p0 [sflag:s11], $0x2000  }
0x4b: {  	[sflag:s11] =	ssyncset.done @!p0 $0x0  }
0x4c: {  	s12 =	simm.s32 @!p0 $0x200;
	[sflag:s11] =	ssyncadd.s32 @!p0 $0xFFFFE000;
	s11 =	simm.s32 @!p0 $0x0  }
0x4d: {  	[tilespmem:s12], [sflag:$0x7] =	stream.linear.gather @!p0 [hbm4b:s10+s11], $0x100, $0x38;
	[tilespmem:$0x1EB00] =	vst v63  }
0x4e: {  	s11 =	simm.s32 @!p0 $0x7  }
0x4f: {  	_ =	swait.ge @!p0 [sflag:s11], $0x100  }
0x50: {  	[sflag:s11] =	ssyncset.done @!p0 $0x0  }
0x51: {  	s8 =	simm.s32 @!p0 $0x4300;
	[sflag:s11] =	ssyncadd.s32 @!p0 $0xFFFFFF00;
	s11 =	simm.s32 @!p0 $0x80  }
0x52: {  	[tilespmem:s8], [sflag:$0x3] =	stream.indirect.gather @!p0 [hbm4b:s5+s11], $0x40, s12, s11, $0xb8;
	[tilespmem:$0x1EB00] =	vst v63  }
0x53: {  	p0 =	seq.s32 s1, $0xCE  }
.Ltmp2:
0x54: {  	_ = 	snop;
	(pc) =	sbr.rel @p0 .LBB2_4-.Ltmp2, $4  }
0x55: {  	_ =	swait.ge [sflag:s24], $0x2000  }
0x56: {  	[sflag:s24] =	ssyncset.done $0x0  }
0x57: {  	[sflag:s24] =	ssyncadd.s32 $0xFFFFE000  }
0x58: {  	[spmem:s3] =	stream.indirect.scatter.add.f32 [tilespmem:s20], [sflag:$0x5], $0x40, s25, s17, $0xb8;
	[tilespmem:$0x1EB00] =	vst v63  }
0x59: {  	_ =	swait.ge [sflag:s29], $0x2000  }
0x5a: {  	s8 =	sshrl.u32 s14, $0x3;
	[sflag:s29] =	ssyncset.done $0x0  }
0x5b: {  	s8 =	sadd.s32 s2, s8;
	[sflag:s29] =	ssyncadd.s32 $0xFFFFE000  }
0x5c: {  	[tilespmem:s4], [sflag:$0x7] =	stream.linear.gather [hbm4b:s8+s4], $0x100, $0x38;
	[tilespmem:$0x1EB00] =	vst v63  }
0x5d: {  	_ =	swait.ge [sflag:s16], $0x100  }
0x5e: {  	[sflag:s16] =	ssyncset.done $0x0  }
0x5f: {  	[sflag:s16] =	ssyncadd.s32 $0xFFFFFF00  }
0x60: {  	[tilespmem:s18], [sflag:$0x1] =	stream.indirect.gather [hbm4b:s5+s17], $0x40, s4, s17, $0xb8;
	[tilespmem:$0x1EB00] =	vst v63  }
0x61: {  	_ =	swait.ge [sflag:s26], $0x2000  }
0x62: {  	[sflag:s26] =	ssyncset.done $0x0  }
0x63: {  	[sflag:s26] =	ssyncadd.s32 $0xFFFFE000  }
0x64: {  	[spmem:s3] =	stream.indirect.scatter.add.f32 [tilespmem:s22], [sflag:$0x6], $0x40, s28, s17, $0xb8;
	[tilespmem:$0x1EB00] =	vst v63  }
0x65: {  	_ =	swait.ge [sflag:s30], $0x2000  }
0x66: {  	[sflag:s30] =	ssyncset.done $0x0  }
0x67: {  	[sflag:s30] =	ssyncadd.s32 $0xFFFFE000  }
0x68: {  	[tilespmem:s19], [sflag:$0x7] =	stream.linear.gather [hbm4b:s13+s4], $0x100, $0x38;
	[tilespmem:$0x1EB00] =	vst v63  }
.Ltmp3:
0x69: {  	_ = 	snop;
	(pc) =	sbr.rel .LBB2_2-.Ltmp3, $4  }
0x6a: {  	_ =	swait.ge [sflag:s16], $0x100  }
0x6b: {  	s14 =	sadd.s32 $0x300, s14;
	s1 =	sadd.s32 $0x3, s1;
	[sflag:s16] =	ssyncset.done $0x0  }
0x6c: {  	s10 =	sadd.s32 $0x60, s10;
	s13 =	sadd.s32 $0x60, s13;
	[sflag:s16] =	ssyncadd.s32 $0xFFFFFF00  }
0x6d: {  	[tilespmem:s20], [sflag:$0x2] =	stream.indirect.gather [hbm4b:s5+s17], $0x40, s19, s17, $0xb8;
	[tilespmem:$0x1EB00] =	vst v63  }
.LBB2_5:
0x6e: {  	_ =	sfence.sel $0x180000  }
0x6f: {  	[bflag:$0x0] =	sbarrier.arrive $0xFFFF  }
0x70: {  	_ =	strace $0x90000050  }
0x71: {  	s0 =	stileid.u32;
	[bflag:$0x2] =	sbarrier.arrive $0xFFFF  }
0x72: {  	p0 =	sne.s32 s0, $0x0;
	s0 =	rddreg [dreg:$0x3]  }
0x73: {  	s0 =	sadd.s32 @!p0 $0x100000, s0  }
0x74: {  	[sflag:s0] =	ssyncadd.tile.s32 @!p0 $0x1;
	_ =	shalt  }
.Lfunc_end2:
_tile_overlayer_lowered:
.L_overlay_start_2:
0x75: {  	(tag) =	ssettag $0x2  }
0x76: {  	s0 =	rddreg [dreg:$0x0];
	s2 =	stileid.u32  }
0x77: {  	s1 =	rddreg [dreg:$0x1];
	p0 =	sne.s32 s2, $0x0  }
0x78: {  	s3 =	rddreg [dreg:$0x2];
	[bflag:$0x3] =	sbarrier.arrive $0xFFFF;
	s2 =	simm.s32 @!p0 $0x1C07  }
0x79: {  	[timem:s3], [sflag:s2] =	dma.local @!p0 [hbm:s0], s1  }
0x7a: {  	s0 =	simm.s32 @!p0 $0x7  }
0x7b: {  	_ =	swait.ge @!p0 [sflag:s0], s1  }
0x7c: {  	s1 =	ssub.s32 @!p0 $0x0, s1;
	[sflag:s0] =	ssyncset.done @!p0 $0x0  }
0x7d: {  	[sflag:s0] =	ssyncadd.s32 @!p0 s1  }
0x7e: {  	[bflag:$0x3] =	sbarrier.arrive $0xFFFF  }
0x7f: {  	_ =	shalt  }

// kernel: kernel.24.cloned.1.call-start
scs
__scs_entry_jumppad:
0x0: {  	(pc) =	sbr.rel $0x88, $3  }
0x1: {  	(tag) =	ssettag $0x0;
	lr =	simm.s32 $0x1  }
0x2: {  	[smem:$0x3F9F] =	sst lr;
	_ =	strace $0xD0000000  }
0x3: {  	_ = 	snop  }
0x4: {  	_ = 	snop  }
0x5: {  	_ = 	snop  }
0x6: {  	_ = 	snop  }
0x7: {  	_ = 	snop  }
__scs_overlays_trampoline_lowered:
0x8: {  	[smem:$0x3FAE] =	sst s0  }
0x9: {  	[smem:$0x3FAF] =	sst s1  }
0xa: {  	[smem:$0x3FB0] =	sst s2  }
0xb: {  	[smem:$0x3FB1] =	sst s3  }
0xc: {  	[smem:$0x3FB2] =	sst s4  }
0xd: {  	[smem:$0x3FB3] =	sst s5  }
0xe: {  	[smem:$0x3FB4] =	sst s6  }
0xf: {  	[smem:$0x3FB5] =	sst s7  }
0x10: {  	[smem:$0x3FB6] =	sst s8  }
0x11: {  	[smem:$0x3FB7] =	sst s9;
	s0 =	simm.s32 @!p0 $0x0  }
0x12: {  	s1 =	sld [smem:$0x3F9D];
	s0 =	simm.s32 @p0 $0x1  }
0x13: {  	[smem:$0x3FB8] =	sst s0;
	s0 =	simm.s32 @!p1 $0x0  }
0x14: {  	s2 =	sld [smem:$0x3F9C];
	s0 =	simm.s32 @p1 $0x1  }
0x15: {  	[smem:$0x3FB9] =	sst s0;
	s0 =	simm.s32 @!p2 $0x0  }
0x16: {  	s3 =	sld [smem:$0x3FDB];
	s0 =	simm.s32 @p2 $0x1  }
0x17: {  	s4 =	simm.s32 $0x1BF5;
	[smem:$0x3FBB] =	sst s0  }
0x18: {  	s0 =	sld [smem:$0x3F9E];
	_ =	swait.ge [sflag:s4], $0x0  }
0x19: {  	s7 =	sld [smem:$0x3F9F]  }
0x1a: {  	s8 =	sadd.s32 $0xFFFFE003, lr  }
0x1b: {  	s9 =	sadd.s32 $0xFFFFFEF7, lr;
	s5 =	simm.s32 $0xFFFFFFFF;
	p2 =	slt.u32 s8, $0xFFFFF086  }
0x1c: {  	p1 =	slt.u32 s9, $0xF7A;
	s5 =	simm.s32 @!p2 $0x0  }
0x1d: {  	s5 =	simm.s32 @p1 $0x1;
	p0 =	seq.s32 s7, s2  }
0x1e: {  	s7 =	smul.u32 @!p0 $0xF7A, s2;
	p2 =	seq.s32 @!p0 s5, $0x0  }
0x1f: {  	s9 =	smul.u32 $0xF7A, s1;
	s8 =	simm.s32 @!p0 $0x1BF5;
	p2 =	por !p2, p0  }
0x20: {  	[sflag:s8] =	ssyncset.s32 @!p0 $0xFFFFF086;
	s6 =	sadd.s32 @!p0 s3, s7;
	s7 =	simm.s32 @!p0 $0x108  }
0x21: {  	s3 =	sadd.s32 s3, s9;
	s6 =	sadd.s32 @!p0 $0x88, s6;
	s7 =	simm.s32 @p2 $0x1082  }
0x22: {  	[simem:s7], [sflag:s8] =	dma.local @!p0 [hbm:s6], $0xF7A  }
0x23: {  	s9 =	sor.u32 $0xD0000000, s2;
	s6 =	simm.s32 $0x108;
	_ =	swait.ge @!p0 [sflag:s8], $0x0  }
0x24: {  	s3 =	sadd.s32 $0x88, s3;
	s6 =	simm.s32 @!p1 $0x1082;
	[sflag:s4] =	ssyncset.s32 $0xFFFFF086  }
0x25: {  	[simem:s6], [sflag:s4] =	dma.local [hbm:s3], $0xF7A  }
0x26: {  	[smem:$0x3F9F] =	sst s1;
	(tag) =	ssettag s2;
	_ =	strace s9  }
0x27: {  	s1 =	sld [smem:$0x3FAF]  }
0x28: {  	s2 =	sld [smem:$0x3FB0]  }
0x29: {  	s4 =	sld [smem:$0x3FB2]  }
0x2a: {  	p0 =	seq.s32 s5, $0x0;
	s5 =	sld [smem:$0x3FB3]  }
0x2b: {  	s6 =	sld [smem:$0x3FB4]  }
0x2c: {  	s7 =	sld [smem:$0x3FB5]  }
0x2d: {  	s3 =	simm.s32 $0x108;
	s8 =	sld [smem:$0x3FB6]  }
0x2e: {  	s3 =	simm.s32 @!p0 $0x1082;
	s9 =	sld [smem:$0x3FB7]  }
0x2f: {  	lr =	sadd.s32 s0, s3;
	s0 =	sld [smem:$0x3FAE]  }
0x30: {  	s3 =	sld [smem:$0x3FB1]  }
0x31: {  	[smem:$0x3FBA] =	sst s10  }
0x32: {  	s10 =	sld [smem:$0x3FB8];
	_ =	sdelay $0x3  }
0x33: {  	p0 =	seq.s32 s10, $0x1;
	s10 =	sld [smem:$0x3FBA];
	_ =	sdelay $0x3  }
0x34: {  	[smem:$0x3FBA] =	sst s10  }
0x35: {  	s10 =	sld [smem:$0x3FB9];
	_ =	sdelay $0x3  }
0x36: {  	p1 =	seq.s32 s10, $0x1;
	s10 =	sld [smem:$0x3FBA];
	_ =	sdelay $0x3  }
0x37: {  	[smem:$0x3FBA] =	sst s10  }
0x38: {  	s10 =	sld [smem:$0x3FBB]  }
0x39: {  	_ = 	snop;
	(pc) =	sbr.ind lr, $3  }
0x3a: {  	_ = 	snop  }
0x3b: {  	_ = 	snop  }
0x3c: {  	p2 =	seq.s32 s10, $0x1;
	s10 =	sld [smem:$0x3FBA]  }
0x3d: {  	_ =	shalt  }
0x3e: {  	_ =	shalt  }
0x3f: {  	_ =	shalt  }
0x40: {  	_ =	shalt  }
0x41: {  	_ =	shalt  }
0x42: {  	_ =	shalt  }
0x43: {  	_ =	shalt  }
0x44: {  	_ =	shalt  }
0x45: {  	_ =	shalt  }
0x46: {  	_ =	shalt  }
0x47: {  	_ =	shalt  }
0x48: {  	_ =	shalt  }
0x49: {  	_ =	shalt  }
0x4a: {  	_ =	shalt  }
0x4b: {  	_ =	shalt  }
0x4c: {  	_ =	shalt  }
0x4d: {  	_ =	shalt  }
0x4e: {  	_ =	shalt  }
0x4f: {  	_ =	shalt  }
0x50: {  	_ =	shalt  }
0x51: {  	_ =	shalt  }
0x52: {  	_ =	shalt  }
0x53: {  	_ =	shalt  }
0x54: {  	_ =	shalt  }
0x55: {  	_ =	shalt  }
0x56: {  	_ =	shalt  }
0x57: {  	_ =	shalt  }
0x58: {  	_ =	shalt  }
0x59: {  	_ =	shalt  }
0x5a: {  	_ =	shalt  }
0x5b: {  	_ =	shalt  }
0x5c: {  	_ =	shalt  }
0x5d: {  	_ =	shalt  }
0x5e: {  	_ =	shalt  }
0x5f: {  	_ =	shalt  }
0x60: {  	_ =	shalt  }
0x61: {  	_ =	shalt  }
0x62: {  	_ =	shalt  }
0x63: {  	_ =	shalt  }
0x64: {  	_ =	shalt  }
0x65: {  	_ =	shalt  }
0x66: {  	_ =	shalt  }
0x67: {  	_ =	shalt  }
0x68: {  	_ =	shalt  }
0x69: {  	_ =	shalt  }
0x6a: {  	_ =	shalt  }
0x6b: {  	_ =	shalt  }
0x6c: {  	_ =	shalt  }
0x6d: {  	_ =	shalt  }
0x6e: {  	_ =	shalt  }
0x6f: {  	_ =	shalt  }
0x70: {  	_ =	shalt  }
0x71: {  	_ =	shalt  }
0x72: {  	_ =	shalt  }
0x73: {  	_ =	shalt  }
0x74: {  	_ =	shalt  }
0x75: {  	_ =	shalt  }
0x76: {  	_ =	shalt  }
0x77: {  	_ =	shalt  }
0x78: {  	_ =	shalt  }
0x79: {  	_ =	shalt  }
0x7a: {  	_ =	shalt  }
0x7b: {  	_ =	shalt  }
0x7c: {  	_ =	shalt  }
0x7d: {  	_ =	shalt  }
0x7e: {  	_ =	shalt  }
0x7f: {  	_ =	shalt  }
0x80: {  	_ =	shalt  }
0x81: {  	_ =	shalt  }
0x82: {  	_ =	shalt  }
0x83: {  	_ =	shalt  }
0x84: {  	_ =	shalt  }
0x85: {  	_ =	shalt  }
0x86: {  	_ =	shalt  }
0x87: {  	_ =	shalt  }
.Lfunc_end0:
.L_simem_size_0:
called_computation.4_lowered:
.L_overlay_start_0:
0x88: {  	s2 =	sld [smem:$0x3FD9]  }
0x89: {  	s3 =	sld [smem:$0x3FFE];
	_ =	sdelay $0x1  }
0x8a: {  	s1 =	srdreg.scid  }
0x8b: {  	s0 =	sand.u32 $0x1, s1  }
0x8c: {  	s17 =	sshll.u32 s0, $0xA;
	s2 =	sadd.s32 s3, s2  }
0x8d: {  	s2 =	sadd.s32 s2, s17  }
0x8e: {  	[smem:$0x3FC6] =	sst s2  }
0x8f: {  	_ = 	snop  }
0x90: {  	s2 =	sld [smem:$0x3FD0];
	(tm) =	ssettm $0x1  }
0x91: {  	s18 =	sld [smem:$0x3FFB];
	_ =	sdelay $0x3  }
0x92: {  	_ =	strace s18  }
0x93: {  	s3 =	sld [smem:$0x3FFC];
	_ =	sdelay $0x3  }
0x94: {  	_ =	strace s3  }
0x95: {  	s3 =	sld [smem:$0x3FFD];
	_ =	sdelay $0x3  }
0x96: {  	_ =	strace s3  }
0x97: {  	_ =	strace $0x8FFFFFFF  }
0x98: {  	s19 =	sld [smem:$0x3FDB];
	_ =	sdelay $0x1  }
0x99: {  	s4 =	simm.s32 $_scs_section_size  }
0x9a: {  	s5 =	simm.s32 $_size__tile_overlayer_lowered;
	s6 =	simm.s32 $_tile_overlayer_lowered  }
0x9b: {  	s22 =	simm.s32 $0x1BFF;
	s21 =	sshll.u32 s6, $0x1;
	s3 =	sadd.s32 s4, s19  }
0x9c: {  	s7 =	simm.s32 $0x0;
	s20 =	sshll.u32 s5, $0x1;
	s5 =	sadd.s32 s21, s3  }
0x9d: {  	[timem:s7], [sflag:s22] =	dma.local [hbm:s5], s20  }
0x9e: {  	_ =	swait.ge [sflag:s22], s20  }
0x9f: {  	s4 =	ssub.s32 $0x0, s20;
	[sflag:s22] =	ssyncset.done $0x0  }
0xa0: {  	[sflag:s22] =	ssyncadd.s32 s4;
	_ =	sdelay $0x1  }
0xa1: {  	s23 =	simm.s32 $0x1B8B  }
0xa2: {  	_ =	swait.ge [sflag:s23], $0x1  }
0xa3: {  	[sflag:s23] =	ssyncset.done $0x0  }
0xa4: {  	s25 =	simm.s32 $0x1B8E;
	s24 =	sld [smem:$0x3FFE];
	[sflag:s23] =	ssyncadd.s32 $0xFFFFFFFF  }
0xa5: {  	s26 =	simm.s32 $execute0_lowered;
	[smem:$0x3FD2] =	sst s25  }
0xa6: {  	s5 =	sshll.u32 s26, $0x1;
	_ =	strace $0x80000052;
	[dreg:$0x1] =	wrdreg $0xFFFFFFFF  }
0xa7: {  	s28 =	simm.s32 $_size_execute0_lowered;
	s3 =	sadd.s32 s3, s5;
	[dreg:$0x0] =	wrdreg $0x0  }
0xa8: {  	s5 =	sshll.u32 s28, $0x1;
	[dreg:$0x2] =	wrdreg s3  }
0xa9: {  	[dreg:$0x3] =	wrdreg s5  }
0xaa: {  	[dreg:$0x4] =	wrdreg $0xC0  }
0xab: {  	_ =	task [dreg:s7], $0x5FFFF  }
0xac: {  	[dreg:$0x1] =	wrdreg $0xFFFFFFFF  }
0xad: {  	[dreg:$0x0] =	wrdreg $0x60  }
0xae: {  	[dreg:$0x2] =	wrdreg s24  }
0xaf: {  	[dreg:$0x3] =	wrdreg s2  }
0xb0: {  	[dreg:$0x4] =	wrdreg $0x63000  }
0xb1: {  	[dreg:$0x5] =	wrdreg $0x9  }
0xb2: {  	_ =	task.clear_ibuf [dreg:s7], $0x6FFFF;
	_ =	strace $0x90000052  }
0xb3: {  	s29 =	simm.s32 $0x9;
	_ =	strace $0x80000054  }
0xb4: {  	_ =	swait.ge [sflag:s29], $0x1  }
0xb5: {  	[sflag:s29] =	ssyncadd.s32 $0xFFFFFFFF  }
0xb6: {  	_ =	strace $0x90000054  }
0xb7: {  	_ =	sfence  }
0xb8: {  	s30 =	sld [smem:$0x0];
	_ =	sdelay $0x2  }
0xb9: {  	s31 =	sshll.u32 s1, $0xD;
	s1 =	sshrl.u32 s1, $0x2  }
0xba: {  	s3 =	sand.u32 $0x4000, s31;
	s1 =	sadd.s32 s1, s30  }
0xbb: {  	s0 =	sor.u32 s3, s0;
	s1 =	sshll.u32 s1, $0x11  }
0xbc: {  	s0 =	sor.u32 s1, s0  }
0xbd: {  	s0 =	sadd.s32 $0x8F2B, s0  }
0xbe: {  	[sflag:s0] =	ssyncadd.remote.s32 $0x1  }
0xbf: {  	_ =	sfence.sel $0xFFFF  }
0xc0: {  	[dreg:$0x0] =	wrdreg $0xFFFFFFFF;
	(pc) =	sbr.abs _section_cstart, $3  }
0xc1: {  	[dreg:$0x1] =	wrdreg $0xFFFFFFFF  }
0xc2: {  	_ =	task.clear_ibuf [dreg:s7], $0x2FFFF;
	_ =	strace $0x9FFFFFFF  }
0xc3: {  	(tm) =	ssettm $0x7FFFFFFF  }
tec
execute0_lowered:
.L_overlay_start_1:
0x0: {  	(tag) =	ssettag $0x1  }
0x1: {  	s0 =	rddreg [dreg:$0x0]  }
0x2: {  	s2 =	rddreg [dreg:$0x1]  }
0x3: {  	s3 =	rddreg [dreg:$0x2];
	s1 =	srdreg.scid  }
0x4: {  	s11 =	stileid.u32;
	s4 =	simm.s32 $0x0;
	s16 =	simm.s32 $0x7  }
0x5: {  	s17 =	simm.s32 $0x80;
	s18 =	simm.s32 $0x300;
	s28 =	simm.s32 $0x280  }
0x6: {  	s29 =	simm.s32 $0x4;
	s30 =	simm.s32 $0x5;
	s31 =	simm.s32 $0x6  }
0x7: {  	s1 =	sand.u32 $0x1, s1;
	s6 =	smul.u32 $0x18800, s11;
	[smem:$0x7FF] =	sst s4  }
0x8: {  	s5 =	sadd.s32 $0xE0800, s0;
	s10 =	smul.u32 $0xD200, s11;
	s12 =	sadd.s32 $0x3000, s0  }
0x9: {  	s19 =	sshll.u32 s11, $0x6;
	s7 =	smul.u32 $0x188000, s1;
	_ =	strace $0x80000053  }
0xa: {  	s8 =	ssub.s32 $0x2, s1;
	s1 =	smul.u32 $0xD2000, s1;
	[dreg:$0x4] =	wrdreg s12  }
0xb: {  	s9 =	sshrl.u32 s8, $0x1;
	s13 =	sadd.s32 s6, s3;
	s7 =	sadd.s32 s6, s7  }
0xc: {  	s8 =	ssub.s32 s8, s9;
	s1 =	sadd.s32 s10, s1;
	s15 =	sshrl.u32 s13, $0x3  }
0xd: {  	s7 =	sshrl.u32 s7, $0x3;
	s20 =	sshrl.u32 s1, $0x3;
	s21 =	sadd.s32 $0x200, s1  }
0xe: {  	s24 =	sadd.s32 $0x400, s1;
	s25 =	smax.u32 s8, $0x1;
	s0 =	sadd.s32 s7, s0  }
0xf: {  	s7 =	sor.u32 $0x1C07, s19;
	s22 =	sadd.s32 s2, s20;
	s23 =	sshrl.u32 s21, $0x3  }
0x10: {  	s9 =	sshrl.u32 s24, $0x3;
	[dreg:$0x8] =	wrdreg s25;
	s19 =	simm.s32 $0x100  }
0x11: {  	s20 =	simm.s32 $0x2300;
	s21 =	simm.s32 $0x200;
	s24 =	simm.s32 $0x2  }
.Ltmp0:
0x12: {  	s25 =	simm.s32 $0x180;
	[dreg:$0x5] =	wrdreg s22;
	(pc) =	sbr.rel .LBB2_1-.Ltmp0, $4  }
0x13: {  	s10 =	sadd.s32 $0x20, s22;
	s6 =	sadd.s32 s2, s23;
	s0 =	sadd.s32 $0x206800, s0  }
0x14: {  	s26 =	sadd.s32 s9, s2;
	s9 =	sadd.s32 $0x300, s1;
	[dreg:$0x6] =	wrdreg s10  }
0x15: {  	s22 =	simm.s32 $0x4300;
	s23 =	simm.s32 $0x1;
	[dreg:$0x7] =	wrdreg s0  }
0x16: {  	[dreg:$0x9] =	wrdreg s26;
	s26 =	simm.s32 $0x3;
	s0 =	simm.s32 $0x0  }
.LBB2_4:
0x17: {  	_ =	swait.ge [sflag:s26], $0x2000  }
0x18: {  	[sflag:s26] =	ssyncset.done $0x0  }
0x19: {  	[sflag:s26] =	ssyncadd.s32 $0xFFFFE000  }
0x1a: {  	[spmem:s3] =	stream.indirect.scatter.add.f32 [tilespmem:s22], [sflag:$0x6], $0x40, s28, s17, $0xb8;
	[tilespmem:$0x1EB00] =	vst v63  }
0x1b: {  	_ =	swait.ge [sflag:s29], $0x2000  }
0x1c: {  	[sflag:s29] =	ssyncset.done $0x0  }
0x1d: {  	[sflag:s29] =	ssyncadd.s32 $0xFFFFE000  }
0x1e: {  	_ =	swait.ge [sflag:s30], $0x2000  }
0x1f: {  	[sflag:s30] =	ssyncset.done $0x0  }
0x20: {  	[sflag:s30] =	ssyncadd.s32 $0xFFFFE000  }
0x21: {  	_ =	swait.ge [sflag:s31], $0x2000  }
0x22: {  	[sflag:s31] =	ssyncset.done $0x0  }
0x23: {  	[sflag:s31] =	ssyncadd.s32 $0xFFFFE000  }
0x24: {  	[bflag:$0x0] =	sbarrier.arrive $0xFFFF  }
0x25: {  	s1 =	rddreg [dreg:$0x7]  }
0x26: {  	[hbm:s1], [sflag:s7] =	dma.local [spmem:s15], $0x3100  }
0x27: {  	_ =	swait.ge [sflag:s16], $0x3100  }
0x28: {  	s0 =	sadd.s32 $0x1, s0;
	s14 =	rddreg [dreg:$0x8]  }
0x29: {  	p0 =	sne.s32 s0, s14  }
.Ltmp1:
0x2a: {  	_ = 	snop;
	(pc) =	sbr.rel @!p0 .LBB2_5-.Ltmp1, $3  }
0x2b: {  	_ =	sdelay $0x1  }
0x2c: {  	[sflag:s16] =	ssyncset.done $0x0  }
0x2d: {  	[sflag:s16] =	ssyncadd.s32 $0xFFFFCF00  }
.LBB2_1:
0x2e: {  	s1 =	rddreg [dreg:$0x4]  }
0x2f: {  	[spmem:s15], [sflag:s7] =	dma.local [hbm:s1], $0x3100  }
0x30: {  	_ =	swait.ge [sflag:s16], $0x3100  }
0x31: {  	[sflag:s16] =	ssyncset.done $0x0  }
0x32: {  	[sflag:s16] =	ssyncadd.s32 $0xFFFFCF00  }
0x33: {  	[bflag:$0x0] =	sbarrier.arrive $0xFFFF  }
0x34: {  	s13 =	rddreg [dreg:$0x5]  }
0x35: {  	[tilespmem:s4], [sflag:$0x7] =	stream.linear.gather [hbm4b:s13+s4], $0x100, $0x38;
	[tilespmem:$0x1EB00] =	vst v63  }
0x36: {  	_ =	swait.ge [sflag:s16], $0x100  }
0x37: {  	[sflag:s16] =	ssyncset.done $0x0  }
0x38: {  	[sflag:s16] =	ssyncadd.s32 $0xFFFFFF00  }
0x39: {  	[tilespmem:s18], [sflag:$0x1] =	stream.indirect.gather [hbm4b:s5+s17], $0x40, s4, s17, $0xb8;
	[tilespmem:$0x1EB00] =	vst v63  }
0x3a: {  	s14 =	rddreg [dreg:$0x6]  }
0x3b: {  	[tilespmem:s19], [sflag:$0x7] =	stream.linear.gather [hbm4b:s14+s4], $0x100, $0x38;
	[tilespmem:$0x1EB00] =	vst v63  }
0x3c: {  	_ =	swait.ge [sflag:s16], $0x100  }
0x3d: {  	[sflag:s16] =	ssyncset.done $0x0  }
0x3e: {  	[sflag:s16] =	ssyncadd.s32 $0xFFFFFF00  }
0x3f: {  	[tilespmem:s20], [sflag:$0x2] =	stream.indirect.gather [hbm4b:s5+s17], $0x40, s19, s17, $0xb8;
	[tilespmem:$0x1EB00] =	vst v63  }
0x40: {  	_ = 	snop  }
0x41: {  	[tilespmem:s21], [sflag:$0x7] =	stream.linear.gather [hbm4b:s6+s4], $0x100, $0x38;
	[tilespmem:$0x1EB00] =	vst v63  }
0x42: {  	_ =	swait.ge [sflag:s16], $0x100  }
0x43: {  	s10 =	smov.u32 s6;
	s1 =	simm.s32 $0xFFFFFFFF;
	[sflag:s16] =	ssyncset.done $0x0  }
0x44: {  	s14 =	smov.u32 s9;
	s13 =	rddreg [dreg:$0x9];
	[sflag:s16] =	ssyncadd.s32 $0xFFFFFF00  }
0x45: {  	[tilespmem:s22], [sflag:$0x3] =	stream.indirect.gather [hbm4b:s5+s17], $0x40, s21, s17, $0xb8;
	[tilespmem:$0x1EB00] =	vst v63  }
.LBB2_2:
0x46: {  	_ =	swait.ge [sflag:s23], $0x2000  }
0x47: {  	p0 =	sgt.u32 s1, $0xCE;
	[sflag:s23] =	ssyncset.done $0x0  }
0x48: {  	s11 =	simm.s32 @!p0 $0x6;
	[sflag:s23] =	ssyncadd.s32 $0xFFFFE000  }
0x49: {  	[spmem:s3] =	stream.indirect.scatter.add.f32 [tilespmem:s18], [sflag:$0x4], $0x40, s17, s17, $0xb8;
	[tilespmem:$0x1EB00] =	vst v63  }
0x4a: {  	_ =	swait.ge @!p0 [sflag:s11], $0x2000  }
0x4b: {  	[sflag:s11] =	ssyncset.done @!p0 $0x0  }
0x4c: {  	s12 =	simm.s32 @!p0 $0x200;
	[sflag:s11] =	ssyncadd.s32 @!p0 $0xFFFFE000;
	s11 =	simm.s32 @!p0 $0x0  }
0x4d: {  	[tilespmem:s12], [sflag:$0x7] =	stream.linear.gather @!p0 [hbm4b:s10+s11], $0x100, $0x38;
	[tilespmem:$0x1EB00] =	vst v63  }
0x4e: {  	s11 =	simm.s32 @!p0 $0x7  }
0x4f: {  	_ =	swait.ge @!p0 [sflag:s11], $0x100  }
0x50: {  	[sflag:s11] =	ssyncset.done @!p0 $0x0  }
0x51: {  	s8 =	simm.s32 @!p0 $0x4300;
	[sflag:s11] =	ssyncadd.s32 @!p0 $0xFFFFFF00;
	s11 =	simm.s32 @!p0 $0x80  }
0x52: {  	[tilespmem:s8], [sflag:$0x3] =	stream.indirect.gather @!p0 [hbm4b:s5+s11], $0x40, s12, s11, $0xb8;
	[tilespmem:$0x1EB00] =	vst v63  }
0x53: {  	p0 =	seq.s32 s1, $0xCE  }
.Ltmp2:
0x54: {  	_ = 	snop;
	(pc) =	sbr.rel @p0 .LBB2_4-.Ltmp2, $4  }
0x55: {  	_ =	swait.ge [sflag:s24], $0x2000  }
0x56: {  	[sflag:s24] =	ssyncset.done $0x0  }
0x57: {  	[sflag:s24] =	ssyncadd.s32 $0xFFFFE000  }
0x58: {  	[spmem:s3] =	stream.indirect.scatter.add.f32 [tilespmem:s20], [sflag:$0x5], $0x40, s25, s17, $0xb8;
	[tilespmem:$0x1EB00] =	vst v63  }
0x59: {  	_ =	swait.ge [sflag:s29], $0x2000  }
0x5a: {  	s8 =	sshrl.u32 s14, $0x3;
	[sflag:s29] =	ssyncset.done $0x0  }
0x5b: {  	s8 =	sadd.s32 s2, s8;
	[sflag:s29] =	ssyncadd.s32 $0xFFFFE000  }
0x5c: {  	[tilespmem:s4], [sflag:$0x7] =	stream.linear.gather [hbm4b:s8+s4], $0x100, $0x38;
	[tilespmem:$0x1EB00] =	vst v63  }
0x5d: {  	_ =	swait.ge [sflag:s16], $0x100  }
0x5e: {  	[sflag:s16] =	ssyncset.done $0x0  }
0x5f: {  	[sflag:s16] =	ssyncadd.s32 $0xFFFFFF00  }
0x60: {  	[tilespmem:s18], [sflag:$0x1] =	stream.indirect.gather [hbm4b:s5+s17], $0x40, s4, s17, $0xb8;
	[tilespmem:$0x1EB00] =	vst v63  }
0x61: {  	_ =	swait.ge [sflag:s26], $0x2000  }
0x62: {  	[sflag:s26] =	ssyncset.done $0x0  }
0x63: {  	[sflag:s26] =	ssyncadd.s32 $0xFFFFE000  }
0x64: {  	[spmem:s3] =	stream.indirect.scatter.add.f32 [tilespmem:s22], [sflag:$0x6], $0x40, s28, s17, $0xb8;
	[tilespmem:$0x1EB00] =	vst v63  }
0x65: {  	_ =	swait.ge [sflag:s30], $0x2000  }
0x66: {  	[sflag:s30] =	ssyncset.done $0x0  }
0x67: {  	[sflag:s30] =	ssyncadd.s32 $0xFFFFE000  }
0x68: {  	[tilespmem:s19], [sflag:$0x7] =	stream.linear.gather [hbm4b:s13+s4], $0x100, $0x38;
	[tilespmem:$0x1EB00] =	vst v63  }
.Ltmp3:
0x69: {  	_ = 	snop;
	(pc) =	sbr.rel .LBB2_2-.Ltmp3, $4  }
0x6a: {  	_ =	swait.ge [sflag:s16], $0x100  }
0x6b: {  	s14 =	sadd.s32 $0x300, s14;
	s1 =	sadd.s32 $0x3, s1;
	[sflag:s16] =	ssyncset.done $0x0  }
0x6c: {  	s10 =	sadd.s32 $0x60, s10;
	s13 =	sadd.s32 $0x60, s13;
	[sflag:s16] =	ssyncadd.s32 $0xFFFFFF00  }
0x6d: {  	[tilespmem:s20], [sflag:$0x2] =	stream.indirect.gather [hbm4b:s5+s17], $0x40, s19, s17, $0xb8;
	[tilespmem:$0x1EB00] =	vst v63  }
.LBB2_5:
0x6e: {  	_ =	sfence.sel $0x180000  }
0x6f: {  	[bflag:$0x0] =	sbarrier.arrive $0xFFFF  }
0x70: {  	_ =	strace $0x90000053  }
0x71: {  	s0 =	stileid.u32;
	[bflag:$0x2] =	sbarrier.arrive $0xFFFF  }
0x72: {  	p0 =	sne.s32 s0, $0x0;
	s0 =	rddreg [dreg:$0x3]  }
0x73: {  	s0 =	sadd.s32 @!p0 $0x100000, s0  }
0x74: {  	[sflag:s0] =	ssyncadd.tile.s32 @!p0 $0x1;
	_ =	shalt  }
.Lfunc_end2:
_tile_overlayer_lowered:
.L_overlay_start_2:
0x75: {  	(tag) =	ssettag $0x2  }
0x76: {  	s0 =	rddreg [dreg:$0x0];
	s2 =	stileid.u32  }
0x77: {  	s1 =	rddreg [dreg:$0x1];
	p0 =	sne.s32 s2, $0x0  }
0x78: {  	s3 =	rddreg [dreg:$0x2];
	[bflag:$0x3] =	sbarrier.arrive $0xFFFF;
	s2 =	simm.s32 @!p0 $0x1C07  }
0x79: {  	[timem:s3], [sflag:s2] =	dma.local @!p0 [hbm:s0], s1  }
0x7a: {  	s0 =	simm.s32 @!p0 $0x7  }
0x7b: {  	_ =	swait.ge @!p0 [sflag:s0], s1  }
0x7c: {  	s1 =	ssub.s32 @!p0 $0x0, s1;
	[sflag:s0] =	ssyncset.done @!p0 $0x0  }
0x7d: {  	[sflag:s0] =	ssyncadd.s32 @!p0 s1  }
0x7e: {  	[bflag:$0x3] =	sbarrier.arrive $0xFFFF  }
0x7f: {  	_ =	shalt  }

</sc_bundles>
